<compile_context>
chip_gen: v7x
topology: tpu7x:2x2x1
jax: 0.10.2.dev20260603
libtpu: 0.0.44.dev20260713+nightly
codegen_flags: <defaults>
</compile_context>

<pallas_src>
import functools

import jax
import jax.numpy as jnp
from jax import lax
from jax.experimental import pallas as pl
from jax.experimental.pallas import tpu as pltpu
from jax.experimental.pallas import tpu_sc as plsc

N = 10000
NP = 10240
E = 320000
D = 128
NC = 2
NS = 16
NW = NC * NS
CH = 80
NBUF = 3
NB5 = 4

_mesh = functools.partial(
    plsc.VectorSubcoreMesh, core_axis_name="c", subcore_axis_name="s",
    num_cores=NC, num_subcores=NS)


def _ids():
    cid = lax.axis_index("c")
    sid = lax.axis_index("s")
    return cid, sid


def _fill_stripe(stripe_ref, acc_ref, start, size, value):
    vv = jnp.full((16,), value, jnp.float32)

    def body(i, _):
        stripe_ref[pl.ds(i * 16, 16)] = vv
        return 0

    lax.fori_loop(0, size // 16, body, 0)
    pltpu.sync_copy(stripe_ref, acc_ref.at[pl.ds(start, size)])


def _k1_body(col_hbm, ew_hbm, out_hbm, col_t, ew_t, stripe, acc, sems):
    cid, sid = _ids()
    ept = E // NW
    base = (cid * NS + sid) * ept
    pltpu.sync_copy(col_hbm.at[pl.ds(base, ept)], col_t)
    pltpu.sync_copy(ew_hbm.at[pl.ds(base, ept)], ew_t)

    stripe_n = NP // NS
    init = jnp.where(cid == 0, 1.0, 0.0)
    _fill_stripe(stripe, acc, sid * stripe_n, stripe_n, init)
    plsc.subcore_barrier()

    def chunk(i, _):
        for b in range(NB5):
            @pl.when(i % NB5 == b)
            def _():
                @pl.when(i >= NB5)
                def _():
                    pltpu.make_async_copy(ew_t.at[pl.ds(0, CH)],
                                          acc.at[pl.ds(0, CH)],
                                          sems[b]).wait()
                off = i * CH
                pltpu.async_copy(ew_t.at[pl.ds(off, CH)],
                                 acc.at[col_t.at[pl.ds(off, CH)]],
                                 sems[b], add=True)
        return 0

    lax.fori_loop(0, ept // CH, chunk, 0)
    for b in range(NB5):
        pltpu.make_async_copy(ew_t.at[pl.ds(0, CH)],
                              acc.at[pl.ds(0, CH)], sems[b]).wait()
    plsc.subcore_barrier()
    pltpu.sync_copy(acc.at[pl.ds(sid * stripe_n, stripe_n)],
                    out_hbm.at[cid, pl.ds(sid * stripe_n, stripe_n)])


def _k1(col, ew):
    return pl.kernel(
        _k1_body,
        out_type=jax.ShapeDtypeStruct((NC, NP), jnp.float32),
        mesh=_mesh(),
        scratch_types=[
            pltpu.VMEM((E // NW,), jnp.int32),
            pltpu.VMEM((E // NW,), jnp.float32),
            pltpu.VMEM((NP // NS,), jnp.float32),
            pltpu.VMEM_SHARED((NP,), jnp.float32),
            tuple(pltpu.SemaphoreType.DMA for _ in range(NB5)),
        ],
    )(col, ew)


def _k2a_body(x_ref, w_ref, h_ref):
    h_ref[...] = jnp.dot(x_ref[...], w_ref[...],
                         preferred_element_type=jnp.float32)


def _k2a(x_p, W1):
    return pl.pallas_call(
        _k2a_body,
        out_shape=jax.ShapeDtypeStruct((NP, D), jnp.float32),
    )(x_p, W1)


def _k2b_body(h_ref, d_ref, g1_ref, dv_ref):
    deg = d_ref[0] + d_ref[1]
    dv = jnp.where(deg > 0.0,
                   lax.rsqrt(jnp.maximum(deg, 1e-30)), 0.0)
    dv_ref[...] = dv
    g1_ref[...] = h_ref[...] * dv


def _k2b(h, degp):
    return pl.pallas_call(
        _k2b_body,
        out_shape=[
            jax.ShapeDtypeStruct((NP, D), jnp.float32),
            jax.ShapeDtypeStruct((NP, 1), jnp.float32),
        ],
    )(h, degp.reshape(NC, NP, 1))


def _k3_body(g1_hbm, row_hbm, col_hbm, ew_hbm, out_hbm,
             row_t, cbufs, ebufs, gbufs, acc, gsems, ssems, isems):
    cid, sid = _ids()
    ept = E // NW
    nch = ept // CH
    base = (cid * NS + sid) * ept
    pltpu.sync_copy(row_hbm.at[pl.ds(base, ept)], row_t)

    zv = jnp.zeros((16,), jnp.float32)

    def zb(e, _):
        for j in range(D // 16):
            gbufs[0][e, pl.ds(j * 16, 16)] = zv
        return 0

    lax.fori_loop(0, CH, zb, 0)
    stripe_n = NP // NS
    for k in range(stripe_n // CH):
        pltpu.sync_copy(gbufs[0], acc.at[pl.ds(sid * stripe_n + k * CH, CH)])
    plsc.subcore_barrier()

    def issue_icopy(k, b):
        off = base + k * CH
        pltpu.async_copy(col_hbm.at[pl.ds(off, CH)], cbufs[b], isems[b])
        pltpu.async_copy(ew_hbm.at[pl.ds(off, CH)],
                         ebufs[b].at[pl.ds(0, CH)], isems[b])

    def wait_icopy(b):
        pltpu.make_async_copy(col_hbm.at[pl.ds(0, CH)], cbufs[b],
                              isems[b]).wait()
        pltpu.make_async_copy(ew_hbm.at[pl.ds(0, CH)],
                              ebufs[b].at[pl.ds(0, CH)], isems[b]).wait()

    def issue_gather(k, b):
        pltpu.async_copy(g1_hbm.at[row_t.at[pl.ds(k * CH, CH)]],
                         gbufs[b], gsems[b])

    def wait_gather(b):
        pltpu.make_async_copy(g1_hbm.at[pl.ds(0, CH)], gbufs[b],
                              gsems[b]).wait()

    def issue_scatter(b):
        pltpu.async_copy(gbufs[b], acc.at[cbufs[b]], ssems[b], add=True)

    def wait_scatter(b):
        pltpu.make_async_copy(gbufs[b], acc.at[pl.ds(0, CH)], ssems[b]).wait()

    def compute(b):
        def se(eq, _):
            for u in range(4):
                e = eq * 4 + u
                ev = ebufs[b][pl.ds(e, 16)]
                cv = jnp.full((16,), ev[0], jnp.float32)
                for j in range(D // 16):
                    gbufs[b][e, pl.ds(j * 16, 16)] = (
                        gbufs[b][e, pl.ds(j * 16, 16)] * cv)
            return 0

        lax.fori_loop(0, CH // 4, se, 0)

    for b in range(NBUF - 1):
        issue_icopy(b, b)
        issue_gather(b, b)

    def slot(k, _):
        for b in range(NBUF):
            @pl.when(k % NBUF == b)
            def _():
                br = (b + NBUF - 1) % NBUF
                wait_gather(b)
                wait_icopy(b)
                compute(b)
                issue_scatter(b)

                @pl.when(k + NBUF - 1 <= nch - 1)
                def _():
                    @pl.when(k >= 1)
                    def _():
                        wait_scatter(br)
                    issue_icopy(k + NBUF - 1, br)
                    issue_gather(k + NBUF - 1, br)
        return 0

    lax.fori_loop(0, nch, slot, 0)
    for b in range(NBUF):
        wait_scatter(b)
    plsc.subcore_barrier()
    pltpu.sync_copy(acc.at[pl.ds(sid * stripe_n, stripe_n)],
                    out_hbm.at[cid, pl.ds(sid * stripe_n, stripe_n)])


def _k3(g1, row, col, ew):
    return pl.kernel(
        _k3_body,
        out_type=jax.ShapeDtypeStruct((NC, NP, D), jnp.float32),
        mesh=_mesh(),
        scratch_types=[
            pltpu.VMEM((E // NW,), jnp.int32),
            tuple(pltpu.VMEM((CH,), jnp.int32) for _ in range(NBUF)),
            tuple(pltpu.VMEM((CH + 16,), jnp.float32) for _ in range(NBUF)),
            tuple(pltpu.VMEM((CH, D), jnp.float32) for _ in range(NBUF)),
            pltpu.VMEM_SHARED((NP, D), jnp.float32),
            tuple(pltpu.SemaphoreType.DMA for _ in range(NBUF)),
            tuple(pltpu.SemaphoreType.DMA for _ in range(NBUF)),
            tuple(pltpu.SemaphoreType.DMA for _ in range(NBUF)),
        ],
    )(g1, row, col, ew)


def _k4_body(t_ref, g1_ref, dv_ref, w2_ref, b1_ref, m2_ref):
    t = t_ref[0] + t_ref[1] + g1_ref[...]
    a1 = jnp.maximum(dv_ref[...] * t + b1_ref[...], 0.0)
    h2 = jnp.sum(a1 * w2_ref[...], axis=1, keepdims=True)
    m2_ref[...] = dv_ref[...] * h2


def _k4(t1p, g1, dv, W2, b1):
    return pl.pallas_call(
        _k4_body,
        out_shape=jax.ShapeDtypeStruct((NP, 1), jnp.float32),
    )(t1p, g1, dv, W2.reshape(1, D), b1.reshape(1, D))


def _k5_body(m2_hbm, row_hbm, col_hbm, ew_hbm, out_hbm,
             row_t, col_t, ew_t, ubufs, zbuf, acc, gsems, ssems):
    cid, sid = _ids()
    ept = E // NW
    nch = ept // CH
    base = (cid * NS + sid) * ept
    pltpu.sync_copy(row_hbm.at[pl.ds(base, ept)], row_t)
    pltpu.sync_copy(col_hbm.at[pl.ds(base, ept)], col_t)
    pltpu.sync_copy(ew_hbm.at[pl.ds(base, ept)], ew_t)

    stripe_n = NP // NS
    _fill_stripe(zbuf, acc, sid * stripe_n, stripe_n, 0.0)
    plsc.subcore_barrier()

    def issue_gather(k, b):
        pltpu.async_copy(m2_hbm.at[row_t.at[pl.ds(k * CH, CH)]],
                         ubufs[b], gsems[b])

    def wait_gather(b):
        pltpu.make_async_copy(m2_hbm.at[pl.ds(0, CH)], ubufs[b],
                              gsems[b]).wait()

    def issue_scatter(k, b):
        pltpu.async_copy(ubufs[b], acc.at[col_t.at[pl.ds(k * CH, CH)]],
                         ssems[b], add=True)

    def wait_scatter(b):
        pltpu.make_async_copy(ubufs[b], acc.at[pl.ds(0, CH)],
                              ssems[b]).wait()

    def scale(k, b):
        off = k * CH
        for g in range(CH // 16):
            ubufs[b][pl.ds(g * 16, 16)] = (
                ubufs[b][pl.ds(g * 16, 16)] * ew_t[pl.ds(off + g * 16, 16)])

    for b in range(NB5 - 1):
        issue_gather(b, b)

    def slot(k, _):
        for b in range(NB5):
            @pl.when(k % NB5 == b)
            def _():
                br = (b + NB5 - 1) % NB5
                wait_gather(b)
                scale(k, b)
                issue_scatter(k, b)

                @pl.when(k + NB5 - 1 <= nch - 1)
                def _():
                    @pl.when(k >= 1)
                    def _():
                        wait_scatter(br)
                    issue_gather(k + NB5 - 1, br)
        return 0

    lax.fori_loop(0, nch, slot, 0)
    for b in range(NB5):
        wait_scatter(b)
    plsc.subcore_barrier()
    pltpu.sync_copy(acc.at[pl.ds(sid * stripe_n, stripe_n)],
                    out_hbm.at[cid, pl.ds(sid * stripe_n, stripe_n)])


def _k5(m2, row, col, ew):
    return pl.kernel(
        _k5_body,
        out_type=jax.ShapeDtypeStruct((NC, NP), jnp.float32),
        mesh=_mesh(),
        scratch_types=[
            pltpu.VMEM((E // NW,), jnp.int32),
            pltpu.VMEM((E // NW,), jnp.int32),
            pltpu.VMEM((E // NW,), jnp.float32),
            tuple(pltpu.VMEM((CH,), jnp.float32) for _ in range(NB5)),
            pltpu.VMEM((NP // NS,), jnp.float32),
            pltpu.VMEM_SHARED((NP,), jnp.float32),
            tuple(pltpu.SemaphoreType.DMA for _ in range(NB5)),
            tuple(pltpu.SemaphoreType.DMA for _ in range(NB5)),
        ],
    )(m2, row, col, ew)


def _k6_body(t_ref, m2_ref, dv_ref, b2_ref, o_ref):
    t = t_ref[0] + t_ref[1] + m2_ref[...]
    o_ref[...] = dv_ref[...] * t + b2_ref[0, 0]


def _k6(t2p, m2, dv, b2):
    return pl.pallas_call(
        _k6_body,
        out_shape=jax.ShapeDtypeStruct((NP, 1), jnp.float32),
    )(t2p.reshape(NC, NP, 1), m2, dv, jnp.reshape(b2, (1, 1)))


def kernel(x, edge_index, edge_weight, W1, b1, W2, b2):
    row = edge_index[0]
    col = edge_index[1]
    x_p = jnp.pad(x, ((0, NP - N), (0, 0)))

    h = _k2a(x_p, W1)
    degp = _k1(col, edge_weight)
    g1, dv = _k2b(h, degp)
    t1p = _k3(g1, row, col, edge_weight)
    m2 = _k4(t1p, g1, dv, W2, b1)
    t2p = _k5(m2.reshape(NP), row, col, edge_weight)
    outp = _k6(t2p, m2, dv, b2)
    return outp[:N].reshape(N, 1)

# --- scband reference (transcript-rebuilt; emitter-appended) ---
"""Pipeline reference for scband-gnn-41867341201885 (READ-ONLY COPY).

The authoritative reference and input builder live on the scoring server;
editing this copy changes nothing except your own understanding.
"""

import jax, jax.numpy as jnp
import numpy as np

N_NODES = 10000
N_EDGES = 320000
D_IN = 128
HIDDEN = 128
NUM_OUTPUT = 1


def setup_inputs(seed: int = 0) -> dict:
    key = jax.random.key(seed)
    k1, k2, k3, k4, k5, k6, k7 = jax.random.split(key, 7)
    x = jax.random.normal(k1, (N_NODES, D_IN), dtype=jnp.float32)
    edge_index = jax.random.randint(k2, (2, N_EDGES), 0, N_NODES, dtype=jnp.int32)
    edge_weight = jax.random.uniform(k3, (N_EDGES,), dtype=jnp.float32)
    W1 = jax.random.normal(k4, (D_IN, HIDDEN), dtype=jnp.float32) * (1.0 / np.sqrt(D_IN))
    b1 = jnp.zeros((HIDDEN,), dtype=jnp.float32)
    W2 = jax.random.normal(k5, (HIDDEN, NUM_OUTPUT), dtype=jnp.float32) * (1.0 / np.sqrt(HIDDEN))
    b2 = jnp.zeros((NUM_OUTPUT,), dtype=jnp.float32)
    return {"x": x, "edge_index": edge_index, "edge_weight": edge_weight,
            "W1": W1, "b1": b1, "W2": W2, "b2": b2}


def gcn_conv(x, edge_index, edge_weight, W, b):
    # Faithful GCNConv: x' = D^{-1/2} (A + I) D^{-1/2} X W + b, edge-weighted.
    n = x.shape[0]
    h = x @ W
    row = edge_index[0]
    col = edge_index[1]
    loop = jnp.arange(n, dtype=edge_index.dtype)
    row = jnp.concatenate([row, loop])
    col = jnp.concatenate([col, loop])
    ew = jnp.concatenate([edge_weight, jnp.ones((n,), dtype=edge_weight.dtype)])
    deg = jax.ops.segment_sum(ew, col, num_segments=n)
    deg_safe = jnp.where(deg > 0, deg, 1.0)
    dinv = jnp.where(deg > 0, jax.lax.rsqrt(deg_safe), 0.0)
    norm = dinv[row] * ew * dinv[col]
    msg = h[row] * norm[:, None]
    out = jax.ops.segment_sum(msg, col, num_segments=n)
    return out + b


def reference(x, edge_index, edge_weight, W1, b1, W2, b2):
    h = jax.nn.relu(gcn_conv(x, edge_index, edge_weight, W1, b1))
    return gcn_conv(h, edge_index, edge_weight, W2, b2)

if __name__ == "__main__":
    import jax
    _d = setup_inputs()
    print(jax.jit(kernel)(*tuple(_d.values())))

</pallas_src>

<mosaic_0001>
#map = affine_map<(d0, d1) -> (0)>
#map1 = affine_map<(d0, d1) -> (0, 0)>
module attributes {stable_mosaic.version = 14 : i64} {
  func.func @_k1_body(%arg0: i32, %arg1: i32, %arg2: memref<320000xi32, #tpu.memory_space<hbm>>, %arg3: memref<320000xf32, #tpu.memory_space<hbm>>, %arg4: memref<2x10240xf32, #tpu.memory_space<hbm>>, %arg5: memref<10000xi32, #tpu.memory_space<vmem>>, %arg6: memref<10000xf32, #tpu.memory_space<vmem>>, %arg7: memref<640xf32, #tpu.memory_space<vmem>>, %arg8: memref<10240xf32, #tpu.memory_space<vmem_shared>>, %arg9: memref<!tpu.dma_semaphore, #tpu.memory_space<semaphore_mem>>, %arg10: memref<!tpu.dma_semaphore, #tpu.memory_space<semaphore_mem>>, %arg11: memref<!tpu.dma_semaphore, #tpu.memory_space<semaphore_mem>>, %arg12: memref<!tpu.dma_semaphore, #tpu.memory_space<semaphore_mem>>) attributes {dimension_semantics = [#tpu.dimension_semantics<core_parallel>, #tpu.dimension_semantics<subcore_parallel>], iteration_bounds = array<i64: 2, 16>, scalar_prefetch = 0 : i64, scratch_operands = 8 : i64, tpu.core_type = #tpu.core_type<sc_vector_subcore>, window_params = [{transform_indices = #map}, {transform_indices = #map}, {transform_indices = #map1}]} {
    %mul3A = arith.constant 16 : i32
    %mul3A_0 = arith.muli %arg0, %mul3A : i32
    %add3A = arith.addi %mul3A_0, %arg1 : i32
    %mul3A_1 = arith.constant 10000 : i32
    %mul3A_2 = arith.muli %add3A, %mul3A_1 : i32
    "tpu.region"() ({
      %run_scoped3A = tpu.sem_alloc : memref<!tpu.dma_semaphore, #tpu.memory_space<semaphore_mem>>
      %dma_start3A = tpu.memref_slice %arg2[%mul3A_2] : memref<320000xi32, #tpu.memory_space<hbm>> -> memref<10000xi32, #tpu.memory_space<hbm>>
      %dma_start3A_56 = tpu.memref_slice %arg2[%mul3A_2] : memref<320000xi32, #tpu.memory_space<hbm>> -> memref<10000xi32, #tpu.memory_space<hbm>>
      tpu.enqueue_dma source(%dma_start3A_56 : memref<10000xi32, #tpu.memory_space<hbm>>) target(%arg5 : memref<10000xi32, #tpu.memory_space<vmem>>) target_semaphore(%run_scoped3A : memref<!tpu.dma_semaphore, #tpu.memory_space<semaphore_mem>>)
      %dma_wait3A_57 = tpu.memref_slice %arg2[%mul3A_2] : memref<320000xi32, #tpu.memory_space<hbm>> -> memref<10000xi32, #tpu.memory_space<hbm>>
      %dma_wait3A_58 = tpu.memref_slice %arg2[%mul3A_2] : memref<320000xi32, #tpu.memory_space<hbm>> -> memref<10000xi32, #tpu.memory_space<hbm>>
      tpu.wait_dma2 semaphore(%run_scoped3A : memref<!tpu.dma_semaphore, #tpu.memory_space<semaphore_mem>>) src(%dma_wait3A_58 : memref<10000xi32, #tpu.memory_space<hbm>>) dst(%arg5 : memref<10000xi32, #tpu.memory_space<vmem>>)
      tpu.yield
    }) : () -> ()
    "tpu.region"() ({
      %run_scoped3A = tpu.sem_alloc : memref<!tpu.dma_semaphore, #tpu.memory_space<semaphore_mem>>
      %dma_start3A = tpu.memref_slice %arg3[%mul3A_2] : memref<320000xf32, #tpu.memory_space<hbm>> -> memref<10000xf32, #tpu.memory_space<hbm>>
      %dma_start3A_56 = tpu.memref_slice %arg3[%mul3A_2] : memref<320000xf32, #tpu.memory_space<hbm>> -> memref<10000xf32, #tpu.memory_space<hbm>>
      tpu.enqueue_dma source(%dma_start3A_56 : memref<10000xf32, #tpu.memory_space<hbm>>) target(%arg6 : memref<10000xf32, #tpu.memory_space<vmem>>) target_semaphore(%run_scoped3A : memref<!tpu.dma_semaphore, #tpu.memory_space<semaphore_mem>>)
      %dma_wait3A_57 = tpu.memref_slice %arg3[%mul3A_2] : memref<320000xf32, #tpu.memory_space<hbm>> -> memref<10000xf32, #tpu.memory_space<hbm>>
      %dma_wait3A_58 = tpu.memref_slice %arg3[%mul3A_2] : memref<320000xf32, #tpu.memory_space<hbm>> -> memref<10000xf32, #tpu.memory_space<hbm>>
      tpu.wait_dma2 semaphore(%run_scoped3A : memref<!tpu.dma_semaphore, #tpu.memory_space<semaphore_mem>>) src(%dma_wait3A_58 : memref<10000xf32, #tpu.memory_space<hbm>>) dst(%arg6 : memref<10000xf32, #tpu.memory_space<vmem>>)
      tpu.yield
    }) : () -> ()
    %eq3A = arith.constant 0 : i32
    %eq3A_3 = arith.cmpi eq, %arg0, %eq3A : i32
    %jit3A = arith.constant 1.000000e+00 : f32
    %jit3A_4 = arith.constant 0.000000e+00 : f32
    %select_n3A = arith.select %eq3A_3, %jit3A, %jit3A_4 : f32
    %mul3A_5 = arith.constant 640 : i32
    %mul3A_6 = arith.muli %arg1, %mul3A_5 : i32
    %broadcast_in_dim3A = vector.broadcast %select_n3A : f32 to vector<16xf32>
    %scan3A = arith.constant 0 : i32
    %scan3A_7 = arith.constant 0 : i32
    %scan3A_8 = arith.constant 40 : i32
    %scan3A_9 = arith.addi %scan3A_7, %scan3A_8 : i32
    %scan3A_10 = arith.constant 1 : i32
    %scan3A_11 = scf.for %scan3A_56 = %scan3A_7 to %scan3A_9 step %scan3A_10 iter_args(%scan3A_57 = %scan3A) -> (i32)  : i32 {
      %mul3A_58 = arith.constant 16 : i32
      %mul3A_59 = arith.muli %scan3A_56, %mul3A_58 : i32
      %swap3A = arith.index_cast %mul3A_59 : i32 to index
      %swap3A_60 = tpu.vector_load %arg7[%swap3A] {strides = array<i32>} : memref<640xf32, #tpu.memory_space<vmem>>, vector<16xf32>,
      %swap3A_61 = vector.shape_cast %swap3A_60 : vector<16xf32> to vector<16xf32>
      %swap3A_62 = vector.shape_cast %broadcast_in_dim3A : vector<16xf32> to vector<16xf32>
      tpu.vector_store %arg7[%swap3A], %swap3A_62 {strides = array<i32>} : memref<640xf32, #tpu.memory_space<vmem>>, vector<16xf32>,
      %scan3A_63 = arith.constant 0 : i32
      scf.yield %scan3A_63 : i32
    }
    %scan3A_12 = arith.constant 40 : i32
    "tpu.region"() ({
      %run_scoped3A = tpu.sem_alloc : memref<!tpu.dma_semaphore, #tpu.memory_space<semaphore_mem>>
      %dma_start3A = tpu.memref_slice %arg8[%mul3A_6] : memref<10240xf32, #tpu.memory_space<vmem_shared>> -> memref<640xf32, #tpu.memory_space<vmem_shared>>
      %dma_start3A_56 = tpu.memref_slice %arg8[%mul3A_6] : memref<10240xf32, #tpu.memory_space<vmem_shared>> -> memref<640xf32, #tpu.memory_space<vmem_shared>>
      tpu.enqueue_dma source(%arg7 : memref<640xf32, #tpu.memory_space<vmem>>) target(%dma_start3A_56 : memref<640xf32, #tpu.memory_space<vmem_shared>>) target_semaphore(%run_scoped3A : memref<!tpu.dma_semaphore, #tpu.memory_space<semaphore_mem>>)
      %dma_wait3A_57 = tpu.memref_slice %arg8[%mul3A_6] : memref<10240xf32, #tpu.memory_space<vmem_shared>> -> memref<640xf32, #tpu.memory_space<vmem_shared>>
      %dma_wait3A_58 = tpu.memref_slice %arg8[%mul3A_6] : memref<10240xf32, #tpu.memory_space<vmem_shared>> -> memref<640xf32, #tpu.memory_space<vmem_shared>>
      tpu.wait_dma2 semaphore(%run_scoped3A : memref<!tpu.dma_semaphore, #tpu.memory_space<semaphore_mem>>) src(%arg7 : memref<640xf32, #tpu.memory_space<vmem>>) dst(%dma_wait3A_58 : memref<640xf32, #tpu.memory_space<vmem_shared>>)
      tpu.yield
    }) : () -> ()
    %barrier3A = arith.constant 0 : index
    tpu.barrier barrier_id(%barrier3A)
    %scan3A_13 = arith.constant 0 : i32
    %scan3A_14 = arith.constant 0 : i32
    %scan3A_15 = arith.constant 125 : i32
    %scan3A_16 = arith.addi %scan3A_14, %scan3A_15 : i32
    %scan3A_17 = arith.constant 1 : i32
    %scan3A_18 = scf.for %scan3A_56 = %scan3A_14 to %scan3A_16 step %scan3A_17 iter_args(%scan3A_57 = %scan3A_13) -> (i32)  : i32 {
      %jit3A_58 = arith.constant 4 : i32
      %eq3A_59 = arith.constant 0 : i32
      %eq3A_60 = arith.cmpi eq, %jit3A_58, %eq3A_59 : i32
      %jit3A_61 = arith.constant 1 : i32
      %select_n3A_62 = arith.select %eq3A_60, %jit3A_61, %jit3A_58 : i32
      %rem3A = arith.remsi %scan3A_56, %select_n3A_62 : i32
      %ne3A = arith.constant 0 : i32
      %ne3A_63 = arith.cmpi ne, %rem3A, %ne3A : i32
      %lt3A = arith.constant 0 : i32
      %lt3A_64 = arith.cmpi slt, %rem3A, %lt3A : i32
      %lt3A_65 = arith.constant 0 : i32
      %lt3A_66 = arith.cmpi slt, %select_n3A_62, %lt3A_65 : i32
      %ne3A_67 = arith.xori %lt3A_64, %lt3A_66 : i1
      %and3A = arith.andi %ne3A_67, %ne3A_63 : i1
      %add3A_68 = arith.addi %rem3A, %select_n3A_62 : i32
      %select_n3A_69 = arith.select %and3A, %add3A_68, %rem3A : i32
      %eq3A_70 = arith.constant 0 : i32
      %eq3A_71 = arith.cmpi eq, %select_n3A_69, %eq3A_70 : i32
      %convert_element_type3A = arith.extui %eq3A_71 : i1 to i32
      %cond3A = arith.constant 0 : i32
      %cond3A_72 = arith.cmpi ne, %convert_element_type3A, %cond3A : i32
      scf.if %cond3A_72 {
        %ge3A = arith.constant 4 : i32
        %ge3A_137 = arith.cmpi sge, %scan3A_56, %ge3A : i32
        %convert_element_type3A_138 = arith.extui %ge3A_137 : i1 to i32
        %cond3A_139 = arith.constant 0 : i32
        %cond3A_140 = arith.cmpi ne, %convert_element_type3A_138, %cond3A_139 : i32
        scf.if %cond3A_140 {
          %dma_wait3A_146 = arith.constant 0 : i32
          %dma_wait3A_147 = tpu.memref_slice %arg6[%dma_wait3A_146] : memref<10000xf32, #tpu.memory_space<vmem>> -> memref<80xf32, #tpu.memory_space<vmem>>
          %dma_wait3A_148 = arith.constant 0 : i32
          %dma_wait3A_149 = tpu.memref_slice %arg8[%dma_wait3A_148] : memref<10240xf32, #tpu.memory_space<vmem_shared>> -> memref<80xf32, #tpu.memory_space<vmem_shared>>
          %dma_wait3A_150 = arith.constant 0 : i32
          %dma_wait3A_151 = tpu.memref_slice %arg8[%dma_wait3A_150] : memref<10240xf32, #tpu.memory_space<vmem_shared>> -> memref<80xf32, #tpu.memory_space<vmem_shared>>
          %dma_wait3A_152 = arith.constant 0 : i32
          %dma_wait3A_153 = tpu.memref_slice %arg6[%dma_wait3A_152] : memref<10000xf32, #tpu.memory_space<vmem>> -> memref<80xf32, #tpu.memory_space<vmem>>
          tpu.wait_dma2 semaphore(%arg9 : memref<!tpu.dma_semaphore, #tpu.memory_space<semaphore_mem>>) src(%dma_wait3A_153 : memref<80xf32, #tpu.memory_space<vmem>>) dst(%dma_wait3A_151 : memref<80xf32, #tpu.memory_space<vmem_shared>>)
        } else {
        }
        %mul3A_141 = arith.constant 80 : i32
        %mul3A_142 = arith.muli %scan3A_56, %mul3A_141 : i32
        %dma_start3A = tpu.memref_slice %arg6[%mul3A_142] : memref<10000xf32, #tpu.memory_space<vmem>> -> memref<80xf32, #tpu.memory_space<vmem>>
        %dma_start3A_143 = tpu.memref_slice %arg5[%mul3A_142] : memref<10000xi32, #tpu.memory_space<vmem>> -> memref<80xi32, #tpu.memory_space<vmem>>
        %dma_start3A_144 = arith.constant 0 : i32
        %dma_start3A_145 = tpu.memref_slice %arg8[%dma_start3A_144] : memref<10240xf32, #tpu.memory_space<vmem_shared>> -> memref<10240xf32, #tpu.memory_space<vmem_shared>>
        tpu.enqueue_indirect_dma source(%dma_start3A : memref<80xf32, #tpu.memory_space<vmem>>) target(%dma_start3A_145 : memref<10240xf32, #tpu.memory_space<vmem_shared>>) offsets(%dma_start3A_143 : memref<80xi32, #tpu.memory_space<vmem>>) semaphore(%arg9 : memref<!tpu.dma_semaphore, #tpu.memory_space<semaphore_mem>>) {add = true}
      } else {
      }
      %jit3A_73 = arith.constant 4 : i32
      %eq3A_74 = arith.constant 0 : i32
      %eq3A_75 = arith.cmpi eq, %jit3A_73, %eq3A_74 : i32
      %jit3A_76 = arith.constant 1 : i32
      %select_n3A_77 = arith.select %eq3A_75, %jit3A_76, %jit3A_73 : i32
      %rem3A_78 = arith.remsi %scan3A_56, %select_n3A_77 : i32
      %ne3A_79 = arith.constant 0 : i32
      %ne3A_80 = arith.cmpi ne, %rem3A_78, %ne3A_79 : i32
      %lt3A_81 = arith.constant 0 : i32
      %lt3A_82 = arith.cmpi slt, %rem3A_78, %lt3A_81 : i32
      %lt3A_83 = arith.constant 0 : i32
      %lt3A_84 = arith.cmpi slt, %select_n3A_77, %lt3A_83 : i32
      %ne3A_85 = arith.xori %lt3A_82, %lt3A_84 : i1
      %and3A_86 = arith.andi %ne3A_85, %ne3A_80 : i1
      %add3A_87 = arith.addi %rem3A_78, %select_n3A_77 : i32
      %select_n3A_88 = arith.select %and3A_86, %add3A_87, %rem3A_78 : i32
      %eq3A_89 = arith.constant 1 : i32
      %eq3A_90 = arith.cmpi eq, %select_n3A_88, %eq3A_89 : i32
      %convert_element_type3A_91 = arith.extui %eq3A_90 : i1 to i32
      %cond3A_92 = arith.constant 0 : i32
      %cond3A_93 = arith.cmpi ne, %convert_element_type3A_91, %cond3A_92 : i32
      scf.if %cond3A_93 {
        %ge3A = arith.constant 4 : i32
        %ge3A_137 = arith.cmpi sge, %scan3A_56, %ge3A : i32
        %convert_element_type3A_138 = arith.extui %ge3A_137 : i1 to i32
        %cond3A_139 = arith.constant 0 : i32
        %cond3A_140 = arith.cmpi ne, %convert_element_type3A_138, %cond3A_139 : i32
        scf.if %cond3A_140 {
          %dma_wait3A_146 = arith.constant 0 : i32
          %dma_wait3A_147 = tpu.memref_slice %arg6[%dma_wait3A_146] : memref<10000xf32, #tpu.memory_space<vmem>> -> memref<80xf32, #tpu.memory_space<vmem>>
          %dma_wait3A_148 = arith.constant 0 : i32
          %dma_wait3A_149 = tpu.memref_slice %arg8[%dma_wait3A_148] : memref<10240xf32, #tpu.memory_space<vmem_shared>> -> memref<80xf32, #tpu.memory_space<vmem_shared>>
          %dma_wait3A_150 = arith.constant 0 : i32
          %dma_wait3A_151 = tpu.memref_slice %arg8[%dma_wait3A_150] : memref<10240xf32, #tpu.memory_space<vmem_shared>> -> memref<80xf32, #tpu.memory_space<vmem_shared>>
          %dma_wait3A_152 = arith.constant 0 : i32
          %dma_wait3A_153 = tpu.memref_slice %arg6[%dma_wait3A_152] : memref<10000xf32, #tpu.memory_space<vmem>> -> memref<80xf32, #tpu.memory_space<vmem>>
          tpu.wait_dma2 semaphore(%arg10 : memref<!tpu.dma_semaphore, #tpu.memory_space<semaphore_mem>>) src(%dma_wait3A_153 : memref<80xf32, #tpu.memory_space<vmem>>) dst(%dma_wait3A_151 : memref<80xf32, #tpu.memory_space<vmem_shared>>)
        } else {
        }
        %mul3A_141 = arith.constant 80 : i32
        %mul3A_142 = arith.muli %scan3A_56, %mul3A_141 : i32
        %dma_start3A = tpu.memref_slice %arg6[%mul3A_142] : memref<10000xf32, #tpu.memory_space<vmem>> -> memref<80xf32, #tpu.memory_space<vmem>>
        %dma_start3A_143 = tpu.memref_slice %arg5[%mul3A_142] : memref<10000xi32, #tpu.memory_space<vmem>> -> memref<80xi32, #tpu.memory_space<vmem>>
        %dma_start3A_144 = arith.constant 0 : i32
        %dma_start3A_145 = tpu.memref_slice %arg8[%dma_start3A_144] : memref<10240xf32, #tpu.memory_space<vmem_shared>> -> memref<10240xf32, #tpu.memory_space<vmem_shared>>
        tpu.enqueue_indirect_dma source(%dma_start3A : memref<80xf32, #tpu.memory_space<vmem>>) target(%dma_start3A_145 : memref<10240xf32, #tpu.memory_space<vmem_shared>>) offsets(%dma_start3A_143 : memref<80xi32, #tpu.memory_space<vmem>>) semaphore(%arg10 : memref<!tpu.dma_semaphore, #tpu.memory_space<semaphore_mem>>) {add = true}
      } else {
      }
      %jit3A_94 = arith.constant 4 : i32
      %eq3A_95 = arith.constant 0 : i32
      %eq3A_96 = arith.cmpi eq, %jit3A_94, %eq3A_95 : i32
      %jit3A_97 = arith.constant 1 : i32
      %select_n3A_98 = arith.select %eq3A_96, %jit3A_97, %jit3A_94 : i32
      %rem3A_99 = arith.remsi %scan3A_56, %select_n3A_98 : i32
      %ne3A_100 = arith.constant 0 : i32
      %ne3A_101 = arith.cmpi ne, %rem3A_99, %ne3A_100 : i32
      %lt3A_102 = arith.constant 0 : i32
      %lt3A_103 = arith.cmpi slt, %rem3A_99, %lt3A_102 : i32
      %lt3A_104 = arith.constant 0 : i32
      %lt3A_105 = arith.cmpi slt, %select_n3A_98, %lt3A_104 : i32
      %ne3A_106 = arith.xori %lt3A_103, %lt3A_105 : i1
      %and3A_107 = arith.andi %ne3A_106, %ne3A_101 : i1
      %add3A_108 = arith.addi %rem3A_99, %select_n3A_98 : i32
      %select_n3A_109 = arith.select %and3A_107, %add3A_108, %rem3A_99 : i32
      %eq3A_110 = arith.constant 2 : i32
      %eq3A_111 = arith.cmpi eq, %select_n3A_109, %eq3A_110 : i32
      %convert_element_type3A_112 = arith.extui %eq3A_111 : i1 to i32
      %cond3A_113 = arith.constant 0 : i32
      %cond3A_114 = arith.cmpi ne, %convert_element_type3A_112, %cond3A_113 : i32
      scf.if %cond3A_114 {
        %ge3A = arith.constant 4 : i32
        %ge3A_137 = arith.cmpi sge, %scan3A_56, %ge3A : i32
        %convert_element_type3A_138 = arith.extui %ge3A_137 : i1 to i32
        %cond3A_139 = arith.constant 0 : i32
        %cond3A_140 = arith.cmpi ne, %convert_element_type3A_138, %cond3A_139 : i32
        scf.if %cond3A_140 {
          %dma_wait3A_146 = arith.constant 0 : i32
          %dma_wait3A_147 = tpu.memref_slice %arg6[%dma_wait3A_146] : memref<10000xf32, #tpu.memory_space<vmem>> -> memref<80xf32, #tpu.memory_space<vmem>>
          %dma_wait3A_148 = arith.constant 0 : i32
          %dma_wait3A_149 = tpu.memref_slice %arg8[%dma_wait3A_148] : memref<10240xf32, #tpu.memory_space<vmem_shared>> -> memref<80xf32, #tpu.memory_space<vmem_shared>>
          %dma_wait3A_150 = arith.constant 0 : i32
          %dma_wait3A_151 = tpu.memref_slice %arg8[%dma_wait3A_150] : memref<10240xf32, #tpu.memory_space<vmem_shared>> -> memref<80xf32, #tpu.memory_space<vmem_shared>>
          %dma_wait3A_152 = arith.constant 0 : i32
          %dma_wait3A_153 = tpu.memref_slice %arg6[%dma_wait3A_152] : memref<10000xf32, #tpu.memory_space<vmem>> -> memref<80xf32, #tpu.memory_space<vmem>>
          tpu.wait_dma2 semaphore(%arg11 : memref<!tpu.dma_semaphore, #tpu.memory_space<semaphore_mem>>) src(%dma_wait3A_153 : memref<80xf32, #tpu.memory_space<vmem>>) dst(%dma_wait3A_151 : memref<80xf32, #tpu.memory_space<vmem_shared>>)
        } else {
        }
        %mul3A_141 = arith.constant 80 : i32
        %mul3A_142 = arith.muli %scan3A_56, %mul3A_141 : i32
        %dma_start3A = tpu.memref_slice %arg6[%mul3A_142] : memref<10000xf32, #tpu.memory_space<vmem>> -> memref<80xf32, #tpu.memory_space<vmem>>
        %dma_start3A_143 = tpu.memref_slice %arg5[%mul3A_142] : memref<10000xi32, #tpu.memory_space<vmem>> -> memref<80xi32, #tpu.memory_space<vmem>>
        %dma_start3A_144 = arith.constant 0 : i32
        %dma_start3A_145 = tpu.memref_slice %arg8[%dma_start3A_144] : memref<10240xf32, #tpu.memory_space<vmem_shared>> -> memref<10240xf32, #tpu.memory_space<vmem_shared>>
        tpu.enqueue_indirect_dma source(%dma_start3A : memref<80xf32, #tpu.memory_space<vmem>>) target(%dma_start3A_145 : memref<10240xf32, #tpu.memory_space<vmem_shared>>) offsets(%dma_start3A_143 : memref<80xi32, #tpu.memory_space<vmem>>) semaphore(%arg11 : memref<!tpu.dma_semaphore, #tpu.memory_space<semaphore_mem>>) {add = true}
      } else {
      }
      %jit3A_115 = arith.constant 4 : i32
      %eq3A_116 = arith.constant 0 : i32
      %eq3A_117 = arith.cmpi eq, %jit3A_115, %eq3A_116 : i32
      %jit3A_118 = arith.constant 1 : i32
      %select_n3A_119 = arith.select %eq3A_117, %jit3A_118, %jit3A_115 : i32
      %rem3A_120 = arith.remsi %scan3A_56, %select_n3A_119 : i32
      %ne3A_121 = arith.constant 0 : i32
      %ne3A_122 = arith.cmpi ne, %rem3A_120, %ne3A_121 : i32
      %lt3A_123 = arith.constant 0 : i32
      %lt3A_124 = arith.cmpi slt, %rem3A_120, %lt3A_123 : i32
      %lt3A_125 = arith.constant 0 : i32
      %lt3A_126 = arith.cmpi slt, %select_n3A_119, %lt3A_125 : i32
      %ne3A_127 = arith.xori %lt3A_124, %lt3A_126 : i1
      %and3A_128 = arith.andi %ne3A_127, %ne3A_122 : i1
      %add3A_129 = arith.addi %rem3A_120, %select_n3A_119 : i32
      %select_n3A_130 = arith.select %and3A_128, %add3A_129, %rem3A_120 : i32
      %eq3A_131 = arith.constant 3 : i32
      %eq3A_132 = arith.cmpi eq, %select_n3A_130, %eq3A_131 : i32
      %convert_element_type3A_133 = arith.extui %eq3A_132 : i1 to i32
      %cond3A_134 = arith.constant 0 : i32
      %cond3A_135 = arith.cmpi ne, %convert_element_type3A_133, %cond3A_134 : i32
      scf.if %cond3A_135 {
        %ge3A = arith.constant 4 : i32
        %ge3A_137 = arith.cmpi sge, %scan3A_56, %ge3A : i32
        %convert_element_type3A_138 = arith.extui %ge3A_137 : i1 to i32
        %cond3A_139 = arith.constant 0 : i32
        %cond3A_140 = arith.cmpi ne, %convert_element_type3A_138, %cond3A_139 : i32
        scf.if %cond3A_140 {
          %dma_wait3A_146 = arith.constant 0 : i32
          %dma_wait3A_147 = tpu.memref_slice %arg6[%dma_wait3A_146] : memref<10000xf32, #tpu.memory_space<vmem>> -> memref<80xf32, #tpu.memory_space<vmem>>
          %dma_wait3A_148 = arith.constant 0 : i32
          %dma_wait3A_149 = tpu.memref_slice %arg8[%dma_wait3A_148] : memref<10240xf32, #tpu.memory_space<vmem_shared>> -> memref<80xf32, #tpu.memory_space<vmem_shared>>
          %dma_wait3A_150 = arith.constant 0 : i32
          %dma_wait3A_151 = tpu.memref_slice %arg8[%dma_wait3A_150] : memref<10240xf32, #tpu.memory_space<vmem_shared>> -> memref<80xf32, #tpu.memory_space<vmem_shared>>
          %dma_wait3A_152 = arith.constant 0 : i32
          %dma_wait3A_153 = tpu.memref_slice %arg6[%dma_wait3A_152] : memref<10000xf32, #tpu.memory_space<vmem>> -> memref<80xf32, #tpu.memory_space<vmem>>
          tpu.wait_dma2 semaphore(%arg12 : memref<!tpu.dma_semaphore, #tpu.memory_space<semaphore_mem>>) src(%dma_wait3A_153 : memref<80xf32, #tpu.memory_space<vmem>>) dst(%dma_wait3A_151 : memref<80xf32, #tpu.memory_space<vmem_shared>>)
        } else {
        }
        %mul3A_141 = arith.constant 80 : i32
        %mul3A_142 = arith.muli %scan3A_56, %mul3A_141 : i32
        %dma_start3A = tpu.memref_slice %arg6[%mul3A_142] : memref<10000xf32, #tpu.memory_space<vmem>> -> memref<80xf32, #tpu.memory_space<vmem>>
        %dma_start3A_143 = tpu.memref_slice %arg5[%mul3A_142] : memref<10000xi32, #tpu.memory_space<vmem>> -> memref<80xi32, #tpu.memory_space<vmem>>
        %dma_start3A_144 = arith.constant 0 : i32
        %dma_start3A_145 = tpu.memref_slice %arg8[%dma_start3A_144] : memref<10240xf32, #tpu.memory_space<vmem_shared>> -> memref<10240xf32, #tpu.memory_space<vmem_shared>>
        tpu.enqueue_indirect_dma source(%dma_start3A : memref<80xf32, #tpu.memory_space<vmem>>) target(%dma_start3A_145 : memref<10240xf32, #tpu.memory_space<vmem_shared>>) offsets(%dma_start3A_143 : memref<80xi32, #tpu.memory_space<vmem>>) semaphore(%arg12 : memref<!tpu.dma_semaphore, #tpu.memory_space<semaphore_mem>>) {add = true}
      } else {
      }
      %scan3A_136 = arith.constant 0 : i32
      scf.yield %scan3A_136 : i32
    }
    %scan3A_19 = arith.constant 125 : i32
    %dma_wait3A = arith.constant 0 : i32
    %dma_wait3A_20 = tpu.memref_slice %arg6[%dma_wait3A] : memref<10000xf32, #tpu.memory_space<vmem>> -> memref<80xf32, #tpu.memory_space<vmem>>
    %dma_wait3A_21 = arith.constant 0 : i32
    %dma_wait3A_22 = tpu.memref_slice %arg8[%dma_wait3A_21] : memref<10240xf32, #tpu.memory_space<vmem_shared>> -> memref<80xf32, #tpu.memory_space<vmem_shared>>
    %dma_wait3A_23 = arith.constant 0 : i32
    %dma_wait3A_24 = tpu.memref_slice %arg8[%dma_wait3A_23] : memref<10240xf32, #tpu.memory_space<vmem_shared>> -> memref<80xf32, #tpu.memory_space<vmem_shared>>
    %dma_wait3A_25 = arith.constant 0 : i32
    %dma_wait3A_26 = tpu.memref_slice %arg6[%dma_wait3A_25] : memref<10000xf32, #tpu.memory_space<vmem>> -> memref<80xf32, #tpu.memory_space<vmem>>
    tpu.wait_dma2 semaphore(%arg9 : memref<!tpu.dma_semaphore, #tpu.memory_space<semaphore_mem>>) src(%dma_wait3A_26 : memref<80xf32, #tpu.memory_space<vmem>>) dst(%dma_wait3A_24 : memref<80xf32, #tpu.memory_space<vmem_shared>>)
    %dma_wait3A_27 = arith.constant 0 : i32
    %dma_wait3A_28 = tpu.memref_slice %arg6[%dma_wait3A_27] : memref<10000xf32, #tpu.memory_space<vmem>> -> memref<80xf32, #tpu.memory_space<vmem>>
    %dma_wait3A_29 = arith.constant 0 : i32
    %dma_wait3A_30 = tpu.memref_slice %arg8[%dma_wait3A_29] : memref<10240xf32, #tpu.memory_space<vmem_shared>> -> memref<80xf32, #tpu.memory_space<vmem_shared>>
    %dma_wait3A_31 = arith.constant 0 : i32
    %dma_wait3A_32 = tpu.memref_slice %arg8[%dma_wait3A_31] : memref<10240xf32, #tpu.memory_space<vmem_shared>> -> memref<80xf32, #tpu.memory_space<vmem_shared>>
    %dma_wait3A_33 = arith.constant 0 : i32
    %dma_wait3A_34 = tpu.memref_slice %arg6[%dma_wait3A_33] : memref<10000xf32, #tpu.memory_space<vmem>> -> memref<80xf32, #tpu.memory_space<vmem>>
    tpu.wait_dma2 semaphore(%arg10 : memref<!tpu.dma_semaphore, #tpu.memory_space<semaphore_mem>>) src(%dma_wait3A_34 : memref<80xf32, #tpu.memory_space<vmem>>) dst(%dma_wait3A_32 : memref<80xf32, #tpu.memory_space<vmem_shared>>)
    %dma_wait3A_35 = arith.constant 0 : i32
    %dma_wait3A_36 = tpu.memref_slice %arg6[%dma_wait3A_35] : memref<10000xf32, #tpu.memory_space<vmem>> -> memref<80xf32, #tpu.memory_space<vmem>>
    %dma_wait3A_37 = arith.constant 0 : i32
    %dma_wait3A_38 = tpu.memref_slice %arg8[%dma_wait3A_37] : memref<10240xf32, #tpu.memory_space<vmem_shared>> -> memref<80xf32, #tpu.memory_space<vmem_shared>>
    %dma_wait3A_39 = arith.constant 0 : i32
    %dma_wait3A_40 = tpu.memref_slice %arg8[%dma_wait3A_39] : memref<10240xf32, #tpu.memory_space<vmem_shared>> -> memref<80xf32, #tpu.memory_space<vmem_shared>>
    %dma_wait3A_41 = arith.constant 0 : i32
    %dma_wait3A_42 = tpu.memref_slice %arg6[%dma_wait3A_41] : memref<10000xf32, #tpu.memory_space<vmem>> -> memref<80xf32, #tpu.memory_space<vmem>>
    tpu.wait_dma2 semaphore(%arg11 : memref<!tpu.dma_semaphore, #tpu.memory_space<semaphore_mem>>) src(%dma_wait3A_42 : memref<80xf32, #tpu.memory_space<vmem>>) dst(%dma_wait3A_40 : memref<80xf32, #tpu.memory_space<vmem_shared>>)
    %dma_wait3A_43 = arith.constant 0 : i32
    %dma_wait3A_44 = tpu.memref_slice %arg6[%dma_wait3A_43] : memref<10000xf32, #tpu.memory_space<vmem>> -> memref<80xf32, #tpu.memory_space<vmem>>
    %dma_wait3A_45 = arith.constant 0 : i32
    %dma_wait3A_46 = tpu.memref_slice %arg8[%dma_wait3A_45] : memref<10240xf32, #tpu.memory_space<vmem_shared>> -> memref<80xf32, #tpu.memory_space<vmem_shared>>
    %dma_wait3A_47 = arith.constant 0 : i32
    %dma_wait3A_48 = tpu.memref_slice %arg8[%dma_wait3A_47] : memref<10240xf32, #tpu.memory_space<vmem_shared>> -> memref<80xf32, #tpu.memory_space<vmem_shared>>
    %dma_wait3A_49 = arith.constant 0 : i32
    %dma_wait3A_50 = tpu.memref_slice %arg6[%dma_wait3A_49] : memref<10000xf32, #tpu.memory_space<vmem>> -> memref<80xf32, #tpu.memory_space<vmem>>
    tpu.wait_dma2 semaphore(%arg12 : memref<!tpu.dma_semaphore, #tpu.memory_space<semaphore_mem>>) src(%dma_wait3A_50 : memref<80xf32, #tpu.memory_space<vmem>>) dst(%dma_wait3A_48 : memref<80xf32, #tpu.memory_space<vmem_shared>>)
    %barrier3A_51 = arith.constant 0 : index
    tpu.barrier barrier_id(%barrier3A_51)
    %mul3A_52 = arith.constant 640 : i32
    %mul3A_53 = arith.muli %arg1, %mul3A_52 : i32
    %mul3A_54 = arith.constant 640 : i32
    %mul3A_55 = arith.muli %arg1, %mul3A_54 : i32
    "tpu.region"() ({
      %run_scoped3A = tpu.sem_alloc : memref<!tpu.dma_semaphore, #tpu.memory_space<semaphore_mem>>
      %dma_start3A = tpu.memref_slice %arg4[%arg0, %mul3A_55] : memref<2x10240xf32, #tpu.memory_space<hbm>> -> memref<1x640xf32, #tpu.memory_space<hbm>>
      %dma_start3A_56 = tpu.memref_squeeze %dma_start3A : memref<1x640xf32, #tpu.memory_space<hbm>> -> memref<640xf32, #tpu.memory_space<hbm>>
      %dma_start3A_57 = tpu.memref_slice %arg8[%mul3A_53] : memref<10240xf32, #tpu.memory_space<vmem_shared>> -> memref<640xf32, #tpu.memory_space<vmem_shared>>
      tpu.enqueue_dma source(%dma_start3A_57 : memref<640xf32, #tpu.memory_space<vmem_shared>>) target(%dma_start3A_56 : memref<640xf32, #tpu.memory_space<hbm>>) target_semaphore(%run_scoped3A : memref<!tpu.dma_semaphore, #tpu.memory_space<semaphore_mem>>)
      %dma_wait3A_58 = tpu.memref_slice %arg4[%arg0, %mul3A_55] : memref<2x10240xf32, #tpu.memory_space<hbm>> -> memref<1x640xf32, #tpu.memory_space<hbm>>
      %dma_wait3A_59 = tpu.memref_squeeze %dma_wait3A_58 : memref<1x640xf32, #tpu.memory_space<hbm>> -> memref<640xf32, #tpu.memory_space<hbm>>
      %dma_wait3A_60 = tpu.memref_slice %arg8[%mul3A_53] : memref<10240xf32, #tpu.memory_space<vmem_shared>> -> memref<640xf32, #tpu.memory_space<vmem_shared>>
      tpu.wait_dma2 semaphore(%run_scoped3A : memref<!tpu.dma_semaphore, #tpu.memory_space<semaphore_mem>>) src(%dma_wait3A_60 : memref<640xf32, #tpu.memory_space<vmem_shared>>) dst(%dma_wait3A_59 : memref<640xf32, #tpu.memory_space<hbm>>)
      tpu.yield
    }) : () -> ()
    return
  }
}

#map = affine_map<(d0, d1) -> (0)>
#map1 = affine_map<(d0, d1) -> (0, 0)>
module attributes {stable_mosaic.version = 14 : i64} {
  func.func @_k5_body(%arg0: i32, %arg1: i32, %arg2: memref<10240xf32, #tpu.memory_space<hbm>>, %arg3: memref<320000xi32, #tpu.memory_space<hbm>>, %arg4: memref<320000xi32, #tpu.memory_space<hbm>>, %arg5: memref<320000xf32, #tpu.memory_space<hbm>>, %arg6: memref<2x10240xf32, #tpu.memory_space<hbm>>, %arg7: memref<10000xi32, #tpu.memory_space<vmem>>, %arg8: memref<10000xi32, #tpu.memory_space<vmem>>, %arg9: memref<10000xf32, #tpu.memory_space<vmem>>, %arg10: memref<80xf32, #tpu.memory_space<vmem>>, %arg11: memref<80xf32, #tpu.memory_space<vmem>>, %arg12: memref<80xf32, #tpu.memory_space<vmem>>, %arg13: memref<80xf32, #tpu.memory_space<vmem>>, %arg14: memref<640xf32, #tpu.memory_space<vmem>>, %arg15: memref<10240xf32, #tpu.memory_space<vmem_shared>>, %arg16: memref<!tpu.dma_semaphore, #tpu.memory_space<semaphore_mem>>, %arg17: memref<!tpu.dma_semaphore, #tpu.memory_space<semaphore_mem>>, %arg18: memref<!tpu.dma_semaphore, #tpu.memory_space<semaphore_mem>>, %arg19: memref<!tpu.dma_semaphore, #tpu.memory_space<semaphore_mem>>, %arg20: memref<!tpu.dma_semaphore, #tpu.memory_space<semaphore_mem>>, %arg21: memref<!tpu.dma_semaphore, #tpu.memory_space<semaphore_mem>>, %arg22: memref<!tpu.dma_semaphore, #tpu.memory_space<semaphore_mem>>, %arg23: memref<!tpu.dma_semaphore, #tpu.memory_space<semaphore_mem>>) attributes {dimension_semantics = [#tpu.dimension_semantics<core_parallel>, #tpu.dimension_semantics<subcore_parallel>], iteration_bounds = array<i64: 2, 16>, scalar_prefetch = 0 : i64, scratch_operands = 17 : i64, tpu.core_type = #tpu.core_type<sc_vector_subcore>, window_params = [{transform_indices = #map}, {transform_indices = #map}, {transform_indices = #map}, {transform_indices = #map}, {transform_indices = #map1}]} {
    %mul3A = arith.constant 16 : i32
    %mul3A_0 = arith.muli %arg0, %mul3A : i32
    %add3A = arith.addi %mul3A_0, %arg1 : i32
    %mul3A_1 = arith.constant 10000 : i32
    %mul3A_2 = arith.muli %add3A, %mul3A_1 : i32
    "tpu.region"() ({
      %run_scoped3A = tpu.sem_alloc : memref<!tpu.dma_semaphore, #tpu.memory_space<semaphore_mem>>
      %dma_start3A_50 = tpu.memref_slice %arg3[%mul3A_2] : memref<320000xi32, #tpu.memory_space<hbm>> -> memref<10000xi32, #tpu.memory_space<hbm>>
      %dma_start3A_51 = tpu.memref_slice %arg3[%mul3A_2] : memref<320000xi32, #tpu.memory_space<hbm>> -> memref<10000xi32, #tpu.memory_space<hbm>>
      tpu.enqueue_dma source(%dma_start3A_51 : memref<10000xi32, #tpu.memory_space<hbm>>) target(%arg7 : memref<10000xi32, #tpu.memory_space<vmem>>) target_semaphore(%run_scoped3A : memref<!tpu.dma_semaphore, #tpu.memory_space<semaphore_mem>>)
      %dma_wait3A_52 = tpu.memref_slice %arg3[%mul3A_2] : memref<320000xi32, #tpu.memory_space<hbm>> -> memref<10000xi32, #tpu.memory_space<hbm>>
      %dma_wait3A_53 = tpu.memref_slice %arg3[%mul3A_2] : memref<320000xi32, #tpu.memory_space<hbm>> -> memref<10000xi32, #tpu.memory_space<hbm>>
      tpu.wait_dma2 semaphore(%run_scoped3A : memref<!tpu.dma_semaphore, #tpu.memory_space<semaphore_mem>>) src(%dma_wait3A_53 : memref<10000xi32, #tpu.memory_space<hbm>>) dst(%arg7 : memref<10000xi32, #tpu.memory_space<vmem>>)
      tpu.yield
    }) : () -> ()
    "tpu.region"() ({
      %run_scoped3A = tpu.sem_alloc : memref<!tpu.dma_semaphore, #tpu.memory_space<semaphore_mem>>
      %dma_start3A_50 = tpu.memref_slice %arg4[%mul3A_2] : memref<320000xi32, #tpu.memory_space<hbm>> -> memref<10000xi32, #tpu.memory_space<hbm>>
      %dma_start3A_51 = tpu.memref_slice %arg4[%mul3A_2] : memref<320000xi32, #tpu.memory_space<hbm>> -> memref<10000xi32, #tpu.memory_space<hbm>>
      tpu.enqueue_dma source(%dma_start3A_51 : memref<10000xi32, #tpu.memory_space<hbm>>) target(%arg8 : memref<10000xi32, #tpu.memory_space<vmem>>) target_semaphore(%run_scoped3A : memref<!tpu.dma_semaphore, #tpu.memory_space<semaphore_mem>>)
      %dma_wait3A_52 = tpu.memref_slice %arg4[%mul3A_2] : memref<320000xi32, #tpu.memory_space<hbm>> -> memref<10000xi32, #tpu.memory_space<hbm>>
      %dma_wait3A_53 = tpu.memref_slice %arg4[%mul3A_2] : memref<320000xi32, #tpu.memory_space<hbm>> -> memref<10000xi32, #tpu.memory_space<hbm>>
      tpu.wait_dma2 semaphore(%run_scoped3A : memref<!tpu.dma_semaphore, #tpu.memory_space<semaphore_mem>>) src(%dma_wait3A_53 : memref<10000xi32, #tpu.memory_space<hbm>>) dst(%arg8 : memref<10000xi32, #tpu.memory_space<vmem>>)
      tpu.yield
    }) : () -> ()
    "tpu.region"() ({
      %run_scoped3A = tpu.sem_alloc : memref<!tpu.dma_semaphore, #tpu.memory_space<semaphore_mem>>
      %dma_start3A_50 = tpu.memref_slice %arg5[%mul3A_2] : memref<320000xf32, #tpu.memory_space<hbm>> -> memref<10000xf32, #tpu.memory_space<hbm>>
      %dma_start3A_51 = tpu.memref_slice %arg5[%mul3A_2] : memref<320000xf32, #tpu.memory_space<hbm>> -> memref<10000xf32, #tpu.memory_space<hbm>>
      tpu.enqueue_dma source(%dma_start3A_51 : memref<10000xf32, #tpu.memory_space<hbm>>) target(%arg9 : memref<10000xf32, #tpu.memory_space<vmem>>) target_semaphore(%run_scoped3A : memref<!tpu.dma_semaphore, #tpu.memory_space<semaphore_mem>>)
      %dma_wait3A_52 = tpu.memref_slice %arg5[%mul3A_2] : memref<320000xf32, #tpu.memory_space<hbm>> -> memref<10000xf32, #tpu.memory_space<hbm>>
      %dma_wait3A_53 = tpu.memref_slice %arg5[%mul3A_2] : memref<320000xf32, #tpu.memory_space<hbm>> -> memref<10000xf32, #tpu.memory_space<hbm>>
      tpu.wait_dma2 semaphore(%run_scoped3A : memref<!tpu.dma_semaphore, #tpu.memory_space<semaphore_mem>>) src(%dma_wait3A_53 : memref<10000xf32, #tpu.memory_space<hbm>>) dst(%arg9 : memref<10000xf32, #tpu.memory_space<vmem>>)
      tpu.yield
    }) : () -> ()
    %mul3A_3 = arith.constant 640 : i32
    %mul3A_4 = arith.muli %arg1, %mul3A_3 : i32
    %broadcast_in_dim3A = arith.constant 0.000000e+00 : f32
    %broadcast_in_dim3A_5 = vector.broadcast %broadcast_in_dim3A : f32 to vector<16xf32>
    %scan3A = arith.constant 0 : i32
    %scan3A_6 = arith.constant 0 : i32
    %scan3A_7 = arith.constant 40 : i32
    %scan3A_8 = arith.addi %scan3A_6, %scan3A_7 : i32
    %scan3A_9 = arith.constant 1 : i32
    %scan3A_10 = scf.for %scan3A_50 = %scan3A_6 to %scan3A_8 step %scan3A_9 iter_args(%scan3A_51 = %scan3A) -> (i32)  : i32 {
      %mul3A_52 = arith.constant 16 : i32
      %mul3A_53 = arith.muli %scan3A_50, %mul3A_52 : i32
      %swap3A = arith.index_cast %mul3A_53 : i32 to index
      %swap3A_54 = tpu.vector_load %arg14[%swap3A] {strides = array<i32>} : memref<640xf32, #tpu.memory_space<vmem>>, vector<16xf32>,
      %swap3A_55 = vector.shape_cast %swap3A_54 : vector<16xf32> to vector<16xf32>
      %swap3A_56 = vector.shape_cast %broadcast_in_dim3A_5 : vector<16xf32> to vector<16xf32>
      tpu.vector_store %arg14[%swap3A], %swap3A_56 {strides = array<i32>} : memref<640xf32, #tpu.memory_space<vmem>>, vector<16xf32>,
      %scan3A_57 = arith.constant 0 : i32
      scf.yield %scan3A_57 : i32
    }
    %scan3A_11 = arith.constant 40 : i32
    "tpu.region"() ({
      %run_scoped3A = tpu.sem_alloc : memref<!tpu.dma_semaphore, #tpu.memory_space<semaphore_mem>>
      %dma_start3A_50 = tpu.memref_slice %arg15[%mul3A_4] : memref<10240xf32, #tpu.memory_space<vmem_shared>> -> memref<640xf32, #tpu.memory_space<vmem_shared>>
      %dma_start3A_51 = tpu.memref_slice %arg15[%mul3A_4] : memref<10240xf32, #tpu.memory_space<vmem_shared>> -> memref<640xf32, #tpu.memory_space<vmem_shared>>
      tpu.enqueue_dma source(%arg14 : memref<640xf32, #tpu.memory_space<vmem>>) target(%dma_start3A_51 : memref<640xf32, #tpu.memory_space<vmem_shared>>) target_semaphore(%run_scoped3A : memref<!tpu.dma_semaphore, #tpu.memory_space<semaphore_mem>>)
      %dma_wait3A_52 = tpu.memref_slice %arg15[%mul3A_4] : memref<10240xf32, #tpu.memory_space<vmem_shared>> -> memref<640xf32, #tpu.memory_space<vmem_shared>>
      %dma_wait3A_53 = tpu.memref_slice %arg15[%mul3A_4] : memref<10240xf32, #tpu.memory_space<vmem_shared>> -> memref<640xf32, #tpu.memory_space<vmem_shared>>
      tpu.wait_dma2 semaphore(%run_scoped3A : memref<!tpu.dma_semaphore, #tpu.memory_space<semaphore_mem>>) src(%arg14 : memref<640xf32, #tpu.memory_space<vmem>>) dst(%dma_wait3A_53 : memref<640xf32, #tpu.memory_space<vmem_shared>>)
      tpu.yield
    }) : () -> ()
    %barrier3A = arith.constant 0 : index
    tpu.barrier barrier_id(%barrier3A)
    %dma_start3A = arith.constant 0 : i32
    %dma_start3A_12 = tpu.memref_slice %arg7[%dma_start3A] : memref<10000xi32, #tpu.memory_space<vmem>> -> memref<80xi32, #tpu.memory_space<vmem>>
    %dma_start3A_13 = arith.constant 0 : i32
    %dma_start3A_14 = tpu.memref_slice %arg2[%dma_start3A_13] : memref<10240xf32, #tpu.memory_space<hbm>> -> memref<10240xf32, #tpu.memory_space<hbm>>
    tpu.enqueue_indirect_dma source(%dma_start3A_14 : memref<10240xf32, #tpu.memory_space<hbm>>) target(%arg10 : memref<80xf32, #tpu.memory_space<vmem>>) offsets(%dma_start3A_12 : memref<80xi32, #tpu.memory_space<vmem>>) semaphore(%arg16 : memref<!tpu.dma_semaphore, #tpu.memory_space<semaphore_mem>>)
    %dma_start3A_15 = arith.constant 80 : i32
    %dma_start3A_16 = tpu.memref_slice %arg7[%dma_start3A_15] : memref<10000xi32, #tpu.memory_space<vmem>> -> memref<80xi32, #tpu.memory_space<vmem>>
    %dma_start3A_17 = arith.constant 0 : i32
    %dma_start3A_18 = tpu.memref_slice %arg2[%dma_start3A_17] : memref<10240xf32, #tpu.memory_space<hbm>> -> memref<10240xf32, #tpu.memory_space<hbm>>
    tpu.enqueue_indirect_dma source(%dma_start3A_18 : memref<10240xf32, #tpu.memory_space<hbm>>) target(%arg11 : memref<80xf32, #tpu.memory_space<vmem>>) offsets(%dma_start3A_16 : memref<80xi32, #tpu.memory_space<vmem>>) semaphore(%arg17 : memref<!tpu.dma_semaphore, #tpu.memory_space<semaphore_mem>>)
    %dma_start3A_19 = arith.constant 160 : i32
    %dma_start3A_20 = tpu.memref_slice %arg7[%dma_start3A_19] : memref<10000xi32, #tpu.memory_space<vmem>> -> memref<80xi32, #tpu.memory_space<vmem>>
    %dma_start3A_21 = arith.constant 0 : i32
    %dma_start3A_22 = tpu.memref_slice %arg2[%dma_start3A_21] : memref<10240xf32, #tpu.memory_space<hbm>> -> memref<10240xf32, #tpu.memory_space<hbm>>
    tpu.enqueue_indirect_dma source(%dma_start3A_22 : memref<10240xf32, #tpu.memory_space<hbm>>) target(%arg12 : memref<80xf32, #tpu.memory_space<vmem>>) offsets(%dma_start3A_20 : memref<80xi32, #tpu.memory_space<vmem>>) semaphore(%arg18 : memref<!tpu.dma_semaphore, #tpu.memory_space<semaphore_mem>>)
    %scan3A_23 = arith.constant 0 : i32
    %scan3A_24 = arith.constant 0 : i32
    %scan3A_25 = arith.constant 125 : i32
    %scan3A_26 = arith.addi %scan3A_24, %scan3A_25 : i32
    %scan3A_27 = arith.constant 1 : i32
    %scan3A_28 = scf.for %scan3A_50 = %scan3A_24 to %scan3A_26 step %scan3A_27 iter_args(%scan3A_51 = %scan3A_23) -> (i32)  : i32 {
      %jit3A = arith.constant 4 : i32
      %eq3A = arith.constant 0 : i32
      %eq3A_52 = arith.cmpi eq, %jit3A, %eq3A : i32
      %jit3A_53 = arith.constant 1 : i32
      %select_n3A = arith.select %eq3A_52, %jit3A_53, %jit3A : i32
      %rem3A = arith.remsi %scan3A_50, %select_n3A : i32
      %ne3A = arith.constant 0 : i32
      %ne3A_54 = arith.cmpi ne, %rem3A, %ne3A : i32
      %lt3A = arith.constant 0 : i32
      %lt3A_55 = arith.cmpi slt, %rem3A, %lt3A : i32
      %lt3A_56 = arith.constant 0 : i32
      %lt3A_57 = arith.cmpi slt, %select_n3A, %lt3A_56 : i32
      %ne3A_58 = arith.xori %lt3A_55, %lt3A_57 : i1
      %and3A = arith.andi %ne3A_58, %ne3A_54 : i1
      %add3A_59 = arith.addi %rem3A, %select_n3A : i32
      %select_n3A_60 = arith.select %and3A, %add3A_59, %rem3A : i32
      %eq3A_61 = arith.constant 0 : i32
      %eq3A_62 = arith.cmpi eq, %select_n3A_60, %eq3A_61 : i32
      %convert_element_type3A = arith.extui %eq3A_62 : i1 to i32
      %cond3A = arith.constant 0 : i32
      %cond3A_63 = arith.cmpi ne, %convert_element_type3A, %cond3A : i32
      scf.if %cond3A_63 {
        %dma_wait3A_128 = arith.constant 0 : i32
        %dma_wait3A_129 = tpu.memref_slice %arg2[%dma_wait3A_128] : memref<10240xf32, #tpu.memory_space<hbm>> -> memref<80xf32, #tpu.memory_space<hbm>>
        %dma_wait3A_130 = arith.constant 0 : i32
        %dma_wait3A_131 = tpu.memref_slice %arg2[%dma_wait3A_130] : memref<10240xf32, #tpu.memory_space<hbm>> -> memref<80xf32, #tpu.memory_space<hbm>>
        tpu.wait_dma2 semaphore(%arg16 : memref<!tpu.dma_semaphore, #tpu.memory_space<semaphore_mem>>) src(%dma_wait3A_131 : memref<80xf32, #tpu.memory_space<hbm>>) dst(%arg10 : memref<80xf32, #tpu.memory_space<vmem>>)
        %mul3A_132 = arith.constant 80 : i32
        %mul3A_133 = arith.muli %scan3A_50, %mul3A_132 : i32
        %get3A = arith.constant 0 : index
        %get3A_134 = tpu.vector_load %arg10[%get3A] {strides = array<i32>} : memref<80xf32, #tpu.memory_space<vmem>>, vector<16xf32>,
        %get3A_135 = vector.shape_cast %get3A_134 : vector<16xf32> to vector<16xf32>
        %add3A_136 = arith.constant 0 : i32
        %add3A_137 = arith.addi %mul3A_133, %add3A_136 : i32
        %get3A_138 = arith.index_cast %add3A_137 : i32 to index
        %get3A_139 = tpu.vector_load %arg9[%get3A_138] {strides = array<i32>} : memref<10000xf32, #tpu.memory_space<vmem>>, vector<16xf32>,
        %get3A_140 = vector.shape_cast %get3A_139 : vector<16xf32> to vector<16xf32>
        %mul3A_141 = arith.mulf %get3A_135, %get3A_140 : vector<16xf32>
        %swap3A = arith.constant 0 : index
        %swap3A_142 = tpu.vector_load %arg10[%swap3A] {strides = array<i32>} : memref<80xf32, #tpu.memory_space<vmem>>, vector<16xf32>,
        %swap3A_143 = vector.shape_cast %swap3A_142 : vector<16xf32> to vector<16xf32>
        %swap3A_144 = vector.shape_cast %mul3A_141 : vector<16xf32> to vector<16xf32>
        tpu.vector_store %arg10[%swap3A], %swap3A_144 {strides = array<i32>} : memref<80xf32, #tpu.memory_space<vmem>>, vector<16xf32>,
        %get3A_145 = arith.constant 16 : index
        %get3A_146 = tpu.vector_load %arg10[%get3A_145] {strides = array<i32>} : memref<80xf32, #tpu.memory_space<vmem>>, vector<16xf32>,
        %get3A_147 = vector.shape_cast %get3A_146 : vector<16xf32> to vector<16xf32>
        %add3A_148 = arith.constant 16 : i32
        %add3A_149 = arith.addi %mul3A_133, %add3A_148 : i32
        %get3A_150 = arith.index_cast %add3A_149 : i32 to index
        %get3A_151 = tpu.vector_load %arg9[%get3A_150] {strides = array<i32>} : memref<10000xf32, #tpu.memory_space<vmem>>, vector<16xf32>,
        %get3A_152 = vector.shape_cast %get3A_151 : vector<16xf32> to vector<16xf32>
        %mul3A_153 = arith.mulf %get3A_147, %get3A_152 : vector<16xf32>
        %swap3A_154 = arith.constant 16 : index
        %swap3A_155 = tpu.vector_load %arg10[%swap3A_154] {strides = array<i32>} : memref<80xf32, #tpu.memory_space<vmem>>, vector<16xf32>,
        %swap3A_156 = vector.shape_cast %swap3A_155 : vector<16xf32> to vector<16xf32>
        %swap3A_157 = vector.shape_cast %mul3A_153 : vector<16xf32> to vector<16xf32>
        tpu.vector_store %arg10[%swap3A_154], %swap3A_157 {strides = array<i32>} : memref<80xf32, #tpu.memory_space<vmem>>, vector<16xf32>,
        %get3A_158 = arith.constant 32 : index
        %get3A_159 = tpu.vector_load %arg10[%get3A_158] {strides = array<i32>} : memref<80xf32, #tpu.memory_space<vmem>>, vector<16xf32>,
        %get3A_160 = vector.shape_cast %get3A_159 : vector<16xf32> to vector<16xf32>
        %add3A_161 = arith.constant 32 : i32
        %add3A_162 = arith.addi %mul3A_133, %add3A_161 : i32
        %get3A_163 = arith.index_cast %add3A_162 : i32 to index
        %get3A_164 = tpu.vector_load %arg9[%get3A_163] {strides = array<i32>} : memref<10000xf32, #tpu.memory_space<vmem>>, vector<16xf32>,
        %get3A_165 = vector.shape_cast %get3A_164 : vector<16xf32> to vector<16xf32>
        %mul3A_166 = arith.mulf %get3A_160, %get3A_165 : vector<16xf32>
        %swap3A_167 = arith.constant 32 : index
        %swap3A_168 = tpu.vector_load %arg10[%swap3A_167] {strides = array<i32>} : memref<80xf32, #tpu.memory_space<vmem>>, vector<16xf32>,
        %swap3A_169 = vector.shape_cast %swap3A_168 : vector<16xf32> to vector<16xf32>
        %swap3A_170 = vector.shape_cast %mul3A_166 : vector<16xf32> to vector<16xf32>
        tpu.vector_store %arg10[%swap3A_167], %swap3A_170 {strides = array<i32>} : memref<80xf32, #tpu.memory_space<vmem>>, vector<16xf32>,
        %get3A_171 = arith.constant 48 : index
        %get3A_172 = tpu.vector_load %arg10[%get3A_171] {strides = array<i32>} : memref<80xf32, #tpu.memory_space<vmem>>, vector<16xf32>,
        %get3A_173 = vector.shape_cast %get3A_172 : vector<16xf32> to vector<16xf32>
        %add3A_174 = arith.constant 48 : i32
        %add3A_175 = arith.addi %mul3A_133, %add3A_174 : i32
        %get3A_176 = arith.index_cast %add3A_175 : i32 to index
        %get3A_177 = tpu.vector_load %arg9[%get3A_176] {strides = array<i32>} : memref<10000xf32, #tpu.memory_space<vmem>>, vector<16xf32>,
        %get3A_178 = vector.shape_cast %get3A_177 : vector<16xf32> to vector<16xf32>
        %mul3A_179 = arith.mulf %get3A_173, %get3A_178 : vector<16xf32>
        %swap3A_180 = arith.constant 48 : index
        %swap3A_181 = tpu.vector_load %arg10[%swap3A_180] {strides = array<i32>} : memref<80xf32, #tpu.memory_space<vmem>>, vector<16xf32>,
        %swap3A_182 = vector.shape_cast %swap3A_181 : vector<16xf32> to vector<16xf32>
        %swap3A_183 = vector.shape_cast %mul3A_179 : vector<16xf32> to vector<16xf32>
        tpu.vector_store %arg10[%swap3A_180], %swap3A_183 {strides = array<i32>} : memref<80xf32, #tpu.memory_space<vmem>>, vector<16xf32>,
        %get3A_184 = arith.constant 64 : index
        %get3A_185 = tpu.vector_load %arg10[%get3A_184] {strides = array<i32>} : memref<80xf32, #tpu.memory_space<vmem>>, vector<16xf32>,
        %get3A_186 = vector.shape_cast %get3A_185 : vector<16xf32> to vector<16xf32>
        %add3A_187 = arith.constant 64 : i32
        %add3A_188 = arith.addi %mul3A_133, %add3A_187 : i32
        %get3A_189 = arith.index_cast %add3A_188 : i32 to index
        %get3A_190 = tpu.vector_load %arg9[%get3A_189] {strides = array<i32>} : memref<10000xf32, #tpu.memory_space<vmem>>, vector<16xf32>,
        %get3A_191 = vector.shape_cast %get3A_190 : vector<16xf32> to vector<16xf32>
        %mul3A_192 = arith.mulf %get3A_186, %get3A_191 : vector<16xf32>
        %swap3A_193 = arith.constant 64 : index
        %swap3A_194 = tpu.vector_load %arg10[%swap3A_193] {strides = array<i32>} : memref<80xf32, #tpu.memory_space<vmem>>, vector<16xf32>,
        %swap3A_195 = vector.shape_cast %swap3A_194 : vector<16xf32> to vector<16xf32>
        %swap3A_196 = vector.shape_cast %mul3A_192 : vector<16xf32> to vector<16xf32>
        tpu.vector_store %arg10[%swap3A_193], %swap3A_196 {strides = array<i32>} : memref<80xf32, #tpu.memory_space<vmem>>, vector<16xf32>,
        %mul3A_197 = arith.constant 80 : i32
        %mul3A_198 = arith.muli %scan3A_50, %mul3A_197 : i32
        %dma_start3A_199 = tpu.memref_slice %arg8[%mul3A_198] : memref<10000xi32, #tpu.memory_space<vmem>> -> memref<80xi32, #tpu.memory_space<vmem>>
        %dma_start3A_200 = arith.constant 0 : i32
        %dma_start3A_201 = tpu.memref_slice %arg15[%dma_start3A_200] : memref<10240xf32, #tpu.memory_space<vmem_shared>> -> memref<10240xf32, #tpu.memory_space<vmem_shared>>
        tpu.enqueue_indirect_dma source(%arg10 : memref<80xf32, #tpu.memory_space<vmem>>) target(%dma_start3A_201 : memref<10240xf32, #tpu.memory_space<vmem_shared>>) offsets(%dma_start3A_199 : memref<80xi32, #tpu.memory_space<vmem>>) semaphore(%arg20 : memref<!tpu.dma_semaphore, #tpu.memory_space<semaphore_mem>>) {add = true}
        %add3A_202 = arith.constant 4 : i32
        %add3A_203 = arith.addi %scan3A_50, %add3A_202 : i32
        %sub3A = arith.constant 1 : i32
        %sub3A_204 = arith.subi %add3A_203, %sub3A : i32
        %le3A = arith.constant 124 : i32
        %le3A_205 = arith.cmpi sle, %sub3A_204, %le3A : i32
        %convert_element_type3A_206 = arith.extui %le3A_205 : i1 to i32
        %cond3A_207 = arith.constant 0 : i32
        %cond3A_208 = arith.cmpi ne, %convert_element_type3A_206, %cond3A_207 : i32
        scf.if %cond3A_208 {
          %ge3A = arith.constant 1 : i32
          %ge3A_209 = arith.cmpi sge, %scan3A_50, %ge3A : i32
          %convert_element_type3A_210 = arith.extui %ge3A_209 : i1 to i32
          %cond3A_211 = arith.constant 0 : i32
          %cond3A_212 = arith.cmpi ne, %convert_element_type3A_210, %cond3A_211 : i32
          scf.if %cond3A_212 {
            %dma_wait3A_222 = arith.constant 0 : i32
            %dma_wait3A_223 = tpu.memref_slice %arg15[%dma_wait3A_222] : memref<10240xf32, #tpu.memory_space<vmem_shared>> -> memref<80xf32, #tpu.memory_space<vmem_shared>>
            %dma_wait3A_224 = arith.constant 0 : i32
            %dma_wait3A_225 = tpu.memref_slice %arg15[%dma_wait3A_224] : memref<10240xf32, #tpu.memory_space<vmem_shared>> -> memref<80xf32, #tpu.memory_space<vmem_shared>>
            tpu.wait_dma2 semaphore(%arg23 : memref<!tpu.dma_semaphore, #tpu.memory_space<semaphore_mem>>) src(%arg13 : memref<80xf32, #tpu.memory_space<vmem>>) dst(%dma_wait3A_225 : memref<80xf32, #tpu.memory_space<vmem_shared>>)
          } else {
          }
          %add3A_213 = arith.constant 4 : i32
          %add3A_214 = arith.addi %scan3A_50, %add3A_213 : i32
          %sub3A_215 = arith.constant 1 : i32
          %sub3A_216 = arith.subi %add3A_214, %sub3A_215 : i32
          %mul3A_217 = arith.constant 80 : i32
          %mul3A_218 = arith.muli %sub3A_216, %mul3A_217 : i32
          %dma_start3A_219 = tpu.memref_slice %arg7[%mul3A_218] : memref<10000xi32, #tpu.memory_space<vmem>> -> memref<80xi32, #tpu.memory_space<vmem>>
          %dma_start3A_220 = arith.constant 0 : i32
          %dma_start3A_221 = tpu.memref_slice %arg2[%dma_start3A_220] : memref<10240xf32, #tpu.memory_space<hbm>> -> memref<10240xf32, #tpu.memory_space<hbm>>
          tpu.enqueue_indirect_dma source(%dma_start3A_221 : memref<10240xf32, #tpu.memory_space<hbm>>) target(%arg13 : memref<80xf32, #tpu.memory_space<vmem>>) offsets(%dma_start3A_219 : memref<80xi32, #tpu.memory_space<vmem>>) semaphore(%arg19 : memref<!tpu.dma_semaphore, #tpu.memory_space<semaphore_mem>>)
        } else {
        }
      } else {
      }
      %jit3A_64 = arith.constant 4 : i32
      %eq3A_65 = arith.constant 0 : i32
      %eq3A_66 = arith.cmpi eq, %jit3A_64, %eq3A_65 : i32
      %jit3A_67 = arith.constant 1 : i32
      %select_n3A_68 = arith.select %eq3A_66, %jit3A_67, %jit3A_64 : i32
      %rem3A_69 = arith.remsi %scan3A_50, %select_n3A_68 : i32
      %ne3A_70 = arith.constant 0 : i32
      %ne3A_71 = arith.cmpi ne, %rem3A_69, %ne3A_70 : i32
      %lt3A_72 = arith.constant 0 : i32
      %lt3A_73 = arith.cmpi slt, %rem3A_69, %lt3A_72 : i32
      %lt3A_74 = arith.constant 0 : i32
      %lt3A_75 = arith.cmpi slt, %select_n3A_68, %lt3A_74 : i32
      %ne3A_76 = arith.xori %lt3A_73, %lt3A_75 : i1
      %and3A_77 = arith.andi %ne3A_76, %ne3A_71 : i1
      %add3A_78 = arith.addi %rem3A_69, %select_n3A_68 : i32
      %select_n3A_79 = arith.select %and3A_77, %add3A_78, %rem3A_69 : i32
      %eq3A_80 = arith.constant 1 : i32
      %eq3A_81 = arith.cmpi eq, %select_n3A_79, %eq3A_80 : i32
      %convert_element_type3A_82 = arith.extui %eq3A_81 : i1 to i32
      %cond3A_83 = arith.constant 0 : i32
      %cond3A_84 = arith.cmpi ne, %convert_element_type3A_82, %cond3A_83 : i32
      scf.if %cond3A_84 {
        %dma_wait3A_128 = arith.constant 0 : i32
        %dma_wait3A_129 = tpu.memref_slice %arg2[%dma_wait3A_128] : memref<10240xf32, #tpu.memory_space<hbm>> -> memref<80xf32, #tpu.memory_space<hbm>>
        %dma_wait3A_130 = arith.constant 0 : i32
        %dma_wait3A_131 = tpu.memref_slice %arg2[%dma_wait3A_130] : memref<10240xf32, #tpu.memory_space<hbm>> -> memref<80xf32, #tpu.memory_space<hbm>>
        tpu.wait_dma2 semaphore(%arg17 : memref<!tpu.dma_semaphore, #tpu.memory_space<semaphore_mem>>) src(%dma_wait3A_131 : memref<80xf32, #tpu.memory_space<hbm>>) dst(%arg11 : memref<80xf32, #tpu.memory_space<vmem>>)
        %mul3A_132 = arith.constant 80 : i32
        %mul3A_133 = arith.muli %scan3A_50, %mul3A_132 : i32
        %get3A = arith.constant 0 : index
        %get3A_134 = tpu.vector_load %arg11[%get3A] {strides = array<i32>} : memref<80xf32, #tpu.memory_space<vmem>>, vector<16xf32>,
        %get3A_135 = vector.shape_cast %get3A_134 : vector<16xf32> to vector<16xf32>
        %add3A_136 = arith.constant 0 : i32
        %add3A_137 = arith.addi %mul3A_133, %add3A_136 : i32
        %get3A_138 = arith.index_cast %add3A_137 : i32 to index
        %get3A_139 = tpu.vector_load %arg9[%get3A_138] {strides = array<i32>} : memref<10000xf32, #tpu.memory_space<vmem>>, vector<16xf32>,
        %get3A_140 = vector.shape_cast %get3A_139 : vector<16xf32> to vector<16xf32>
        %mul3A_141 = arith.mulf %get3A_135, %get3A_140 : vector<16xf32>
        %swap3A = arith.constant 0 : index
        %swap3A_142 = tpu.vector_load %arg11[%swap3A] {strides = array<i32>} : memref<80xf32, #tpu.memory_space<vmem>>, vector<16xf32>,
        %swap3A_143 = vector.shape_cast %swap3A_142 : vector<16xf32> to vector<16xf32>
        %swap3A_144 = vector.shape_cast %mul3A_141 : vector<16xf32> to vector<16xf32>
        tpu.vector_store %arg11[%swap3A], %swap3A_144 {strides = array<i32>} : memref<80xf32, #tpu.memory_space<vmem>>, vector<16xf32>,
        %get3A_145 = arith.constant 16 : index
        %get3A_146 = tpu.vector_load %arg11[%get3A_145] {strides = array<i32>} : memref<80xf32, #tpu.memory_space<vmem>>, vector<16xf32>,
        %get3A_147 = vector.shape_cast %get3A_146 : vector<16xf32> to vector<16xf32>
        %add3A_148 = arith.constant 16 : i32
        %add3A_149 = arith.addi %mul3A_133, %add3A_148 : i32
        %get3A_150 = arith.index_cast %add3A_149 : i32 to index
        %get3A_151 = tpu.vector_load %arg9[%get3A_150] {strides = array<i32>} : memref<10000xf32, #tpu.memory_space<vmem>>, vector<16xf32>,
        %get3A_152 = vector.shape_cast %get3A_151 : vector<16xf32> to vector<16xf32>
        %mul3A_153 = arith.mulf %get3A_147, %get3A_152 : vector<16xf32>
        %swap3A_154 = arith.constant 16 : index
        %swap3A_155 = tpu.vector_load %arg11[%swap3A_154] {strides = array<i32>} : memref<80xf32, #tpu.memory_space<vmem>>, vector<16xf32>,
        %swap3A_156 = vector.shape_cast %swap3A_155 : vector<16xf32> to vector<16xf32>
        %swap3A_157 = vector.shape_cast %mul3A_153 : vector<16xf32> to vector<16xf32>
        tpu.vector_store %arg11[%swap3A_154], %swap3A_157 {strides = array<i32>} : memref<80xf32, #tpu.memory_space<vmem>>, vector<16xf32>,
        %get3A_158 = arith.constant 32 : index
        %get3A_159 = tpu.vector_load %arg11[%get3A_158] {strides = array<i32>} : memref<80xf32, #tpu.memory_space<vmem>>, vector<16xf32>,
        %get3A_160 = vector.shape_cast %get3A_159 : vector<16xf32> to vector<16xf32>
        %add3A_161 = arith.constant 32 : i32
        %add3A_162 = arith.addi %mul3A_133, %add3A_161 : i32
        %get3A_163 = arith.index_cast %add3A_162 : i32 to index
        %get3A_164 = tpu.vector_load %arg9[%get3A_163] {strides = array<i32>} : memref<10000xf32, #tpu.memory_space<vmem>>, vector<16xf32>,
        %get3A_165 = vector.shape_cast %get3A_164 : vector<16xf32> to vector<16xf32>
        %mul3A_166 = arith.mulf %get3A_160, %get3A_165 : vector<16xf32>
        %swap3A_167 = arith.constant 32 : index
        %swap3A_168 = tpu.vector_load %arg11[%swap3A_167] {strides = array<i32>} : memref<80xf32, #tpu.memory_space<vmem>>, vector<16xf32>,
        %swap3A_169 = vector.shape_cast %swap3A_168 : vector<16xf32> to vector<16xf32>
        %swap3A_170 = vector.shape_cast %mul3A_166 : vector<16xf32> to vector<16xf32>
        tpu.vector_store %arg11[%swap3A_167], %swap3A_170 {strides = array<i32>} : memref<80xf32, #tpu.memory_space<vmem>>, vector<16xf32>,
        %get3A_171 = arith.constant 48 : index
        %get3A_172 = tpu.vector_load %arg11[%get3A_171] {strides = array<i32>} : memref<80xf32, #tpu.memory_space<vmem>>, vector<16xf32>,
        %get3A_173 = vector.shape_cast %get3A_172 : vector<16xf32> to vector<16xf32>
        %add3A_174 = arith.constant 48 : i32
        %add3A_175 = arith.addi %mul3A_133, %add3A_174 : i32
        %get3A_176 = arith.index_cast %add3A_175 : i32 to index
        %get3A_177 = tpu.vector_load %arg9[%get3A_176] {strides = array<i32>} : memref<10000xf32, #tpu.memory_space<vmem>>, vector<16xf32>,
        %get3A_178 = vector.shape_cast %get3A_177 : vector<16xf32> to vector<16xf32>
        %mul3A_179 = arith.mulf %get3A_173, %get3A_178 : vector<16xf32>
        %swap3A_180 = arith.constant 48 : index
        %swap3A_181 = tpu.vector_load %arg11[%swap3A_180] {strides = array<i32>} : memref<80xf32, #tpu.memory_space<vmem>>, vector<16xf32>,
        %swap3A_182 = vector.shape_cast %swap3A_181 : vector<16xf32> to vector<16xf32>
        %swap3A_183 = vector.shape_cast %mul3A_179 : vector<16xf32> to vector<16xf32>
        tpu.vector_store %arg11[%swap3A_180], %swap3A_183 {strides = array<i32>} : memref<80xf32, #tpu.memory_space<vmem>>, vector<16xf32>,
        %get3A_184 = arith.constant 64 : index
        %get3A_185 = tpu.vector_load %arg11[%get3A_184] {strides = array<i32>} : memref<80xf32, #tpu.memory_space<vmem>>, vector<16xf32>,
        %get3A_186 = vector.shape_cast %get3A_185 : vector<16xf32> to vector<16xf32>
        %add3A_187 = arith.constant 64 : i32
        %add3A_188 = arith.addi %mul3A_133, %add3A_187 : i32
        %get3A_189 = arith.index_cast %add3A_188 : i32 to index
        %get3A_190 = tpu.vector_load %arg9[%get3A_189] {strides = array<i32>} : memref<10000xf32, #tpu.memory_space<vmem>>, vector<16xf32>,
        %get3A_191 = vector.shape_cast %get3A_190 : vector<16xf32> to vector<16xf32>
        %mul3A_192 = arith.mulf %get3A_186, %get3A_191 : vector<16xf32>
        %swap3A_193 = arith.constant 64 : index
        %swap3A_194 = tpu.vector_load %arg11[%swap3A_193] {strides = array<i32>} : memref<80xf32, #tpu.memory_space<vmem>>, vector<16xf32>,
        %swap3A_195 = vector.shape_cast %swap3A_194 : vector<16xf32> to vector<16xf32>
        %swap3A_196 = vector.shape_cast %mul3A_192 : vector<16xf32> to vector<16xf32>
        tpu.vector_store %arg11[%swap3A_193], %swap3A_196 {strides = array<i32>} : memref<80xf32, #tpu.memory_space<vmem>>, vector<16xf32>,
        %mul3A_197 = arith.constant 80 : i32
        %mul3A_198 = arith.muli %scan3A_50, %mul3A_197 : i32
        %dma_start3A_199 = tpu.memref_slice %arg8[%mul3A_198] : memref<10000xi32, #tpu.memory_space<vmem>> -> memref<80xi32, #tpu.memory_space<vmem>>
        %dma_start3A_200 = arith.constant 0 : i32
        %dma_start3A_201 = tpu.memref_slice %arg15[%dma_start3A_200] : memref<10240xf32, #tpu.memory_space<vmem_shared>> -> memref<10240xf32, #tpu.memory_space<vmem_shared>>
        tpu.enqueue_indirect_dma source(%arg11 : memref<80xf32, #tpu.memory_space<vmem>>) target(%dma_start3A_201 : memref<10240xf32, #tpu.memory_space<vmem_shared>>) offsets(%dma_start3A_199 : memref<80xi32, #tpu.memory_space<vmem>>) semaphore(%arg21 : memref<!tpu.dma_semaphore, #tpu.memory_space<semaphore_mem>>) {add = true}
        %add3A_202 = arith.constant 4 : i32
        %add3A_203 = arith.addi %scan3A_50, %add3A_202 : i32
        %sub3A = arith.constant 1 : i32
        %sub3A_204 = arith.subi %add3A_203, %sub3A : i32
        %le3A = arith.constant 124 : i32
        %le3A_205 = arith.cmpi sle, %sub3A_204, %le3A : i32
        %convert_element_type3A_206 = arith.extui %le3A_205 : i1 to i32
        %cond3A_207 = arith.constant 0 : i32
        %cond3A_208 = arith.cmpi ne, %convert_element_type3A_206, %cond3A_207 : i32
        scf.if %cond3A_208 {
          %ge3A = arith.constant 1 : i32
          %ge3A_209 = arith.cmpi sge, %scan3A_50, %ge3A : i32
          %convert_element_type3A_210 = arith.extui %ge3A_209 : i1 to i32
          %cond3A_211 = arith.constant 0 : i32
          %cond3A_212 = arith.cmpi ne, %convert_element_type3A_210, %cond3A_211 : i32
          scf.if %cond3A_212 {
            %dma_wait3A_222 = arith.constant 0 : i32
            %dma_wait3A_223 = tpu.memref_slice %arg15[%dma_wait3A_222] : memref<10240xf32, #tpu.memory_space<vmem_shared>> -> memref<80xf32, #tpu.memory_space<vmem_shared>>
            %dma_wait3A_224 = arith.constant 0 : i32
            %dma_wait3A_225 = tpu.memref_slice %arg15[%dma_wait3A_224] : memref<10240xf32, #tpu.memory_space<vmem_shared>> -> memref<80xf32, #tpu.memory_space<vmem_shared>>
            tpu.wait_dma2 semaphore(%arg20 : memref<!tpu.dma_semaphore, #tpu.memory_space<semaphore_mem>>) src(%arg10 : memref<80xf32, #tpu.memory_space<vmem>>) dst(%dma_wait3A_225 : memref<80xf32, #tpu.memory_space<vmem_shared>>)
          } else {
          }
          %add3A_213 = arith.constant 4 : i32
          %add3A_214 = arith.addi %scan3A_50, %add3A_213 : i32
          %sub3A_215 = arith.constant 1 : i32
          %sub3A_216 = arith.subi %add3A_214, %sub3A_215 : i32
          %mul3A_217 = arith.constant 80 : i32
          %mul3A_218 = arith.muli %sub3A_216, %mul3A_217 : i32
          %dma_start3A_219 = tpu.memref_slice %arg7[%mul3A_218] : memref<10000xi32, #tpu.memory_space<vmem>> -> memref<80xi32, #tpu.memory_space<vmem>>
          %dma_start3A_220 = arith.constant 0 : i32
          %dma_start3A_221 = tpu.memref_slice %arg2[%dma_start3A_220] : memref<10240xf32, #tpu.memory_space<hbm>> -> memref<10240xf32, #tpu.memory_space<hbm>>
          tpu.enqueue_indirect_dma source(%dma_start3A_221 : memref<10240xf32, #tpu.memory_space<hbm>>) target(%arg10 : memref<80xf32, #tpu.memory_space<vmem>>) offsets(%dma_start3A_219 : memref<80xi32, #tpu.memory_space<vmem>>) semaphore(%arg16 : memref<!tpu.dma_semaphore, #tpu.memory_space<semaphore_mem>>)
        } else {
        }
      } else {
      }
      %jit3A_85 = arith.constant 4 : i32
      %eq3A_86 = arith.constant 0 : i32
      %eq3A_87 = arith.cmpi eq, %jit3A_85, %eq3A_86 : i32
      %jit3A_88 = arith.constant 1 : i32
      %select_n3A_89 = arith.select %eq3A_87, %jit3A_88, %jit3A_85 : i32
      %rem3A_90 = arith.remsi %scan3A_50, %select_n3A_89 : i32
      %ne3A_91 = arith.constant 0 : i32
      %ne3A_92 = arith.cmpi ne, %rem3A_90, %ne3A_91 : i32
      %lt3A_93 = arith.constant 0 : i32
      %lt3A_94 = arith.cmpi slt, %rem3A_90, %lt3A_93 : i32
      %lt3A_95 = arith.constant 0 : i32
      %lt3A_96 = arith.cmpi slt, %select_n3A_89, %lt3A_95 : i32
      %ne3A_97 = arith.xori %lt3A_94, %lt3A_96 : i1
      %and3A_98 = arith.andi %ne3A_97, %ne3A_92 : i1
      %add3A_99 = arith.addi %rem3A_90, %select_n3A_89 : i32
      %select_n3A_100 = arith.select %and3A_98, %add3A_99, %rem3A_90 : i32
      %eq3A_101 = arith.constant 2 : i32
      %eq3A_102 = arith.cmpi eq, %select_n3A_100, %eq3A_101 : i32
      %convert_element_type3A_103 = arith.extui %eq3A_102 : i1 to i32
      %cond3A_104 = arith.constant 0 : i32
      %cond3A_105 = arith.cmpi ne, %convert_element_type3A_103, %cond3A_104 : i32
      scf.if %cond3A_105 {
        %dma_wait3A_128 = arith.constant 0 : i32
        %dma_wait3A_129 = tpu.memref_slice %arg2[%dma_wait3A_128] : memref<10240xf32, #tpu.memory_space<hbm>> -> memref<80xf32, #tpu.memory_space<hbm>>
        %dma_wait3A_130 = arith.constant 0 : i32
        %dma_wait3A_131 = tpu.memref_slice %arg2[%dma_wait3A_130] : memref<10240xf32, #tpu.memory_space<hbm>> -> memref<80xf32, #tpu.memory_space<hbm>>
        tpu.wait_dma2 semaphore(%arg18 : memref<!tpu.dma_semaphore, #tpu.memory_space<semaphore_mem>>) src(%dma_wait3A_131 : memref<80xf32, #tpu.memory_space<hbm>>) dst(%arg12 : memref<80xf32, #tpu.memory_space<vmem>>)
        %mul3A_132 = arith.constant 80 : i32
        %mul3A_133 = arith.muli %scan3A_50, %mul3A_132 : i32
        %get3A = arith.constant 0 : index
        %get3A_134 = tpu.vector_load %arg12[%get3A] {strides = array<i32>} : memref<80xf32, #tpu.memory_space<vmem>>, vector<16xf32>,
        %get3A_135 = vector.shape_cast %get3A_134 : vector<16xf32> to vector<16xf32>
        %add3A_136 = arith.constant 0 : i32
        %add3A_137 = arith.addi %mul3A_133, %add3A_136 : i32
        %get3A_138 = arith.index_cast %add3A_137 : i32 to index
        %get3A_139 = tpu.vector_load %arg9[%get3A_138] {strides = array<i32>} : memref<10000xf32, #tpu.memory_space<vmem>>, vector<16xf32>,
        %get3A_140 = vector.shape_cast %get3A_139 : vector<16xf32> to vector<16xf32>
        %mul3A_141 = arith.mulf %get3A_135, %get3A_140 : vector<16xf32>
        %swap3A = arith.constant 0 : index
        %swap3A_142 = tpu.vector_load %arg12[%swap3A] {strides = array<i32>} : memref<80xf32, #tpu.memory_space<vmem>>, vector<16xf32>,
        %swap3A_143 = vector.shape_cast %swap3A_142 : vector<16xf32> to vector<16xf32>
        %swap3A_144 = vector.shape_cast %mul3A_141 : vector<16xf32> to vector<16xf32>
        tpu.vector_store %arg12[%swap3A], %swap3A_144 {strides = array<i32>} : memref<80xf32, #tpu.memory_space<vmem>>, vector<16xf32>,
        %get3A_145 = arith.constant 16 : index
        %get3A_146 = tpu.vector_load %arg12[%get3A_145] {strides = array<i32>} : memref<80xf32, #tpu.memory_space<vmem>>, vector<16xf32>,
        %get3A_147 = vector.shape_cast %get3A_146 : vector<16xf32> to vector<16xf32>
        %add3A_148 = arith.constant 16 : i32
        %add3A_149 = arith.addi %mul3A_133, %add3A_148 : i32
        %get3A_150 = arith.index_cast %add3A_149 : i32 to index
        %get3A_151 = tpu.vector_load %arg9[%get3A_150] {strides = array<i32>} : memref<10000xf32, #tpu.memory_space<vmem>>, vector<16xf32>,
        %get3A_152 = vector.shape_cast %get3A_151 : vector<16xf32> to vector<16xf32>
        %mul3A_153 = arith.mulf %get3A_147, %get3A_152 : vector<16xf32>
        %swap3A_154 = arith.constant 16 : index
        %swap3A_155 = tpu.vector_load %arg12[%swap3A_154] {strides = array<i32>} : memref<80xf32, #tpu.memory_space<vmem>>, vector<16xf32>,
        %swap3A_156 = vector.shape_cast %swap3A_155 : vector<16xf32> to vector<16xf32>
        %swap3A_157 = vector.shape_cast %mul3A_153 : vector<16xf32> to vector<16xf32>
        tpu.vector_store %arg12[%swap3A_154], %swap3A_157 {strides = array<i32>} : memref<80xf32, #tpu.memory_space<vmem>>, vector<16xf32>,
        %get3A_158 = arith.constant 32 : index
        %get3A_159 = tpu.vector_load %arg12[%get3A_158] {strides = array<i32>} : memref<80xf32, #tpu.memory_space<vmem>>, vector<16xf32>,
        %get3A_160 = vector.shape_cast %get3A_159 : vector<16xf32> to vector<16xf32>
        %add3A_161 = arith.constant 32 : i32
        %add3A_162 = arith.addi %mul3A_133, %add3A_161 : i32
        %get3A_163 = arith.index_cast %add3A_162 : i32 to index
        %get3A_164 = tpu.vector_load %arg9[%get3A_163] {strides = array<i32>} : memref<10000xf32, #tpu.memory_space<vmem>>, vector<16xf32>,
        %get3A_165 = vector.shape_cast %get3A_164 : vector<16xf32> to vector<16xf32>
        %mul3A_166 = arith.mulf %get3A_160, %get3A_165 : vector<16xf32>
        %swap3A_167 = arith.constant 32 : index
        %swap3A_168 = tpu.vector_load %arg12[%swap3A_167] {strides = array<i32>} : memref<80xf32, #tpu.memory_space<vmem>>, vector<16xf32>,
        %swap3A_169 = vector.shape_cast %swap3A_168 : vector<16xf32> to vector<16xf32>
        %swap3A_170 = vector.shape_cast %mul3A_166 : vector<16xf32> to vector<16xf32>
        tpu.vector_store %arg12[%swap3A_167], %swap3A_170 {strides = array<i32>} : memref<80xf32, #tpu.memory_space<vmem>>, vector<16xf32>,
        %get3A_171 = arith.constant 48 : index
        %get3A_172 = tpu.vector_load %arg12[%get3A_171] {strides = array<i32>} : memref<80xf32, #tpu.memory_space<vmem>>, vector<16xf32>,
        %get3A_173 = vector.shape_cast %get3A_172 : vector<16xf32> to vector<16xf32>
        %add3A_174 = arith.constant 48 : i32
        %add3A_175 = arith.addi %mul3A_133, %add3A_174 : i32
        %get3A_176 = arith.index_cast %add3A_175 : i32 to index
        %get3A_177 = tpu.vector_load %arg9[%get3A_176] {strides = array<i32>} : memref<10000xf32, #tpu.memory_space<vmem>>, vector<16xf32>,
        %get3A_178 = vector.shape_cast %get3A_177 : vector<16xf32> to vector<16xf32>
        %mul3A_179 = arith.mulf %get3A_173, %get3A_178 : vector<16xf32>
        %swap3A_180 = arith.constant 48 : index
        %swap3A_181 = tpu.vector_load %arg12[%swap3A_180] {strides = array<i32>} : memref<80xf32, #tpu.memory_space<vmem>>, vector<16xf32>,
        %swap3A_182 = vector.shape_cast %swap3A_181 : vector<16xf32> to vector<16xf32>
        %swap3A_183 = vector.shape_cast %mul3A_179 : vector<16xf32> to vector<16xf32>
        tpu.vector_store %arg12[%swap3A_180], %swap3A_183 {strides = array<i32>} : memref<80xf32, #tpu.memory_space<vmem>>, vector<16xf32>,
        %get3A_184 = arith.constant 64 : index
        %get3A_185 = tpu.vector_load %arg12[%get3A_184] {strides = array<i32>} : memref<80xf32, #tpu.memory_space<vmem>>, vector<16xf32>,
        %get3A_186 = vector.shape_cast %get3A_185 : vector<16xf32> to vector<16xf32>
        %add3A_187 = arith.constant 64 : i32
        %add3A_188 = arith.addi %mul3A_133, %add3A_187 : i32
        %get3A_189 = arith.index_cast %add3A_188 : i32 to index
        %get3A_190 = tpu.vector_load %arg9[%get3A_189] {strides = array<i32>} : memref<10000xf32, #tpu.memory_space<vmem>>, vector<16xf32>,
        %get3A_191 = vector.shape_cast %get3A_190 : vector<16xf32> to vector<16xf32>
        %mul3A_192 = arith.mulf %get3A_186, %get3A_191 : vector<16xf32>
        %swap3A_193 = arith.constant 64 : index
        %swap3A_194 = tpu.vector_load %arg12[%swap3A_193] {strides = array<i32>} : memref<80xf32, #tpu.memory_space<vmem>>, vector<16xf32>,
        %swap3A_195 = vector.shape_cast %swap3A_194 : vector<16xf32> to vector<16xf32>
        %swap3A_196 = vector.shape_cast %mul3A_192 : vector<16xf32> to vector<16xf32>
        tpu.vector_store %arg12[%swap3A_193], %swap3A_196 {strides = array<i32>} : memref<80xf32, #tpu.memory_space<vmem>>, vector<16xf32>,
        %mul3A_197 = arith.constant 80 : i32
        %mul3A_198 = arith.muli %scan3A_50, %mul3A_197 : i32
        %dma_start3A_199 = tpu.memref_slice %arg8[%mul3A_198] : memref<10000xi32, #tpu.memory_space<vmem>> -> memref<80xi32, #tpu.memory_space<vmem>>
        %dma_start3A_200 = arith.constant 0 : i32
        %dma_start3A_201 = tpu.memref_slice %arg15[%dma_start3A_200] : memref<10240xf32, #tpu.memory_space<vmem_shared>> -> memref<10240xf32, #tpu.memory_space<vmem_shared>>
        tpu.enqueue_indirect_dma source(%arg12 : memref<80xf32, #tpu.memory_space<vmem>>) target(%dma_start3A_201 : memref<10240xf32, #tpu.memory_space<vmem_shared>>) offsets(%dma_start3A_199 : memref<80xi32, #tpu.memory_space<vmem>>) semaphore(%arg22 : memref<!tpu.dma_semaphore, #tpu.memory_space<semaphore_mem>>) {add = true}
        %add3A_202 = arith.constant 4 : i32
        %add3A_203 = arith.addi %scan3A_50, %add3A_202 : i32
        %sub3A = arith.constant 1 : i32
        %sub3A_204 = arith.subi %add3A_203, %sub3A : i32
        %le3A = arith.constant 124 : i32
        %le3A_205 = arith.cmpi sle, %sub3A_204, %le3A : i32
        %convert_element_type3A_206 = arith.extui %le3A_205 : i1 to i32
        %cond3A_207 = arith.constant 0 : i32
        %cond3A_208 = arith.cmpi ne, %convert_element_type3A_206, %cond3A_207 : i32
        scf.if %cond3A_208 {
          %ge3A = arith.constant 1 : i32
          %ge3A_209 = arith.cmpi sge, %scan3A_50, %ge3A : i32
          %convert_element_type3A_210 = arith.extui %ge3A_209 : i1 to i32
          %cond3A_211 = arith.constant 0 : i32
          %cond3A_212 = arith.cmpi ne, %convert_element_type3A_210, %cond3A_211 : i32
          scf.if %cond3A_212 {
            %dma_wait3A_222 = arith.constant 0 : i32
            %dma_wait3A_223 = tpu.memref_slice %arg15[%dma_wait3A_222] : memref<10240xf32, #tpu.memory_space<vmem_shared>> -> memref<80xf32, #tpu.memory_space<vmem_shared>>
            %dma_wait3A_224 = arith.constant 0 : i32
            %dma_wait3A_225 = tpu.memref_slice %arg15[%dma_wait3A_224] : memref<10240xf32, #tpu.memory_space<vmem_shared>> -> memref<80xf32, #tpu.memory_space<vmem_shared>>
            tpu.wait_dma2 semaphore(%arg21 : memref<!tpu.dma_semaphore, #tpu.memory_space<semaphore_mem>>) src(%arg11 : memref<80xf32, #tpu.memory_space<vmem>>) dst(%dma_wait3A_225 : memref<80xf32, #tpu.memory_space<vmem_shared>>)
          } else {
          }
          %add3A_213 = arith.constant 4 : i32
          %add3A_214 = arith.addi %scan3A_50, %add3A_213 : i32
          %sub3A_215 = arith.constant 1 : i32
          %sub3A_216 = arith.subi %add3A_214, %sub3A_215 : i32
          %mul3A_217 = arith.constant 80 : i32
          %mul3A_218 = arith.muli %sub3A_216, %mul3A_217 : i32
          %dma_start3A_219 = tpu.memref_slice %arg7[%mul3A_218] : memref<10000xi32, #tpu.memory_space<vmem>> -> memref<80xi32, #tpu.memory_space<vmem>>
          %dma_start3A_220 = arith.constant 0 : i32
          %dma_start3A_221 = tpu.memref_slice %arg2[%dma_start3A_220] : memref<10240xf32, #tpu.memory_space<hbm>> -> memref<10240xf32, #tpu.memory_space<hbm>>
          tpu.enqueue_indirect_dma source(%dma_start3A_221 : memref<10240xf32, #tpu.memory_space<hbm>>) target(%arg11 : memref<80xf32, #tpu.memory_space<vmem>>) offsets(%dma_start3A_219 : memref<80xi32, #tpu.memory_space<vmem>>) semaphore(%arg17 : memref<!tpu.dma_semaphore, #tpu.memory_space<semaphore_mem>>)
        } else {
        }
      } else {
      }
      %jit3A_106 = arith.constant 4 : i32
      %eq3A_107 = arith.constant 0 : i32
      %eq3A_108 = arith.cmpi eq, %jit3A_106, %eq3A_107 : i32
      %jit3A_109 = arith.constant 1 : i32
      %select_n3A_110 = arith.select %eq3A_108, %jit3A_109, %jit3A_106 : i32
      %rem3A_111 = arith.remsi %scan3A_50, %select_n3A_110 : i32
      %ne3A_112 = arith.constant 0 : i32
      %ne3A_113 = arith.cmpi ne, %rem3A_111, %ne3A_112 : i32
      %lt3A_114 = arith.constant 0 : i32
      %lt3A_115 = arith.cmpi slt, %rem3A_111, %lt3A_114 : i32
      %lt3A_116 = arith.constant 0 : i32
      %lt3A_117 = arith.cmpi slt, %select_n3A_110, %lt3A_116 : i32
      %ne3A_118 = arith.xori %lt3A_115, %lt3A_117 : i1
      %and3A_119 = arith.andi %ne3A_118, %ne3A_113 : i1
      %add3A_120 = arith.addi %rem3A_111, %select_n3A_110 : i32
      %select_n3A_121 = arith.select %and3A_119, %add3A_120, %rem3A_111 : i32
      %eq3A_122 = arith.constant 3 : i32
      %eq3A_123 = arith.cmpi eq, %select_n3A_121, %eq3A_122 : i32
      %convert_element_type3A_124 = arith.extui %eq3A_123 : i1 to i32
      %cond3A_125 = arith.constant 0 : i32
      %cond3A_126 = arith.cmpi ne, %convert_element_type3A_124, %cond3A_125 : i32
      scf.if %cond3A_126 {
        %dma_wait3A_128 = arith.constant 0 : i32
        %dma_wait3A_129 = tpu.memref_slice %arg2[%dma_wait3A_128] : memref<10240xf32, #tpu.memory_space<hbm>> -> memref<80xf32, #tpu.memory_space<hbm>>
        %dma_wait3A_130 = arith.constant 0 : i32
        %dma_wait3A_131 = tpu.memref_slice %arg2[%dma_wait3A_130] : memref<10240xf32, #tpu.memory_space<hbm>> -> memref<80xf32, #tpu.memory_space<hbm>>
        tpu.wait_dma2 semaphore(%arg19 : memref<!tpu.dma_semaphore, #tpu.memory_space<semaphore_mem>>) src(%dma_wait3A_131 : memref<80xf32, #tpu.memory_space<hbm>>) dst(%arg13 : memref<80xf32, #tpu.memory_space<vmem>>)
        %mul3A_132 = arith.constant 80 : i32
        %mul3A_133 = arith.muli %scan3A_50, %mul3A_132 : i32
        %get3A = arith.constant 0 : index
        %get3A_134 = tpu.vector_load %arg13[%get3A] {strides = array<i32>} : memref<80xf32, #tpu.memory_space<vmem>>, vector<16xf32>,
        %get3A_135 = vector.shape_cast %get3A_134 : vector<16xf32> to vector<16xf32>
        %add3A_136 = arith.constant 0 : i32
        %add3A_137 = arith.addi %mul3A_133, %add3A_136 : i32
        %get3A_138 = arith.index_cast %add3A_137 : i32 to index
        %get3A_139 = tpu.vector_load %arg9[%get3A_138] {strides = array<i32>} : memref<10000xf32, #tpu.memory_space<vmem>>, vector<16xf32>,
        %get3A_140 = vector.shape_cast %get3A_139 : vector<16xf32> to vector<16xf32>
        %mul3A_141 = arith.mulf %get3A_135, %get3A_140 : vector<16xf32>
        %swap3A = arith.constant 0 : index
        %swap3A_142 = tpu.vector_load %arg13[%swap3A] {strides = array<i32>} : memref<80xf32, #tpu.memory_space<vmem>>, vector<16xf32>,
        %swap3A_143 = vector.shape_cast %swap3A_142 : vector<16xf32> to vector<16xf32>
        %swap3A_144 = vector.shape_cast %mul3A_141 : vector<16xf32> to vector<16xf32>
        tpu.vector_store %arg13[%swap3A], %swap3A_144 {strides = array<i32>} : memref<80xf32, #tpu.memory_space<vmem>>, vector<16xf32>,
        %get3A_145 = arith.constant 16 : index
        %get3A_146 = tpu.vector_load %arg13[%get3A_145] {strides = array<i32>} : memref<80xf32, #tpu.memory_space<vmem>>, vector<16xf32>,
        %get3A_147 = vector.shape_cast %get3A_146 : vector<16xf32> to vector<16xf32>
        %add3A_148 = arith.constant 16 : i32
        %add3A_149 = arith.addi %mul3A_133, %add3A_148 : i32
        %get3A_150 = arith.index_cast %add3A_149 : i32 to index
        %get3A_151 = tpu.vector_load %arg9[%get3A_150] {strides = array<i32>} : memref<10000xf32, #tpu.memory_space<vmem>>, vector<16xf32>,
        %get3A_152 = vector.shape_cast %get3A_151 : vector<16xf32> to vector<16xf32>
        %mul3A_153 = arith.mulf %get3A_147, %get3A_152 : vector<16xf32>
        %swap3A_154 = arith.constant 16 : index
        %swap3A_155 = tpu.vector_load %arg13[%swap3A_154] {strides = array<i32>} : memref<80xf32, #tpu.memory_space<vmem>>, vector<16xf32>,
        %swap3A_156 = vector.shape_cast %swap3A_155 : vector<16xf32> to vector<16xf32>
        %swap3A_157 = vector.shape_cast %mul3A_153 : vector<16xf32> to vector<16xf32>
        tpu.vector_store %arg13[%swap3A_154], %swap3A_157 {strides = array<i32>} : memref<80xf32, #tpu.memory_space<vmem>>, vector<16xf32>,
        %get3A_158 = arith.constant 32 : index
        %get3A_159 = tpu.vector_load %arg13[%get3A_158] {strides = array<i32>} : memref<80xf32, #tpu.memory_space<vmem>>, vector<16xf32>,
        %get3A_160 = vector.shape_cast %get3A_159 : vector<16xf32> to vector<16xf32>
        %add3A_161 = arith.constant 32 : i32
        %add3A_162 = arith.addi %mul3A_133, %add3A_161 : i32
        %get3A_163 = arith.index_cast %add3A_162 : i32 to index
        %get3A_164 = tpu.vector_load %arg9[%get3A_163] {strides = array<i32>} : memref<10000xf32, #tpu.memory_space<vmem>>, vector<16xf32>,
        %get3A_165 = vector.shape_cast %get3A_164 : vector<16xf32> to vector<16xf32>
        %mul3A_166 = arith.mulf %get3A_160, %get3A_165 : vector<16xf32>
        %swap3A_167 = arith.constant 32 : index
        %swap3A_168 = tpu.vector_load %arg13[%swap3A_167] {strides = array<i32>} : memref<80xf32, #tpu.memory_space<vmem>>, vector<16xf32>,
        %swap3A_169 = vector.shape_cast %swap3A_168 : vector<16xf32> to vector<16xf32>
        %swap3A_170 = vector.shape_cast %mul3A_166 : vector<16xf32> to vector<16xf32>
        tpu.vector_store %arg13[%swap3A_167], %swap3A_170 {strides = array<i32>} : memref<80xf32, #tpu.memory_space<vmem>>, vector<16xf32>,
        %get3A_171 = arith.constant 48 : index
        %get3A_172 = tpu.vector_load %arg13[%get3A_171] {strides = array<i32>} : memref<80xf32, #tpu.memory_space<vmem>>, vector<16xf32>,
        %get3A_173 = vector.shape_cast %get3A_172 : vector<16xf32> to vector<16xf32>
        %add3A_174 = arith.constant 48 : i32
        %add3A_175 = arith.addi %mul3A_133, %add3A_174 : i32
        %get3A_176 = arith.index_cast %add3A_175 : i32 to index
        %get3A_177 = tpu.vector_load %arg9[%get3A_176] {strides = array<i32>} : memref<10000xf32, #tpu.memory_space<vmem>>, vector<16xf32>,
        %get3A_178 = vector.shape_cast %get3A_177 : vector<16xf32> to vector<16xf32>
        %mul3A_179 = arith.mulf %get3A_173, %get3A_178 : vector<16xf32>
        %swap3A_180 = arith.constant 48 : index
        %swap3A_181 = tpu.vector_load %arg13[%swap3A_180] {strides = array<i32>} : memref<80xf32, #tpu.memory_space<vmem>>, vector<16xf32>,
        %swap3A_182 = vector.shape_cast %swap3A_181 : vector<16xf32> to vector<16xf32>
        %swap3A_183 = vector.shape_cast %mul3A_179 : vector<16xf32> to vector<16xf32>
        tpu.vector_store %arg13[%swap3A_180], %swap3A_183 {strides = array<i32>} : memref<80xf32, #tpu.memory_space<vmem>>, vector<16xf32>,
        %get3A_184 = arith.constant 64 : index
        %get3A_185 = tpu.vector_load %arg13[%get3A_184] {strides = array<i32>} : memref<80xf32, #tpu.memory_space<vmem>>, vector<16xf32>,
        %get3A_186 = vector.shape_cast %get3A_185 : vector<16xf32> to vector<16xf32>
        %add3A_187 = arith.constant 64 : i32
        %add3A_188 = arith.addi %mul3A_133, %add3A_187 : i32
        %get3A_189 = arith.index_cast %add3A_188 : i32 to index
        %get3A_190 = tpu.vector_load %arg9[%get3A_189] {strides = array<i32>} : memref<10000xf32, #tpu.memory_space<vmem>>, vector<16xf32>,
        %get3A_191 = vector.shape_cast %get3A_190 : vector<16xf32> to vector<16xf32>
        %mul3A_192 = arith.mulf %get3A_186, %get3A_191 : vector<16xf32>
        %swap3A_193 = arith.constant 64 : index
        %swap3A_194 = tpu.vector_load %arg13[%swap3A_193] {strides = array<i32>} : memref<80xf32, #tpu.memory_space<vmem>>, vector<16xf32>,
        %swap3A_195 = vector.shape_cast %swap3A_194 : vector<16xf32> to vector<16xf32>
        %swap3A_196 = vector.shape_cast %mul3A_192 : vector<16xf32> to vector<16xf32>
        tpu.vector_store %arg13[%swap3A_193], %swap3A_196 {strides = array<i32>} : memref<80xf32, #tpu.memory_space<vmem>>, vector<16xf32>,
        %mul3A_197 = arith.constant 80 : i32
        %mul3A_198 = arith.muli %scan3A_50, %mul3A_197 : i32
        %dma_start3A_199 = tpu.memref_slice %arg8[%mul3A_198] : memref<10000xi32, #tpu.memory_space<vmem>> -> memref<80xi32, #tpu.memory_space<vmem>>
        %dma_start3A_200 = arith.constant 0 : i32
        %dma_start3A_201 = tpu.memref_slice %arg15[%dma_start3A_200] : memref<10240xf32, #tpu.memory_space<vmem_shared>> -> memref<10240xf32, #tpu.memory_space<vmem_shared>>
        tpu.enqueue_indirect_dma source(%arg13 : memref<80xf32, #tpu.memory_space<vmem>>) target(%dma_start3A_201 : memref<10240xf32, #tpu.memory_space<vmem_shared>>) offsets(%dma_start3A_199 : memref<80xi32, #tpu.memory_space<vmem>>) semaphore(%arg23 : memref<!tpu.dma_semaphore, #tpu.memory_space<semaphore_mem>>) {add = true}
        %add3A_202 = arith.constant 4 : i32
        %add3A_203 = arith.addi %scan3A_50, %add3A_202 : i32
        %sub3A = arith.constant 1 : i32
        %sub3A_204 = arith.subi %add3A_203, %sub3A : i32
        %le3A = arith.constant 124 : i32
        %le3A_205 = arith.cmpi sle, %sub3A_204, %le3A : i32
        %convert_element_type3A_206 = arith.extui %le3A_205 : i1 to i32
        %cond3A_207 = arith.constant 0 : i32
        %cond3A_208 = arith.cmpi ne, %convert_element_type3A_206, %cond3A_207 : i32
        scf.if %cond3A_208 {
          %ge3A = arith.constant 1 : i32
          %ge3A_209 = arith.cmpi sge, %scan3A_50, %ge3A : i32
          %convert_element_type3A_210 = arith.extui %ge3A_209 : i1 to i32
          %cond3A_211 = arith.constant 0 : i32
          %cond3A_212 = arith.cmpi ne, %convert_element_type3A_210, %cond3A_211 : i32
          scf.if %cond3A_212 {
            %dma_wait3A_222 = arith.constant 0 : i32
            %dma_wait3A_223 = tpu.memref_slice %arg15[%dma_wait3A_222] : memref<10240xf32, #tpu.memory_space<vmem_shared>> -> memref<80xf32, #tpu.memory_space<vmem_shared>>
            %dma_wait3A_224 = arith.constant 0 : i32
            %dma_wait3A_225 = tpu.memref_slice %arg15[%dma_wait3A_224] : memref<10240xf32, #tpu.memory_space<vmem_shared>> -> memref<80xf32, #tpu.memory_space<vmem_shared>>
            tpu.wait_dma2 semaphore(%arg22 : memref<!tpu.dma_semaphore, #tpu.memory_space<semaphore_mem>>) src(%arg12 : memref<80xf32, #tpu.memory_space<vmem>>) dst(%dma_wait3A_225 : memref<80xf32, #tpu.memory_space<vmem_shared>>)
          } else {
          }
          %add3A_213 = arith.constant 4 : i32
          %add3A_214 = arith.addi %scan3A_50, %add3A_213 : i32
          %sub3A_215 = arith.constant 1 : i32
          %sub3A_216 = arith.subi %add3A_214, %sub3A_215 : i32
          %mul3A_217 = arith.constant 80 : i32
          %mul3A_218 = arith.muli %sub3A_216, %mul3A_217 : i32
          %dma_start3A_219 = tpu.memref_slice %arg7[%mul3A_218] : memref<10000xi32, #tpu.memory_space<vmem>> -> memref<80xi32, #tpu.memory_space<vmem>>
          %dma_start3A_220 = arith.constant 0 : i32
          %dma_start3A_221 = tpu.memref_slice %arg2[%dma_start3A_220] : memref<10240xf32, #tpu.memory_space<hbm>> -> memref<10240xf32, #tpu.memory_space<hbm>>
          tpu.enqueue_indirect_dma source(%dma_start3A_221 : memref<10240xf32, #tpu.memory_space<hbm>>) target(%arg12 : memref<80xf32, #tpu.memory_space<vmem>>) offsets(%dma_start3A_219 : memref<80xi32, #tpu.memory_space<vmem>>) semaphore(%arg18 : memref<!tpu.dma_semaphore, #tpu.memory_space<semaphore_mem>>)
        } else {
        }
      } else {
      }
      %scan3A_127 = arith.constant 0 : i32
      scf.yield %scan3A_127 : i32
    }
    %scan3A_29 = arith.constant 125 : i32
    %dma_wait3A = arith.constant 0 : i32
    %dma_wait3A_30 = tpu.memref_slice %arg15[%dma_wait3A] : memref<10240xf32, #tpu.memory_space<vmem_shared>> -> memref<80xf32, #tpu.memory_space<vmem_shared>>
    %dma_wait3A_31 = arith.constant 0 : i32
    %dma_wait3A_32 = tpu.memref_slice %arg15[%dma_wait3A_31] : memref<10240xf32, #tpu.memory_space<vmem_shared>> -> memref<80xf32, #tpu.memory_space<vmem_shared>>
    tpu.wait_dma2 semaphore(%arg20 : memref<!tpu.dma_semaphore, #tpu.memory_space<semaphore_mem>>) src(%arg10 : memref<80xf32, #tpu.memory_space<vmem>>) dst(%dma_wait3A_32 : memref<80xf32, #tpu.memory_space<vmem_shared>>)
    %dma_wait3A_33 = arith.constant 0 : i32
    %dma_wait3A_34 = tpu.memref_slice %arg15[%dma_wait3A_33] : memref<10240xf32, #tpu.memory_space<vmem_shared>> -> memref<80xf32, #tpu.memory_space<vmem_shared>>
    %dma_wait3A_35 = arith.constant 0 : i32
    %dma_wait3A_36 = tpu.memref_slice %arg15[%dma_wait3A_35] : memref<10240xf32, #tpu.memory_space<vmem_shared>> -> memref<80xf32, #tpu.memory_space<vmem_shared>>
    tpu.wait_dma2 semaphore(%arg21 : memref<!tpu.dma_semaphore, #tpu.memory_space<semaphore_mem>>) src(%arg11 : memref<80xf32, #tpu.memory_space<vmem>>) dst(%dma_wait3A_36 : memref<80xf32, #tpu.memory_space<vmem_shared>>)
    %dma_wait3A_37 = arith.constant 0 : i32
    %dma_wait3A_38 = tpu.memref_slice %arg15[%dma_wait3A_37] : memref<10240xf32, #tpu.memory_space<vmem_shared>> -> memref<80xf32, #tpu.memory_space<vmem_shared>>
    %dma_wait3A_39 = arith.constant 0 : i32
    %dma_wait3A_40 = tpu.memref_slice %arg15[%dma_wait3A_39] : memref<10240xf32, #tpu.memory_space<vmem_shared>> -> memref<80xf32, #tpu.memory_space<vmem_shared>>
    tpu.wait_dma2 semaphore(%arg22 : memref<!tpu.dma_semaphore, #tpu.memory_space<semaphore_mem>>) src(%arg12 : memref<80xf32, #tpu.memory_space<vmem>>) dst(%dma_wait3A_40 : memref<80xf32, #tpu.memory_space<vmem_shared>>)
    %dma_wait3A_41 = arith.constant 0 : i32
    %dma_wait3A_42 = tpu.memref_slice %arg15[%dma_wait3A_41] : memref<10240xf32, #tpu.memory_space<vmem_shared>> -> memref<80xf32, #tpu.memory_space<vmem_shared>>
    %dma_wait3A_43 = arith.constant 0 : i32
    %dma_wait3A_44 = tpu.memref_slice %arg15[%dma_wait3A_43] : memref<10240xf32, #tpu.memory_space<vmem_shared>> -> memref<80xf32, #tpu.memory_space<vmem_shared>>
    tpu.wait_dma2 semaphore(%arg23 : memref<!tpu.dma_semaphore, #tpu.memory_space<semaphore_mem>>) src(%arg13 : memref<80xf32, #tpu.memory_space<vmem>>) dst(%dma_wait3A_44 : memref<80xf32, #tpu.memory_space<vmem_shared>>)
    %barrier3A_45 = arith.constant 0 : index
    tpu.barrier barrier_id(%barrier3A_45)
    %mul3A_46 = arith.constant 640 : i32
    %mul3A_47 = arith.muli %arg1, %mul3A_46 : i32
    %mul3A_48 = arith.constant 640 : i32
    %mul3A_49 = arith.muli %arg1, %mul3A_48 : i32
    "tpu.region"() ({
      %run_scoped3A = tpu.sem_alloc : memref<!tpu.dma_semaphore, #tpu.memory_space<semaphore_mem>>
      %dma_start3A_50 = tpu.memref_slice %arg6[%arg0, %mul3A_49] : memref<2x10240xf32, #tpu.memory_space<hbm>> -> memref<1x640xf32, #tpu.memory_space<hbm>>
      %dma_start3A_51 = tpu.memref_squeeze %dma_start3A_50 : memref<1x640xf32, #tpu.memory_space<hbm>> -> memref<640xf32, #tpu.memory_space<hbm>>
      %dma_start3A_52 = tpu.memref_slice %arg15[%mul3A_47] : memref<10240xf32, #tpu.memory_space<vmem_shared>> -> memref<640xf32, #tpu.memory_space<vmem_shared>>
      tpu.enqueue_dma source(%dma_start3A_52 : memref<640xf32, #tpu.memory_space<vmem_shared>>) target(%dma_start3A_51 : memref<640xf32, #tpu.memory_space<hbm>>) target_semaphore(%run_scoped3A : memref<!tpu.dma_semaphore, #tpu.memory_space<semaphore_mem>>)
      %dma_wait3A_53 = tpu.memref_slice %arg6[%arg0, %mul3A_49] : memref<2x10240xf32, #tpu.memory_space<hbm>> -> memref<1x640xf32, #tpu.memory_space<hbm>>
      %dma_wait3A_54 = tpu.memref_squeeze %dma_wait3A_53 : memref<1x640xf32, #tpu.memory_space<hbm>> -> memref<640xf32, #tpu.memory_space<hbm>>
      %dma_wait3A_55 = tpu.memref_slice %arg15[%mul3A_47] : memref<10240xf32, #tpu.memory_space<vmem_shared>> -> memref<640xf32, #tpu.memory_space<vmem_shared>>
      tpu.wait_dma2 semaphore(%run_scoped3A : memref<!tpu.dma_semaphore, #tpu.memory_space<semaphore_mem>>) src(%dma_wait3A_55 : memref<640xf32, #tpu.memory_space<vmem_shared>>) dst(%dma_wait3A_54 : memref<640xf32, #tpu.memory_space<hbm>>)
      tpu.yield
    }) : () -> ()
    return
  }
}

#map = affine_map<(d0, d1) -> (0, 0)>
#map1 = affine_map<(d0, d1) -> (0)>
#map2 = affine_map<(d0, d1) -> (0, 0, 0)>
module attributes {stable_mosaic.version = 14 : i64} {
  func.func @_k3_body(%arg0: i32, %arg1: i32, %arg2: memref<10240x128xf32, #tpu.memory_space<hbm>>, %arg3: memref<320000xi32, #tpu.memory_space<hbm>>, %arg4: memref<320000xi32, #tpu.memory_space<hbm>>, %arg5: memref<320000xf32, #tpu.memory_space<hbm>>, %arg6: memref<2x10240x128xf32, #tpu.memory_space<hbm>>, %arg7: memref<10000xi32, #tpu.memory_space<vmem>>, %arg8: memref<80xi32, #tpu.memory_space<vmem>>, %arg9: memref<80xi32, #tpu.memory_space<vmem>>, %arg10: memref<80xi32, #tpu.memory_space<vmem>>, %arg11: memref<96xf32, #tpu.memory_space<vmem>>, %arg12: memref<96xf32, #tpu.memory_space<vmem>>, %arg13: memref<96xf32, #tpu.memory_space<vmem>>, %arg14: memref<80x128xf32, #tpu.memory_space<vmem>>, %arg15: memref<80x128xf32, #tpu.memory_space<vmem>>, %arg16: memref<80x128xf32, #tpu.memory_space<vmem>>, %arg17: memref<10240x128xf32, #tpu.memory_space<vmem_shared>>, %arg18: memref<!tpu.dma_semaphore, #tpu.memory_space<semaphore_mem>>, %arg19: memref<!tpu.dma_semaphore, #tpu.memory_space<semaphore_mem>>, %arg20: memref<!tpu.dma_semaphore, #tpu.memory_space<semaphore_mem>>, %arg21: memref<!tpu.dma_semaphore, #tpu.memory_space<semaphore_mem>>, %arg22: memref<!tpu.dma_semaphore, #tpu.memory_space<semaphore_mem>>, %arg23: memref<!tpu.dma_semaphore, #tpu.memory_space<semaphore_mem>>, %arg24: memref<!tpu.dma_semaphore, #tpu.memory_space<semaphore_mem>>, %arg25: memref<!tpu.dma_semaphore, #tpu.memory_space<semaphore_mem>>, %arg26: memref<!tpu.dma_semaphore, #tpu.memory_space<semaphore_mem>>) attributes {dimension_semantics = [#tpu.dimension_semantics<core_parallel>, #tpu.dimension_semantics<subcore_parallel>], iteration_bounds = array<i64: 2, 16>, scalar_prefetch = 0 : i64, scratch_operands = 20 : i64, tpu.core_type = #tpu.core_type<sc_vector_subcore>, window_params = [{transform_indices = #map}, {transform_indices = #map1}, {transform_indices = #map1}, {transform_indices = #map1}, {transform_indices = #map2}]} {
    %mul3A = arith.constant 16 : i32
    %mul3A_0 = arith.muli %arg0, %mul3A : i32
    %add3A = arith.addi %mul3A_0, %arg1 : i32
    %mul3A_1 = arith.constant 10000 : i32
    %mul3A_2 = arith.muli %add3A, %mul3A_1 : i32
    "tpu.region"() ({
      %run_scoped3A = tpu.sem_alloc : memref<!tpu.dma_semaphore, #tpu.memory_space<semaphore_mem>>
      %dma_start3A_100 = tpu.memref_slice %arg3[%mul3A_2] : memref<320000xi32, #tpu.memory_space<hbm>> -> memref<10000xi32, #tpu.memory_space<hbm>>
      %dma_start3A_101 = tpu.memref_slice %arg3[%mul3A_2] : memref<320000xi32, #tpu.memory_space<hbm>> -> memref<10000xi32, #tpu.memory_space<hbm>>
      tpu.enqueue_dma source(%dma_start3A_101 : memref<10000xi32, #tpu.memory_space<hbm>>) target(%arg7 : memref<10000xi32, #tpu.memory_space<vmem>>) target_semaphore(%run_scoped3A : memref<!tpu.dma_semaphore, #tpu.memory_space<semaphore_mem>>)
      %dma_wait3A_102 = tpu.memref_slice %arg3[%mul3A_2] : memref<320000xi32, #tpu.memory_space<hbm>> -> memref<10000xi32, #tpu.memory_space<hbm>>
      %dma_wait3A_103 = tpu.memref_slice %arg3[%mul3A_2] : memref<320000xi32, #tpu.memory_space<hbm>> -> memref<10000xi32, #tpu.memory_space<hbm>>
      tpu.wait_dma2 semaphore(%run_scoped3A : memref<!tpu.dma_semaphore, #tpu.memory_space<semaphore_mem>>) src(%dma_wait3A_103 : memref<10000xi32, #tpu.memory_space<hbm>>) dst(%arg7 : memref<10000xi32, #tpu.memory_space<vmem>>)
      tpu.yield
    }) : () -> ()
    %broadcast_in_dim3A = arith.constant 0.000000e+00 : f32
    %broadcast_in_dim3A_3 = vector.broadcast %broadcast_in_dim3A : f32 to vector<16xf32>
    %scan3A = arith.constant 0 : i32
    %scan3A_4 = arith.constant 0 : i32
    %scan3A_5 = arith.constant 80 : i32
    %scan3A_6 = arith.addi %scan3A_4, %scan3A_5 : i32
    %scan3A_7 = arith.constant 1 : i32
    %scan3A_8 = scf.for %scan3A_100 = %scan3A_4 to %scan3A_6 step %scan3A_7 iter_args(%scan3A_101 = %scan3A) -> (i32)  : i32 {
      %swap3A = arith.index_cast %scan3A_100 : i32 to index
      %swap3A_102 = arith.constant 0 : index
      %swap3A_103 = tpu.vector_load %arg14[%swap3A, %swap3A_102] {strides = array<i32>} : memref<80x128xf32, #tpu.memory_space<vmem>>, vector<1x16xf32>,
      %swap3A_104 = vector.shape_cast %swap3A_103 : vector<1x16xf32> to vector<16xf32>
      %swap3A_105 = vector.shape_cast %broadcast_in_dim3A_3 : vector<16xf32> to vector<1x16xf32>
      tpu.vector_store %arg14[%swap3A, %swap3A_102], %swap3A_105 {strides = array<i32>} : memref<80x128xf32, #tpu.memory_space<vmem>>, vector<1x16xf32>,
      %swap3A_106 = arith.index_cast %scan3A_100 : i32 to index
      %swap3A_107 = arith.constant 16 : index
      %swap3A_108 = tpu.vector_load %arg14[%swap3A_106, %swap3A_107] {strides = array<i32>} : memref<80x128xf32, #tpu.memory_space<vmem>>, vector<1x16xf32>,
      %swap3A_109 = vector.shape_cast %swap3A_108 : vector<1x16xf32> to vector<16xf32>
      %swap3A_110 = vector.shape_cast %broadcast_in_dim3A_3 : vector<16xf32> to vector<1x16xf32>
      tpu.vector_store %arg14[%swap3A_106, %swap3A_107], %swap3A_110 {strides = array<i32>} : memref<80x128xf32, #tpu.memory_space<vmem>>, vector<1x16xf32>,
      %swap3A_111 = arith.index_cast %scan3A_100 : i32 to index
      %swap3A_112 = arith.constant 32 : index
      %swap3A_113 = tpu.vector_load %arg14[%swap3A_111, %swap3A_112] {strides = array<i32>} : memref<80x128xf32, #tpu.memory_space<vmem>>, vector<1x16xf32>,
      %swap3A_114 = vector.shape_cast %swap3A_113 : vector<1x16xf32> to vector<16xf32>
      %swap3A_115 = vector.shape_cast %broadcast_in_dim3A_3 : vector<16xf32> to vector<1x16xf32>
      tpu.vector_store %arg14[%swap3A_111, %swap3A_112], %swap3A_115 {strides = array<i32>} : memref<80x128xf32, #tpu.memory_space<vmem>>, vector<1x16xf32>,
      %swap3A_116 = arith.index_cast %scan3A_100 : i32 to index
      %swap3A_117 = arith.constant 48 : index
      %swap3A_118 = tpu.vector_load %arg14[%swap3A_116, %swap3A_117] {strides = array<i32>} : memref<80x128xf32, #tpu.memory_space<vmem>>, vector<1x16xf32>,
      %swap3A_119 = vector.shape_cast %swap3A_118 : vector<1x16xf32> to vector<16xf32>
      %swap3A_120 = vector.shape_cast %broadcast_in_dim3A_3 : vector<16xf32> to vector<1x16xf32>
      tpu.vector_store %arg14[%swap3A_116, %swap3A_117], %swap3A_120 {strides = array<i32>} : memref<80x128xf32, #tpu.memory_space<vmem>>, vector<1x16xf32>,
      %swap3A_121 = arith.index_cast %scan3A_100 : i32 to index
      %swap3A_122 = arith.constant 64 : index
      %swap3A_123 = tpu.vector_load %arg14[%swap3A_121, %swap3A_122] {strides = array<i32>} : memref<80x128xf32, #tpu.memory_space<vmem>>, vector<1x16xf32>,
      %swap3A_124 = vector.shape_cast %swap3A_123 : vector<1x16xf32> to vector<16xf32>
      %swap3A_125 = vector.shape_cast %broadcast_in_dim3A_3 : vector<16xf32> to vector<1x16xf32>
      tpu.vector_store %arg14[%swap3A_121, %swap3A_122], %swap3A_125 {strides = array<i32>} : memref<80x128xf32, #tpu.memory_space<vmem>>, vector<1x16xf32>,
      %swap3A_126 = arith.index_cast %scan3A_100 : i32 to index
      %swap3A_127 = arith.constant 80 : index
      %swap3A_128 = tpu.vector_load %arg14[%swap3A_126, %swap3A_127] {strides = array<i32>} : memref<80x128xf32, #tpu.memory_space<vmem>>, vector<1x16xf32>,
      %swap3A_129 = vector.shape_cast %swap3A_128 : vector<1x16xf32> to vector<16xf32>
      %swap3A_130 = vector.shape_cast %broadcast_in_dim3A_3 : vector<16xf32> to vector<1x16xf32>
      tpu.vector_store %arg14[%swap3A_126, %swap3A_127], %swap3A_130 {strides = array<i32>} : memref<80x128xf32, #tpu.memory_space<vmem>>, vector<1x16xf32>,
      %swap3A_131 = arith.index_cast %scan3A_100 : i32 to index
      %swap3A_132 = arith.constant 96 : index
      %swap3A_133 = tpu.vector_load %arg14[%swap3A_131, %swap3A_132] {strides = array<i32>} : memref<80x128xf32, #tpu.memory_space<vmem>>, vector<1x16xf32>,
      %swap3A_134 = vector.shape_cast %swap3A_133 : vector<1x16xf32> to vector<16xf32>
      %swap3A_135 = vector.shape_cast %broadcast_in_dim3A_3 : vector<16xf32> to vector<1x16xf32>
      tpu.vector_store %arg14[%swap3A_131, %swap3A_132], %swap3A_135 {strides = array<i32>} : memref<80x128xf32, #tpu.memory_space<vmem>>, vector<1x16xf32>,
      %swap3A_136 = arith.index_cast %scan3A_100 : i32 to index
      %swap3A_137 = arith.constant 112 : index
      %swap3A_138 = tpu.vector_load %arg14[%swap3A_136, %swap3A_137] {strides = array<i32>} : memref<80x128xf32, #tpu.memory_space<vmem>>, vector<1x16xf32>,
      %swap3A_139 = vector.shape_cast %swap3A_138 : vector<1x16xf32> to vector<16xf32>
      %swap3A_140 = vector.shape_cast %broadcast_in_dim3A_3 : vector<16xf32> to vector<1x16xf32>
      tpu.vector_store %arg14[%swap3A_136, %swap3A_137], %swap3A_140 {strides = array<i32>} : memref<80x128xf32, #tpu.memory_space<vmem>>, vector<1x16xf32>,
      %scan3A_141 = arith.constant 0 : i32
      scf.yield %scan3A_141 : i32
    }
    %scan3A_9 = arith.constant 80 : i32
    %mul3A_10 = arith.constant 640 : i32
    %mul3A_11 = arith.muli %arg1, %mul3A_10 : i32
    %add3A_12 = arith.constant 0 : i32
    %add3A_13 = arith.addi %mul3A_11, %add3A_12 : i32
    "tpu.region"() ({
      %run_scoped3A = tpu.sem_alloc : memref<!tpu.dma_semaphore, #tpu.memory_space<semaphore_mem>>
      %dma_start3A_100 = arith.constant 0 : i32
      %dma_start3A_101 = tpu.memref_slice %arg17[%add3A_13, %dma_start3A_100] : memref<10240x128xf32, #tpu.memory_space<vmem_shared>> -> memref<80x128xf32, #tpu.memory_space<vmem_shared>>
      %dma_start3A_102 = arith.constant 0 : i32
      %dma_start3A_103 = tpu.memref_slice %arg17[%add3A_13, %dma_start3A_102] : memref<10240x128xf32, #tpu.memory_space<vmem_shared>> -> memref<80x128xf32, #tpu.memory_space<vmem_shared>>
      tpu.enqueue_dma source(%arg14 : memref<80x128xf32, #tpu.memory_space<vmem>>) target(%dma_start3A_103 : memref<80x128xf32, #tpu.memory_space<vmem_shared>>) target_semaphore(%run_scoped3A : memref<!tpu.dma_semaphore, #tpu.memory_space<semaphore_mem>>)
      %dma_wait3A_104 = arith.constant 0 : i32
      %dma_wait3A_105 = tpu.memref_slice %arg17[%add3A_13, %dma_wait3A_104] : memref<10240x128xf32, #tpu.memory_space<vmem_shared>> -> memref<80x128xf32, #tpu.memory_space<vmem_shared>>
      %dma_wait3A_106 = arith.constant 0 : i32
      %dma_wait3A_107 = tpu.memref_slice %arg17[%add3A_13, %dma_wait3A_106] : memref<10240x128xf32, #tpu.memory_space<vmem_shared>> -> memref<80x128xf32, #tpu.memory_space<vmem_shared>>
      tpu.wait_dma2 semaphore(%run_scoped3A : memref<!tpu.dma_semaphore, #tpu.memory_space<semaphore_mem>>) src(%arg14 : memref<80x128xf32, #tpu.memory_space<vmem>>) dst(%dma_wait3A_107 : memref<80x128xf32, #tpu.memory_space<vmem_shared>>)
      tpu.yield
    }) : () -> ()
    %mul3A_14 = arith.constant 640 : i32
    %mul3A_15 = arith.muli %arg1, %mul3A_14 : i32
    %add3A_16 = arith.constant 80 : i32
    %add3A_17 = arith.addi %mul3A_15, %add3A_16 : i32
    "tpu.region"() ({
      %run_scoped3A = tpu.sem_alloc : memref<!tpu.dma_semaphore, #tpu.memory_space<semaphore_mem>>
      %dma_start3A_100 = arith.constant 0 : i32
      %dma_start3A_101 = tpu.memref_slice %arg17[%add3A_17, %dma_start3A_100] : memref<10240x128xf32, #tpu.memory_space<vmem_shared>> -> memref<80x128xf32, #tpu.memory_space<vmem_shared>>
      %dma_start3A_102 = arith.constant 0 : i32
      %dma_start3A_103 = tpu.memref_slice %arg17[%add3A_17, %dma_start3A_102] : memref<10240x128xf32, #tpu.memory_space<vmem_shared>> -> memref<80x128xf32, #tpu.memory_space<vmem_shared>>
      tpu.enqueue_dma source(%arg14 : memref<80x128xf32, #tpu.memory_space<vmem>>) target(%dma_start3A_103 : memref<80x128xf32, #tpu.memory_space<vmem_shared>>) target_semaphore(%run_scoped3A : memref<!tpu.dma_semaphore, #tpu.memory_space<semaphore_mem>>)
      %dma_wait3A_104 = arith.constant 0 : i32
      %dma_wait3A_105 = tpu.memref_slice %arg17[%add3A_17, %dma_wait3A_104] : memref<10240x128xf32, #tpu.memory_space<vmem_shared>> -> memref<80x128xf32, #tpu.memory_space<vmem_shared>>
      %dma_wait3A_106 = arith.constant 0 : i32
      %dma_wait3A_107 = tpu.memref_slice %arg17[%add3A_17, %dma_wait3A_106] : memref<10240x128xf32, #tpu.memory_space<vmem_shared>> -> memref<80x128xf32, #tpu.memory_space<vmem_shared>>
      tpu.wait_dma2 semaphore(%run_scoped3A : memref<!tpu.dma_semaphore, #tpu.memory_space<semaphore_mem>>) src(%arg14 : memref<80x128xf32, #tpu.memory_space<vmem>>) dst(%dma_wait3A_107 : memref<80x128xf32, #tpu.memory_space<vmem_shared>>)
      tpu.yield
    }) : () -> ()
    %mul3A_18 = arith.constant 640 : i32
    %mul3A_19 = arith.muli %arg1, %mul3A_18 : i32
    %add3A_20 = arith.constant 160 : i32
    %add3A_21 = arith.addi %mul3A_19, %add3A_20 : i32
    "tpu.region"() ({
      %run_scoped3A = tpu.sem_alloc : memref<!tpu.dma_semaphore, #tpu.memory_space<semaphore_mem>>
      %dma_start3A_100 = arith.constant 0 : i32
      %dma_start3A_101 = tpu.memref_slice %arg17[%add3A_21, %dma_start3A_100] : memref<10240x128xf32, #tpu.memory_space<vmem_shared>> -> memref<80x128xf32, #tpu.memory_space<vmem_shared>>
      %dma_start3A_102 = arith.constant 0 : i32
      %dma_start3A_103 = tpu.memref_slice %arg17[%add3A_21, %dma_start3A_102] : memref<10240x128xf32, #tpu.memory_space<vmem_shared>> -> memref<80x128xf32, #tpu.memory_space<vmem_shared>>
      tpu.enqueue_dma source(%arg14 : memref<80x128xf32, #tpu.memory_space<vmem>>) target(%dma_start3A_103 : memref<80x128xf32, #tpu.memory_space<vmem_shared>>) target_semaphore(%run_scoped3A : memref<!tpu.dma_semaphore, #tpu.memory_space<semaphore_mem>>)
      %dma_wait3A_104 = arith.constant 0 : i32
      %dma_wait3A_105 = tpu.memref_slice %arg17[%add3A_21, %dma_wait3A_104] : memref<10240x128xf32, #tpu.memory_space<vmem_shared>> -> memref<80x128xf32, #tpu.memory_space<vmem_shared>>
      %dma_wait3A_106 = arith.constant 0 : i32
      %dma_wait3A_107 = tpu.memref_slice %arg17[%add3A_21, %dma_wait3A_106] : memref<10240x128xf32, #tpu.memory_space<vmem_shared>> -> memref<80x128xf32, #tpu.memory_space<vmem_shared>>
      tpu.wait_dma2 semaphore(%run_scoped3A : memref<!tpu.dma_semaphore, #tpu.memory_space<semaphore_mem>>) src(%arg14 : memref<80x128xf32, #tpu.memory_space<vmem>>) dst(%dma_wait3A_107 : memref<80x128xf32, #tpu.memory_space<vmem_shared>>)
      tpu.yield
    }) : () -> ()
    %mul3A_22 = arith.constant 640 : i32
    %mul3A_23 = arith.muli %arg1, %mul3A_22 : i32
    %add3A_24 = arith.constant 240 : i32
    %add3A_25 = arith.addi %mul3A_23, %add3A_24 : i32
    "tpu.region"() ({
      %run_scoped3A = tpu.sem_alloc : memref<!tpu.dma_semaphore, #tpu.memory_space<semaphore_mem>>
      %dma_start3A_100 = arith.constant 0 : i32
      %dma_start3A_101 = tpu.memref_slice %arg17[%add3A_25, %dma_start3A_100] : memref<10240x128xf32, #tpu.memory_space<vmem_shared>> -> memref<80x128xf32, #tpu.memory_space<vmem_shared>>
      %dma_start3A_102 = arith.constant 0 : i32
      %dma_start3A_103 = tpu.memref_slice %arg17[%add3A_25, %dma_start3A_102] : memref<10240x128xf32, #tpu.memory_space<vmem_shared>> -> memref<80x128xf32, #tpu.memory_space<vmem_shared>>
      tpu.enqueue_dma source(%arg14 : memref<80x128xf32, #tpu.memory_space<vmem>>) target(%dma_start3A_103 : memref<80x128xf32, #tpu.memory_space<vmem_shared>>) target_semaphore(%run_scoped3A : memref<!tpu.dma_semaphore, #tpu.memory_space<semaphore_mem>>)
      %dma_wait3A_104 = arith.constant 0 : i32
      %dma_wait3A_105 = tpu.memref_slice %arg17[%add3A_25, %dma_wait3A_104] : memref<10240x128xf32, #tpu.memory_space<vmem_shared>> -> memref<80x128xf32, #tpu.memory_space<vmem_shared>>
      %dma_wait3A_106 = arith.constant 0 : i32
      %dma_wait3A_107 = tpu.memref_slice %arg17[%add3A_25, %dma_wait3A_106] : memref<10240x128xf32, #tpu.memory_space<vmem_shared>> -> memref<80x128xf32, #tpu.memory_space<vmem_shared>>
      tpu.wait_dma2 semaphore(%run_scoped3A : memref<!tpu.dma_semaphore, #tpu.memory_space<semaphore_mem>>) src(%arg14 : memref<80x128xf32, #tpu.memory_space<vmem>>) dst(%dma_wait3A_107 : memref<80x128xf32, #tpu.memory_space<vmem_shared>>)
      tpu.yield
    }) : () -> ()
    %mul3A_26 = arith.constant 640 : i32
    %mul3A_27 = arith.muli %arg1, %mul3A_26 : i32
    %add3A_28 = arith.constant 320 : i32
    %add3A_29 = arith.addi %mul3A_27, %add3A_28 : i32
    "tpu.region"() ({
      %run_scoped3A = tpu.sem_alloc : memref<!tpu.dma_semaphore, #tpu.memory_space<semaphore_mem>>
      %dma_start3A_100 = arith.constant 0 : i32
      %dma_start3A_101 = tpu.memref_slice %arg17[%add3A_29, %dma_start3A_100] : memref<10240x128xf32, #tpu.memory_space<vmem_shared>> -> memref<80x128xf32, #tpu.memory_space<vmem_shared>>
      %dma_start3A_102 = arith.constant 0 : i32
      %dma_start3A_103 = tpu.memref_slice %arg17[%add3A_29, %dma_start3A_102] : memref<10240x128xf32, #tpu.memory_space<vmem_shared>> -> memref<80x128xf32, #tpu.memory_space<vmem_shared>>
      tpu.enqueue_dma source(%arg14 : memref<80x128xf32, #tpu.memory_space<vmem>>) target(%dma_start3A_103 : memref<80x128xf32, #tpu.memory_space<vmem_shared>>) target_semaphore(%run_scoped3A : memref<!tpu.dma_semaphore, #tpu.memory_space<semaphore_mem>>)
      %dma_wait3A_104 = arith.constant 0 : i32
      %dma_wait3A_105 = tpu.memref_slice %arg17[%add3A_29, %dma_wait3A_104] : memref<10240x128xf32, #tpu.memory_space<vmem_shared>> -> memref<80x128xf32, #tpu.memory_space<vmem_shared>>
      %dma_wait3A_106 = arith.constant 0 : i32
      %dma_wait3A_107 = tpu.memref_slice %arg17[%add3A_29, %dma_wait3A_106] : memref<10240x128xf32, #tpu.memory_space<vmem_shared>> -> memref<80x128xf32, #tpu.memory_space<vmem_shared>>
      tpu.wait_dma2 semaphore(%run_scoped3A : memref<!tpu.dma_semaphore, #tpu.memory_space<semaphore_mem>>) src(%arg14 : memref<80x128xf32, #tpu.memory_space<vmem>>) dst(%dma_wait3A_107 : memref<80x128xf32, #tpu.memory_space<vmem_shared>>)
      tpu.yield
    }) : () -> ()
    %mul3A_30 = arith.constant 640 : i32
    %mul3A_31 = arith.muli %arg1, %mul3A_30 : i32
    %add3A_32 = arith.constant 400 : i32
    %add3A_33 = arith.addi %mul3A_31, %add3A_32 : i32
    "tpu.region"() ({
      %run_scoped3A = tpu.sem_alloc : memref<!tpu.dma_semaphore, #tpu.memory_space<semaphore_mem>>
      %dma_start3A_100 = arith.constant 0 : i32
      %dma_start3A_101 = tpu.memref_slice %arg17[%add3A_33, %dma_start3A_100] : memref<10240x128xf32, #tpu.memory_space<vmem_shared>> -> memref<80x128xf32, #tpu.memory_space<vmem_shared>>
      %dma_start3A_102 = arith.constant 0 : i32
      %dma_start3A_103 = tpu.memref_slice %arg17[%add3A_33, %dma_start3A_102] : memref<10240x128xf32, #tpu.memory_space<vmem_shared>> -> memref<80x128xf32, #tpu.memory_space<vmem_shared>>
      tpu.enqueue_dma source(%arg14 : memref<80x128xf32, #tpu.memory_space<vmem>>) target(%dma_start3A_103 : memref<80x128xf32, #tpu.memory_space<vmem_shared>>) target_semaphore(%run_scoped3A : memref<!tpu.dma_semaphore, #tpu.memory_space<semaphore_mem>>)
      %dma_wait3A_104 = arith.constant 0 : i32
      %dma_wait3A_105 = tpu.memref_slice %arg17[%add3A_33, %dma_wait3A_104] : memref<10240x128xf32, #tpu.memory_space<vmem_shared>> -> memref<80x128xf32, #tpu.memory_space<vmem_shared>>
      %dma_wait3A_106 = arith.constant 0 : i32
      %dma_wait3A_107 = tpu.memref_slice %arg17[%add3A_33, %dma_wait3A_106] : memref<10240x128xf32, #tpu.memory_space<vmem_shared>> -> memref<80x128xf32, #tpu.memory_space<vmem_shared>>
      tpu.wait_dma2 semaphore(%run_scoped3A : memref<!tpu.dma_semaphore, #tpu.memory_space<semaphore_mem>>) src(%arg14 : memref<80x128xf32, #tpu.memory_space<vmem>>) dst(%dma_wait3A_107 : memref<80x128xf32, #tpu.memory_space<vmem_shared>>)
      tpu.yield
    }) : () -> ()
    %mul3A_34 = arith.constant 640 : i32
    %mul3A_35 = arith.muli %arg1, %mul3A_34 : i32
    %add3A_36 = arith.constant 480 : i32
    %add3A_37 = arith.addi %mul3A_35, %add3A_36 : i32
    "tpu.region"() ({
      %run_scoped3A = tpu.sem_alloc : memref<!tpu.dma_semaphore, #tpu.memory_space<semaphore_mem>>
      %dma_start3A_100 = arith.constant 0 : i32
      %dma_start3A_101 = tpu.memref_slice %arg17[%add3A_37, %dma_start3A_100] : memref<10240x128xf32, #tpu.memory_space<vmem_shared>> -> memref<80x128xf32, #tpu.memory_space<vmem_shared>>
      %dma_start3A_102 = arith.constant 0 : i32
      %dma_start3A_103 = tpu.memref_slice %arg17[%add3A_37, %dma_start3A_102] : memref<10240x128xf32, #tpu.memory_space<vmem_shared>> -> memref<80x128xf32, #tpu.memory_space<vmem_shared>>
      tpu.enqueue_dma source(%arg14 : memref<80x128xf32, #tpu.memory_space<vmem>>) target(%dma_start3A_103 : memref<80x128xf32, #tpu.memory_space<vmem_shared>>) target_semaphore(%run_scoped3A : memref<!tpu.dma_semaphore, #tpu.memory_space<semaphore_mem>>)
      %dma_wait3A_104 = arith.constant 0 : i32
      %dma_wait3A_105 = tpu.memref_slice %arg17[%add3A_37, %dma_wait3A_104] : memref<10240x128xf32, #tpu.memory_space<vmem_shared>> -> memref<80x128xf32, #tpu.memory_space<vmem_shared>>
      %dma_wait3A_106 = arith.constant 0 : i32
      %dma_wait3A_107 = tpu.memref_slice %arg17[%add3A_37, %dma_wait3A_106] : memref<10240x128xf32, #tpu.memory_space<vmem_shared>> -> memref<80x128xf32, #tpu.memory_space<vmem_shared>>
      tpu.wait_dma2 semaphore(%run_scoped3A : memref<!tpu.dma_semaphore, #tpu.memory_space<semaphore_mem>>) src(%arg14 : memref<80x128xf32, #tpu.memory_space<vmem>>) dst(%dma_wait3A_107 : memref<80x128xf32, #tpu.memory_space<vmem_shared>>)
      tpu.yield
    }) : () -> ()
    %mul3A_38 = arith.constant 640 : i32
    %mul3A_39 = arith.muli %arg1, %mul3A_38 : i32
    %add3A_40 = arith.constant 560 : i32
    %add3A_41 = arith.addi %mul3A_39, %add3A_40 : i32
    "tpu.region"() ({
      %run_scoped3A = tpu.sem_alloc : memref<!tpu.dma_semaphore, #tpu.memory_space<semaphore_mem>>
      %dma_start3A_100 = arith.constant 0 : i32
      %dma_start3A_101 = tpu.memref_slice %arg17[%add3A_41, %dma_start3A_100] : memref<10240x128xf32, #tpu.memory_space<vmem_shared>> -> memref<80x128xf32, #tpu.memory_space<vmem_shared>>
      %dma_start3A_102 = arith.constant 0 : i32
      %dma_start3A_103 = tpu.memref_slice %arg17[%add3A_41, %dma_start3A_102] : memref<10240x128xf32, #tpu.memory_space<vmem_shared>> -> memref<80x128xf32, #tpu.memory_space<vmem_shared>>
      tpu.enqueue_dma source(%arg14 : memref<80x128xf32, #tpu.memory_space<vmem>>) target(%dma_start3A_103 : memref<80x128xf32, #tpu.memory_space<vmem_shared>>) target_semaphore(%run_scoped3A : memref<!tpu.dma_semaphore, #tpu.memory_space<semaphore_mem>>)
      %dma_wait3A_104 = arith.constant 0 : i32
      %dma_wait3A_105 = tpu.memref_slice %arg17[%add3A_41, %dma_wait3A_104] : memref<10240x128xf32, #tpu.memory_space<vmem_shared>> -> memref<80x128xf32, #tpu.memory_space<vmem_shared>>
      %dma_wait3A_106 = arith.constant 0 : i32
      %dma_wait3A_107 = tpu.memref_slice %arg17[%add3A_41, %dma_wait3A_106] : memref<10240x128xf32, #tpu.memory_space<vmem_shared>> -> memref<80x128xf32, #tpu.memory_space<vmem_shared>>
      tpu.wait_dma2 semaphore(%run_scoped3A : memref<!tpu.dma_semaphore, #tpu.memory_space<semaphore_mem>>) src(%arg14 : memref<80x128xf32, #tpu.memory_space<vmem>>) dst(%dma_wait3A_107 : memref<80x128xf32, #tpu.memory_space<vmem_shared>>)
      tpu.yield
    }) : () -> ()
    %barrier3A = arith.constant 0 : index
    tpu.barrier barrier_id(%barrier3A)
    %add3A_42 = arith.constant 0 : i32
    %add3A_43 = arith.addi %mul3A_2, %add3A_42 : i32
    %dma_start3A = tpu.memref_slice %arg4[%add3A_43] : memref<320000xi32, #tpu.memory_space<hbm>> -> memref<80xi32, #tpu.memory_space<hbm>>
    %dma_start3A_44 = tpu.memref_slice %arg4[%add3A_43] : memref<320000xi32, #tpu.memory_space<hbm>> -> memref<80xi32, #tpu.memory_space<hbm>>
    tpu.enqueue_dma source(%dma_start3A_44 : memref<80xi32, #tpu.memory_space<hbm>>) target(%arg8 : memref<80xi32, #tpu.memory_space<vmem>>) target_semaphore(%arg24 : memref<!tpu.dma_semaphore, #tpu.memory_space<semaphore_mem>>)
    %dma_start3A_45 = arith.constant 0 : i32
    %dma_start3A_46 = tpu.memref_slice %arg11[%dma_start3A_45] : memref<96xf32, #tpu.memory_space<vmem>> -> memref<80xf32, #tpu.memory_space<vmem>>
    %dma_start3A_47 = tpu.memref_slice %arg5[%add3A_43] : memref<320000xf32, #tpu.memory_space<hbm>> -> memref<80xf32, #tpu.memory_space<hbm>>
    %dma_start3A_48 = arith.constant 0 : i32
    %dma_start3A_49 = tpu.memref_slice %arg11[%dma_start3A_48] : memref<96xf32, #tpu.memory_space<vmem>> -> memref<80xf32, #tpu.memory_space<vmem>>
    %dma_start3A_50 = tpu.memref_slice %arg5[%add3A_43] : memref<320000xf32, #tpu.memory_space<hbm>> -> memref<80xf32, #tpu.memory_space<hbm>>
    tpu.enqueue_dma source(%dma_start3A_50 : memref<80xf32, #tpu.memory_space<hbm>>) target(%dma_start3A_49 : memref<80xf32, #tpu.memory_space<vmem>>) target_semaphore(%arg24 : memref<!tpu.dma_semaphore, #tpu.memory_space<semaphore_mem>>)
    %dma_start3A_51 = arith.constant 0 : i32
    %dma_start3A_52 = tpu.memref_slice %arg7[%dma_start3A_51] : memref<10000xi32, #tpu.memory_space<vmem>> -> memref<80xi32, #tpu.memory_space<vmem>>
    %dma_start3A_53 = arith.constant 0 : i32
    %dma_start3A_54 = arith.constant 0 : i32
    %dma_start3A_55 = tpu.memref_slice %arg2[%dma_start3A_53, %dma_start3A_54] : memref<10240x128xf32, #tpu.memory_space<hbm>> -> memref<10240x128xf32, #tpu.memory_space<hbm>>
    tpu.enqueue_indirect_dma source(%dma_start3A_55 : memref<10240x128xf32, #tpu.memory_space<hbm>>) target(%arg14 : memref<80x128xf32, #tpu.memory_space<vmem>>) offsets(%dma_start3A_52 : memref<80xi32, #tpu.memory_space<vmem>>) semaphore(%arg18 : memref<!tpu.dma_semaphore, #tpu.memory_space<semaphore_mem>>)
    %add3A_56 = arith.constant 80 : i32
    %add3A_57 = arith.addi %mul3A_2, %add3A_56 : i32
    %dma_start3A_58 = tpu.memref_slice %arg4[%add3A_57] : memref<320000xi32, #tpu.memory_space<hbm>> -> memref<80xi32, #tpu.memory_space<hbm>>
    %dma_start3A_59 = tpu.memref_slice %arg4[%add3A_57] : memref<320000xi32, #tpu.memory_space<hbm>> -> memref<80xi32, #tpu.memory_space<hbm>>
    tpu.enqueue_dma source(%dma_start3A_59 : memref<80xi32, #tpu.memory_space<hbm>>) target(%arg9 : memref<80xi32, #tpu.memory_space<vmem>>) target_semaphore(%arg25 : memref<!tpu.dma_semaphore, #tpu.memory_space<semaphore_mem>>)
    %dma_start3A_60 = arith.constant 0 : i32
    %dma_start3A_61 = tpu.memref_slice %arg12[%dma_start3A_60] : memref<96xf32, #tpu.memory_space<vmem>> -> memref<80xf32, #tpu.memory_space<vmem>>
    %dma_start3A_62 = tpu.memref_slice %arg5[%add3A_57] : memref<320000xf32, #tpu.memory_space<hbm>> -> memref<80xf32, #tpu.memory_space<hbm>>
    %dma_start3A_63 = arith.constant 0 : i32
    %dma_start3A_64 = tpu.memref_slice %arg12[%dma_start3A_63] : memref<96xf32, #tpu.memory_space<vmem>> -> memref<80xf32, #tpu.memory_space<vmem>>
    %dma_start3A_65 = tpu.memref_slice %arg5[%add3A_57] : memref<320000xf32, #tpu.memory_space<hbm>> -> memref<80xf32, #tpu.memory_space<hbm>>
    tpu.enqueue_dma source(%dma_start3A_65 : memref<80xf32, #tpu.memory_space<hbm>>) target(%dma_start3A_64 : memref<80xf32, #tpu.memory_space<vmem>>) target_semaphore(%arg25 : memref<!tpu.dma_semaphore, #tpu.memory_space<semaphore_mem>>)
    %dma_start3A_66 = arith.constant 80 : i32
    %dma_start3A_67 = tpu.memref_slice %arg7[%dma_start3A_66] : memref<10000xi32, #tpu.memory_space<vmem>> -> memref<80xi32, #tpu.memory_space<vmem>>
    %dma_start3A_68 = arith.constant 0 : i32
    %dma_start3A_69 = arith.constant 0 : i32
    %dma_start3A_70 = tpu.memref_slice %arg2[%dma_start3A_68, %dma_start3A_69] : memref<10240x128xf32, #tpu.memory_space<hbm>> -> memref<10240x128xf32, #tpu.memory_space<hbm>>
    tpu.enqueue_indirect_dma source(%dma_start3A_70 : memref<10240x128xf32, #tpu.memory_space<hbm>>) target(%arg15 : memref<80x128xf32, #tpu.memory_space<vmem>>) offsets(%dma_start3A_67 : memref<80xi32, #tpu.memory_space<vmem>>) semaphore(%arg19 : memref<!tpu.dma_semaphore, #tpu.memory_space<semaphore_mem>>)
    %scan3A_71 = arith.constant 0 : i32
    %scan3A_72 = arith.constant 0 : i32
    %scan3A_73 = arith.constant 125 : i32
    %scan3A_74 = arith.addi %scan3A_72, %scan3A_73 : i32
    %scan3A_75 = arith.constant 1 : i32
    %scan3A_76 = scf.for %scan3A_100 = %scan3A_72 to %scan3A_74 step %scan3A_75 iter_args(%scan3A_101 = %scan3A_71) -> (i32)  : i32 {
      %jit3A = arith.constant 3 : i32
      %eq3A = arith.constant 0 : i32
      %eq3A_102 = arith.cmpi eq, %jit3A, %eq3A : i32
      %jit3A_103 = arith.constant 1 : i32
      %select_n3A = arith.select %eq3A_102, %jit3A_103, %jit3A : i32
      %rem3A = arith.remsi %scan3A_100, %select_n3A : i32
      %ne3A = arith.constant 0 : i32
      %ne3A_104 = arith.cmpi ne, %rem3A, %ne3A : i32
      %lt3A = arith.constant 0 : i32
      %lt3A_105 = arith.cmpi slt, %rem3A, %lt3A : i32
      %lt3A_106 = arith.constant 0 : i32
      %lt3A_107 = arith.cmpi slt, %select_n3A, %lt3A_106 : i32
      %ne3A_108 = arith.xori %lt3A_105, %lt3A_107 : i1
      %and3A = arith.andi %ne3A_108, %ne3A_104 : i1
      %add3A_109 = arith.addi %rem3A, %select_n3A : i32
      %select_n3A_110 = arith.select %and3A, %add3A_109, %rem3A : i32
      %eq3A_111 = arith.constant 0 : i32
      %eq3A_112 = arith.cmpi eq, %select_n3A_110, %eq3A_111 : i32
      %convert_element_type3A = arith.extui %eq3A_112 : i1 to i32
      %cond3A = arith.constant 0 : i32
      %cond3A_113 = arith.cmpi ne, %convert_element_type3A, %cond3A : i32
      scf.if %cond3A_113 {
        %dma_wait3A_157 = arith.constant 0 : i32
        %dma_wait3A_158 = arith.constant 0 : i32
        %dma_wait3A_159 = tpu.memref_slice %arg2[%dma_wait3A_157, %dma_wait3A_158] : memref<10240x128xf32, #tpu.memory_space<hbm>> -> memref<80x128xf32, #tpu.memory_space<hbm>>
        %dma_wait3A_160 = arith.constant 0 : i32
        %dma_wait3A_161 = arith.constant 0 : i32
        %dma_wait3A_162 = tpu.memref_slice %arg2[%dma_wait3A_160, %dma_wait3A_161] : memref<10240x128xf32, #tpu.memory_space<hbm>> -> memref<80x128xf32, #tpu.memory_space<hbm>>
        tpu.wait_dma2 semaphore(%arg18 : memref<!tpu.dma_semaphore, #tpu.memory_space<semaphore_mem>>) src(%dma_wait3A_162 : memref<80x128xf32, #tpu.memory_space<hbm>>) dst(%arg14 : memref<80x128xf32, #tpu.memory_space<vmem>>)
        %dma_wait3A_163 = arith.constant 0 : i32
        %dma_wait3A_164 = tpu.memref_slice %arg4[%dma_wait3A_163] : memref<320000xi32, #tpu.memory_space<hbm>> -> memref<80xi32, #tpu.memory_space<hbm>>
        %dma_wait3A_165 = arith.constant 0 : i32
        %dma_wait3A_166 = tpu.memref_slice %arg4[%dma_wait3A_165] : memref<320000xi32, #tpu.memory_space<hbm>> -> memref<80xi32, #tpu.memory_space<hbm>>
        tpu.wait_dma2 semaphore(%arg24 : memref<!tpu.dma_semaphore, #tpu.memory_space<semaphore_mem>>) src(%dma_wait3A_166 : memref<80xi32, #tpu.memory_space<hbm>>) dst(%arg8 : memref<80xi32, #tpu.memory_space<vmem>>)
        %dma_wait3A_167 = arith.constant 0 : i32
        %dma_wait3A_168 = tpu.memref_slice %arg11[%dma_wait3A_167] : memref<96xf32, #tpu.memory_space<vmem>> -> memref<80xf32, #tpu.memory_space<vmem>>
        %dma_wait3A_169 = arith.constant 0 : i32
        %dma_wait3A_170 = tpu.memref_slice %arg5[%dma_wait3A_169] : memref<320000xf32, #tpu.memory_space<hbm>> -> memref<80xf32, #tpu.memory_space<hbm>>
        %dma_wait3A_171 = arith.constant 0 : i32
        %dma_wait3A_172 = tpu.memref_slice %arg11[%dma_wait3A_171] : memref<96xf32, #tpu.memory_space<vmem>> -> memref<80xf32, #tpu.memory_space<vmem>>
        %dma_wait3A_173 = arith.constant 0 : i32
        %dma_wait3A_174 = tpu.memref_slice %arg5[%dma_wait3A_173] : memref<320000xf32, #tpu.memory_space<hbm>> -> memref<80xf32, #tpu.memory_space<hbm>>
        tpu.wait_dma2 semaphore(%arg24 : memref<!tpu.dma_semaphore, #tpu.memory_space<semaphore_mem>>) src(%dma_wait3A_174 : memref<80xf32, #tpu.memory_space<hbm>>) dst(%dma_wait3A_172 : memref<80xf32, #tpu.memory_space<vmem>>)
        %scan3A_175 = arith.constant 0 : i32
        %scan3A_176 = arith.constant 0 : i32
        %scan3A_177 = arith.constant 20 : i32
        %scan3A_178 = arith.addi %scan3A_176, %scan3A_177 : i32
        %scan3A_179 = arith.constant 1 : i32
        %scan3A_180 = scf.for %scan3A_192 = %scan3A_176 to %scan3A_178 step %scan3A_179 iter_args(%scan3A_193 = %scan3A_175) -> (i32)  : i32 {
          %mul3A_194 = arith.constant 4 : i32
          %mul3A_195 = arith.muli %scan3A_192, %mul3A_194 : i32
          %add3A_196 = arith.constant 0 : i32
          %add3A_197 = arith.addi %mul3A_195, %add3A_196 : i32
          %get3A = arith.index_cast %add3A_197 : i32 to index
          %get3A_198 = tpu.vector_load %arg11[%get3A] {strides = array<i32>} : memref<96xf32, #tpu.memory_space<vmem>>, vector<16xf32>,
          %get3A_199 = vector.shape_cast %get3A_198 : vector<16xf32> to vector<16xf32>
          %slice3A = vector.extract_strided_slice %get3A_199 {offsets = [0], sizes = [1], strides = [1]} : vector<16xf32> to vector<1xf32>
          %squeeze3A = vector.extract %slice3A[0] : f32 from vector<1xf32>
          %broadcast_in_dim3A_200 = vector.broadcast %squeeze3A : f32 to vector<16xf32>
          %get3A_201 = arith.index_cast %add3A_197 : i32 to index
          %get3A_202 = arith.constant 0 : index
          %get3A_203 = tpu.vector_load %arg14[%get3A_201, %get3A_202] {strides = array<i32>} : memref<80x128xf32, #tpu.memory_space<vmem>>, vector<1x16xf32>,
          %get3A_204 = vector.shape_cast %get3A_203 : vector<1x16xf32> to vector<16xf32>
          %mul3A_205 = arith.mulf %get3A_204, %broadcast_in_dim3A_200 : vector<16xf32>
          %swap3A = arith.index_cast %add3A_197 : i32 to index
          %swap3A_206 = arith.constant 0 : index
          %swap3A_207 = tpu.vector_load %arg14[%swap3A, %swap3A_206] {strides = array<i32>} : memref<80x128xf32, #tpu.memory_space<vmem>>, vector<1x16xf32>,
          %swap3A_208 = vector.shape_cast %swap3A_207 : vector<1x16xf32> to vector<16xf32>
          %swap3A_209 = vector.shape_cast %mul3A_205 : vector<16xf32> to vector<1x16xf32>
          tpu.vector_store %arg14[%swap3A, %swap3A_206], %swap3A_209 {strides = array<i32>} : memref<80x128xf32, #tpu.memory_space<vmem>>, vector<1x16xf32>,
          %get3A_210 = arith.index_cast %add3A_197 : i32 to index
          %get3A_211 = arith.constant 16 : index
          %get3A_212 = tpu.vector_load %arg14[%get3A_210, %get3A_211] {strides = array<i32>} : memref<80x128xf32, #tpu.memory_space<vmem>>, vector<1x16xf32>,
          %get3A_213 = vector.shape_cast %get3A_212 : vector<1x16xf32> to vector<16xf32>
          %mul3A_214 = arith.mulf %get3A_213, %broadcast_in_dim3A_200 : vector<16xf32>
          %swap3A_215 = arith.index_cast %add3A_197 : i32 to index
          %swap3A_216 = arith.constant 16 : index
          %swap3A_217 = tpu.vector_load %arg14[%swap3A_215, %swap3A_216] {strides = array<i32>} : memref<80x128xf32, #tpu.memory_space<vmem>>, vector<1x16xf32>,
          %swap3A_218 = vector.shape_cast %swap3A_217 : vector<1x16xf32> to vector<16xf32>
          %swap3A_219 = vector.shape_cast %mul3A_214 : vector<16xf32> to vector<1x16xf32>
          tpu.vector_store %arg14[%swap3A_215, %swap3A_216], %swap3A_219 {strides = array<i32>} : memref<80x128xf32, #tpu.memory_space<vmem>>, vector<1x16xf32>,
          %get3A_220 = arith.index_cast %add3A_197 : i32 to index
          %get3A_221 = arith.constant 32 : index
          %get3A_222 = tpu.vector_load %arg14[%get3A_220, %get3A_221] {strides = array<i32>} : memref<80x128xf32, #tpu.memory_space<vmem>>, vector<1x16xf32>,
          %get3A_223 = vector.shape_cast %get3A_222 : vector<1x16xf32> to vector<16xf32>
          %mul3A_224 = arith.mulf %get3A_223, %broadcast_in_dim3A_200 : vector<16xf32>
          %swap3A_225 = arith.index_cast %add3A_197 : i32 to index
          %swap3A_226 = arith.constant 32 : index
          %swap3A_227 = tpu.vector_load %arg14[%swap3A_225, %swap3A_226] {strides = array<i32>} : memref<80x128xf32, #tpu.memory_space<vmem>>, vector<1x16xf32>,
          %swap3A_228 = vector.shape_cast %swap3A_227 : vector<1x16xf32> to vector<16xf32>
          %swap3A_229 = vector.shape_cast %mul3A_224 : vector<16xf32> to vector<1x16xf32>
          tpu.vector_store %arg14[%swap3A_225, %swap3A_226], %swap3A_229 {strides = array<i32>} : memref<80x128xf32, #tpu.memory_space<vmem>>, vector<1x16xf32>,
          %get3A_230 = arith.index_cast %add3A_197 : i32 to index
          %get3A_231 = arith.constant 48 : index
          %get3A_232 = tpu.vector_load %arg14[%get3A_230, %get3A_231] {strides = array<i32>} : memref<80x128xf32, #tpu.memory_space<vmem>>, vector<1x16xf32>,
          %get3A_233 = vector.shape_cast %get3A_232 : vector<1x16xf32> to vector<16xf32>
          %mul3A_234 = arith.mulf %get3A_233, %broadcast_in_dim3A_200 : vector<16xf32>
          %swap3A_235 = arith.index_cast %add3A_197 : i32 to index
          %swap3A_236 = arith.constant 48 : index
          %swap3A_237 = tpu.vector_load %arg14[%swap3A_235, %swap3A_236] {strides = array<i32>} : memref<80x128xf32, #tpu.memory_space<vmem>>, vector<1x16xf32>,
          %swap3A_238 = vector.shape_cast %swap3A_237 : vector<1x16xf32> to vector<16xf32>
          %swap3A_239 = vector.shape_cast %mul3A_234 : vector<16xf32> to vector<1x16xf32>
          tpu.vector_store %arg14[%swap3A_235, %swap3A_236], %swap3A_239 {strides = array<i32>} : memref<80x128xf32, #tpu.memory_space<vmem>>, vector<1x16xf32>,
          %get3A_240 = arith.index_cast %add3A_197 : i32 to index
          %get3A_241 = arith.constant 64 : index
          %get3A_242 = tpu.vector_load %arg14[%get3A_240, %get3A_241] {strides = array<i32>} : memref<80x128xf32, #tpu.memory_space<vmem>>, vector<1x16xf32>,
          %get3A_243 = vector.shape_cast %get3A_242 : vector<1x16xf32> to vector<16xf32>
          %mul3A_244 = arith.mulf %get3A_243, %broadcast_in_dim3A_200 : vector<16xf32>
          %swap3A_245 = arith.index_cast %add3A_197 : i32 to index
          %swap3A_246 = arith.constant 64 : index
          %swap3A_247 = tpu.vector_load %arg14[%swap3A_245, %swap3A_246] {strides = array<i32>} : memref<80x128xf32, #tpu.memory_space<vmem>>, vector<1x16xf32>,
          %swap3A_248 = vector.shape_cast %swap3A_247 : vector<1x16xf32> to vector<16xf32>
          %swap3A_249 = vector.shape_cast %mul3A_244 : vector<16xf32> to vector<1x16xf32>
          tpu.vector_store %arg14[%swap3A_245, %swap3A_246], %swap3A_249 {strides = array<i32>} : memref<80x128xf32, #tpu.memory_space<vmem>>, vector<1x16xf32>,
          %get3A_250 = arith.index_cast %add3A_197 : i32 to index
          %get3A_251 = arith.constant 80 : index
          %get3A_252 = tpu.vector_load %arg14[%get3A_250, %get3A_251] {strides = array<i32>} : memref<80x128xf32, #tpu.memory_space<vmem>>, vector<1x16xf32>,
          %get3A_253 = vector.shape_cast %get3A_252 : vector<1x16xf32> to vector<16xf32>
          %mul3A_254 = arith.mulf %get3A_253, %broadcast_in_dim3A_200 : vector<16xf32>
          %swap3A_255 = arith.index_cast %add3A_197 : i32 to index
          %swap3A_256 = arith.constant 80 : index
          %swap3A_257 = tpu.vector_load %arg14[%swap3A_255, %swap3A_256] {strides = array<i32>} : memref<80x128xf32, #tpu.memory_space<vmem>>, vector<1x16xf32>,
          %swap3A_258 = vector.shape_cast %swap3A_257 : vector<1x16xf32> to vector<16xf32>
          %swap3A_259 = vector.shape_cast %mul3A_254 : vector<16xf32> to vector<1x16xf32>
          tpu.vector_store %arg14[%swap3A_255, %swap3A_256], %swap3A_259 {strides = array<i32>} : memref<80x128xf32, #tpu.memory_space<vmem>>, vector<1x16xf32>,
          %get3A_260 = arith.index_cast %add3A_197 : i32 to index
          %get3A_261 = arith.constant 96 : index
          %get3A_262 = tpu.vector_load %arg14[%get3A_260, %get3A_261] {strides = array<i32>} : memref<80x128xf32, #tpu.memory_space<vmem>>, vector<1x16xf32>,
          %get3A_263 = vector.shape_cast %get3A_262 : vector<1x16xf32> to vector<16xf32>
          %mul3A_264 = arith.mulf %get3A_263, %broadcast_in_dim3A_200 : vector<16xf32>
          %swap3A_265 = arith.index_cast %add3A_197 : i32 to index
          %swap3A_266 = arith.constant 96 : index
          %swap3A_267 = tpu.vector_load %arg14[%swap3A_265, %swap3A_266] {strides = array<i32>} : memref<80x128xf32, #tpu.memory_space<vmem>>, vector<1x16xf32>,
          %swap3A_268 = vector.shape_cast %swap3A_267 : vector<1x16xf32> to vector<16xf32>
          %swap3A_269 = vector.shape_cast %mul3A_264 : vector<16xf32> to vector<1x16xf32>
          tpu.vector_store %arg14[%swap3A_265, %swap3A_266], %swap3A_269 {strides = array<i32>} : memref<80x128xf32, #tpu.memory_space<vmem>>, vector<1x16xf32>,
          %get3A_270 = arith.index_cast %add3A_197 : i32 to index
          %get3A_271 = arith.constant 112 : index
          %get3A_272 = tpu.vector_load %arg14[%get3A_270, %get3A_271] {strides = array<i32>} : memref<80x128xf32, #tpu.memory_space<vmem>>, vector<1x16xf32>,
          %get3A_273 = vector.shape_cast %get3A_272 : vector<1x16xf32> to vector<16xf32>
          %mul3A_274 = arith.mulf %get3A_273, %broadcast_in_dim3A_200 : vector<16xf32>
          %swap3A_275 = arith.index_cast %add3A_197 : i32 to index
          %swap3A_276 = arith.constant 112 : index
          %swap3A_277 = tpu.vector_load %arg14[%swap3A_275, %swap3A_276] {strides = array<i32>} : memref<80x128xf32, #tpu.memory_space<vmem>>, vector<1x16xf32>,
          %swap3A_278 = vector.shape_cast %swap3A_277 : vector<1x16xf32> to vector<16xf32>
          %swap3A_279 = vector.shape_cast %mul3A_274 : vector<16xf32> to vector<1x16xf32>
          tpu.vector_store %arg14[%swap3A_275, %swap3A_276], %swap3A_279 {strides = array<i32>} : memref<80x128xf32, #tpu.memory_space<vmem>>, vector<1x16xf32>,
          %mul3A_280 = arith.constant 4 : i32
          %mul3A_281 = arith.muli %scan3A_192, %mul3A_280 : i32
          %add3A_282 = arith.constant 1 : i32
          %add3A_283 = arith.addi %mul3A_281, %add3A_282 : i32
          %get3A_284 = arith.index_cast %add3A_283 : i32 to index
          %get3A_285 = tpu.vector_load %arg11[%get3A_284] {strides = array<i32>} : memref<96xf32, #tpu.memory_space<vmem>>, vector<16xf32>,
          %get3A_286 = vector.shape_cast %get3A_285 : vector<16xf32> to vector<16xf32>
          %slice3A_287 = vector.extract_strided_slice %get3A_286 {offsets = [0], sizes = [1], strides = [1]} : vector<16xf32> to vector<1xf32>
          %squeeze3A_288 = vector.extract %slice3A_287[0] : f32 from vector<1xf32>
          %broadcast_in_dim3A_289 = vector.broadcast %squeeze3A_288 : f32 to vector<16xf32>
          %get3A_290 = arith.index_cast %add3A_283 : i32 to index
          %get3A_291 = arith.constant 0 : index
          %get3A_292 = tpu.vector_load %arg14[%get3A_290, %get3A_291] {strides = array<i32>} : memref<80x128xf32, #tpu.memory_space<vmem>>, vector<1x16xf32>,
          %get3A_293 = vector.shape_cast %get3A_292 : vector<1x16xf32> to vector<16xf32>
          %mul3A_294 = arith.mulf %get3A_293, %broadcast_in_dim3A_289 : vector<16xf32>
          %swap3A_295 = arith.index_cast %add3A_283 : i32 to index
          %swap3A_296 = arith.constant 0 : index
          %swap3A_297 = tpu.vector_load %arg14[%swap3A_295, %swap3A_296] {strides = array<i32>} : memref<80x128xf32, #tpu.memory_space<vmem>>, vector<1x16xf32>,
          %swap3A_298 = vector.shape_cast %swap3A_297 : vector<1x16xf32> to vector<16xf32>
          %swap3A_299 = vector.shape_cast %mul3A_294 : vector<16xf32> to vector<1x16xf32>
          tpu.vector_store %arg14[%swap3A_295, %swap3A_296], %swap3A_299 {strides = array<i32>} : memref<80x128xf32, #tpu.memory_space<vmem>>, vector<1x16xf32>,
          %get3A_300 = arith.index_cast %add3A_283 : i32 to index
          %get3A_301 = arith.constant 16 : index
          %get3A_302 = tpu.vector_load %arg14[%get3A_300, %get3A_301] {strides = array<i32>} : memref<80x128xf32, #tpu.memory_space<vmem>>, vector<1x16xf32>,
          %get3A_303 = vector.shape_cast %get3A_302 : vector<1x16xf32> to vector<16xf32>
          %mul3A_304 = arith.mulf %get3A_303, %broadcast_in_dim3A_289 : vector<16xf32>
          %swap3A_305 = arith.index_cast %add3A_283 : i32 to index
          %swap3A_306 = arith.constant 16 : index
          %swap3A_307 = tpu.vector_load %arg14[%swap3A_305, %swap3A_306] {strides = array<i32>} : memref<80x128xf32, #tpu.memory_space<vmem>>, vector<1x16xf32>,
          %swap3A_308 = vector.shape_cast %swap3A_307 : vector<1x16xf32> to vector<16xf32>
          %swap3A_309 = vector.shape_cast %mul3A_304 : vector<16xf32> to vector<1x16xf32>
          tpu.vector_store %arg14[%swap3A_305, %swap3A_306], %swap3A_309 {strides = array<i32>} : memref<80x128xf32, #tpu.memory_space<vmem>>, vector<1x16xf32>,
          %get3A_310 = arith.index_cast %add3A_283 : i32 to index
          %get3A_311 = arith.constant 32 : index
          %get3A_312 = tpu.vector_load %arg14[%get3A_310, %get3A_311] {strides = array<i32>} : memref<80x128xf32, #tpu.memory_space<vmem>>, vector<1x16xf32>,
          %get3A_313 = vector.shape_cast %get3A_312 : vector<1x16xf32> to vector<16xf32>
          %mul3A_314 = arith.mulf %get3A_313, %broadcast_in_dim3A_289 : vector<16xf32>
          %swap3A_315 = arith.index_cast %add3A_283 : i32 to index
          %swap3A_316 = arith.constant 32 : index
          %swap3A_317 = tpu.vector_load %arg14[%swap3A_315, %swap3A_316] {strides = array<i32>} : memref<80x128xf32, #tpu.memory_space<vmem>>, vector<1x16xf32>,
          %swap3A_318 = vector.shape_cast %swap3A_317 : vector<1x16xf32> to vector<16xf32>
          %swap3A_319 = vector.shape_cast %mul3A_314 : vector<16xf32> to vector<1x16xf32>
          tpu.vector_store %arg14[%swap3A_315, %swap3A_316], %swap3A_319 {strides = array<i32>} : memref<80x128xf32, #tpu.memory_space<vmem>>, vector<1x16xf32>,
          %get3A_320 = arith.index_cast %add3A_283 : i32 to index
          %get3A_321 = arith.constant 48 : index
          %get3A_322 = tpu.vector_load %arg14[%get3A_320, %get3A_321] {strides = array<i32>} : memref<80x128xf32, #tpu.memory_space<vmem>>, vector<1x16xf32>,
          %get3A_323 = vector.shape_cast %get3A_322 : vector<1x16xf32> to vector<16xf32>
          %mul3A_324 = arith.mulf %get3A_323, %broadcast_in_dim3A_289 : vector<16xf32>
          %swap3A_325 = arith.index_cast %add3A_283 : i32 to index
          %swap3A_326 = arith.constant 48 : index
          %swap3A_327 = tpu.vector_load %arg14[%swap3A_325, %swap3A_326] {strides = array<i32>} : memref<80x128xf32, #tpu.memory_space<vmem>>, vector<1x16xf32>,
          %swap3A_328 = vector.shape_cast %swap3A_327 : vector<1x16xf32> to vector<16xf32>
          %swap3A_329 = vector.shape_cast %mul3A_324 : vector<16xf32> to vector<1x16xf32>
          tpu.vector_store %arg14[%swap3A_325, %swap3A_326], %swap3A_329 {strides = array<i32>} : memref<80x128xf32, #tpu.memory_space<vmem>>, vector<1x16xf32>,
          %get3A_330 = arith.index_cast %add3A_283 : i32 to index
          %get3A_331 = arith.constant 64 : index
          %get3A_332 = tpu.vector_load %arg14[%get3A_330, %get3A_331] {strides = array<i32>} : memref<80x128xf32, #tpu.memory_space<vmem>>, vector<1x16xf32>,
          %get3A_333 = vector.shape_cast %get3A_332 : vector<1x16xf32> to vector<16xf32>
          %mul3A_334 = arith.mulf %get3A_333, %broadcast_in_dim3A_289 : vector<16xf32>
          %swap3A_335 = arith.index_cast %add3A_283 : i32 to index
          %swap3A_336 = arith.constant 64 : index
          %swap3A_337 = tpu.vector_load %arg14[%swap3A_335, %swap3A_336] {strides = array<i32>} : memref<80x128xf32, #tpu.memory_space<vmem>>, vector<1x16xf32>,
          %swap3A_338 = vector.shape_cast %swap3A_337 : vector<1x16xf32> to vector<16xf32>
          %swap3A_339 = vector.shape_cast %mul3A_334 : vector<16xf32> to vector<1x16xf32>
          tpu.vector_store %arg14[%swap3A_335, %swap3A_336], %swap3A_339 {strides = array<i32>} : memref<80x128xf32, #tpu.memory_space<vmem>>, vector<1x16xf32>,
          %get3A_340 = arith.index_cast %add3A_283 : i32 to index
          %get3A_341 = arith.constant 80 : index
          %get3A_342 = tpu.vector_load %arg14[%get3A_340, %get3A_341] {strides = array<i32>} : memref<80x128xf32, #tpu.memory_space<vmem>>, vector<1x16xf32>,
          %get3A_343 = vector.shape_cast %get3A_342 : vector<1x16xf32> to vector<16xf32>
          %mul3A_344 = arith.mulf %get3A_343, %broadcast_in_dim3A_289 : vector<16xf32>
          %swap3A_345 = arith.index_cast %add3A_283 : i32 to index
          %swap3A_346 = arith.constant 80 : index
          %swap3A_347 = tpu.vector_load %arg14[%swap3A_345, %swap3A_346] {strides = array<i32>} : memref<80x128xf32, #tpu.memory_space<vmem>>, vector<1x16xf32>,
          %swap3A_348 = vector.shape_cast %swap3A_347 : vector<1x16xf32> to vector<16xf32>
          %swap3A_349 = vector.shape_cast %mul3A_344 : vector<16xf32> to vector<1x16xf32>
          tpu.vector_store %arg14[%swap3A_345, %swap3A_346], %swap3A_349 {strides = array<i32>} : memref<80x128xf32, #tpu.memory_space<vmem>>, vector<1x16xf32>,
          %get3A_350 = arith.index_cast %add3A_283 : i32 to index
          %get3A_351 = arith.constant 96 : index
          %get3A_352 = tpu.vector_load %arg14[%get3A_350, %get3A_351] {strides = array<i32>} : memref<80x128xf32, #tpu.memory_space<vmem>>, vector<1x16xf32>,
          %get3A_353 = vector.shape_cast %get3A_352 : vector<1x16xf32> to vector<16xf32>
          %mul3A_354 = arith.mulf %get3A_353, %broadcast_in_dim3A_289 : vector<16xf32>
          %swap3A_355 = arith.index_cast %add3A_283 : i32 to index
          %swap3A_356 = arith.constant 96 : index
          %swap3A_357 = tpu.vector_load %arg14[%swap3A_355, %swap3A_356] {strides = array<i32>} : memref<80x128xf32, #tpu.memory_space<vmem>>, vector<1x16xf32>,
          %swap3A_358 = vector.shape_cast %swap3A_357 : vector<1x16xf32> to vector<16xf32>
          %swap3A_359 = vector.shape_cast %mul3A_354 : vector<16xf32> to vector<1x16xf32>
          tpu.vector_store %arg14[%swap3A_355, %swap3A_356], %swap3A_359 {strides = array<i32>} : memref<80x128xf32, #tpu.memory_space<vmem>>, vector<1x16xf32>,
          %get3A_360 = arith.index_cast %add3A_283 : i32 to index
          %get3A_361 = arith.constant 112 : index
          %get3A_362 = tpu.vector_load %arg14[%get3A_360, %get3A_361] {strides = array<i32>} : memref<80x128xf32, #tpu.memory_space<vmem>>, vector<1x16xf32>,
          %get3A_363 = vector.shape_cast %get3A_362 : vector<1x16xf32> to vector<16xf32>
          %mul3A_364 = arith.mulf %get3A_363, %broadcast_in_dim3A_289 : vector<16xf32>
          %swap3A_365 = arith.index_cast %add3A_283 : i32 to index
          %swap3A_366 = arith.constant 112 : index
          %swap3A_367 = tpu.vector_load %arg14[%swap3A_365, %swap3A_366] {strides = array<i32>} : memref<80x128xf32, #tpu.memory_space<vmem>>, vector<1x16xf32>,
          %swap3A_368 = vector.shape_cast %swap3A_367 : vector<1x16xf32> to vector<16xf32>
          %swap3A_369 = vector.shape_cast %mul3A_364 : vector<16xf32> to vector<1x16xf32>
          tpu.vector_store %arg14[%swap3A_365, %swap3A_366], %swap3A_369 {strides = array<i32>} : memref<80x128xf32, #tpu.memory_space<vmem>>, vector<1x16xf32>,
          %mul3A_370 = arith.constant 4 : i32
          %mul3A_371 = arith.muli %scan3A_192, %mul3A_370 : i32
          %add3A_372 = arith.constant 2 : i32
          %add3A_373 = arith.addi %mul3A_371, %add3A_372 : i32
          %get3A_374 = arith.index_cast %add3A_373 : i32 to index
          %get3A_375 = tpu.vector_load %arg11[%get3A_374] {strides = array<i32>} : memref<96xf32, #tpu.memory_space<vmem>>, vector<16xf32>,
          %get3A_376 = vector.shape_cast %get3A_375 : vector<16xf32> to vector<16xf32>
          %slice3A_377 = vector.extract_strided_slice %get3A_376 {offsets = [0], sizes = [1], strides = [1]} : vector<16xf32> to vector<1xf32>
          %squeeze3A_378 = vector.extract %slice3A_377[0] : f32 from vector<1xf32>
          %broadcast_in_dim3A_379 = vector.broadcast %squeeze3A_378 : f32 to vector<16xf32>
          %get3A_380 = arith.index_cast %add3A_373 : i32 to index
          %get3A_381 = arith.constant 0 : index
          %get3A_382 = tpu.vector_load %arg14[%get3A_380, %get3A_381] {strides = array<i32>} : memref<80x128xf32, #tpu.memory_space<vmem>>, vector<1x16xf32>,
          %get3A_383 = vector.shape_cast %get3A_382 : vector<1x16xf32> to vector<16xf32>
          %mul3A_384 = arith.mulf %get3A_383, %broadcast_in_dim3A_379 : vector<16xf32>
          %swap3A_385 = arith.index_cast %add3A_373 : i32 to index
          %swap3A_386 = arith.constant 0 : index
          %swap3A_387 = tpu.vector_load %arg14[%swap3A_385, %swap3A_386] {strides = array<i32>} : memref<80x128xf32, #tpu.memory_space<vmem>>, vector<1x16xf32>,
          %swap3A_388 = vector.shape_cast %swap3A_387 : vector<1x16xf32> to vector<16xf32>
          %swap3A_389 = vector.shape_cast %mul3A_384 : vector<16xf32> to vector<1x16xf32>
          tpu.vector_store %arg14[%swap3A_385, %swap3A_386], %swap3A_389 {strides = array<i32>} : memref<80x128xf32, #tpu.memory_space<vmem>>, vector<1x16xf32>,
          %get3A_390 = arith.index_cast %add3A_373 : i32 to index
          %get3A_391 = arith.constant 16 : index
          %get3A_392 = tpu.vector_load %arg14[%get3A_390, %get3A_391] {strides = array<i32>} : memref<80x128xf32, #tpu.memory_space<vmem>>, vector<1x16xf32>,
          %get3A_393 = vector.shape_cast %get3A_392 : vector<1x16xf32> to vector<16xf32>
          %mul3A_394 = arith.mulf %get3A_393, %broadcast_in_dim3A_379 : vector<16xf32>
          %swap3A_395 = arith.index_cast %add3A_373 : i32 to index
          %swap3A_396 = arith.constant 16 : index
          %swap3A_397 = tpu.vector_load %arg14[%swap3A_395, %swap3A_396] {strides = array<i32>} : memref<80x128xf32, #tpu.memory_space<vmem>>, vector<1x16xf32>,
          %swap3A_398 = vector.shape_cast %swap3A_397 : vector<1x16xf32> to vector<16xf32>
          %swap3A_399 = vector.shape_cast %mul3A_394 : vector<16xf32> to vector<1x16xf32>
          tpu.vector_store %arg14[%swap3A_395, %swap3A_396], %swap3A_399 {strides = array<i32>} : memref<80x128xf32, #tpu.memory_space<vmem>>, vector<1x16xf32>,
          %get3A_400 = arith.index_cast %add3A_373 : i32 to index
          %get3A_401 = arith.constant 32 : index
          %get3A_402 = tpu.vector_load %arg14[%get3A_400, %get3A_401] {strides = array<i32>} : memref<80x128xf32, #tpu.memory_space<vmem>>, vector<1x16xf32>,
          %get3A_403 = vector.shape_cast %get3A_402 : vector<1x16xf32> to vector<16xf32>
          %mul3A_404 = arith.mulf %get3A_403, %broadcast_in_dim3A_379 : vector<16xf32>
          %swap3A_405 = arith.index_cast %add3A_373 : i32 to index
          %swap3A_406 = arith.constant 32 : index
          %swap3A_407 = tpu.vector_load %arg14[%swap3A_405, %swap3A_406] {strides = array<i32>} : memref<80x128xf32, #tpu.memory_space<vmem>>, vector<1x16xf32>,
          %swap3A_408 = vector.shape_cast %swap3A_407 : vector<1x16xf32> to vector<16xf32>
          %swap3A_409 = vector.shape_cast %mul3A_404 : vector<16xf32> to vector<1x16xf32>
          tpu.vector_store %arg14[%swap3A_405, %swap3A_406], %swap3A_409 {strides = array<i32>} : memref<80x128xf32, #tpu.memory_space<vmem>>, vector<1x16xf32>,
          %get3A_410 = arith.index_cast %add3A_373 : i32 to index
          %get3A_411 = arith.constant 48 : index
          %get3A_412 = tpu.vector_load %arg14[%get3A_410, %get3A_411] {strides = array<i32>} : memref<80x128xf32, #tpu.memory_space<vmem>>, vector<1x16xf32>,
          %get3A_413 = vector.shape_cast %get3A_412 : vector<1x16xf32> to vector<16xf32>
          %mul3A_414 = arith.mulf %get3A_413, %broadcast_in_dim3A_379 : vector<16xf32>
          %swap3A_415 = arith.index_cast %add3A_373 : i32 to index
          %swap3A_416 = arith.constant 48 : index
          %swap3A_417 = tpu.vector_load %arg14[%swap3A_415, %swap3A_416] {strides = array<i32>} : memref<80x128xf32, #tpu.memory_space<vmem>>, vector<1x16xf32>,
          %swap3A_418 = vector.shape_cast %swap3A_417 : vector<1x16xf32> to vector<16xf32>
          %swap3A_419 = vector.shape_cast %mul3A_414 : vector<16xf32> to vector<1x16xf32>
          tpu.vector_store %arg14[%swap3A_415, %swap3A_416], %swap3A_419 {strides = array<i32>} : memref<80x128xf32, #tpu.memory_space<vmem>>, vector<1x16xf32>,
          %get3A_420 = arith.index_cast %add3A_373 : i32 to index
          %get3A_421 = arith.constant 64 : index
          %get3A_422 = tpu.vector_load %arg14[%get3A_420, %get3A_421] {strides = array<i32>} : memref<80x128xf32, #tpu.memory_space<vmem>>, vector<1x16xf32>,
          %get3A_423 = vector.shape_cast %get3A_422 : vector<1x16xf32> to vector<16xf32>
          %mul3A_424 = arith.mulf %get3A_423, %broadcast_in_dim3A_379 : vector<16xf32>
          %swap3A_425 = arith.index_cast %add3A_373 : i32 to index
          %swap3A_426 = arith.constant 64 : index
          %swap3A_427 = tpu.vector_load %arg14[%swap3A_425, %swap3A_426] {strides = array<i32>} : memref<80x128xf32, #tpu.memory_space<vmem>>, vector<1x16xf32>,
          %swap3A_428 = vector.shape_cast %swap3A_427 : vector<1x16xf32> to vector<16xf32>
          %swap3A_429 = vector.shape_cast %mul3A_424 : vector<16xf32> to vector<1x16xf32>
          tpu.vector_store %arg14[%swap3A_425, %swap3A_426], %swap3A_429 {strides = array<i32>} : memref<80x128xf32, #tpu.memory_space<vmem>>, vector<1x16xf32>,
          %get3A_430 = arith.index_cast %add3A_373 : i32 to index
          %get3A_431 = arith.constant 80 : index
          %get3A_432 = tpu.vector_load %arg14[%get3A_430, %get3A_431] {strides = array<i32>} : memref<80x128xf32, #tpu.memory_space<vmem>>, vector<1x16xf32>,
          %get3A_433 = vector.shape_cast %get3A_432 : vector<1x16xf32> to vector<16xf32>
          %mul3A_434 = arith.mulf %get3A_433, %broadcast_in_dim3A_379 : vector<16xf32>
          %swap3A_435 = arith.index_cast %add3A_373 : i32 to index
          %swap3A_436 = arith.constant 80 : index
          %swap3A_437 = tpu.vector_load %arg14[%swap3A_435, %swap3A_436] {strides = array<i32>} : memref<80x128xf32, #tpu.memory_space<vmem>>, vector<1x16xf32>,
          %swap3A_438 = vector.shape_cast %swap3A_437 : vector<1x16xf32> to vector<16xf32>
          %swap3A_439 = vector.shape_cast %mul3A_434 : vector<16xf32> to vector<1x16xf32>
          tpu.vector_store %arg14[%swap3A_435, %swap3A_436], %swap3A_439 {strides = array<i32>} : memref<80x128xf32, #tpu.memory_space<vmem>>, vector<1x16xf32>,
          %get3A_440 = arith.index_cast %add3A_373 : i32 to index
          %get3A_441 = arith.constant 96 : index
          %get3A_442 = tpu.vector_load %arg14[%get3A_440, %get3A_441] {strides = array<i32>} : memref<80x128xf32, #tpu.memory_space<vmem>>, vector<1x16xf32>,
          %get3A_443 = vector.shape_cast %get3A_442 : vector<1x16xf32> to vector<16xf32>
          %mul3A_444 = arith.mulf %get3A_443, %broadcast_in_dim3A_379 : vector<16xf32>
          %swap3A_445 = arith.index_cast %add3A_373 : i32 to index
          %swap3A_446 = arith.constant 96 : index
          %swap3A_447 = tpu.vector_load %arg14[%swap3A_445, %swap3A_446] {strides = array<i32>} : memref<80x128xf32, #tpu.memory_space<vmem>>, vector<1x16xf32>,
          %swap3A_448 = vector.shape_cast %swap3A_447 : vector<1x16xf32> to vector<16xf32>
          %swap3A_449 = vector.shape_cast %mul3A_444 : vector<16xf32> to vector<1x16xf32>
          tpu.vector_store %arg14[%swap3A_445, %swap3A_446], %swap3A_449 {strides = array<i32>} : memref<80x128xf32, #tpu.memory_space<vmem>>, vector<1x16xf32>,
          %get3A_450 = arith.index_cast %add3A_373 : i32 to index
          %get3A_451 = arith.constant 112 : index
          %get3A_452 = tpu.vector_load %arg14[%get3A_450, %get3A_451] {strides = array<i32>} : memref<80x128xf32, #tpu.memory_space<vmem>>, vector<1x16xf32>,
          %get3A_453 = vector.shape_cast %get3A_452 : vector<1x16xf32> to vector<16xf32>
          %mul3A_454 = arith.mulf %get3A_453, %broadcast_in_dim3A_379 : vector<16xf32>
          %swap3A_455 = arith.index_cast %add3A_373 : i32 to index
          %swap3A_456 = arith.constant 112 : index
          %swap3A_457 = tpu.vector_load %arg14[%swap3A_455, %swap3A_456] {strides = array<i32>} : memref<80x128xf32, #tpu.memory_space<vmem>>, vector<1x16xf32>,
          %swap3A_458 = vector.shape_cast %swap3A_457 : vector<1x16xf32> to vector<16xf32>
          %swap3A_459 = vector.shape_cast %mul3A_454 : vector<16xf32> to vector<1x16xf32>
          tpu.vector_store %arg14[%swap3A_455, %swap3A_456], %swap3A_459 {strides = array<i32>} : memref<80x128xf32, #tpu.memory_space<vmem>>, vector<1x16xf32>,
          %mul3A_460 = arith.constant 4 : i32
          %mul3A_461 = arith.muli %scan3A_192, %mul3A_460 : i32
          %add3A_462 = arith.constant 3 : i32
          %add3A_463 = arith.addi %mul3A_461, %add3A_462 : i32
          %get3A_464 = arith.index_cast %add3A_463 : i32 to index
          %get3A_465 = tpu.vector_load %arg11[%get3A_464] {strides = array<i32>} : memref<96xf32, #tpu.memory_space<vmem>>, vector<16xf32>,
          %get3A_466 = vector.shape_cast %get3A_465 : vector<16xf32> to vector<16xf32>
          %slice3A_467 = vector.extract_strided_slice %get3A_466 {offsets = [0], sizes = [1], strides = [1]} : vector<16xf32> to vector<1xf32>
          %squeeze3A_468 = vector.extract %slice3A_467[0] : f32 from vector<1xf32>
          %broadcast_in_dim3A_469 = vector.broadcast %squeeze3A_468 : f32 to vector<16xf32>
          %get3A_470 = arith.index_cast %add3A_463 : i32 to index
          %get3A_471 = arith.constant 0 : index
          %get3A_472 = tpu.vector_load %arg14[%get3A_470, %get3A_471] {strides = array<i32>} : memref<80x128xf32, #tpu.memory_space<vmem>>, vector<1x16xf32>,
          %get3A_473 = vector.shape_cast %get3A_472 : vector<1x16xf32> to vector<16xf32>
          %mul3A_474 = arith.mulf %get3A_473, %broadcast_in_dim3A_469 : vector<16xf32>
          %swap3A_475 = arith.index_cast %add3A_463 : i32 to index
          %swap3A_476 = arith.constant 0 : index
          %swap3A_477 = tpu.vector_load %arg14[%swap3A_475, %swap3A_476] {strides = array<i32>} : memref<80x128xf32, #tpu.memory_space<vmem>>, vector<1x16xf32>,
          %swap3A_478 = vector.shape_cast %swap3A_477 : vector<1x16xf32> to vector<16xf32>
          %swap3A_479 = vector.shape_cast %mul3A_474 : vector<16xf32> to vector<1x16xf32>
          tpu.vector_store %arg14[%swap3A_475, %swap3A_476], %swap3A_479 {strides = array<i32>} : memref<80x128xf32, #tpu.memory_space<vmem>>, vector<1x16xf32>,
          %get3A_480 = arith.index_cast %add3A_463 : i32 to index
          %get3A_481 = arith.constant 16 : index
          %get3A_482 = tpu.vector_load %arg14[%get3A_480, %get3A_481] {strides = array<i32>} : memref<80x128xf32, #tpu.memory_space<vmem>>, vector<1x16xf32>,
          %get3A_483 = vector.shape_cast %get3A_482 : vector<1x16xf32> to vector<16xf32>
          %mul3A_484 = arith.mulf %get3A_483, %broadcast_in_dim3A_469 : vector<16xf32>
          %swap3A_485 = arith.index_cast %add3A_463 : i32 to index
          %swap3A_486 = arith.constant 16 : index
          %swap3A_487 = tpu.vector_load %arg14[%swap3A_485, %swap3A_486] {strides = array<i32>} : memref<80x128xf32, #tpu.memory_space<vmem>>, vector<1x16xf32>,
          %swap3A_488 = vector.shape_cast %swap3A_487 : vector<1x16xf32> to vector<16xf32>
          %swap3A_489 = vector.shape_cast %mul3A_484 : vector<16xf32> to vector<1x16xf32>
          tpu.vector_store %arg14[%swap3A_485, %swap3A_486], %swap3A_489 {strides = array<i32>} : memref<80x128xf32, #tpu.memory_space<vmem>>, vector<1x16xf32>,
          %get3A_490 = arith.index_cast %add3A_463 : i32 to index
          %get3A_491 = arith.constant 32 : index
          %get3A_492 = tpu.vector_load %arg14[%get3A_490, %get3A_491] {strides = array<i32>} : memref<80x128xf32, #tpu.memory_space<vmem>>, vector<1x16xf32>,
          %get3A_493 = vector.shape_cast %get3A_492 : vector<1x16xf32> to vector<16xf32>
          %mul3A_494 = arith.mulf %get3A_493, %broadcast_in_dim3A_469 : vector<16xf32>
          %swap3A_495 = arith.index_cast %add3A_463 : i32 to index
          %swap3A_496 = arith.constant 32 : index
          %swap3A_497 = tpu.vector_load %arg14[%swap3A_495, %swap3A_496] {strides = array<i32>} : memref<80x128xf32, #tpu.memory_space<vmem>>, vector<1x16xf32>,
          %swap3A_498 = vector.shape_cast %swap3A_497 : vector<1x16xf32> to vector<16xf32>
          %swap3A_499 = vector.shape_cast %mul3A_494 : vector<16xf32> to vector<1x16xf32>
          tpu.vector_store %arg14[%swap3A_495, %swap3A_496], %swap3A_499 {strides = array<i32>} : memref<80x128xf32, #tpu.memory_space<vmem>>, vector<1x16xf32>,
          %get3A_500 = arith.index_cast %add3A_463 : i32 to index
          %get3A_501 = arith.constant 48 : index
          %get3A_502 = tpu.vector_load %arg14[%get3A_500, %get3A_501] {strides = array<i32>} : memref<80x128xf32, #tpu.memory_space<vmem>>, vector<1x16xf32>,
          %get3A_503 = vector.shape_cast %get3A_502 : vector<1x16xf32> to vector<16xf32>
          %mul3A_504 = arith.mulf %get3A_503, %broadcast_in_dim3A_469 : vector<16xf32>
          %swap3A_505 = arith.index_cast %add3A_463 : i32 to index
          %swap3A_506 = arith.constant 48 : index
          %swap3A_507 = tpu.vector_load %arg14[%swap3A_505, %swap3A_506] {strides = array<i32>} : memref<80x128xf32, #tpu.memory_space<vmem>>, vector<1x16xf32>,
          %swap3A_508 = vector.shape_cast %swap3A_507 : vector<1x16xf32> to vector<16xf32>
          %swap3A_509 = vector.shape_cast %mul3A_504 : vector<16xf32> to vector<1x16xf32>
          tpu.vector_store %arg14[%swap3A_505, %swap3A_506], %swap3A_509 {strides = array<i32>} : memref<80x128xf32, #tpu.memory_space<vmem>>, vector<1x16xf32>,
          %get3A_510 = arith.index_cast %add3A_463 : i32 to index
          %get3A_511 = arith.constant 64 : index
          %get3A_512 = tpu.vector_load %arg14[%get3A_510, %get3A_511] {strides = array<i32>} : memref<80x128xf32, #tpu.memory_space<vmem>>, vector<1x16xf32>,
          %get3A_513 = vector.shape_cast %get3A_512 : vector<1x16xf32> to vector<16xf32>
          %mul3A_514 = arith.mulf %get3A_513, %broadcast_in_dim3A_469 : vector<16xf32>
          %swap3A_515 = arith.index_cast %add3A_463 : i32 to index
          %swap3A_516 = arith.constant 64 : index
          %swap3A_517 = tpu.vector_load %arg14[%swap3A_515, %swap3A_516] {strides = array<i32>} : memref<80x128xf32, #tpu.memory_space<vmem>>, vector<1x16xf32>,
          %swap3A_518 = vector.shape_cast %swap3A_517 : vector<1x16xf32> to vector<16xf32>
          %swap3A_519 = vector.shape_cast %mul3A_514 : vector<16xf32> to vector<1x16xf32>
          tpu.vector_store %arg14[%swap3A_515, %swap3A_516], %swap3A_519 {strides = array<i32>} : memref<80x128xf32, #tpu.memory_space<vmem>>, vector<1x16xf32>,
          %get3A_520 = arith.index_cast %add3A_463 : i32 to index
          %get3A_521 = arith.constant 80 : index
          %get3A_522 = tpu.vector_load %arg14[%get3A_520, %get3A_521] {strides = array<i32>} : memref<80x128xf32, #tpu.memory_space<vmem>>, vector<1x16xf32>,
          %get3A_523 = vector.shape_cast %get3A_522 : vector<1x16xf32> to vector<16xf32>
          %mul3A_524 = arith.mulf %get3A_523, %broadcast_in_dim3A_469 : vector<16xf32>
          %swap3A_525 = arith.index_cast %add3A_463 : i32 to index
          %swap3A_526 = arith.constant 80 : index
          %swap3A_527 = tpu.vector_load %arg14[%swap3A_525, %swap3A_526] {strides = array<i32>} : memref<80x128xf32, #tpu.memory_space<vmem>>, vector<1x16xf32>,
          %swap3A_528 = vector.shape_cast %swap3A_527 : vector<1x16xf32> to vector<16xf32>
          %swap3A_529 = vector.shape_cast %mul3A_524 : vector<16xf32> to vector<1x16xf32>
          tpu.vector_store %arg14[%swap3A_525, %swap3A_526], %swap3A_529 {strides = array<i32>} : memref<80x128xf32, #tpu.memory_space<vmem>>, vector<1x16xf32>,
          %get3A_530 = arith.index_cast %add3A_463 : i32 to index
          %get3A_531 = arith.constant 96 : index
          %get3A_532 = tpu.vector_load %arg14[%get3A_530, %get3A_531] {strides = array<i32>} : memref<80x128xf32, #tpu.memory_space<vmem>>, vector<1x16xf32>,
          %get3A_533 = vector.shape_cast %get3A_532 : vector<1x16xf32> to vector<16xf32>
          %mul3A_534 = arith.mulf %get3A_533, %broadcast_in_dim3A_469 : vector<16xf32>
          %swap3A_535 = arith.index_cast %add3A_463 : i32 to index
          %swap3A_536 = arith.constant 96 : index
          %swap3A_537 = tpu.vector_load %arg14[%swap3A_535, %swap3A_536] {strides = array<i32>} : memref<80x128xf32, #tpu.memory_space<vmem>>, vector<1x16xf32>,
          %swap3A_538 = vector.shape_cast %swap3A_537 : vector<1x16xf32> to vector<16xf32>
          %swap3A_539 = vector.shape_cast %mul3A_534 : vector<16xf32> to vector<1x16xf32>
          tpu.vector_store %arg14[%swap3A_535, %swap3A_536], %swap3A_539 {strides = array<i32>} : memref<80x128xf32, #tpu.memory_space<vmem>>, vector<1x16xf32>,
          %get3A_540 = arith.index_cast %add3A_463 : i32 to index
          %get3A_541 = arith.constant 112 : index
          %get3A_542 = tpu.vector_load %arg14[%get3A_540, %get3A_541] {strides = array<i32>} : memref<80x128xf32, #tpu.memory_space<vmem>>, vector<1x16xf32>,
          %get3A_543 = vector.shape_cast %get3A_542 : vector<1x16xf32> to vector<16xf32>
          %mul3A_544 = arith.mulf %get3A_543, %broadcast_in_dim3A_469 : vector<16xf32>
          %swap3A_545 = arith.index_cast %add3A_463 : i32 to index
          %swap3A_546 = arith.constant 112 : index
          %swap3A_547 = tpu.vector_load %arg14[%swap3A_545, %swap3A_546] {strides = array<i32>} : memref<80x128xf32, #tpu.memory_space<vmem>>, vector<1x16xf32>,
          %swap3A_548 = vector.shape_cast %swap3A_547 : vector<1x16xf32> to vector<16xf32>
          %swap3A_549 = vector.shape_cast %mul3A_544 : vector<16xf32> to vector<1x16xf32>
          tpu.vector_store %arg14[%swap3A_545, %swap3A_546], %swap3A_549 {strides = array<i32>} : memref<80x128xf32, #tpu.memory_space<vmem>>, vector<1x16xf32>,
          %scan3A_550 = arith.constant 0 : i32
          scf.yield %scan3A_550 : i32
        }
        %scan3A_181 = arith.constant 20 : i32
        %dma_start3A_182 = arith.constant 0 : i32
        %dma_start3A_183 = arith.constant 0 : i32
        %dma_start3A_184 = tpu.memref_slice %arg17[%dma_start3A_182, %dma_start3A_183] : memref<10240x128xf32, #tpu.memory_space<vmem_shared>> -> memref<10240x128xf32, #tpu.memory_space<vmem_shared>>
        tpu.enqueue_indirect_dma source(%arg14 : memref<80x128xf32, #tpu.memory_space<vmem>>) target(%dma_start3A_184 : memref<10240x128xf32, #tpu.memory_space<vmem_shared>>) offsets(%arg8 : memref<80xi32, #tpu.memory_space<vmem>>) semaphore(%arg21 : memref<!tpu.dma_semaphore, #tpu.memory_space<semaphore_mem>>) {add = true}
        %add3A_185 = arith.constant 3 : i32
        %add3A_186 = arith.addi %scan3A_100, %add3A_185 : i32
        %sub3A = arith.constant 1 : i32
        %sub3A_187 = arith.subi %add3A_186, %sub3A : i32
        %le3A = arith.constant 124 : i32
        %le3A_188 = arith.cmpi sle, %sub3A_187, %le3A : i32
        %convert_element_type3A_189 = arith.extui %le3A_188 : i1 to i32
        %cond3A_190 = arith.constant 0 : i32
        %cond3A_191 = arith.cmpi ne, %convert_element_type3A_189, %cond3A_190 : i32
        scf.if %cond3A_191 {
          %ge3A = arith.constant 1 : i32
          %ge3A_192 = arith.cmpi sge, %scan3A_100, %ge3A : i32
          %convert_element_type3A_193 = arith.extui %ge3A_192 : i1 to i32
          %cond3A_194 = arith.constant 0 : i32
          %cond3A_195 = arith.cmpi ne, %convert_element_type3A_193, %cond3A_194 : i32
          scf.if %cond3A_195 {
            %dma_wait3A_221 = arith.constant 0 : i32
            %dma_wait3A_222 = arith.constant 0 : i32
            %dma_wait3A_223 = tpu.memref_slice %arg17[%dma_wait3A_221, %dma_wait3A_222] : memref<10240x128xf32, #tpu.memory_space<vmem_shared>> -> memref<80x128xf32, #tpu.memory_space<vmem_shared>>
            %dma_wait3A_224 = arith.constant 0 : i32
            %dma_wait3A_225 = arith.constant 0 : i32
            %dma_wait3A_226 = tpu.memref_slice %arg17[%dma_wait3A_224, %dma_wait3A_225] : memref<10240x128xf32, #tpu.memory_space<vmem_shared>> -> memref<80x128xf32, #tpu.memory_space<vmem_shared>>
            tpu.wait_dma2 semaphore(%arg23 : memref<!tpu.dma_semaphore, #tpu.memory_space<semaphore_mem>>) src(%arg16 : memref<80x128xf32, #tpu.memory_space<vmem>>) dst(%dma_wait3A_226 : memref<80x128xf32, #tpu.memory_space<vmem_shared>>)
          } else {
          }
          %add3A_196 = arith.constant 3 : i32
          %add3A_197 = arith.addi %scan3A_100, %add3A_196 : i32
          %sub3A_198 = arith.constant 1 : i32
          %sub3A_199 = arith.subi %add3A_197, %sub3A_198 : i32
          %mul3A_200 = arith.constant 80 : i32
          %mul3A_201 = arith.muli %sub3A_199, %mul3A_200 : i32
          %add3A_202 = arith.addi %mul3A_2, %mul3A_201 : i32
          %dma_start3A_203 = tpu.memref_slice %arg4[%add3A_202] : memref<320000xi32, #tpu.memory_space<hbm>> -> memref<80xi32, #tpu.memory_space<hbm>>
          %dma_start3A_204 = tpu.memref_slice %arg4[%add3A_202] : memref<320000xi32, #tpu.memory_space<hbm>> -> memref<80xi32, #tpu.memory_space<hbm>>
          tpu.enqueue_dma source(%dma_start3A_204 : memref<80xi32, #tpu.memory_space<hbm>>) target(%arg10 : memref<80xi32, #tpu.memory_space<vmem>>) target_semaphore(%arg26 : memref<!tpu.dma_semaphore, #tpu.memory_space<semaphore_mem>>)
          %dma_start3A_205 = arith.constant 0 : i32
          %dma_start3A_206 = tpu.memref_slice %arg13[%dma_start3A_205] : memref<96xf32, #tpu.memory_space<vmem>> -> memref<80xf32, #tpu.memory_space<vmem>>
          %dma_start3A_207 = tpu.memref_slice %arg5[%add3A_202] : memref<320000xf32, #tpu.memory_space<hbm>> -> memref<80xf32, #tpu.memory_space<hbm>>
          %dma_start3A_208 = arith.constant 0 : i32
          %dma_start3A_209 = tpu.memref_slice %arg13[%dma_start3A_208] : memref<96xf32, #tpu.memory_space<vmem>> -> memref<80xf32, #tpu.memory_space<vmem>>
          %dma_start3A_210 = tpu.memref_slice %arg5[%add3A_202] : memref<320000xf32, #tpu.memory_space<hbm>> -> memref<80xf32, #tpu.memory_space<hbm>>
          tpu.enqueue_dma source(%dma_start3A_210 : memref<80xf32, #tpu.memory_space<hbm>>) target(%dma_start3A_209 : memref<80xf32, #tpu.memory_space<vmem>>) target_semaphore(%arg26 : memref<!tpu.dma_semaphore, #tpu.memory_space<semaphore_mem>>)
          %add3A_211 = arith.constant 3 : i32
          %add3A_212 = arith.addi %scan3A_100, %add3A_211 : i32
          %sub3A_213 = arith.constant 1 : i32
          %sub3A_214 = arith.subi %add3A_212, %sub3A_213 : i32
          %mul3A_215 = arith.constant 80 : i32
          %mul3A_216 = arith.muli %sub3A_214, %mul3A_215 : i32
          %dma_start3A_217 = tpu.memref_slice %arg7[%mul3A_216] : memref<10000xi32, #tpu.memory_space<vmem>> -> memref<80xi32, #tpu.memory_space<vmem>>
          %dma_start3A_218 = arith.constant 0 : i32
          %dma_start3A_219 = arith.constant 0 : i32
          %dma_start3A_220 = tpu.memref_slice %arg2[%dma_start3A_218, %dma_start3A_219] : memref<10240x128xf32, #tpu.memory_space<hbm>> -> memref<10240x128xf32, #tpu.memory_space<hbm>>
          tpu.enqueue_indirect_dma source(%dma_start3A_220 : memref<10240x128xf32, #tpu.memory_space<hbm>>) target(%arg16 : memref<80x128xf32, #tpu.memory_space<vmem>>) offsets(%dma_start3A_217 : memref<80xi32, #tpu.memory_space<vmem>>) semaphore(%arg20 : memref<!tpu.dma_semaphore, #tpu.memory_space<semaphore_mem>>)
        } else {
        }
      } else {
      }
      %jit3A_114 = arith.constant 3 : i32
      %eq3A_115 = arith.constant 0 : i32
      %eq3A_116 = arith.cmpi eq, %jit3A_114, %eq3A_115 : i32
      %jit3A_117 = arith.constant 1 : i32
      %select_n3A_118 = arith.select %eq3A_116, %jit3A_117, %jit3A_114 : i32
      %rem3A_119 = arith.remsi %scan3A_100, %select_n3A_118 : i32
      %ne3A_120 = arith.constant 0 : i32
      %ne3A_121 = arith.cmpi ne, %rem3A_119, %ne3A_120 : i32
      %lt3A_122 = arith.constant 0 : i32
      %lt3A_123 = arith.cmpi slt, %rem3A_119, %lt3A_122 : i32
      %lt3A_124 = arith.constant 0 : i32
      %lt3A_125 = arith.cmpi slt, %select_n3A_118, %lt3A_124 : i32
      %ne3A_126 = arith.xori %lt3A_123, %lt3A_125 : i1
      %and3A_127 = arith.andi %ne3A_126, %ne3A_121 : i1
      %add3A_128 = arith.addi %rem3A_119, %select_n3A_118 : i32
      %select_n3A_129 = arith.select %and3A_127, %add3A_128, %rem3A_119 : i32
      %eq3A_130 = arith.constant 1 : i32
      %eq3A_131 = arith.cmpi eq, %select_n3A_129, %eq3A_130 : i32
      %convert_element_type3A_132 = arith.extui %eq3A_131 : i1 to i32
      %cond3A_133 = arith.constant 0 : i32
      %cond3A_134 = arith.cmpi ne, %convert_element_type3A_132, %cond3A_133 : i32
      scf.if %cond3A_134 {
        %dma_wait3A_157 = arith.constant 0 : i32
        %dma_wait3A_158 = arith.constant 0 : i32
        %dma_wait3A_159 = tpu.memref_slice %arg2[%dma_wait3A_157, %dma_wait3A_158] : memref<10240x128xf32, #tpu.memory_space<hbm>> -> memref<80x128xf32, #tpu.memory_space<hbm>>
        %dma_wait3A_160 = arith.constant 0 : i32
        %dma_wait3A_161 = arith.constant 0 : i32
        %dma_wait3A_162 = tpu.memref_slice %arg2[%dma_wait3A_160, %dma_wait3A_161] : memref<10240x128xf32, #tpu.memory_space<hbm>> -> memref<80x128xf32, #tpu.memory_space<hbm>>
        tpu.wait_dma2 semaphore(%arg19 : memref<!tpu.dma_semaphore, #tpu.memory_space<semaphore_mem>>) src(%dma_wait3A_162 : memref<80x128xf32, #tpu.memory_space<hbm>>) dst(%arg15 : memref<80x128xf32, #tpu.memory_space<vmem>>)
        %dma_wait3A_163 = arith.constant 0 : i32
        %dma_wait3A_164 = tpu.memref_slice %arg4[%dma_wait3A_163] : memref<320000xi32, #tpu.memory_space<hbm>> -> memref<80xi32, #tpu.memory_space<hbm>>
        %dma_wait3A_165 = arith.constant 0 : i32
        %dma_wait3A_166 = tpu.memref_slice %arg4[%dma_wait3A_165] : memref<320000xi32, #tpu.memory_space<hbm>> -> memref<80xi32, #tpu.memory_space<hbm>>
        tpu.wait_dma2 semaphore(%arg25 : memref<!tpu.dma_semaphore, #tpu.memory_space<semaphore_mem>>) src(%dma_wait3A_166 : memref<80xi32, #tpu.memory_space<hbm>>) dst(%arg9 : memref<80xi32, #tpu.memory_space<vmem>>)
        %dma_wait3A_167 = arith.constant 0 : i32
        %dma_wait3A_168 = tpu.memref_slice %arg12[%dma_wait3A_167] : memref<96xf32, #tpu.memory_space<vmem>> -> memref<80xf32, #tpu.memory_space<vmem>>
        %dma_wait3A_169 = arith.constant 0 : i32
        %dma_wait3A_170 = tpu.memref_slice %arg5[%dma_wait3A_169] : memref<320000xf32, #tpu.memory_space<hbm>> -> memref<80xf32, #tpu.memory_space<hbm>>
        %dma_wait3A_171 = arith.constant 0 : i32
        %dma_wait3A_172 = tpu.memref_slice %arg12[%dma_wait3A_171] : memref<96xf32, #tpu.memory_space<vmem>> -> memref<80xf32, #tpu.memory_space<vmem>>
        %dma_wait3A_173 = arith.constant 0 : i32
        %dma_wait3A_174 = tpu.memref_slice %arg5[%dma_wait3A_173] : memref<320000xf32, #tpu.memory_space<hbm>> -> memref<80xf32, #tpu.memory_space<hbm>>
        tpu.wait_dma2 semaphore(%arg25 : memref<!tpu.dma_semaphore, #tpu.memory_space<semaphore_mem>>) src(%dma_wait3A_174 : memref<80xf32, #tpu.memory_space<hbm>>) dst(%dma_wait3A_172 : memref<80xf32, #tpu.memory_space<vmem>>)
        %scan3A_175 = arith.constant 0 : i32
        %scan3A_176 = arith.constant 0 : i32
        %scan3A_177 = arith.constant 20 : i32
        %scan3A_178 = arith.addi %scan3A_176, %scan3A_177 : i32
        %scan3A_179 = arith.constant 1 : i32
        %scan3A_180 = scf.for %scan3A_192 = %scan3A_176 to %scan3A_178 step %scan3A_179 iter_args(%scan3A_193 = %scan3A_175) -> (i32)  : i32 {
          %mul3A_194 = arith.constant 4 : i32
          %mul3A_195 = arith.muli %scan3A_192, %mul3A_194 : i32
          %add3A_196 = arith.constant 0 : i32
          %add3A_197 = arith.addi %mul3A_195, %add3A_196 : i32
          %get3A = arith.index_cast %add3A_197 : i32 to index
          %get3A_198 = tpu.vector_load %arg12[%get3A] {strides = array<i32>} : memref<96xf32, #tpu.memory_space<vmem>>, vector<16xf32>,
          %get3A_199 = vector.shape_cast %get3A_198 : vector<16xf32> to vector<16xf32>
          %slice3A = vector.extract_strided_slice %get3A_199 {offsets = [0], sizes = [1], strides = [1]} : vector<16xf32> to vector<1xf32>
          %squeeze3A = vector.extract %slice3A[0] : f32 from vector<1xf32>
          %broadcast_in_dim3A_200 = vector.broadcast %squeeze3A : f32 to vector<16xf32>
          %get3A_201 = arith.index_cast %add3A_197 : i32 to index
          %get3A_202 = arith.constant 0 : index
          %get3A_203 = tpu.vector_load %arg15[%get3A_201, %get3A_202] {strides = array<i32>} : memref<80x128xf32, #tpu.memory_space<vmem>>, vector<1x16xf32>,
          %get3A_204 = vector.shape_cast %get3A_203 : vector<1x16xf32> to vector<16xf32>
          %mul3A_205 = arith.mulf %get3A_204, %broadcast_in_dim3A_200 : vector<16xf32>
          %swap3A = arith.index_cast %add3A_197 : i32 to index
          %swap3A_206 = arith.constant 0 : index
          %swap3A_207 = tpu.vector_load %arg15[%swap3A, %swap3A_206] {strides = array<i32>} : memref<80x128xf32, #tpu.memory_space<vmem>>, vector<1x16xf32>,
          %swap3A_208 = vector.shape_cast %swap3A_207 : vector<1x16xf32> to vector<16xf32>
          %swap3A_209 = vector.shape_cast %mul3A_205 : vector<16xf32> to vector<1x16xf32>
          tpu.vector_store %arg15[%swap3A, %swap3A_206], %swap3A_209 {strides = array<i32>} : memref<80x128xf32, #tpu.memory_space<vmem>>, vector<1x16xf32>,
          %get3A_210 = arith.index_cast %add3A_197 : i32 to index
          %get3A_211 = arith.constant 16 : index
          %get3A_212 = tpu.vector_load %arg15[%get3A_210, %get3A_211] {strides = array<i32>} : memref<80x128xf32, #tpu.memory_space<vmem>>, vector<1x16xf32>,
          %get3A_213 = vector.shape_cast %get3A_212 : vector<1x16xf32> to vector<16xf32>
          %mul3A_214 = arith.mulf %get3A_213, %broadcast_in_dim3A_200 : vector<16xf32>
          %swap3A_215 = arith.index_cast %add3A_197 : i32 to index
          %swap3A_216 = arith.constant 16 : index
          %swap3A_217 = tpu.vector_load %arg15[%swap3A_215, %swap3A_216] {strides = array<i32>} : memref<80x128xf32, #tpu.memory_space<vmem>>, vector<1x16xf32>,
          %swap3A_218 = vector.shape_cast %swap3A_217 : vector<1x16xf32> to vector<16xf32>
          %swap3A_219 = vector.shape_cast %mul3A_214 : vector<16xf32> to vector<1x16xf32>
          tpu.vector_store %arg15[%swap3A_215, %swap3A_216], %swap3A_219 {strides = array<i32>} : memref<80x128xf32, #tpu.memory_space<vmem>>, vector<1x16xf32>,
          %get3A_220 = arith.index_cast %add3A_197 : i32 to index
          %get3A_221 = arith.constant 32 : index
          %get3A_222 = tpu.vector_load %arg15[%get3A_220, %get3A_221] {strides = array<i32>} : memref<80x128xf32, #tpu.memory_space<vmem>>, vector<1x16xf32>,
          %get3A_223 = vector.shape_cast %get3A_222 : vector<1x16xf32> to vector<16xf32>
          %mul3A_224 = arith.mulf %get3A_223, %broadcast_in_dim3A_200 : vector<16xf32>
          %swap3A_225 = arith.index_cast %add3A_197 : i32 to index
          %swap3A_226 = arith.constant 32 : index
          %swap3A_227 = tpu.vector_load %arg15[%swap3A_225, %swap3A_226] {strides = array<i32>} : memref<80x128xf32, #tpu.memory_space<vmem>>, vector<1x16xf32>,
          %swap3A_228 = vector.shape_cast %swap3A_227 : vector<1x16xf32> to vector<16xf32>
          %swap3A_229 = vector.shape_cast %mul3A_224 : vector<16xf32> to vector<1x16xf32>
          tpu.vector_store %arg15[%swap3A_225, %swap3A_226], %swap3A_229 {strides = array<i32>} : memref<80x128xf32, #tpu.memory_space<vmem>>, vector<1x16xf32>,
          %get3A_230 = arith.index_cast %add3A_197 : i32 to index
          %get3A_231 = arith.constant 48 : index
          %get3A_232 = tpu.vector_load %arg15[%get3A_230, %get3A_231] {strides = array<i32>} : memref<80x128xf32, #tpu.memory_space<vmem>>, vector<1x16xf32>,
          %get3A_233 = vector.shape_cast %get3A_232 : vector<1x16xf32> to vector<16xf32>
          %mul3A_234 = arith.mulf %get3A_233, %broadcast_in_dim3A_200 : vector<16xf32>
          %swap3A_235 = arith.index_cast %add3A_197 : i32 to index
          %swap3A_236 = arith.constant 48 : index
          %swap3A_237 = tpu.vector_load %arg15[%swap3A_235, %swap3A_236] {strides = array<i32>} : memref<80x128xf32, #tpu.memory_space<vmem>>, vector<1x16xf32>,
          %swap3A_238 = vector.shape_cast %swap3A_237 : vector<1x16xf32> to vector<16xf32>
          %swap3A_239 = vector.shape_cast %mul3A_234 : vector<16xf32> to vector<1x16xf32>
          tpu.vector_store %arg15[%swap3A_235, %swap3A_236], %swap3A_239 {strides = array<i32>} : memref<80x128xf32, #tpu.memory_space<vmem>>, vector<1x16xf32>,
          %get3A_240 = arith.index_cast %add3A_197 : i32 to index
          %get3A_241 = arith.constant 64 : index
          %get3A_242 = tpu.vector_load %arg15[%get3A_240, %get3A_241] {strides = array<i32>} : memref<80x128xf32, #tpu.memory_space<vmem>>, vector<1x16xf32>,
          %get3A_243 = vector.shape_cast %get3A_242 : vector<1x16xf32> to vector<16xf32>
          %mul3A_244 = arith.mulf %get3A_243, %broadcast_in_dim3A_200 : vector<16xf32>
          %swap3A_245 = arith.index_cast %add3A_197 : i32 to index
          %swap3A_246 = arith.constant 64 : index
          %swap3A_247 = tpu.vector_load %arg15[%swap3A_245, %swap3A_246] {strides = array<i32>} : memref<80x128xf32, #tpu.memory_space<vmem>>, vector<1x16xf32>,
          %swap3A_248 = vector.shape_cast %swap3A_247 : vector<1x16xf32> to vector<16xf32>
          %swap3A_249 = vector.shape_cast %mul3A_244 : vector<16xf32> to vector<1x16xf32>
          tpu.vector_store %arg15[%swap3A_245, %swap3A_246], %swap3A_249 {strides = array<i32>} : memref<80x128xf32, #tpu.memory_space<vmem>>, vector<1x16xf32>,
          %get3A_250 = arith.index_cast %add3A_197 : i32 to index
          %get3A_251 = arith.constant 80 : index
          %get3A_252 = tpu.vector_load %arg15[%get3A_250, %get3A_251] {strides = array<i32>} : memref<80x128xf32, #tpu.memory_space<vmem>>, vector<1x16xf32>,
          %get3A_253 = vector.shape_cast %get3A_252 : vector<1x16xf32> to vector<16xf32>
          %mul3A_254 = arith.mulf %get3A_253, %broadcast_in_dim3A_200 : vector<16xf32>
          %swap3A_255 = arith.index_cast %add3A_197 : i32 to index
          %swap3A_256 = arith.constant 80 : index
          %swap3A_257 = tpu.vector_load %arg15[%swap3A_255, %swap3A_256] {strides = array<i32>} : memref<80x128xf32, #tpu.memory_space<vmem>>, vector<1x16xf32>,
          %swap3A_258 = vector.shape_cast %swap3A_257 : vector<1x16xf32> to vector<16xf32>
          %swap3A_259 = vector.shape_cast %mul3A_254 : vector<16xf32> to vector<1x16xf32>
          tpu.vector_store %arg15[%swap3A_255, %swap3A_256], %swap3A_259 {strides = array<i32>} : memref<80x128xf32, #tpu.memory_space<vmem>>, vector<1x16xf32>,
          %get3A_260 = arith.index_cast %add3A_197 : i32 to index
          %get3A_261 = arith.constant 96 : index
          %get3A_262 = tpu.vector_load %arg15[%get3A_260, %get3A_261] {strides = array<i32>} : memref<80x128xf32, #tpu.memory_space<vmem>>, vector<1x16xf32>,
          %get3A_263 = vector.shape_cast %get3A_262 : vector<1x16xf32> to vector<16xf32>
          %mul3A_264 = arith.mulf %get3A_263, %broadcast_in_dim3A_200 : vector<16xf32>
          %swap3A_265 = arith.index_cast %add3A_197 : i32 to index
          %swap3A_266 = arith.constant 96 : index
          %swap3A_267 = tpu.vector_load %arg15[%swap3A_265, %swap3A_266] {strides = array<i32>} : memref<80x128xf32, #tpu.memory_space<vmem>>, vector<1x16xf32>,
          %swap3A_268 = vector.shape_cast %swap3A_267 : vector<1x16xf32> to vector<16xf32>
          %swap3A_269 = vector.shape_cast %mul3A_264 : vector<16xf32> to vector<1x16xf32>
          tpu.vector_store %arg15[%swap3A_265, %swap3A_266], %swap3A_269 {strides = array<i32>} : memref<80x128xf32, #tpu.memory_space<vmem>>, vector<1x16xf32>,
          %get3A_270 = arith.index_cast %add3A_197 : i32 to index
          %get3A_271 = arith.constant 112 : index
          %get3A_272 = tpu.vector_load %arg15[%get3A_270, %get3A_271] {strides = array<i32>} : memref<80x128xf32, #tpu.memory_space<vmem>>, vector<1x16xf32>,
          %get3A_273 = vector.shape_cast %get3A_272 : vector<1x16xf32> to vector<16xf32>
          %mul3A_274 = arith.mulf %get3A_273, %broadcast_in_dim3A_200 : vector<16xf32>
          %swap3A_275 = arith.index_cast %add3A_197 : i32 to index
          %swap3A_276 = arith.constant 112 : index
          %swap3A_277 = tpu.vector_load %arg15[%swap3A_275, %swap3A_276] {strides = array<i32>} : memref<80x128xf32, #tpu.memory_space<vmem>>, vector<1x16xf32>,
          %swap3A_278 = vector.shape_cast %swap3A_277 : vector<1x16xf32> to vector<16xf32>
          %swap3A_279 = vector.shape_cast %mul3A_274 : vector<16xf32> to vector<1x16xf32>
          tpu.vector_store %arg15[%swap3A_275, %swap3A_276], %swap3A_279 {strides = array<i32>} : memref<80x128xf32, #tpu.memory_space<vmem>>, vector<1x16xf32>,
          %mul3A_280 = arith.constant 4 : i32
          %mul3A_281 = arith.muli %scan3A_192, %mul3A_280 : i32
          %add3A_282 = arith.constant 1 : i32
          %add3A_283 = arith.addi %mul3A_281, %add3A_282 : i32
          %get3A_284 = arith.index_cast %add3A_283 : i32 to index
          %get3A_285 = tpu.vector_load %arg12[%get3A_284] {strides = array<i32>} : memref<96xf32, #tpu.memory_space<vmem>>, vector<16xf32>,
          %get3A_286 = vector.shape_cast %get3A_285 : vector<16xf32> to vector<16xf32>
          %slice3A_287 = vector.extract_strided_slice %get3A_286 {offsets = [0], sizes = [1], strides = [1]} : vector<16xf32> to vector<1xf32>
          %squeeze3A_288 = vector.extract %slice3A_287[0] : f32 from vector<1xf32>
          %broadcast_in_dim3A_289 = vector.broadcast %squeeze3A_288 : f32 to vector<16xf32>
          %get3A_290 = arith.index_cast %add3A_283 : i32 to index
          %get3A_291 = arith.constant 0 : index
          %get3A_292 = tpu.vector_load %arg15[%get3A_290, %get3A_291] {strides = array<i32>} : memref<80x128xf32, #tpu.memory_space<vmem>>, vector<1x16xf32>,
          %get3A_293 = vector.shape_cast %get3A_292 : vector<1x16xf32> to vector<16xf32>
          %mul3A_294 = arith.mulf %get3A_293, %broadcast_in_dim3A_289 : vector<16xf32>
          %swap3A_295 = arith.index_cast %add3A_283 : i32 to index
          %swap3A_296 = arith.constant 0 : index
          %swap3A_297 = tpu.vector_load %arg15[%swap3A_295, %swap3A_296] {strides = array<i32>} : memref<80x128xf32, #tpu.memory_space<vmem>>, vector<1x16xf32>,
          %swap3A_298 = vector.shape_cast %swap3A_297 : vector<1x16xf32> to vector<16xf32>
          %swap3A_299 = vector.shape_cast %mul3A_294 : vector<16xf32> to vector<1x16xf32>
          tpu.vector_store %arg15[%swap3A_295, %swap3A_296], %swap3A_299 {strides = array<i32>} : memref<80x128xf32, #tpu.memory_space<vmem>>, vector<1x16xf32>,
          %get3A_300 = arith.index_cast %add3A_283 : i32 to index
          %get3A_301 = arith.constant 16 : index
          %get3A_302 = tpu.vector_load %arg15[%get3A_300, %get3A_301] {strides = array<i32>} : memref<80x128xf32, #tpu.memory_space<vmem>>, vector<1x16xf32>,
          %get3A_303 = vector.shape_cast %get3A_302 : vector<1x16xf32> to vector<16xf32>
          %mul3A_304 = arith.mulf %get3A_303, %broadcast_in_dim3A_289 : vector<16xf32>
          %swap3A_305 = arith.index_cast %add3A_283 : i32 to index
          %swap3A_306 = arith.constant 16 : index
          %swap3A_307 = tpu.vector_load %arg15[%swap3A_305, %swap3A_306] {strides = array<i32>} : memref<80x128xf32, #tpu.memory_space<vmem>>, vector<1x16xf32>,
          %swap3A_308 = vector.shape_cast %swap3A_307 : vector<1x16xf32> to vector<16xf32>
          %swap3A_309 = vector.shape_cast %mul3A_304 : vector<16xf32> to vector<1x16xf32>
          tpu.vector_store %arg15[%swap3A_305, %swap3A_306], %swap3A_309 {strides = array<i32>} : memref<80x128xf32, #tpu.memory_space<vmem>>, vector<1x16xf32>,
          %get3A_310 = arith.index_cast %add3A_283 : i32 to index
          %get3A_311 = arith.constant 32 : index
          %get3A_312 = tpu.vector_load %arg15[%get3A_310, %get3A_311] {strides = array<i32>} : memref<80x128xf32, #tpu.memory_space<vmem>>, vector<1x16xf32>,
          %get3A_313 = vector.shape_cast %get3A_312 : vector<1x16xf32> to vector<16xf32>
          %mul3A_314 = arith.mulf %get3A_313, %broadcast_in_dim3A_289 : vector<16xf32>
          %swap3A_315 = arith.index_cast %add3A_283 : i32 to index
          %swap3A_316 = arith.constant 32 : index
          %swap3A_317 = tpu.vector_load %arg15[%swap3A_315, %swap3A_316] {strides = array<i32>} : memref<80x128xf32, #tpu.memory_space<vmem>>, vector<1x16xf32>,
          %swap3A_318 = vector.shape_cast %swap3A_317 : vector<1x16xf32> to vector<16xf32>
          %swap3A_319 = vector.shape_cast %mul3A_314 : vector<16xf32> to vector<1x16xf32>
          tpu.vector_store %arg15[%swap3A_315, %swap3A_316], %swap3A_319 {strides = array<i32>} : memref<80x128xf32, #tpu.memory_space<vmem>>, vector<1x16xf32>,
          %get3A_320 = arith.index_cast %add3A_283 : i32 to index
          %get3A_321 = arith.constant 48 : index
          %get3A_322 = tpu.vector_load %arg15[%get3A_320, %get3A_321] {strides = array<i32>} : memref<80x128xf32, #tpu.memory_space<vmem>>, vector<1x16xf32>,
          %get3A_323 = vector.shape_cast %get3A_322 : vector<1x16xf32> to vector<16xf32>
          %mul3A_324 = arith.mulf %get3A_323, %broadcast_in_dim3A_289 : vector<16xf32>
          %swap3A_325 = arith.index_cast %add3A_283 : i32 to index
          %swap3A_326 = arith.constant 48 : index
          %swap3A_327 = tpu.vector_load %arg15[%swap3A_325, %swap3A_326] {strides = array<i32>} : memref<80x128xf32, #tpu.memory_space<vmem>>, vector<1x16xf32>,
          %swap3A_328 = vector.shape_cast %swap3A_327 : vector<1x16xf32> to vector<16xf32>
          %swap3A_329 = vector.shape_cast %mul3A_324 : vector<16xf32> to vector<1x16xf32>
          tpu.vector_store %arg15[%swap3A_325, %swap3A_326], %swap3A_329 {strides = array<i32>} : memref<80x128xf32, #tpu.memory_space<vmem>>, vector<1x16xf32>,
          %get3A_330 = arith.index_cast %add3A_283 : i32 to index
          %get3A_331 = arith.constant 64 : index
          %get3A_332 = tpu.vector_load %arg15[%get3A_330, %get3A_331] {strides = array<i32>} : memref<80x128xf32, #tpu.memory_space<vmem>>, vector<1x16xf32>,
          %get3A_333 = vector.shape_cast %get3A_332 : vector<1x16xf32> to vector<16xf32>
          %mul3A_334 = arith.mulf %get3A_333, %broadcast_in_dim3A_289 : vector<16xf32>
          %swap3A_335 = arith.index_cast %add3A_283 : i32 to index
          %swap3A_336 = arith.constant 64 : index
          %swap3A_337 = tpu.vector_load %arg15[%swap3A_335, %swap3A_336] {strides = array<i32>} : memref<80x128xf32, #tpu.memory_space<vmem>>, vector<1x16xf32>,
          %swap3A_338 = vector.shape_cast %swap3A_337 : vector<1x16xf32> to vector<16xf32>
          %swap3A_339 = vector.shape_cast %mul3A_334 : vector<16xf32> to vector<1x16xf32>
          tpu.vector_store %arg15[%swap3A_335, %swap3A_336], %swap3A_339 {strides = array<i32>} : memref<80x128xf32, #tpu.memory_space<vmem>>, vector<1x16xf32>,
          %get3A_340 = arith.index_cast %add3A_283 : i32 to index
          %get3A_341 = arith.constant 80 : index
          %get3A_342 = tpu.vector_load %arg15[%get3A_340, %get3A_341] {strides = array<i32>} : memref<80x128xf32, #tpu.memory_space<vmem>>, vector<1x16xf32>,
          %get3A_343 = vector.shape_cast %get3A_342 : vector<1x16xf32> to vector<16xf32>
          %mul3A_344 = arith.mulf %get3A_343, %broadcast_in_dim3A_289 : vector<16xf32>
          %swap3A_345 = arith.index_cast %add3A_283 : i32 to index
          %swap3A_346 = arith.constant 80 : index
          %swap3A_347 = tpu.vector_load %arg15[%swap3A_345, %swap3A_346] {strides = array<i32>} : memref<80x128xf32, #tpu.memory_space<vmem>>, vector<1x16xf32>,
          %swap3A_348 = vector.shape_cast %swap3A_347 : vector<1x16xf32> to vector<16xf32>
          %swap3A_349 = vector.shape_cast %mul3A_344 : vector<16xf32> to vector<1x16xf32>
          tpu.vector_store %arg15[%swap3A_345, %swap3A_346], %swap3A_349 {strides = array<i32>} : memref<80x128xf32, #tpu.memory_space<vmem>>, vector<1x16xf32>,
          %get3A_350 = arith.index_cast %add3A_283 : i32 to index
          %get3A_351 = arith.constant 96 : index
          %get3A_352 = tpu.vector_load %arg15[%get3A_350, %get3A_351] {strides = array<i32>} : memref<80x128xf32, #tpu.memory_space<vmem>>, vector<1x16xf32>,
          %get3A_353 = vector.shape_cast %get3A_352 : vector<1x16xf32> to vector<16xf32>
          %mul3A_354 = arith.mulf %get3A_353, %broadcast_in_dim3A_289 : vector<16xf32>
          %swap3A_355 = arith.index_cast %add3A_283 : i32 to index
          %swap3A_356 = arith.constant 96 : index
          %swap3A_357 = tpu.vector_load %arg15[%swap3A_355, %swap3A_356] {strides = array<i32>} : memref<80x128xf32, #tpu.memory_space<vmem>>, vector<1x16xf32>,
          %swap3A_358 = vector.shape_cast %swap3A_357 : vector<1x16xf32> to vector<16xf32>
          %swap3A_359 = vector.shape_cast %mul3A_354 : vector<16xf32> to vector<1x16xf32>
          tpu.vector_store %arg15[%swap3A_355, %swap3A_356], %swap3A_359 {strides = array<i32>} : memref<80x128xf32, #tpu.memory_space<vmem>>, vector<1x16xf32>,
          %get3A_360 = arith.index_cast %add3A_283 : i32 to index
          %get3A_361 = arith.constant 112 : index
          %get3A_362 = tpu.vector_load %arg15[%get3A_360, %get3A_361] {strides = array<i32>} : memref<80x128xf32, #tpu.memory_space<vmem>>, vector<1x16xf32>,
          %get3A_363 = vector.shape_cast %get3A_362 : vector<1x16xf32> to vector<16xf32>
          %mul3A_364 = arith.mulf %get3A_363, %broadcast_in_dim3A_289 : vector<16xf32>
          %swap3A_365 = arith.index_cast %add3A_283 : i32 to index
          %swap3A_366 = arith.constant 112 : index
          %swap3A_367 = tpu.vector_load %arg15[%swap3A_365, %swap3A_366] {strides = array<i32>} : memref<80x128xf32, #tpu.memory_space<vmem>>, vector<1x16xf32>,
          %swap3A_368 = vector.shape_cast %swap3A_367 : vector<1x16xf32> to vector<16xf32>
          %swap3A_369 = vector.shape_cast %mul3A_364 : vector<16xf32> to vector<1x16xf32>
          tpu.vector_store %arg15[%swap3A_365, %swap3A_366], %swap3A_369 {strides = array<i32>} : memref<80x128xf32, #tpu.memory_space<vmem>>, vector<1x16xf32>,
          %mul3A_370 = arith.constant 4 : i32
          %mul3A_371 = arith.muli %scan3A_192, %mul3A_370 : i32
          %add3A_372 = arith.constant 2 : i32
          %add3A_373 = arith.addi %mul3A_371, %add3A_372 : i32
          %get3A_374 = arith.index_cast %add3A_373 : i32 to index
          %get3A_375 = tpu.vector_load %arg12[%get3A_374] {strides = array<i32>} : memref<96xf32, #tpu.memory_space<vmem>>, vector<16xf32>,
          %get3A_376 = vector.shape_cast %get3A_375 : vector<16xf32> to vector<16xf32>
          %slice3A_377 = vector.extract_strided_slice %get3A_376 {offsets = [0], sizes = [1], strides = [1]} : vector<16xf32> to vector<1xf32>
          %squeeze3A_378 = vector.extract %slice3A_377[0] : f32 from vector<1xf32>
          %broadcast_in_dim3A_379 = vector.broadcast %squeeze3A_378 : f32 to vector<16xf32>
          %get3A_380 = arith.index_cast %add3A_373 : i32 to index
          %get3A_381 = arith.constant 0 : index
          %get3A_382 = tpu.vector_load %arg15[%get3A_380, %get3A_381] {strides = array<i32>} : memref<80x128xf32, #tpu.memory_space<vmem>>, vector<1x16xf32>,
          %get3A_383 = vector.shape_cast %get3A_382 : vector<1x16xf32> to vector<16xf32>
          %mul3A_384 = arith.mulf %get3A_383, %broadcast_in_dim3A_379 : vector<16xf32>
          %swap3A_385 = arith.index_cast %add3A_373 : i32 to index
          %swap3A_386 = arith.constant 0 : index
          %swap3A_387 = tpu.vector_load %arg15[%swap3A_385, %swap3A_386] {strides = array<i32>} : memref<80x128xf32, #tpu.memory_space<vmem>>, vector<1x16xf32>,
          %swap3A_388 = vector.shape_cast %swap3A_387 : vector<1x16xf32> to vector<16xf32>
          %swap3A_389 = vector.shape_cast %mul3A_384 : vector<16xf32> to vector<1x16xf32>
          tpu.vector_store %arg15[%swap3A_385, %swap3A_386], %swap3A_389 {strides = array<i32>} : memref<80x128xf32, #tpu.memory_space<vmem>>, vector<1x16xf32>,
          %get3A_390 = arith.index_cast %add3A_373 : i32 to index
          %get3A_391 = arith.constant 16 : index
          %get3A_392 = tpu.vector_load %arg15[%get3A_390, %get3A_391] {strides = array<i32>} : memref<80x128xf32, #tpu.memory_space<vmem>>, vector<1x16xf32>,
          %get3A_393 = vector.shape_cast %get3A_392 : vector<1x16xf32> to vector<16xf32>
          %mul3A_394 = arith.mulf %get3A_393, %broadcast_in_dim3A_379 : vector<16xf32>
          %swap3A_395 = arith.index_cast %add3A_373 : i32 to index
          %swap3A_396 = arith.constant 16 : index
          %swap3A_397 = tpu.vector_load %arg15[%swap3A_395, %swap3A_396] {strides = array<i32>} : memref<80x128xf32, #tpu.memory_space<vmem>>, vector<1x16xf32>,
          %swap3A_398 = vector.shape_cast %swap3A_397 : vector<1x16xf32> to vector<16xf32>
          %swap3A_399 = vector.shape_cast %mul3A_394 : vector<16xf32> to vector<1x16xf32>
          tpu.vector_store %arg15[%swap3A_395, %swap3A_396], %swap3A_399 {strides = array<i32>} : memref<80x128xf32, #tpu.memory_space<vmem>>, vector<1x16xf32>,
          %get3A_400 = arith.index_cast %add3A_373 : i32 to index
          %get3A_401 = arith.constant 32 : index
          %get3A_402 = tpu.vector_load %arg15[%get3A_400, %get3A_401] {strides = array<i32>} : memref<80x128xf32, #tpu.memory_space<vmem>>, vector<1x16xf32>,
          %get3A_403 = vector.shape_cast %get3A_402 : vector<1x16xf32> to vector<16xf32>
          %mul3A_404 = arith.mulf %get3A_403, %broadcast_in_dim3A_379 : vector<16xf32>
          %swap3A_405 = arith.index_cast %add3A_373 : i32 to index
          %swap3A_406 = arith.constant 32 : index
          %swap3A_407 = tpu.vector_load %arg15[%swap3A_405, %swap3A_406] {strides = array<i32>} : memref<80x128xf32, #tpu.memory_space<vmem>>, vector<1x16xf32>,
          %swap3A_408 = vector.shape_cast %swap3A_407 : vector<1x16xf32> to vector<16xf32>
          %swap3A_409 = vector.shape_cast %mul3A_404 : vector<16xf32> to vector<1x16xf32>
          tpu.vector_store %arg15[%swap3A_405, %swap3A_406], %swap3A_409 {strides = array<i32>} : memref<80x128xf32, #tpu.memory_space<vmem>>, vector<1x16xf32>,
          %get3A_410 = arith.index_cast %add3A_373 : i32 to index
          %get3A_411 = arith.constant 48 : index
          %get3A_412 = tpu.vector_load %arg15[%get3A_410, %get3A_411] {strides = array<i32>} : memref<80x128xf32, #tpu.memory_space<vmem>>, vector<1x16xf32>,
          %get3A_413 = vector.shape_cast %get3A_412 : vector<1x16xf32> to vector<16xf32>
          %mul3A_414 = arith.mulf %get3A_413, %broadcast_in_dim3A_379 : vector<16xf32>
          %swap3A_415 = arith.index_cast %add3A_373 : i32 to index
          %swap3A_416 = arith.constant 48 : index
          %swap3A_417 = tpu.vector_load %arg15[%swap3A_415, %swap3A_416] {strides = array<i32>} : memref<80x128xf32, #tpu.memory_space<vmem>>, vector<1x16xf32>,
          %swap3A_418 = vector.shape_cast %swap3A_417 : vector<1x16xf32> to vector<16xf32>
          %swap3A_419 = vector.shape_cast %mul3A_414 : vector<16xf32> to vector<1x16xf32>
          tpu.vector_store %arg15[%swap3A_415, %swap3A_416], %swap3A_419 {strides = array<i32>} : memref<80x128xf32, #tpu.memory_space<vmem>>, vector<1x16xf32>,
          %get3A_420 = arith.index_cast %add3A_373 : i32 to index
          %get3A_421 = arith.constant 64 : index
          %get3A_422 = tpu.vector_load %arg15[%get3A_420, %get3A_421] {strides = array<i32>} : memref<80x128xf32, #tpu.memory_space<vmem>>, vector<1x16xf32>,
          %get3A_423 = vector.shape_cast %get3A_422 : vector<1x16xf32> to vector<16xf32>
          %mul3A_424 = arith.mulf %get3A_423, %broadcast_in_dim3A_379 : vector<16xf32>
          %swap3A_425 = arith.index_cast %add3A_373 : i32 to index
          %swap3A_426 = arith.constant 64 : index
          %swap3A_427 = tpu.vector_load %arg15[%swap3A_425, %swap3A_426] {strides = array<i32>} : memref<80x128xf32, #tpu.memory_space<vmem>>, vector<1x16xf32>,
          %swap3A_428 = vector.shape_cast %swap3A_427 : vector<1x16xf32> to vector<16xf32>
          %swap3A_429 = vector.shape_cast %mul3A_424 : vector<16xf32> to vector<1x16xf32>
          tpu.vector_store %arg15[%swap3A_425, %swap3A_426], %swap3A_429 {strides = array<i32>} : memref<80x128xf32, #tpu.memory_space<vmem>>, vector<1x16xf32>,
          %get3A_430 = arith.index_cast %add3A_373 : i32 to index
          %get3A_431 = arith.constant 80 : index
          %get3A_432 = tpu.vector_load %arg15[%get3A_430, %get3A_431] {strides = array<i32>} : memref<80x128xf32, #tpu.memory_space<vmem>>, vector<1x16xf32>,
          %get3A_433 = vector.shape_cast %get3A_432 : vector<1x16xf32> to vector<16xf32>
          %mul3A_434 = arith.mulf %get3A_433, %broadcast_in_dim3A_379 : vector<16xf32>
          %swap3A_435 = arith.index_cast %add3A_373 : i32 to index
          %swap3A_436 = arith.constant 80 : index
          %swap3A_437 = tpu.vector_load %arg15[%swap3A_435, %swap3A_436] {strides = array<i32>} : memref<80x128xf32, #tpu.memory_space<vmem>>, vector<1x16xf32>,
          %swap3A_438 = vector.shape_cast %swap3A_437 : vector<1x16xf32> to vector<16xf32>
          %swap3A_439 = vector.shape_cast %mul3A_434 : vector<16xf32> to vector<1x16xf32>
          tpu.vector_store %arg15[%swap3A_435, %swap3A_436], %swap3A_439 {strides = array<i32>} : memref<80x128xf32, #tpu.memory_space<vmem>>, vector<1x16xf32>,
          %get3A_440 = arith.index_cast %add3A_373 : i32 to index
          %get3A_441 = arith.constant 96 : index
          %get3A_442 = tpu.vector_load %arg15[%get3A_440, %get3A_441] {strides = array<i32>} : memref<80x128xf32, #tpu.memory_space<vmem>>, vector<1x16xf32>,
          %get3A_443 = vector.shape_cast %get3A_442 : vector<1x16xf32> to vector<16xf32>
          %mul3A_444 = arith.mulf %get3A_443, %broadcast_in_dim3A_379 : vector<16xf32>
          %swap3A_445 = arith.index_cast %add3A_373 : i32 to index
          %swap3A_446 = arith.constant 96 : index
          %swap3A_447 = tpu.vector_load %arg15[%swap3A_445, %swap3A_446] {strides = array<i32>} : memref<80x128xf32, #tpu.memory_space<vmem>>, vector<1x16xf32>,
          %swap3A_448 = vector.shape_cast %swap3A_447 : vector<1x16xf32> to vector<16xf32>
          %swap3A_449 = vector.shape_cast %mul3A_444 : vector<16xf32> to vector<1x16xf32>
          tpu.vector_store %arg15[%swap3A_445, %swap3A_446], %swap3A_449 {strides = array<i32>} : memref<80x128xf32, #tpu.memory_space<vmem>>, vector<1x16xf32>,
          %get3A_450 = arith.index_cast %add3A_373 : i32 to index
          %get3A_451 = arith.constant 112 : index
          %get3A_452 = tpu.vector_load %arg15[%get3A_450, %get3A_451] {strides = array<i32>} : memref<80x128xf32, #tpu.memory_space<vmem>>, vector<1x16xf32>,
          %get3A_453 = vector.shape_cast %get3A_452 : vector<1x16xf32> to vector<16xf32>
          %mul3A_454 = arith.mulf %get3A_453, %broadcast_in_dim3A_379 : vector<16xf32>
          %swap3A_455 = arith.index_cast %add3A_373 : i32 to index
          %swap3A_456 = arith.constant 112 : index
          %swap3A_457 = tpu.vector_load %arg15[%swap3A_455, %swap3A_456] {strides = array<i32>} : memref<80x128xf32, #tpu.memory_space<vmem>>, vector<1x16xf32>,
          %swap3A_458 = vector.shape_cast %swap3A_457 : vector<1x16xf32> to vector<16xf32>
          %swap3A_459 = vector.shape_cast %mul3A_454 : vector<16xf32> to vector<1x16xf32>
          tpu.vector_store %arg15[%swap3A_455, %swap3A_456], %swap3A_459 {strides = array<i32>} : memref<80x128xf32, #tpu.memory_space<vmem>>, vector<1x16xf32>,
          %mul3A_460 = arith.constant 4 : i32
          %mul3A_461 = arith.muli %scan3A_192, %mul3A_460 : i32
          %add3A_462 = arith.constant 3 : i32
          %add3A_463 = arith.addi %mul3A_461, %add3A_462 : i32
          %get3A_464 = arith.index_cast %add3A_463 : i32 to index
          %get3A_465 = tpu.vector_load %arg12[%get3A_464] {strides = array<i32>} : memref<96xf32, #tpu.memory_space<vmem>>, vector<16xf32>,
          %get3A_466 = vector.shape_cast %get3A_465 : vector<16xf32> to vector<16xf32>
          %slice3A_467 = vector.extract_strided_slice %get3A_466 {offsets = [0], sizes = [1], strides = [1]} : vector<16xf32> to vector<1xf32>
          %squeeze3A_468 = vector.extract %slice3A_467[0] : f32 from vector<1xf32>
          %broadcast_in_dim3A_469 = vector.broadcast %squeeze3A_468 : f32 to vector<16xf32>
          %get3A_470 = arith.index_cast %add3A_463 : i32 to index
          %get3A_471 = arith.constant 0 : index
          %get3A_472 = tpu.vector_load %arg15[%get3A_470, %get3A_471] {strides = array<i32>} : memref<80x128xf32, #tpu.memory_space<vmem>>, vector<1x16xf32>,
          %get3A_473 = vector.shape_cast %get3A_472 : vector<1x16xf32> to vector<16xf32>
          %mul3A_474 = arith.mulf %get3A_473, %broadcast_in_dim3A_469 : vector<16xf32>
          %swap3A_475 = arith.index_cast %add3A_463 : i32 to index
          %swap3A_476 = arith.constant 0 : index
          %swap3A_477 = tpu.vector_load %arg15[%swap3A_475, %swap3A_476] {strides = array<i32>} : memref<80x128xf32, #tpu.memory_space<vmem>>, vector<1x16xf32>,
          %swap3A_478 = vector.shape_cast %swap3A_477 : vector<1x16xf32> to vector<16xf32>
          %swap3A_479 = vector.shape_cast %mul3A_474 : vector<16xf32> to vector<1x16xf32>
          tpu.vector_store %arg15[%swap3A_475, %swap3A_476], %swap3A_479 {strides = array<i32>} : memref<80x128xf32, #tpu.memory_space<vmem>>, vector<1x16xf32>,
          %get3A_480 = arith.index_cast %add3A_463 : i32 to index
          %get3A_481 = arith.constant 16 : index
          %get3A_482 = tpu.vector_load %arg15[%get3A_480, %get3A_481] {strides = array<i32>} : memref<80x128xf32, #tpu.memory_space<vmem>>, vector<1x16xf32>,
          %get3A_483 = vector.shape_cast %get3A_482 : vector<1x16xf32> to vector<16xf32>
          %mul3A_484 = arith.mulf %get3A_483, %broadcast_in_dim3A_469 : vector<16xf32>
          %swap3A_485 = arith.index_cast %add3A_463 : i32 to index
          %swap3A_486 = arith.constant 16 : index
          %swap3A_487 = tpu.vector_load %arg15[%swap3A_485, %swap3A_486] {strides = array<i32>} : memref<80x128xf32, #tpu.memory_space<vmem>>, vector<1x16xf32>,
          %swap3A_488 = vector.shape_cast %swap3A_487 : vector<1x16xf32> to vector<16xf32>
          %swap3A_489 = vector.shape_cast %mul3A_484 : vector<16xf32> to vector<1x16xf32>
          tpu.vector_store %arg15[%swap3A_485, %swap3A_486], %swap3A_489 {strides = array<i32>} : memref<80x128xf32, #tpu.memory_space<vmem>>, vector<1x16xf32>,
          %get3A_490 = arith.index_cast %add3A_463 : i32 to index
          %get3A_491 = arith.constant 32 : index
          %get3A_492 = tpu.vector_load %arg15[%get3A_490, %get3A_491] {strides = array<i32>} : memref<80x128xf32, #tpu.memory_space<vmem>>, vector<1x16xf32>,
          %get3A_493 = vector.shape_cast %get3A_492 : vector<1x16xf32> to vector<16xf32>
          %mul3A_494 = arith.mulf %get3A_493, %broadcast_in_dim3A_469 : vector<16xf32>
          %swap3A_495 = arith.index_cast %add3A_463 : i32 to index
          %swap3A_496 = arith.constant 32 : index
          %swap3A_497 = tpu.vector_load %arg15[%swap3A_495, %swap3A_496] {strides = array<i32>} : memref<80x128xf32, #tpu.memory_space<vmem>>, vector<1x16xf32>,
          %swap3A_498 = vector.shape_cast %swap3A_497 : vector<1x16xf32> to vector<16xf32>
          %swap3A_499 = vector.shape_cast %mul3A_494 : vector<16xf32> to vector<1x16xf32>
          tpu.vector_store %arg15[%swap3A_495, %swap3A_496], %swap3A_499 {strides = array<i32>} : memref<80x128xf32, #tpu.memory_space<vmem>>, vector<1x16xf32>,
          %get3A_500 = arith.index_cast %add3A_463 : i32 to index
          %get3A_501 = arith.constant 48 : index
          %get3A_502 = tpu.vector_load %arg15[%get3A_500, %get3A_501] {strides = array<i32>} : memref<80x128xf32, #tpu.memory_space<vmem>>, vector<1x16xf32>,
          %get3A_503 = vector.shape_cast %get3A_502 : vector<1x16xf32> to vector<16xf32>
          %mul3A_504 = arith.mulf %get3A_503, %broadcast_in_dim3A_469 : vector<16xf32>
          %swap3A_505 = arith.index_cast %add3A_463 : i32 to index
          %swap3A_506 = arith.constant 48 : index
          %swap3A_507 = tpu.vector_load %arg15[%swap3A_505, %swap3A_506] {strides = array<i32>} : memref<80x128xf32, #tpu.memory_space<vmem>>, vector<1x16xf32>,
          %swap3A_508 = vector.shape_cast %swap3A_507 : vector<1x16xf32> to vector<16xf32>
          %swap3A_509 = vector.shape_cast %mul3A_504 : vector<16xf32> to vector<1x16xf32>
          tpu.vector_store %arg15[%swap3A_505, %swap3A_506], %swap3A_509 {strides = array<i32>} : memref<80x128xf32, #tpu.memory_space<vmem>>, vector<1x16xf32>,
          %get3A_510 = arith.index_cast %add3A_463 : i32 to index
          %get3A_511 = arith.constant 64 : index
          %get3A_512 = tpu.vector_load %arg15[%get3A_510, %get3A_511] {strides = array<i32>} : memref<80x128xf32, #tpu.memory_space<vmem>>, vector<1x16xf32>,
          %get3A_513 = vector.shape_cast %get3A_512 : vector<1x16xf32> to vector<16xf32>
          %mul3A_514 = arith.mulf %get3A_513, %broadcast_in_dim3A_469 : vector<16xf32>
          %swap3A_515 = arith.index_cast %add3A_463 : i32 to index
          %swap3A_516 = arith.constant 64 : index
          %swap3A_517 = tpu.vector_load %arg15[%swap3A_515, %swap3A_516] {strides = array<i32>} : memref<80x128xf32, #tpu.memory_space<vmem>>, vector<1x16xf32>,
          %swap3A_518 = vector.shape_cast %swap3A_517 : vector<1x16xf32> to vector<16xf32>
          %swap3A_519 = vector.shape_cast %mul3A_514 : vector<16xf32> to vector<1x16xf32>
          tpu.vector_store %arg15[%swap3A_515, %swap3A_516], %swap3A_519 {strides = array<i32>} : memref<80x128xf32, #tpu.memory_space<vmem>>, vector<1x16xf32>,
          %get3A_520 = arith.index_cast %add3A_463 : i32 to index
          %get3A_521 = arith.constant 80 : index
          %get3A_522 = tpu.vector_load %arg15[%get3A_520, %get3A_521] {strides = array<i32>} : memref<80x128xf32, #tpu.memory_space<vmem>>, vector<1x16xf32>,
          %get3A_523 = vector.shape_cast %get3A_522 : vector<1x16xf32> to vector<16xf32>
          %mul3A_524 = arith.mulf %get3A_523, %broadcast_in_dim3A_469 : vector<16xf32>
          %swap3A_525 = arith.index_cast %add3A_463 : i32 to index
          %swap3A_526 = arith.constant 80 : index
          %swap3A_527 = tpu.vector_load %arg15[%swap3A_525, %swap3A_526] {strides = array<i32>} : memref<80x128xf32, #tpu.memory_space<vmem>>, vector<1x16xf32>,
          %swap3A_528 = vector.shape_cast %swap3A_527 : vector<1x16xf32> to vector<16xf32>
          %swap3A_529 = vector.shape_cast %mul3A_524 : vector<16xf32> to vector<1x16xf32>
          tpu.vector_store %arg15[%swap3A_525, %swap3A_526], %swap3A_529 {strides = array<i32>} : memref<80x128xf32, #tpu.memory_space<vmem>>, vector<1x16xf32>,
          %get3A_530 = arith.index_cast %add3A_463 : i32 to index
          %get3A_531 = arith.constant 96 : index
          %get3A_532 = tpu.vector_load %arg15[%get3A_530, %get3A_531] {strides = array<i32>} : memref<80x128xf32, #tpu.memory_space<vmem>>, vector<1x16xf32>,
          %get3A_533 = vector.shape_cast %get3A_532 : vector<1x16xf32> to vector<16xf32>
          %mul3A_534 = arith.mulf %get3A_533, %broadcast_in_dim3A_469 : vector<16xf32>
          %swap3A_535 = arith.index_cast %add3A_463 : i32 to index
          %swap3A_536 = arith.constant 96 : index
          %swap3A_537 = tpu.vector_load %arg15[%swap3A_535, %swap3A_536] {strides = array<i32>} : memref<80x128xf32, #tpu.memory_space<vmem>>, vector<1x16xf32>,
          %swap3A_538 = vector.shape_cast %swap3A_537 : vector<1x16xf32> to vector<16xf32>
          %swap3A_539 = vector.shape_cast %mul3A_534 : vector<16xf32> to vector<1x16xf32>
          tpu.vector_store %arg15[%swap3A_535, %swap3A_536], %swap3A_539 {strides = array<i32>} : memref<80x128xf32, #tpu.memory_space<vmem>>, vector<1x16xf32>,
          %get3A_540 = arith.index_cast %add3A_463 : i32 to index
          %get3A_541 = arith.constant 112 : index
          %get3A_542 = tpu.vector_load %arg15[%get3A_540, %get3A_541] {strides = array<i32>} : memref<80x128xf32, #tpu.memory_space<vmem>>, vector<1x16xf32>,
          %get3A_543 = vector.shape_cast %get3A_542 : vector<1x16xf32> to vector<16xf32>
          %mul3A_544 = arith.mulf %get3A_543, %broadcast_in_dim3A_469 : vector<16xf32>
          %swap3A_545 = arith.index_cast %add3A_463 : i32 to index
          %swap3A_546 = arith.constant 112 : index
          %swap3A_547 = tpu.vector_load %arg15[%swap3A_545, %swap3A_546] {strides = array<i32>} : memref<80x128xf32, #tpu.memory_space<vmem>>, vector<1x16xf32>,
          %swap3A_548 = vector.shape_cast %swap3A_547 : vector<1x16xf32> to vector<16xf32>
          %swap3A_549 = vector.shape_cast %mul3A_544 : vector<16xf32> to vector<1x16xf32>
          tpu.vector_store %arg15[%swap3A_545, %swap3A_546], %swap3A_549 {strides = array<i32>} : memref<80x128xf32, #tpu.memory_space<vmem>>, vector<1x16xf32>,
          %scan3A_550 = arith.constant 0 : i32
          scf.yield %scan3A_550 : i32
        }
        %scan3A_181 = arith.constant 20 : i32
        %dma_start3A_182 = arith.constant 0 : i32
        %dma_start3A_183 = arith.constant 0 : i32
        %dma_start3A_184 = tpu.memref_slice %arg17[%dma_start3A_182, %dma_start3A_183] : memref<10240x128xf32, #tpu.memory_space<vmem_shared>> -> memref<10240x128xf32, #tpu.memory_space<vmem_shared>>
        tpu.enqueue_indirect_dma source(%arg15 : memref<80x128xf32, #tpu.memory_space<vmem>>) target(%dma_start3A_184 : memref<10240x128xf32, #tpu.memory_space<vmem_shared>>) offsets(%arg9 : memref<80xi32, #tpu.memory_space<vmem>>) semaphore(%arg22 : memref<!tpu.dma_semaphore, #tpu.memory_space<semaphore_mem>>) {add = true}
        %add3A_185 = arith.constant 3 : i32
        %add3A_186 = arith.addi %scan3A_100, %add3A_185 : i32
        %sub3A = arith.constant 1 : i32
        %sub3A_187 = arith.subi %add3A_186, %sub3A : i32
        %le3A = arith.constant 124 : i32
        %le3A_188 = arith.cmpi sle, %sub3A_187, %le3A : i32
        %convert_element_type3A_189 = arith.extui %le3A_188 : i1 to i32
        %cond3A_190 = arith.constant 0 : i32
        %cond3A_191 = arith.cmpi ne, %convert_element_type3A_189, %cond3A_190 : i32
        scf.if %cond3A_191 {
          %ge3A = arith.constant 1 : i32
          %ge3A_192 = arith.cmpi sge, %scan3A_100, %ge3A : i32
          %convert_element_type3A_193 = arith.extui %ge3A_192 : i1 to i32
          %cond3A_194 = arith.constant 0 : i32
          %cond3A_195 = arith.cmpi ne, %convert_element_type3A_193, %cond3A_194 : i32
          scf.if %cond3A_195 {
            %dma_wait3A_221 = arith.constant 0 : i32
            %dma_wait3A_222 = arith.constant 0 : i32
            %dma_wait3A_223 = tpu.memref_slice %arg17[%dma_wait3A_221, %dma_wait3A_222] : memref<10240x128xf32, #tpu.memory_space<vmem_shared>> -> memref<80x128xf32, #tpu.memory_space<vmem_shared>>
            %dma_wait3A_224 = arith.constant 0 : i32
            %dma_wait3A_225 = arith.constant 0 : i32
            %dma_wait3A_226 = tpu.memref_slice %arg17[%dma_wait3A_224, %dma_wait3A_225] : memref<10240x128xf32, #tpu.memory_space<vmem_shared>> -> memref<80x128xf32, #tpu.memory_space<vmem_shared>>
            tpu.wait_dma2 semaphore(%arg21 : memref<!tpu.dma_semaphore, #tpu.memory_space<semaphore_mem>>) src(%arg14 : memref<80x128xf32, #tpu.memory_space<vmem>>) dst(%dma_wait3A_226 : memref<80x128xf32, #tpu.memory_space<vmem_shared>>)
          } else {
          }
          %add3A_196 = arith.constant 3 : i32
          %add3A_197 = arith.addi %scan3A_100, %add3A_196 : i32
          %sub3A_198 = arith.constant 1 : i32
          %sub3A_199 = arith.subi %add3A_197, %sub3A_198 : i32
          %mul3A_200 = arith.constant 80 : i32
          %mul3A_201 = arith.muli %sub3A_199, %mul3A_200 : i32
          %add3A_202 = arith.addi %mul3A_2, %mul3A_201 : i32
          %dma_start3A_203 = tpu.memref_slice %arg4[%add3A_202] : memref<320000xi32, #tpu.memory_space<hbm>> -> memref<80xi32, #tpu.memory_space<hbm>>
          %dma_start3A_204 = tpu.memref_slice %arg4[%add3A_202] : memref<320000xi32, #tpu.memory_space<hbm>> -> memref<80xi32, #tpu.memory_space<hbm>>
          tpu.enqueue_dma source(%dma_start3A_204 : memref<80xi32, #tpu.memory_space<hbm>>) target(%arg8 : memref<80xi32, #tpu.memory_space<vmem>>) target_semaphore(%arg24 : memref<!tpu.dma_semaphore, #tpu.memory_space<semaphore_mem>>)
          %dma_start3A_205 = arith.constant 0 : i32
          %dma_start3A_206 = tpu.memref_slice %arg11[%dma_start3A_205] : memref<96xf32, #tpu.memory_space<vmem>> -> memref<80xf32, #tpu.memory_space<vmem>>
          %dma_start3A_207 = tpu.memref_slice %arg5[%add3A_202] : memref<320000xf32, #tpu.memory_space<hbm>> -> memref<80xf32, #tpu.memory_space<hbm>>
          %dma_start3A_208 = arith.constant 0 : i32
          %dma_start3A_209 = tpu.memref_slice %arg11[%dma_start3A_208] : memref<96xf32, #tpu.memory_space<vmem>> -> memref<80xf32, #tpu.memory_space<vmem>>
          %dma_start3A_210 = tpu.memref_slice %arg5[%add3A_202] : memref<320000xf32, #tpu.memory_space<hbm>> -> memref<80xf32, #tpu.memory_space<hbm>>
          tpu.enqueue_dma source(%dma_start3A_210 : memref<80xf32, #tpu.memory_space<hbm>>) target(%dma_start3A_209 : memref<80xf32, #tpu.memory_space<vmem>>) target_semaphore(%arg24 : memref<!tpu.dma_semaphore, #tpu.memory_space<semaphore_mem>>)
          %add3A_211 = arith.constant 3 : i32
          %add3A_212 = arith.addi %scan3A_100, %add3A_211 : i32
          %sub3A_213 = arith.constant 1 : i32
          %sub3A_214 = arith.subi %add3A_212, %sub3A_213 : i32
          %mul3A_215 = arith.constant 80 : i32
          %mul3A_216 = arith.muli %sub3A_214, %mul3A_215 : i32
          %dma_start3A_217 = tpu.memref_slice %arg7[%mul3A_216] : memref<10000xi32, #tpu.memory_space<vmem>> -> memref<80xi32, #tpu.memory_space<vmem>>
          %dma_start3A_218 = arith.constant 0 : i32
          %dma_start3A_219 = arith.constant 0 : i32
          %dma_start3A_220 = tpu.memref_slice %arg2[%dma_start3A_218, %dma_start3A_219] : memref<10240x128xf32, #tpu.memory_space<hbm>> -> memref<10240x128xf32, #tpu.memory_space<hbm>>
          tpu.enqueue_indirect_dma source(%dma_start3A_220 : memref<10240x128xf32, #tpu.memory_space<hbm>>) target(%arg14 : memref<80x128xf32, #tpu.memory_space<vmem>>) offsets(%dma_start3A_217 : memref<80xi32, #tpu.memory_space<vmem>>) semaphore(%arg18 : memref<!tpu.dma_semaphore, #tpu.memory_space<semaphore_mem>>)
        } else {
        }
      } else {
      }
      %jit3A_135 = arith.constant 3 : i32
      %eq3A_136 = arith.constant 0 : i32
      %eq3A_137 = arith.cmpi eq, %jit3A_135, %eq3A_136 : i32
      %jit3A_138 = arith.constant 1 : i32
      %select_n3A_139 = arith.select %eq3A_137, %jit3A_138, %jit3A_135 : i32
      %rem3A_140 = arith.remsi %scan3A_100, %select_n3A_139 : i32
      %ne3A_141 = arith.constant 0 : i32
      %ne3A_142 = arith.cmpi ne, %rem3A_140, %ne3A_141 : i32
      %lt3A_143 = arith.constant 0 : i32
      %lt3A_144 = arith.cmpi slt, %rem3A_140, %lt3A_143 : i32
      %lt3A_145 = arith.constant 0 : i32
      %lt3A_146 = arith.cmpi slt, %select_n3A_139, %lt3A_145 : i32
      %ne3A_147 = arith.xori %lt3A_144, %lt3A_146 : i1
      %and3A_148 = arith.andi %ne3A_147, %ne3A_142 : i1
      %add3A_149 = arith.addi %rem3A_140, %select_n3A_139 : i32
      %select_n3A_150 = arith.select %and3A_148, %add3A_149, %rem3A_140 : i32
      %eq3A_151 = arith.constant 2 : i32
      %eq3A_152 = arith.cmpi eq, %select_n3A_150, %eq3A_151 : i32
      %convert_element_type3A_153 = arith.extui %eq3A_152 : i1 to i32
      %cond3A_154 = arith.constant 0 : i32
      %cond3A_155 = arith.cmpi ne, %convert_element_type3A_153, %cond3A_154 : i32
      scf.if %cond3A_155 {
        %dma_wait3A_157 = arith.constant 0 : i32
        %dma_wait3A_158 = arith.constant 0 : i32
        %dma_wait3A_159 = tpu.memref_slice %arg2[%dma_wait3A_157, %dma_wait3A_158] : memref<10240x128xf32, #tpu.memory_space<hbm>> -> memref<80x128xf32, #tpu.memory_space<hbm>>
        %dma_wait3A_160 = arith.constant 0 : i32
        %dma_wait3A_161 = arith.constant 0 : i32
        %dma_wait3A_162 = tpu.memref_slice %arg2[%dma_wait3A_160, %dma_wait3A_161] : memref<10240x128xf32, #tpu.memory_space<hbm>> -> memref<80x128xf32, #tpu.memory_space<hbm>>
        tpu.wait_dma2 semaphore(%arg20 : memref<!tpu.dma_semaphore, #tpu.memory_space<semaphore_mem>>) src(%dma_wait3A_162 : memref<80x128xf32, #tpu.memory_space<hbm>>) dst(%arg16 : memref<80x128xf32, #tpu.memory_space<vmem>>)
        %dma_wait3A_163 = arith.constant 0 : i32
        %dma_wait3A_164 = tpu.memref_slice %arg4[%dma_wait3A_163] : memref<320000xi32, #tpu.memory_space<hbm>> -> memref<80xi32, #tpu.memory_space<hbm>>
        %dma_wait3A_165 = arith.constant 0 : i32
        %dma_wait3A_166 = tpu.memref_slice %arg4[%dma_wait3A_165] : memref<320000xi32, #tpu.memory_space<hbm>> -> memref<80xi32, #tpu.memory_space<hbm>>
        tpu.wait_dma2 semaphore(%arg26 : memref<!tpu.dma_semaphore, #tpu.memory_space<semaphore_mem>>) src(%dma_wait3A_166 : memref<80xi32, #tpu.memory_space<hbm>>) dst(%arg10 : memref<80xi32, #tpu.memory_space<vmem>>)
        %dma_wait3A_167 = arith.constant 0 : i32
        %dma_wait3A_168 = tpu.memref_slice %arg13[%dma_wait3A_167] : memref<96xf32, #tpu.memory_space<vmem>> -> memref<80xf32, #tpu.memory_space<vmem>>
        %dma_wait3A_169 = arith.constant 0 : i32
        %dma_wait3A_170 = tpu.memref_slice %arg5[%dma_wait3A_169] : memref<320000xf32, #tpu.memory_space<hbm>> -> memref<80xf32, #tpu.memory_space<hbm>>
        %dma_wait3A_171 = arith.constant 0 : i32
        %dma_wait3A_172 = tpu.memref_slice %arg13[%dma_wait3A_171] : memref<96xf32, #tpu.memory_space<vmem>> -> memref<80xf32, #tpu.memory_space<vmem>>
        %dma_wait3A_173 = arith.constant 0 : i32
        %dma_wait3A_174 = tpu.memref_slice %arg5[%dma_wait3A_173] : memref<320000xf32, #tpu.memory_space<hbm>> -> memref<80xf32, #tpu.memory_space<hbm>>
        tpu.wait_dma2 semaphore(%arg26 : memref<!tpu.dma_semaphore, #tpu.memory_space<semaphore_mem>>) src(%dma_wait3A_174 : memref<80xf32, #tpu.memory_space<hbm>>) dst(%dma_wait3A_172 : memref<80xf32, #tpu.memory_space<vmem>>)
        %scan3A_175 = arith.constant 0 : i32
        %scan3A_176 = arith.constant 0 : i32
        %scan3A_177 = arith.constant 20 : i32
        %scan3A_178 = arith.addi %scan3A_176, %scan3A_177 : i32
        %scan3A_179 = arith.constant 1 : i32
        %scan3A_180 = scf.for %scan3A_192 = %scan3A_176 to %scan3A_178 step %scan3A_179 iter_args(%scan3A_193 = %scan3A_175) -> (i32)  : i32 {
          %mul3A_194 = arith.constant 4 : i32
          %mul3A_195 = arith.muli %scan3A_192, %mul3A_194 : i32
          %add3A_196 = arith.constant 0 : i32
          %add3A_197 = arith.addi %mul3A_195, %add3A_196 : i32
          %get3A = arith.index_cast %add3A_197 : i32 to index
          %get3A_198 = tpu.vector_load %arg13[%get3A] {strides = array<i32>} : memref<96xf32, #tpu.memory_space<vmem>>, vector<16xf32>,
          %get3A_199 = vector.shape_cast %get3A_198 : vector<16xf32> to vector<16xf32>
          %slice3A = vector.extract_strided_slice %get3A_199 {offsets = [0], sizes = [1], strides = [1]} : vector<16xf32> to vector<1xf32>
          %squeeze3A = vector.extract %slice3A[0] : f32 from vector<1xf32>
          %broadcast_in_dim3A_200 = vector.broadcast %squeeze3A : f32 to vector<16xf32>
          %get3A_201 = arith.index_cast %add3A_197 : i32 to index
          %get3A_202 = arith.constant 0 : index
          %get3A_203 = tpu.vector_load %arg16[%get3A_201, %get3A_202] {strides = array<i32>} : memref<80x128xf32, #tpu.memory_space<vmem>>, vector<1x16xf32>,
          %get3A_204 = vector.shape_cast %get3A_203 : vector<1x16xf32> to vector<16xf32>
          %mul3A_205 = arith.mulf %get3A_204, %broadcast_in_dim3A_200 : vector<16xf32>
          %swap3A = arith.index_cast %add3A_197 : i32 to index
          %swap3A_206 = arith.constant 0 : index
          %swap3A_207 = tpu.vector_load %arg16[%swap3A, %swap3A_206] {strides = array<i32>} : memref<80x128xf32, #tpu.memory_space<vmem>>, vector<1x16xf32>,
          %swap3A_208 = vector.shape_cast %swap3A_207 : vector<1x16xf32> to vector<16xf32>
          %swap3A_209 = vector.shape_cast %mul3A_205 : vector<16xf32> to vector<1x16xf32>
          tpu.vector_store %arg16[%swap3A, %swap3A_206], %swap3A_209 {strides = array<i32>} : memref<80x128xf32, #tpu.memory_space<vmem>>, vector<1x16xf32>,
          %get3A_210 = arith.index_cast %add3A_197 : i32 to index
          %get3A_211 = arith.constant 16 : index
          %get3A_212 = tpu.vector_load %arg16[%get3A_210, %get3A_211] {strides = array<i32>} : memref<80x128xf32, #tpu.memory_space<vmem>>, vector<1x16xf32>,
          %get3A_213 = vector.shape_cast %get3A_212 : vector<1x16xf32> to vector<16xf32>
          %mul3A_214 = arith.mulf %get3A_213, %broadcast_in_dim3A_200 : vector<16xf32>
          %swap3A_215 = arith.index_cast %add3A_197 : i32 to index
          %swap3A_216 = arith.constant 16 : index
          %swap3A_217 = tpu.vector_load %arg16[%swap3A_215, %swap3A_216] {strides = array<i32>} : memref<80x128xf32, #tpu.memory_space<vmem>>, vector<1x16xf32>,
          %swap3A_218 = vector.shape_cast %swap3A_217 : vector<1x16xf32> to vector<16xf32>
          %swap3A_219 = vector.shape_cast %mul3A_214 : vector<16xf32> to vector<1x16xf32>
          tpu.vector_store %arg16[%swap3A_215, %swap3A_216], %swap3A_219 {strides = array<i32>} : memref<80x128xf32, #tpu.memory_space<vmem>>, vector<1x16xf32>,
          %get3A_220 = arith.index_cast %add3A_197 : i32 to index
          %get3A_221 = arith.constant 32 : index
          %get3A_222 = tpu.vector_load %arg16[%get3A_220, %get3A_221] {strides = array<i32>} : memref<80x128xf32, #tpu.memory_space<vmem>>, vector<1x16xf32>,
          %get3A_223 = vector.shape_cast %get3A_222 : vector<1x16xf32> to vector<16xf32>
          %mul3A_224 = arith.mulf %get3A_223, %broadcast_in_dim3A_200 : vector<16xf32>
          %swap3A_225 = arith.index_cast %add3A_197 : i32 to index
          %swap3A_226 = arith.constant 32 : index
          %swap3A_227 = tpu.vector_load %arg16[%swap3A_225, %swap3A_226] {strides = array<i32>} : memref<80x128xf32, #tpu.memory_space<vmem>>, vector<1x16xf32>,
          %swap3A_228 = vector.shape_cast %swap3A_227 : vector<1x16xf32> to vector<16xf32>
          %swap3A_229 = vector.shape_cast %mul3A_224 : vector<16xf32> to vector<1x16xf32>
          tpu.vector_store %arg16[%swap3A_225, %swap3A_226], %swap3A_229 {strides = array<i32>} : memref<80x128xf32, #tpu.memory_space<vmem>>, vector<1x16xf32>,
          %get3A_230 = arith.index_cast %add3A_197 : i32 to index
          %get3A_231 = arith.constant 48 : index
          %get3A_232 = tpu.vector_load %arg16[%get3A_230, %get3A_231] {strides = array<i32>} : memref<80x128xf32, #tpu.memory_space<vmem>>, vector<1x16xf32>,
          %get3A_233 = vector.shape_cast %get3A_232 : vector<1x16xf32> to vector<16xf32>
          %mul3A_234 = arith.mulf %get3A_233, %broadcast_in_dim3A_200 : vector<16xf32>
          %swap3A_235 = arith.index_cast %add3A_197 : i32 to index
          %swap3A_236 = arith.constant 48 : index
          %swap3A_237 = tpu.vector_load %arg16[%swap3A_235, %swap3A_236] {strides = array<i32>} : memref<80x128xf32, #tpu.memory_space<vmem>>, vector<1x16xf32>,
          %swap3A_238 = vector.shape_cast %swap3A_237 : vector<1x16xf32> to vector<16xf32>
          %swap3A_239 = vector.shape_cast %mul3A_234 : vector<16xf32> to vector<1x16xf32>
          tpu.vector_store %arg16[%swap3A_235, %swap3A_236], %swap3A_239 {strides = array<i32>} : memref<80x128xf32, #tpu.memory_space<vmem>>, vector<1x16xf32>,
          %get3A_240 = arith.index_cast %add3A_197 : i32 to index
          %get3A_241 = arith.constant 64 : index
          %get3A_242 = tpu.vector_load %arg16[%get3A_240, %get3A_241] {strides = array<i32>} : memref<80x128xf32, #tpu.memory_space<vmem>>, vector<1x16xf32>,
          %get3A_243 = vector.shape_cast %get3A_242 : vector<1x16xf32> to vector<16xf32>
          %mul3A_244 = arith.mulf %get3A_243, %broadcast_in_dim3A_200 : vector<16xf32>
          %swap3A_245 = arith.index_cast %add3A_197 : i32 to index
          %swap3A_246 = arith.constant 64 : index
          %swap3A_247 = tpu.vector_load %arg16[%swap3A_245, %swap3A_246] {strides = array<i32>} : memref<80x128xf32, #tpu.memory_space<vmem>>, vector<1x16xf32>,
          %swap3A_248 = vector.shape_cast %swap3A_247 : vector<1x16xf32> to vector<16xf32>
          %swap3A_249 = vector.shape_cast %mul3A_244 : vector<16xf32> to vector<1x16xf32>
          tpu.vector_store %arg16[%swap3A_245, %swap3A_246], %swap3A_249 {strides = array<i32>} : memref<80x128xf32, #tpu.memory_space<vmem>>, vector<1x16xf32>,
          %get3A_250 = arith.index_cast %add3A_197 : i32 to index
          %get3A_251 = arith.constant 80 : index
          %get3A_252 = tpu.vector_load %arg16[%get3A_250, %get3A_251] {strides = array<i32>} : memref<80x128xf32, #tpu.memory_space<vmem>>, vector<1x16xf32>,
          %get3A_253 = vector.shape_cast %get3A_252 : vector<1x16xf32> to vector<16xf32>
          %mul3A_254 = arith.mulf %get3A_253, %broadcast_in_dim3A_200 : vector<16xf32>
          %swap3A_255 = arith.index_cast %add3A_197 : i32 to index
          %swap3A_256 = arith.constant 80 : index
          %swap3A_257 = tpu.vector_load %arg16[%swap3A_255, %swap3A_256] {strides = array<i32>} : memref<80x128xf32, #tpu.memory_space<vmem>>, vector<1x16xf32>,
          %swap3A_258 = vector.shape_cast %swap3A_257 : vector<1x16xf32> to vector<16xf32>
          %swap3A_259 = vector.shape_cast %mul3A_254 : vector<16xf32> to vector<1x16xf32>
          tpu.vector_store %arg16[%swap3A_255, %swap3A_256], %swap3A_259 {strides = array<i32>} : memref<80x128xf32, #tpu.memory_space<vmem>>, vector<1x16xf32>,
          %get3A_260 = arith.index_cast %add3A_197 : i32 to index
          %get3A_261 = arith.constant 96 : index
          %get3A_262 = tpu.vector_load %arg16[%get3A_260, %get3A_261] {strides = array<i32>} : memref<80x128xf32, #tpu.memory_space<vmem>>, vector<1x16xf32>,
          %get3A_263 = vector.shape_cast %get3A_262 : vector<1x16xf32> to vector<16xf32>
          %mul3A_264 = arith.mulf %get3A_263, %broadcast_in_dim3A_200 : vector<16xf32>
          %swap3A_265 = arith.index_cast %add3A_197 : i32 to index
          %swap3A_266 = arith.constant 96 : index
          %swap3A_267 = tpu.vector_load %arg16[%swap3A_265, %swap3A_266] {strides = array<i32>} : memref<80x128xf32, #tpu.memory_space<vmem>>, vector<1x16xf32>,
          %swap3A_268 = vector.shape_cast %swap3A_267 : vector<1x16xf32> to vector<16xf32>
          %swap3A_269 = vector.shape_cast %mul3A_264 : vector<16xf32> to vector<1x16xf32>
          tpu.vector_store %arg16[%swap3A_265, %swap3A_266], %swap3A_269 {strides = array<i32>} : memref<80x128xf32, #tpu.memory_space<vmem>>, vector<1x16xf32>,
          %get3A_270 = arith.index_cast %add3A_197 : i32 to index
          %get3A_271 = arith.constant 112 : index
          %get3A_272 = tpu.vector_load %arg16[%get3A_270, %get3A_271] {strides = array<i32>} : memref<80x128xf32, #tpu.memory_space<vmem>>, vector<1x16xf32>,
          %get3A_273 = vector.shape_cast %get3A_272 : vector<1x16xf32> to vector<16xf32>
          %mul3A_274 = arith.mulf %get3A_273, %broadcast_in_dim3A_200 : vector<16xf32>
          %swap3A_275 = arith.index_cast %add3A_197 : i32 to index
          %swap3A_276 = arith.constant 112 : index
          %swap3A_277 = tpu.vector_load %arg16[%swap3A_275, %swap3A_276] {strides = array<i32>} : memref<80x128xf32, #tpu.memory_space<vmem>>, vector<1x16xf32>,
          %swap3A_278 = vector.shape_cast %swap3A_277 : vector<1x16xf32> to vector<16xf32>
          %swap3A_279 = vector.shape_cast %mul3A_274 : vector<16xf32> to vector<1x16xf32>
          tpu.vector_store %arg16[%swap3A_275, %swap3A_276], %swap3A_279 {strides = array<i32>} : memref<80x128xf32, #tpu.memory_space<vmem>>, vector<1x16xf32>,
          %mul3A_280 = arith.constant 4 : i32
          %mul3A_281 = arith.muli %scan3A_192, %mul3A_280 : i32
          %add3A_282 = arith.constant 1 : i32
          %add3A_283 = arith.addi %mul3A_281, %add3A_282 : i32
          %get3A_284 = arith.index_cast %add3A_283 : i32 to index
          %get3A_285 = tpu.vector_load %arg13[%get3A_284] {strides = array<i32>} : memref<96xf32, #tpu.memory_space<vmem>>, vector<16xf32>,
          %get3A_286 = vector.shape_cast %get3A_285 : vector<16xf32> to vector<16xf32>
          %slice3A_287 = vector.extract_strided_slice %get3A_286 {offsets = [0], sizes = [1], strides = [1]} : vector<16xf32> to vector<1xf32>
          %squeeze3A_288 = vector.extract %slice3A_287[0] : f32 from vector<1xf32>
          %broadcast_in_dim3A_289 = vector.broadcast %squeeze3A_288 : f32 to vector<16xf32>
          %get3A_290 = arith.index_cast %add3A_283 : i32 to index
          %get3A_291 = arith.constant 0 : index
          %get3A_292 = tpu.vector_load %arg16[%get3A_290, %get3A_291] {strides = array<i32>} : memref<80x128xf32, #tpu.memory_space<vmem>>, vector<1x16xf32>,
          %get3A_293 = vector.shape_cast %get3A_292 : vector<1x16xf32> to vector<16xf32>
          %mul3A_294 = arith.mulf %get3A_293, %broadcast_in_dim3A_289 : vector<16xf32>
          %swap3A_295 = arith.index_cast %add3A_283 : i32 to index
          %swap3A_296 = arith.constant 0 : index
          %swap3A_297 = tpu.vector_load %arg16[%swap3A_295, %swap3A_296] {strides = array<i32>} : memref<80x128xf32, #tpu.memory_space<vmem>>, vector<1x16xf32>,
          %swap3A_298 = vector.shape_cast %swap3A_297 : vector<1x16xf32> to vector<16xf32>
          %swap3A_299 = vector.shape_cast %mul3A_294 : vector<16xf32> to vector<1x16xf32>
          tpu.vector_store %arg16[%swap3A_295, %swap3A_296], %swap3A_299 {strides = array<i32>} : memref<80x128xf32, #tpu.memory_space<vmem>>, vector<1x16xf32>,
          %get3A_300 = arith.index_cast %add3A_283 : i32 to index
          %get3A_301 = arith.constant 16 : index
          %get3A_302 = tpu.vector_load %arg16[%get3A_300, %get3A_301] {strides = array<i32>} : memref<80x128xf32, #tpu.memory_space<vmem>>, vector<1x16xf32>,
          %get3A_303 = vector.shape_cast %get3A_302 : vector<1x16xf32> to vector<16xf32>
          %mul3A_304 = arith.mulf %get3A_303, %broadcast_in_dim3A_289 : vector<16xf32>
          %swap3A_305 = arith.index_cast %add3A_283 : i32 to index
          %swap3A_306 = arith.constant 16 : index
          %swap3A_307 = tpu.vector_load %arg16[%swap3A_305, %swap3A_306] {strides = array<i32>} : memref<80x128xf32, #tpu.memory_space<vmem>>, vector<1x16xf32>,
          %swap3A_308 = vector.shape_cast %swap3A_307 : vector<1x16xf32> to vector<16xf32>
          %swap3A_309 = vector.shape_cast %mul3A_304 : vector<16xf32> to vector<1x16xf32>
          tpu.vector_store %arg16[%swap3A_305, %swap3A_306], %swap3A_309 {strides = array<i32>} : memref<80x128xf32, #tpu.memory_space<vmem>>, vector<1x16xf32>,
          %get3A_310 = arith.index_cast %add3A_283 : i32 to index
          %get3A_311 = arith.constant 32 : index
          %get3A_312 = tpu.vector_load %arg16[%get3A_310, %get3A_311] {strides = array<i32>} : memref<80x128xf32, #tpu.memory_space<vmem>>, vector<1x16xf32>,
          %get3A_313 = vector.shape_cast %get3A_312 : vector<1x16xf32> to vector<16xf32>
          %mul3A_314 = arith.mulf %get3A_313, %broadcast_in_dim3A_289 : vector<16xf32>
          %swap3A_315 = arith.index_cast %add3A_283 : i32 to index
          %swap3A_316 = arith.constant 32 : index
          %swap3A_317 = tpu.vector_load %arg16[%swap3A_315, %swap3A_316] {strides = array<i32>} : memref<80x128xf32, #tpu.memory_space<vmem>>, vector<1x16xf32>,
          %swap3A_318 = vector.shape_cast %swap3A_317 : vector<1x16xf32> to vector<16xf32>
          %swap3A_319 = vector.shape_cast %mul3A_314 : vector<16xf32> to vector<1x16xf32>
          tpu.vector_store %arg16[%swap3A_315, %swap3A_316], %swap3A_319 {strides = array<i32>} : memref<80x128xf32, #tpu.memory_space<vmem>>, vector<1x16xf32>,
          %get3A_320 = arith.index_cast %add3A_283 : i32 to index
          %get3A_321 = arith.constant 48 : index
          %get3A_322 = tpu.vector_load %arg16[%get3A_320, %get3A_321] {strides = array<i32>} : memref<80x128xf32, #tpu.memory_space<vmem>>, vector<1x16xf32>,
          %get3A_323 = vector.shape_cast %get3A_322 : vector<1x16xf32> to vector<16xf32>
          %mul3A_324 = arith.mulf %get3A_323, %broadcast_in_dim3A_289 : vector<16xf32>
          %swap3A_325 = arith.index_cast %add3A_283 : i32 to index
          %swap3A_326 = arith.constant 48 : index
          %swap3A_327 = tpu.vector_load %arg16[%swap3A_325, %swap3A_326] {strides = array<i32>} : memref<80x128xf32, #tpu.memory_space<vmem>>, vector<1x16xf32>,
          %swap3A_328 = vector.shape_cast %swap3A_327 : vector<1x16xf32> to vector<16xf32>
          %swap3A_329 = vector.shape_cast %mul3A_324 : vector<16xf32> to vector<1x16xf32>
          tpu.vector_store %arg16[%swap3A_325, %swap3A_326], %swap3A_329 {strides = array<i32>} : memref<80x128xf32, #tpu.memory_space<vmem>>, vector<1x16xf32>,
          %get3A_330 = arith.index_cast %add3A_283 : i32 to index
          %get3A_331 = arith.constant 64 : index
          %get3A_332 = tpu.vector_load %arg16[%get3A_330, %get3A_331] {strides = array<i32>} : memref<80x128xf32, #tpu.memory_space<vmem>>, vector<1x16xf32>,
          %get3A_333 = vector.shape_cast %get3A_332 : vector<1x16xf32> to vector<16xf32>
          %mul3A_334 = arith.mulf %get3A_333, %broadcast_in_dim3A_289 : vector<16xf32>
          %swap3A_335 = arith.index_cast %add3A_283 : i32 to index
          %swap3A_336 = arith.constant 64 : index
          %swap3A_337 = tpu.vector_load %arg16[%swap3A_335, %swap3A_336] {strides = array<i32>} : memref<80x128xf32, #tpu.memory_space<vmem>>, vector<1x16xf32>,
          %swap3A_338 = vector.shape_cast %swap3A_337 : vector<1x16xf32> to vector<16xf32>
          %swap3A_339 = vector.shape_cast %mul3A_334 : vector<16xf32> to vector<1x16xf32>
          tpu.vector_store %arg16[%swap3A_335, %swap3A_336], %swap3A_339 {strides = array<i32>} : memref<80x128xf32, #tpu.memory_space<vmem>>, vector<1x16xf32>,
          %get3A_340 = arith.index_cast %add3A_283 : i32 to index
          %get3A_341 = arith.constant 80 : index
          %get3A_342 = tpu.vector_load %arg16[%get3A_340, %get3A_341] {strides = array<i32>} : memref<80x128xf32, #tpu.memory_space<vmem>>, vector<1x16xf32>,
          %get3A_343 = vector.shape_cast %get3A_342 : vector<1x16xf32> to vector<16xf32>
          %mul3A_344 = arith.mulf %get3A_343, %broadcast_in_dim3A_289 : vector<16xf32>
          %swap3A_345 = arith.index_cast %add3A_283 : i32 to index
          %swap3A_346 = arith.constant 80 : index
          %swap3A_347 = tpu.vector_load %arg16[%swap3A_345, %swap3A_346] {strides = array<i32>} : memref<80x128xf32, #tpu.memory_space<vmem>>, vector<1x16xf32>,
          %swap3A_348 = vector.shape_cast %swap3A_347 : vector<1x16xf32> to vector<16xf32>
          %swap3A_349 = vector.shape_cast %mul3A_344 : vector<16xf32> to vector<1x16xf32>
          tpu.vector_store %arg16[%swap3A_345, %swap3A_346], %swap3A_349 {strides = array<i32>} : memref<80x128xf32, #tpu.memory_space<vmem>>, vector<1x16xf32>,
          %get3A_350 = arith.index_cast %add3A_283 : i32 to index
          %get3A_351 = arith.constant 96 : index
          %get3A_352 = tpu.vector_load %arg16[%get3A_350, %get3A_351] {strides = array<i32>} : memref<80x128xf32, #tpu.memory_space<vmem>>, vector<1x16xf32>,
          %get3A_353 = vector.shape_cast %get3A_352 : vector<1x16xf32> to vector<16xf32>
          %mul3A_354 = arith.mulf %get3A_353, %broadcast_in_dim3A_289 : vector<16xf32>
          %swap3A_355 = arith.index_cast %add3A_283 : i32 to index
          %swap3A_356 = arith.constant 96 : index
          %swap3A_357 = tpu.vector_load %arg16[%swap3A_355, %swap3A_356] {strides = array<i32>} : memref<80x128xf32, #tpu.memory_space<vmem>>, vector<1x16xf32>,
          %swap3A_358 = vector.shape_cast %swap3A_357 : vector<1x16xf32> to vector<16xf32>
          %swap3A_359 = vector.shape_cast %mul3A_354 : vector<16xf32> to vector<1x16xf32>
          tpu.vector_store %arg16[%swap3A_355, %swap3A_356], %swap3A_359 {strides = array<i32>} : memref<80x128xf32, #tpu.memory_space<vmem>>, vector<1x16xf32>,
          %get3A_360 = arith.index_cast %add3A_283 : i32 to index
          %get3A_361 = arith.constant 112 : index
          %get3A_362 = tpu.vector_load %arg16[%get3A_360, %get3A_361] {strides = array<i32>} : memref<80x128xf32, #tpu.memory_space<vmem>>, vector<1x16xf32>,
          %get3A_363 = vector.shape_cast %get3A_362 : vector<1x16xf32> to vector<16xf32>
          %mul3A_364 = arith.mulf %get3A_363, %broadcast_in_dim3A_289 : vector<16xf32>
          %swap3A_365 = arith.index_cast %add3A_283 : i32 to index
          %swap3A_366 = arith.constant 112 : index
          %swap3A_367 = tpu.vector_load %arg16[%swap3A_365, %swap3A_366] {strides = array<i32>} : memref<80x128xf32, #tpu.memory_space<vmem>>, vector<1x16xf32>,
          %swap3A_368 = vector.shape_cast %swap3A_367 : vector<1x16xf32> to vector<16xf32>
          %swap3A_369 = vector.shape_cast %mul3A_364 : vector<16xf32> to vector<1x16xf32>
          tpu.vector_store %arg16[%swap3A_365, %swap3A_366], %swap3A_369 {strides = array<i32>} : memref<80x128xf32, #tpu.memory_space<vmem>>, vector<1x16xf32>,
          %mul3A_370 = arith.constant 4 : i32
          %mul3A_371 = arith.muli %scan3A_192, %mul3A_370 : i32
          %add3A_372 = arith.constant 2 : i32
          %add3A_373 = arith.addi %mul3A_371, %add3A_372 : i32
          %get3A_374 = arith.index_cast %add3A_373 : i32 to index
          %get3A_375 = tpu.vector_load %arg13[%get3A_374] {strides = array<i32>} : memref<96xf32, #tpu.memory_space<vmem>>, vector<16xf32>,
          %get3A_376 = vector.shape_cast %get3A_375 : vector<16xf32> to vector<16xf32>
          %slice3A_377 = vector.extract_strided_slice %get3A_376 {offsets = [0], sizes = [1], strides = [1]} : vector<16xf32> to vector<1xf32>
          %squeeze3A_378 = vector.extract %slice3A_377[0] : f32 from vector<1xf32>
          %broadcast_in_dim3A_379 = vector.broadcast %squeeze3A_378 : f32 to vector<16xf32>
          %get3A_380 = arith.index_cast %add3A_373 : i32 to index
          %get3A_381 = arith.constant 0 : index
          %get3A_382 = tpu.vector_load %arg16[%get3A_380, %get3A_381] {strides = array<i32>} : memref<80x128xf32, #tpu.memory_space<vmem>>, vector<1x16xf32>,
          %get3A_383 = vector.shape_cast %get3A_382 : vector<1x16xf32> to vector<16xf32>
          %mul3A_384 = arith.mulf %get3A_383, %broadcast_in_dim3A_379 : vector<16xf32>
          %swap3A_385 = arith.index_cast %add3A_373 : i32 to index
          %swap3A_386 = arith.constant 0 : index
          %swap3A_387 = tpu.vector_load %arg16[%swap3A_385, %swap3A_386] {strides = array<i32>} : memref<80x128xf32, #tpu.memory_space<vmem>>, vector<1x16xf32>,
          %swap3A_388 = vector.shape_cast %swap3A_387 : vector<1x16xf32> to vector<16xf32>
          %swap3A_389 = vector.shape_cast %mul3A_384 : vector<16xf32> to vector<1x16xf32>
          tpu.vector_store %arg16[%swap3A_385, %swap3A_386], %swap3A_389 {strides = array<i32>} : memref<80x128xf32, #tpu.memory_space<vmem>>, vector<1x16xf32>,
          %get3A_390 = arith.index_cast %add3A_373 : i32 to index
          %get3A_391 = arith.constant 16 : index
          %get3A_392 = tpu.vector_load %arg16[%get3A_390, %get3A_391] {strides = array<i32>} : memref<80x128xf32, #tpu.memory_space<vmem>>, vector<1x16xf32>,
          %get3A_393 = vector.shape_cast %get3A_392 : vector<1x16xf32> to vector<16xf32>
          %mul3A_394 = arith.mulf %get3A_393, %broadcast_in_dim3A_379 : vector<16xf32>
          %swap3A_395 = arith.index_cast %add3A_373 : i32 to index
          %swap3A_396 = arith.constant 16 : index
          %swap3A_397 = tpu.vector_load %arg16[%swap3A_395, %swap3A_396] {strides = array<i32>} : memref<80x128xf32, #tpu.memory_space<vmem>>, vector<1x16xf32>,
          %swap3A_398 = vector.shape_cast %swap3A_397 : vector<1x16xf32> to vector<16xf32>
          %swap3A_399 = vector.shape_cast %mul3A_394 : vector<16xf32> to vector<1x16xf32>
          tpu.vector_store %arg16[%swap3A_395, %swap3A_396], %swap3A_399 {strides = array<i32>} : memref<80x128xf32, #tpu.memory_space<vmem>>, vector<1x16xf32>,
          %get3A_400 = arith.index_cast %add3A_373 : i32 to index
          %get3A_401 = arith.constant 32 : index
          %get3A_402 = tpu.vector_load %arg16[%get3A_400, %get3A_401] {strides = array<i32>} : memref<80x128xf32, #tpu.memory_space<vmem>>, vector<1x16xf32>,
          %get3A_403 = vector.shape_cast %get3A_402 : vector<1x16xf32> to vector<16xf32>
          %mul3A_404 = arith.mulf %get3A_403, %broadcast_in_dim3A_379 : vector<16xf32>
          %swap3A_405 = arith.index_cast %add3A_373 : i32 to index
          %swap3A_406 = arith.constant 32 : index
          %swap3A_407 = tpu.vector_load %arg16[%swap3A_405, %swap3A_406] {strides = array<i32>} : memref<80x128xf32, #tpu.memory_space<vmem>>, vector<1x16xf32>,
          %swap3A_408 = vector.shape_cast %swap3A_407 : vector<1x16xf32> to vector<16xf32>
          %swap3A_409 = vector.shape_cast %mul3A_404 : vector<16xf32> to vector<1x16xf32>
          tpu.vector_store %arg16[%swap3A_405, %swap3A_406], %swap3A_409 {strides = array<i32>} : memref<80x128xf32, #tpu.memory_space<vmem>>, vector<1x16xf32>,
          %get3A_410 = arith.index_cast %add3A_373 : i32 to index
          %get3A_411 = arith.constant 48 : index
          %get3A_412 = tpu.vector_load %arg16[%get3A_410, %get3A_411] {strides = array<i32>} : memref<80x128xf32, #tpu.memory_space<vmem>>, vector<1x16xf32>,
          %get3A_413 = vector.shape_cast %get3A_412 : vector<1x16xf32> to vector<16xf32>
          %mul3A_414 = arith.mulf %get3A_413, %broadcast_in_dim3A_379 : vector<16xf32>
          %swap3A_415 = arith.index_cast %add3A_373 : i32 to index
          %swap3A_416 = arith.constant 48 : index
          %swap3A_417 = tpu.vector_load %arg16[%swap3A_415, %swap3A_416] {strides = array<i32>} : memref<80x128xf32, #tpu.memory_space<vmem>>, vector<1x16xf32>,
          %swap3A_418 = vector.shape_cast %swap3A_417 : vector<1x16xf32> to vector<16xf32>
          %swap3A_419 = vector.shape_cast %mul3A_414 : vector<16xf32> to vector<1x16xf32>
          tpu.vector_store %arg16[%swap3A_415, %swap3A_416], %swap3A_419 {strides = array<i32>} : memref<80x128xf32, #tpu.memory_space<vmem>>, vector<1x16xf32>,
          %get3A_420 = arith.index_cast %add3A_373 : i32 to index
          %get3A_421 = arith.constant 64 : index
          %get3A_422 = tpu.vector_load %arg16[%get3A_420, %get3A_421] {strides = array<i32>} : memref<80x128xf32, #tpu.memory_space<vmem>>, vector<1x16xf32>,
          %get3A_423 = vector.shape_cast %get3A_422 : vector<1x16xf32> to vector<16xf32>
          %mul3A_424 = arith.mulf %get3A_423, %broadcast_in_dim3A_379 : vector<16xf32>
          %swap3A_425 = arith.index_cast %add3A_373 : i32 to index
          %swap3A_426 = arith.constant 64 : index
          %swap3A_427 = tpu.vector_load %arg16[%swap3A_425, %swap3A_426] {strides = array<i32>} : memref<80x128xf32, #tpu.memory_space<vmem>>, vector<1x16xf32>,
          %swap3A_428 = vector.shape_cast %swap3A_427 : vector<1x16xf32> to vector<16xf32>
          %swap3A_429 = vector.shape_cast %mul3A_424 : vector<16xf32> to vector<1x16xf32>
          tpu.vector_store %arg16[%swap3A_425, %swap3A_426], %swap3A_429 {strides = array<i32>} : memref<80x128xf32, #tpu.memory_space<vmem>>, vector<1x16xf32>,
          %get3A_430 = arith.index_cast %add3A_373 : i32 to index
          %get3A_431 = arith.constant 80 : index
          %get3A_432 = tpu.vector_load %arg16[%get3A_430, %get3A_431] {strides = array<i32>} : memref<80x128xf32, #tpu.memory_space<vmem>>, vector<1x16xf32>,
          %get3A_433 = vector.shape_cast %get3A_432 : vector<1x16xf32> to vector<16xf32>
          %mul3A_434 = arith.mulf %get3A_433, %broadcast_in_dim3A_379 : vector<16xf32>
          %swap3A_435 = arith.index_cast %add3A_373 : i32 to index
          %swap3A_436 = arith.constant 80 : index
          %swap3A_437 = tpu.vector_load %arg16[%swap3A_435, %swap3A_436] {strides = array<i32>} : memref<80x128xf32, #tpu.memory_space<vmem>>, vector<1x16xf32>,
          %swap3A_438 = vector.shape_cast %swap3A_437 : vector<1x16xf32> to vector<16xf32>
          %swap3A_439 = vector.shape_cast %mul3A_434 : vector<16xf32> to vector<1x16xf32>
          tpu.vector_store %arg16[%swap3A_435, %swap3A_436], %swap3A_439 {strides = array<i32>} : memref<80x128xf32, #tpu.memory_space<vmem>>, vector<1x16xf32>,
          %get3A_440 = arith.index_cast %add3A_373 : i32 to index
          %get3A_441 = arith.constant 96 : index
          %get3A_442 = tpu.vector_load %arg16[%get3A_440, %get3A_441] {strides = array<i32>} : memref<80x128xf32, #tpu.memory_space<vmem>>, vector<1x16xf32>,
          %get3A_443 = vector.shape_cast %get3A_442 : vector<1x16xf32> to vector<16xf32>
          %mul3A_444 = arith.mulf %get3A_443, %broadcast_in_dim3A_379 : vector<16xf32>
          %swap3A_445 = arith.index_cast %add3A_373 : i32 to index
          %swap3A_446 = arith.constant 96 : index
          %swap3A_447 = tpu.vector_load %arg16[%swap3A_445, %swap3A_446] {strides = array<i32>} : memref<80x128xf32, #tpu.memory_space<vmem>>, vector<1x16xf32>,
          %swap3A_448 = vector.shape_cast %swap3A_447 : vector<1x16xf32> to vector<16xf32>
          %swap3A_449 = vector.shape_cast %mul3A_444 : vector<16xf32> to vector<1x16xf32>
          tpu.vector_store %arg16[%swap3A_445, %swap3A_446], %swap3A_449 {strides = array<i32>} : memref<80x128xf32, #tpu.memory_space<vmem>>, vector<1x16xf32>,
          %get3A_450 = arith.index_cast %add3A_373 : i32 to index
          %get3A_451 = arith.constant 112 : index
          %get3A_452 = tpu.vector_load %arg16[%get3A_450, %get3A_451] {strides = array<i32>} : memref<80x128xf32, #tpu.memory_space<vmem>>, vector<1x16xf32>,
          %get3A_453 = vector.shape_cast %get3A_452 : vector<1x16xf32> to vector<16xf32>
          %mul3A_454 = arith.mulf %get3A_453, %broadcast_in_dim3A_379 : vector<16xf32>
          %swap3A_455 = arith.index_cast %add3A_373 : i32 to index
          %swap3A_456 = arith.constant 112 : index
          %swap3A_457 = tpu.vector_load %arg16[%swap3A_455, %swap3A_456] {strides = array<i32>} : memref<80x128xf32, #tpu.memory_space<vmem>>, vector<1x16xf32>,
          %swap3A_458 = vector.shape_cast %swap3A_457 : vector<1x16xf32> to vector<16xf32>
          %swap3A_459 = vector.shape_cast %mul3A_454 : vector<16xf32> to vector<1x16xf32>
          tpu.vector_store %arg16[%swap3A_455, %swap3A_456], %swap3A_459 {strides = array<i32>} : memref<80x128xf32, #tpu.memory_space<vmem>>, vector<1x16xf32>,
          %mul3A_460 = arith.constant 4 : i32
          %mul3A_461 = arith.muli %scan3A_192, %mul3A_460 : i32
          %add3A_462 = arith.constant 3 : i32
          %add3A_463 = arith.addi %mul3A_461, %add3A_462 : i32
          %get3A_464 = arith.index_cast %add3A_463 : i32 to index
          %get3A_465 = tpu.vector_load %arg13[%get3A_464] {strides = array<i32>} : memref<96xf32, #tpu.memory_space<vmem>>, vector<16xf32>,
          %get3A_466 = vector.shape_cast %get3A_465 : vector<16xf32> to vector<16xf32>
          %slice3A_467 = vector.extract_strided_slice %get3A_466 {offsets = [0], sizes = [1], strides = [1]} : vector<16xf32> to vector<1xf32>
          %squeeze3A_468 = vector.extract %slice3A_467[0] : f32 from vector<1xf32>
          %broadcast_in_dim3A_469 = vector.broadcast %squeeze3A_468 : f32 to vector<16xf32>
          %get3A_470 = arith.index_cast %add3A_463 : i32 to index
          %get3A_471 = arith.constant 0 : index
          %get3A_472 = tpu.vector_load %arg16[%get3A_470, %get3A_471] {strides = array<i32>} : memref<80x128xf32, #tpu.memory_space<vmem>>, vector<1x16xf32>,
          %get3A_473 = vector.shape_cast %get3A_472 : vector<1x16xf32> to vector<16xf32>
          %mul3A_474 = arith.mulf %get3A_473, %broadcast_in_dim3A_469 : vector<16xf32>
          %swap3A_475 = arith.index_cast %add3A_463 : i32 to index
          %swap3A_476 = arith.constant 0 : index
          %swap3A_477 = tpu.vector_load %arg16[%swap3A_475, %swap3A_476] {strides = array<i32>} : memref<80x128xf32, #tpu.memory_space<vmem>>, vector<1x16xf32>,
          %swap3A_478 = vector.shape_cast %swap3A_477 : vector<1x16xf32> to vector<16xf32>
          %swap3A_479 = vector.shape_cast %mul3A_474 : vector<16xf32> to vector<1x16xf32>
          tpu.vector_store %arg16[%swap3A_475, %swap3A_476], %swap3A_479 {strides = array<i32>} : memref<80x128xf32, #tpu.memory_space<vmem>>, vector<1x16xf32>,
          %get3A_480 = arith.index_cast %add3A_463 : i32 to index
          %get3A_481 = arith.constant 16 : index
          %get3A_482 = tpu.vector_load %arg16[%get3A_480, %get3A_481] {strides = array<i32>} : memref<80x128xf32, #tpu.memory_space<vmem>>, vector<1x16xf32>,
          %get3A_483 = vector.shape_cast %get3A_482 : vector<1x16xf32> to vector<16xf32>
          %mul3A_484 = arith.mulf %get3A_483, %broadcast_in_dim3A_469 : vector<16xf32>
          %swap3A_485 = arith.index_cast %add3A_463 : i32 to index
          %swap3A_486 = arith.constant 16 : index
          %swap3A_487 = tpu.vector_load %arg16[%swap3A_485, %swap3A_486] {strides = array<i32>} : memref<80x128xf32, #tpu.memory_space<vmem>>, vector<1x16xf32>,
          %swap3A_488 = vector.shape_cast %swap3A_487 : vector<1x16xf32> to vector<16xf32>
          %swap3A_489 = vector.shape_cast %mul3A_484 : vector<16xf32> to vector<1x16xf32>
          tpu.vector_store %arg16[%swap3A_485, %swap3A_486], %swap3A_489 {strides = array<i32>} : memref<80x128xf32, #tpu.memory_space<vmem>>, vector<1x16xf32>,
          %get3A_490 = arith.index_cast %add3A_463 : i32 to index
          %get3A_491 = arith.constant 32 : index
          %get3A_492 = tpu.vector_load %arg16[%get3A_490, %get3A_491] {strides = array<i32>} : memref<80x128xf32, #tpu.memory_space<vmem>>, vector<1x16xf32>,
          %get3A_493 = vector.shape_cast %get3A_492 : vector<1x16xf32> to vector<16xf32>
          %mul3A_494 = arith.mulf %get3A_493, %broadcast_in_dim3A_469 : vector<16xf32>
          %swap3A_495 = arith.index_cast %add3A_463 : i32 to index
          %swap3A_496 = arith.constant 32 : index
          %swap3A_497 = tpu.vector_load %arg16[%swap3A_495, %swap3A_496] {strides = array<i32>} : memref<80x128xf32, #tpu.memory_space<vmem>>, vector<1x16xf32>,
          %swap3A_498 = vector.shape_cast %swap3A_497 : vector<1x16xf32> to vector<16xf32>
          %swap3A_499 = vector.shape_cast %mul3A_494 : vector<16xf32> to vector<1x16xf32>
          tpu.vector_store %arg16[%swap3A_495, %swap3A_496], %swap3A_499 {strides = array<i32>} : memref<80x128xf32, #tpu.memory_space<vmem>>, vector<1x16xf32>,
          %get3A_500 = arith.index_cast %add3A_463 : i32 to index
          %get3A_501 = arith.constant 48 : index
          %get3A_502 = tpu.vector_load %arg16[%get3A_500, %get3A_501] {strides = array<i32>} : memref<80x128xf32, #tpu.memory_space<vmem>>, vector<1x16xf32>,
          %get3A_503 = vector.shape_cast %get3A_502 : vector<1x16xf32> to vector<16xf32>
          %mul3A_504 = arith.mulf %get3A_503, %broadcast_in_dim3A_469 : vector<16xf32>
          %swap3A_505 = arith.index_cast %add3A_463 : i32 to index
          %swap3A_506 = arith.constant 48 : index
          %swap3A_507 = tpu.vector_load %arg16[%swap3A_505, %swap3A_506] {strides = array<i32>} : memref<80x128xf32, #tpu.memory_space<vmem>>, vector<1x16xf32>,
          %swap3A_508 = vector.shape_cast %swap3A_507 : vector<1x16xf32> to vector<16xf32>
          %swap3A_509 = vector.shape_cast %mul3A_504 : vector<16xf32> to vector<1x16xf32>
          tpu.vector_store %arg16[%swap3A_505, %swap3A_506], %swap3A_509 {strides = array<i32>} : memref<80x128xf32, #tpu.memory_space<vmem>>, vector<1x16xf32>,
          %get3A_510 = arith.index_cast %add3A_463 : i32 to index
          %get3A_511 = arith.constant 64 : index
          %get3A_512 = tpu.vector_load %arg16[%get3A_510, %get3A_511] {strides = array<i32>} : memref<80x128xf32, #tpu.memory_space<vmem>>, vector<1x16xf32>,
          %get3A_513 = vector.shape_cast %get3A_512 : vector<1x16xf32> to vector<16xf32>
          %mul3A_514 = arith.mulf %get3A_513, %broadcast_in_dim3A_469 : vector<16xf32>
          %swap3A_515 = arith.index_cast %add3A_463 : i32 to index
          %swap3A_516 = arith.constant 64 : index
          %swap3A_517 = tpu.vector_load %arg16[%swap3A_515, %swap3A_516] {strides = array<i32>} : memref<80x128xf32, #tpu.memory_space<vmem>>, vector<1x16xf32>,
          %swap3A_518 = vector.shape_cast %swap3A_517 : vector<1x16xf32> to vector<16xf32>
          %swap3A_519 = vector.shape_cast %mul3A_514 : vector<16xf32> to vector<1x16xf32>
          tpu.vector_store %arg16[%swap3A_515, %swap3A_516], %swap3A_519 {strides = array<i32>} : memref<80x128xf32, #tpu.memory_space<vmem>>, vector<1x16xf32>,
          %get3A_520 = arith.index_cast %add3A_463 : i32 to index
          %get3A_521 = arith.constant 80 : index
          %get3A_522 = tpu.vector_load %arg16[%get3A_520, %get3A_521] {strides = array<i32>} : memref<80x128xf32, #tpu.memory_space<vmem>>, vector<1x16xf32>,
          %get3A_523 = vector.shape_cast %get3A_522 : vector<1x16xf32> to vector<16xf32>
          %mul3A_524 = arith.mulf %get3A_523, %broadcast_in_dim3A_469 : vector<16xf32>
          %swap3A_525 = arith.index_cast %add3A_463 : i32 to index
          %swap3A_526 = arith.constant 80 : index
          %swap3A_527 = tpu.vector_load %arg16[%swap3A_525, %swap3A_526] {strides = array<i32>} : memref<80x128xf32, #tpu.memory_space<vmem>>, vector<1x16xf32>,
          %swap3A_528 = vector.shape_cast %swap3A_527 : vector<1x16xf32> to vector<16xf32>
          %swap3A_529 = vector.shape_cast %mul3A_524 : vector<16xf32> to vector<1x16xf32>
          tpu.vector_store %arg16[%swap3A_525, %swap3A_526], %swap3A_529 {strides = array<i32>} : memref<80x128xf32, #tpu.memory_space<vmem>>, vector<1x16xf32>,
          %get3A_530 = arith.index_cast %add3A_463 : i32 to index
          %get3A_531 = arith.constant 96 : index
          %get3A_532 = tpu.vector_load %arg16[%get3A_530, %get3A_531] {strides = array<i32>} : memref<80x128xf32, #tpu.memory_space<vmem>>, vector<1x16xf32>,
          %get3A_533 = vector.shape_cast %get3A_532 : vector<1x16xf32> to vector<16xf32>
          %mul3A_534 = arith.mulf %get3A_533, %broadcast_in_dim3A_469 : vector<16xf32>
          %swap3A_535 = arith.index_cast %add3A_463 : i32 to index
          %swap3A_536 = arith.constant 96 : index
          %swap3A_537 = tpu.vector_load %arg16[%swap3A_535, %swap3A_536] {strides = array<i32>} : memref<80x128xf32, #tpu.memory_space<vmem>>, vector<1x16xf32>,
          %swap3A_538 = vector.shape_cast %swap3A_537 : vector<1x16xf32> to vector<16xf32>
          %swap3A_539 = vector.shape_cast %mul3A_534 : vector<16xf32> to vector<1x16xf32>
          tpu.vector_store %arg16[%swap3A_535, %swap3A_536], %swap3A_539 {strides = array<i32>} : memref<80x128xf32, #tpu.memory_space<vmem>>, vector<1x16xf32>,
          %get3A_540 = arith.index_cast %add3A_463 : i32 to index
          %get3A_541 = arith.constant 112 : index
          %get3A_542 = tpu.vector_load %arg16[%get3A_540, %get3A_541] {strides = array<i32>} : memref<80x128xf32, #tpu.memory_space<vmem>>, vector<1x16xf32>,
          %get3A_543 = vector.shape_cast %get3A_542 : vector<1x16xf32> to vector<16xf32>
          %mul3A_544 = arith.mulf %get3A_543, %broadcast_in_dim3A_469 : vector<16xf32>
          %swap3A_545 = arith.index_cast %add3A_463 : i32 to index
          %swap3A_546 = arith.constant 112 : index
          %swap3A_547 = tpu.vector_load %arg16[%swap3A_545, %swap3A_546] {strides = array<i32>} : memref<80x128xf32, #tpu.memory_space<vmem>>, vector<1x16xf32>,
          %swap3A_548 = vector.shape_cast %swap3A_547 : vector<1x16xf32> to vector<16xf32>
          %swap3A_549 = vector.shape_cast %mul3A_544 : vector<16xf32> to vector<1x16xf32>
          tpu.vector_store %arg16[%swap3A_545, %swap3A_546], %swap3A_549 {strides = array<i32>} : memref<80x128xf32, #tpu.memory_space<vmem>>, vector<1x16xf32>,
          %scan3A_550 = arith.constant 0 : i32
          scf.yield %scan3A_550 : i32
        }
        %scan3A_181 = arith.constant 20 : i32
        %dma_start3A_182 = arith.constant 0 : i32
        %dma_start3A_183 = arith.constant 0 : i32
        %dma_start3A_184 = tpu.memref_slice %arg17[%dma_start3A_182, %dma_start3A_183] : memref<10240x128xf32, #tpu.memory_space<vmem_shared>> -> memref<10240x128xf32, #tpu.memory_space<vmem_shared>>
        tpu.enqueue_indirect_dma source(%arg16 : memref<80x128xf32, #tpu.memory_space<vmem>>) target(%dma_start3A_184 : memref<10240x128xf32, #tpu.memory_space<vmem_shared>>) offsets(%arg10 : memref<80xi32, #tpu.memory_space<vmem>>) semaphore(%arg23 : memref<!tpu.dma_semaphore, #tpu.memory_space<semaphore_mem>>) {add = true}
        %add3A_185 = arith.constant 3 : i32
        %add3A_186 = arith.addi %scan3A_100, %add3A_185 : i32
        %sub3A = arith.constant 1 : i32
        %sub3A_187 = arith.subi %add3A_186, %sub3A : i32
        %le3A = arith.constant 124 : i32
        %le3A_188 = arith.cmpi sle, %sub3A_187, %le3A : i32
        %convert_element_type3A_189 = arith.extui %le3A_188 : i1 to i32
        %cond3A_190 = arith.constant 0 : i32
        %cond3A_191 = arith.cmpi ne, %convert_element_type3A_189, %cond3A_190 : i32
        scf.if %cond3A_191 {
          %ge3A = arith.constant 1 : i32
          %ge3A_192 = arith.cmpi sge, %scan3A_100, %ge3A : i32
          %convert_element_type3A_193 = arith.extui %ge3A_192 : i1 to i32
          %cond3A_194 = arith.constant 0 : i32
          %cond3A_195 = arith.cmpi ne, %convert_element_type3A_193, %cond3A_194 : i32
          scf.if %cond3A_195 {
            %dma_wait3A_221 = arith.constant 0 : i32
            %dma_wait3A_222 = arith.constant 0 : i32
            %dma_wait3A_223 = tpu.memref_slice %arg17[%dma_wait3A_221, %dma_wait3A_222] : memref<10240x128xf32, #tpu.memory_space<vmem_shared>> -> memref<80x128xf32, #tpu.memory_space<vmem_shared>>
            %dma_wait3A_224 = arith.constant 0 : i32
            %dma_wait3A_225 = arith.constant 0 : i32
            %dma_wait3A_226 = tpu.memref_slice %arg17[%dma_wait3A_224, %dma_wait3A_225] : memref<10240x128xf32, #tpu.memory_space<vmem_shared>> -> memref<80x128xf32, #tpu.memory_space<vmem_shared>>
            tpu.wait_dma2 semaphore(%arg22 : memref<!tpu.dma_semaphore, #tpu.memory_space<semaphore_mem>>) src(%arg15 : memref<80x128xf32, #tpu.memory_space<vmem>>) dst(%dma_wait3A_226 : memref<80x128xf32, #tpu.memory_space<vmem_shared>>)
          } else {
          }
          %add3A_196 = arith.constant 3 : i32
          %add3A_197 = arith.addi %scan3A_100, %add3A_196 : i32
          %sub3A_198 = arith.constant 1 : i32
          %sub3A_199 = arith.subi %add3A_197, %sub3A_198 : i32
          %mul3A_200 = arith.constant 80 : i32
          %mul3A_201 = arith.muli %sub3A_199, %mul3A_200 : i32
          %add3A_202 = arith.addi %mul3A_2, %mul3A_201 : i32
          %dma_start3A_203 = tpu.memref_slice %arg4[%add3A_202] : memref<320000xi32, #tpu.memory_space<hbm>> -> memref<80xi32, #tpu.memory_space<hbm>>
          %dma_start3A_204 = tpu.memref_slice %arg4[%add3A_202] : memref<320000xi32, #tpu.memory_space<hbm>> -> memref<80xi32, #tpu.memory_space<hbm>>
          tpu.enqueue_dma source(%dma_start3A_204 : memref<80xi32, #tpu.memory_space<hbm>>) target(%arg9 : memref<80xi32, #tpu.memory_space<vmem>>) target_semaphore(%arg25 : memref<!tpu.dma_semaphore, #tpu.memory_space<semaphore_mem>>)
          %dma_start3A_205 = arith.constant 0 : i32
          %dma_start3A_206 = tpu.memref_slice %arg12[%dma_start3A_205] : memref<96xf32, #tpu.memory_space<vmem>> -> memref<80xf32, #tpu.memory_space<vmem>>
          %dma_start3A_207 = tpu.memref_slice %arg5[%add3A_202] : memref<320000xf32, #tpu.memory_space<hbm>> -> memref<80xf32, #tpu.memory_space<hbm>>
          %dma_start3A_208 = arith.constant 0 : i32
          %dma_start3A_209 = tpu.memref_slice %arg12[%dma_start3A_208] : memref<96xf32, #tpu.memory_space<vmem>> -> memref<80xf32, #tpu.memory_space<vmem>>
          %dma_start3A_210 = tpu.memref_slice %arg5[%add3A_202] : memref<320000xf32, #tpu.memory_space<hbm>> -> memref<80xf32, #tpu.memory_space<hbm>>
          tpu.enqueue_dma source(%dma_start3A_210 : memref<80xf32, #tpu.memory_space<hbm>>) target(%dma_start3A_209 : memref<80xf32, #tpu.memory_space<vmem>>) target_semaphore(%arg25 : memref<!tpu.dma_semaphore, #tpu.memory_space<semaphore_mem>>)
          %add3A_211 = arith.constant 3 : i32
          %add3A_212 = arith.addi %scan3A_100, %add3A_211 : i32
          %sub3A_213 = arith.constant 1 : i32
          %sub3A_214 = arith.subi %add3A_212, %sub3A_213 : i32
          %mul3A_215 = arith.constant 80 : i32
          %mul3A_216 = arith.muli %sub3A_214, %mul3A_215 : i32
          %dma_start3A_217 = tpu.memref_slice %arg7[%mul3A_216] : memref<10000xi32, #tpu.memory_space<vmem>> -> memref<80xi32, #tpu.memory_space<vmem>>
          %dma_start3A_218 = arith.constant 0 : i32
          %dma_start3A_219 = arith.constant 0 : i32
          %dma_start3A_220 = tpu.memref_slice %arg2[%dma_start3A_218, %dma_start3A_219] : memref<10240x128xf32, #tpu.memory_space<hbm>> -> memref<10240x128xf32, #tpu.memory_space<hbm>>
          tpu.enqueue_indirect_dma source(%dma_start3A_220 : memref<10240x128xf32, #tpu.memory_space<hbm>>) target(%arg15 : memref<80x128xf32, #tpu.memory_space<vmem>>) offsets(%dma_start3A_217 : memref<80xi32, #tpu.memory_space<vmem>>) semaphore(%arg19 : memref<!tpu.dma_semaphore, #tpu.memory_space<semaphore_mem>>)
        } else {
        }
      } else {
      }
      %scan3A_156 = arith.constant 0 : i32
      scf.yield %scan3A_156 : i32
    }
    %scan3A_77 = arith.constant 125 : i32
    %dma_wait3A = arith.constant 0 : i32
    %dma_wait3A_78 = arith.constant 0 : i32
    %dma_wait3A_79 = tpu.memref_slice %arg17[%dma_wait3A, %dma_wait3A_78] : memref<10240x128xf32, #tpu.memory_space<vmem_shared>> -> memref<80x128xf32, #tpu.memory_space<vmem_shared>>
    %dma_wait3A_80 = arith.constant 0 : i32
    %dma_wait3A_81 = arith.constant 0 : i32
    %dma_wait3A_82 = tpu.memref_slice %arg17[%dma_wait3A_80, %dma_wait3A_81] : memref<10240x128xf32, #tpu.memory_space<vmem_shared>> -> memref<80x128xf32, #tpu.memory_space<vmem_shared>>
    tpu.wait_dma2 semaphore(%arg21 : memref<!tpu.dma_semaphore, #tpu.memory_space<semaphore_mem>>) src(%arg14 : memref<80x128xf32, #tpu.memory_space<vmem>>) dst(%dma_wait3A_82 : memref<80x128xf32, #tpu.memory_space<vmem_shared>>)
    %dma_wait3A_83 = arith.constant 0 : i32
    %dma_wait3A_84 = arith.constant 0 : i32
    %dma_wait3A_85 = tpu.memref_slice %arg17[%dma_wait3A_83, %dma_wait3A_84] : memref<10240x128xf32, #tpu.memory_space<vmem_shared>> -> memref<80x128xf32, #tpu.memory_space<vmem_shared>>
    %dma_wait3A_86 = arith.constant 0 : i32
    %dma_wait3A_87 = arith.constant 0 : i32
    %dma_wait3A_88 = tpu.memref_slice %arg17[%dma_wait3A_86, %dma_wait3A_87] : memref<10240x128xf32, #tpu.memory_space<vmem_shared>> -> memref<80x128xf32, #tpu.memory_space<vmem_shared>>
    tpu.wait_dma2 semaphore(%arg22 : memref<!tpu.dma_semaphore, #tpu.memory_space<semaphore_mem>>) src(%arg15 : memref<80x128xf32, #tpu.memory_space<vmem>>) dst(%dma_wait3A_88 : memref<80x128xf32, #tpu.memory_space<vmem_shared>>)
    %dma_wait3A_89 = arith.constant 0 : i32
    %dma_wait3A_90 = arith.constant 0 : i32
    %dma_wait3A_91 = tpu.memref_slice %arg17[%dma_wait3A_89, %dma_wait3A_90] : memref<10240x128xf32, #tpu.memory_space<vmem_shared>> -> memref<80x128xf32, #tpu.memory_space<vmem_shared>>
    %dma_wait3A_92 = arith.constant 0 : i32
    %dma_wait3A_93 = arith.constant 0 : i32
    %dma_wait3A_94 = tpu.memref_slice %arg17[%dma_wait3A_92, %dma_wait3A_93] : memref<10240x128xf32, #tpu.memory_space<vmem_shared>> -> memref<80x128xf32, #tpu.memory_space<vmem_shared>>
    tpu.wait_dma2 semaphore(%arg23 : memref<!tpu.dma_semaphore, #tpu.memory_space<semaphore_mem>>) src(%arg16 : memref<80x128xf32, #tpu.memory_space<vmem>>) dst(%dma_wait3A_94 : memref<80x128xf32, #tpu.memory_space<vmem_shared>>)
    %barrier3A_95 = arith.constant 0 : index
    tpu.barrier barrier_id(%barrier3A_95)
    %mul3A_96 = arith.constant 640 : i32
    %mul3A_97 = arith.muli %arg1, %mul3A_96 : i32
    %mul3A_98 = arith.constant 640 : i32
    %mul3A_99 = arith.muli %arg1, %mul3A_98 : i32
    "tpu.region"() ({
      %run_scoped3A = tpu.sem_alloc : memref<!tpu.dma_semaphore, #tpu.memory_space<semaphore_mem>>
      %dma_start3A_100 = arith.constant 0 : i32
      %dma_start3A_101 = tpu.memref_slice %arg6[%arg0, %mul3A_99, %dma_start3A_100] : memref<2x10240x128xf32, #tpu.memory_space<hbm>> -> memref<1x640x128xf32, #tpu.memory_space<hbm>>
      %dma_start3A_102 = tpu.memref_squeeze %dma_start3A_101 : memref<1x640x128xf32, #tpu.memory_space<hbm>> -> memref<640x128xf32, #tpu.memory_space<hbm>>
      %dma_start3A_103 = arith.constant 0 : i32
      %dma_start3A_104 = tpu.memref_slice %arg17[%mul3A_97, %dma_start3A_103] : memref<10240x128xf32, #tpu.memory_space<vmem_shared>> -> memref<640x128xf32, #tpu.memory_space<vmem_shared>>
      tpu.enqueue_dma source(%dma_start3A_104 : memref<640x128xf32, #tpu.memory_space<vmem_shared>>) target(%dma_start3A_102 : memref<640x128xf32, #tpu.memory_space<hbm>>) target_semaphore(%run_scoped3A : memref<!tpu.dma_semaphore, #tpu.memory_space<semaphore_mem>>)
      %dma_wait3A_105 = arith.constant 0 : i32
      %dma_wait3A_106 = tpu.memref_slice %arg6[%arg0, %mul3A_99, %dma_wait3A_105] : memref<2x10240x128xf32, #tpu.memory_space<hbm>> -> memref<1x640x128xf32, #tpu.memory_space<hbm>>
      %dma_wait3A_107 = tpu.memref_squeeze %dma_wait3A_106 : memref<1x640x128xf32, #tpu.memory_space<hbm>> -> memref<640x128xf32, #tpu.memory_space<hbm>>
      %dma_wait3A_108 = arith.constant 0 : i32
      %dma_wait3A_109 = tpu.memref_slice %arg17[%mul3A_97, %dma_wait3A_108] : memref<10240x128xf32, #tpu.memory_space<vmem_shared>> -> memref<640x128xf32, #tpu.memory_space<vmem_shared>>
      tpu.wait_dma2 semaphore(%run_scoped3A : memref<!tpu.dma_semaphore, #tpu.memory_space<semaphore_mem>>) src(%dma_wait3A_109 : memref<640x128xf32, #tpu.memory_space<vmem_shared>>) dst(%dma_wait3A_107 : memref<640x128xf32, #tpu.memory_space<hbm>>)
      tpu.yield
    }) : () -> ()
    return
  }
}

module attributes {stable_mosaic.version = 14 : i64} {
  func.func @_k2a_body(%arg0: memref<10240x128xf32, #tpu.memory_space<vmem>>, %arg1: memref<128x128xf32, #tpu.memory_space<vmem>>, %arg2: memref<10240x128xf32, #tpu.memory_space<vmem>>) attributes {dimension_semantics = [], scalar_prefetch = 0 : i64, scratch_operands = 0 : i64, tpu.core_type = #tpu.core_type<tc>} {
    %get3A = arith.constant 0 : index
    %get3A_0 = arith.constant 0 : index
    %get3A_1 = vector.load %arg0[%get3A, %get3A_0] : memref<10240x128xf32, #tpu.memory_space<vmem>>, vector<10240x128xf32>
    %get3A_2 = arith.constant 0 : index
    %get3A_3 = arith.constant 0 : index
    %get3A_4 = vector.load %arg1[%get3A_2, %get3A_3] : memref<128x128xf32, #tpu.memory_space<vmem>>, vector<128x128xf32>
    %dot_general3A = arith.constant dense<0.000000e+00> : vector<10240x128xf32>
    %dot_general3A_5 = tpu.matmul %get3A_1, %get3A_4, %dot_general3A {dimension_numbers = #tpu.dot_dimension_numbers<[1], [0], [0], [1], [0, 0, 1, 1], [], []>, transpose_lhs_hint = false} : vector<10240x128xf32>, vector<128x128xf32>, vector<10240x128xf32> -> vector<10240x128xf32>
    %swap3A = arith.constant 0 : index
    %swap3A_6 = arith.constant 0 : index
    %swap3A_7 = vector.load %arg2[%swap3A, %swap3A_6] : memref<10240x128xf32, #tpu.memory_space<vmem>>, vector<10240x128xf32>
    tpu.vector_store %arg2[%swap3A, %swap3A_6], %dot_general3A_5 {strides = array<i32>} : memref<10240x128xf32, #tpu.memory_space<vmem>>, vector<10240x128xf32>,
    return
  }
}

module attributes {stable_mosaic.version = 14 : i64} {
  func.func @_k4_body(%arg0: memref<2x10240x128xf32, #tpu.memory_space<vmem>>, %arg1: memref<10240x128xf32, #tpu.memory_space<vmem>>, %arg2: memref<10240x1xf32, #tpu.memory_space<vmem>>, %arg3: memref<1x128xf32, #tpu.memory_space<vmem>>, %arg4: memref<1x128xf32, #tpu.memory_space<vmem>>, %arg5: memref<10240x1xf32, #tpu.memory_space<vmem>>) attributes {dimension_semantics = [], scalar_prefetch = 0 : i64, scratch_operands = 0 : i64, tpu.core_type = #tpu.core_type<tc>} {
    %get3A = arith.constant 0 : index
    %get3A_0 = arith.constant 0 : index
    %get3A_1 = arith.constant 0 : index
    %get3A_2 = vector.load %arg0[%get3A, %get3A_0, %get3A_1] : memref<2x10240x128xf32, #tpu.memory_space<vmem>>, vector<1x10240x128xf32>
    %get3A_3 = vector.shape_cast %get3A_2 : vector<1x10240x128xf32> to vector<10240x128xf32>
    %get3A_4 = arith.constant 1 : index
    %get3A_5 = arith.constant 0 : index
    %get3A_6 = arith.constant 0 : index
    %get3A_7 = vector.load %arg0[%get3A_4, %get3A_5, %get3A_6] : memref<2x10240x128xf32, #tpu.memory_space<vmem>>, vector<1x10240x128xf32>
    %get3A_8 = vector.shape_cast %get3A_7 : vector<1x10240x128xf32> to vector<10240x128xf32>
    %add3A = arith.addf %get3A_3, %get3A_8 : vector<10240x128xf32>
    %get3A_9 = arith.constant 0 : index
    %get3A_10 = arith.constant 0 : index
    %get3A_11 = vector.load %arg1[%get3A_9, %get3A_10] : memref<10240x128xf32, #tpu.memory_space<vmem>>, vector<10240x128xf32>
    %add3A_12 = arith.addf %add3A, %get3A_11 : vector<10240x128xf32>
    %get3A_13 = arith.constant 0 : index
    %get3A_14 = arith.constant 0 : index
    %get3A_15 = vector.load %arg2[%get3A_13, %get3A_14] : memref<10240x1xf32, #tpu.memory_space<vmem>>, vector<10240x1xf32>
    %mul3A = vector.broadcast %get3A_15 : vector<10240x1xf32> to vector<10240x128xf32>
    %mul3A_16 = arith.mulf %mul3A, %add3A_12 : vector<10240x128xf32>
    %get3A_17 = arith.constant 0 : index
    %get3A_18 = arith.constant 0 : index
    %get3A_19 = vector.load %arg4[%get3A_17, %get3A_18] : memref<1x128xf32, #tpu.memory_space<vmem>>, vector<1x128xf32>
    %add3A_20 = vector.broadcast %get3A_19 : vector<1x128xf32> to vector<10240x128xf32>
    %add3A_21 = arith.addf %mul3A_16, %add3A_20 : vector<10240x128xf32>
    %max3A = arith.constant 0.000000e+00 : f32
    %max3A_22 = vector.broadcast %max3A : f32 to vector<10240x128xf32>
    %max3A_23 = arith.maximumf %add3A_21, %max3A_22 : vector<10240x128xf32>
    %get3A_24 = arith.constant 0 : index
    %get3A_25 = arith.constant 0 : index
    %get3A_26 = vector.load %arg3[%get3A_24, %get3A_25] : memref<1x128xf32, #tpu.memory_space<vmem>>, vector<1x128xf32>
    %mul3A_27 = vector.broadcast %get3A_26 : vector<1x128xf32> to vector<10240x128xf32>
    %mul3A_28 = arith.mulf %max3A_23, %mul3A_27 : vector<10240x128xf32>
    %reduce_sum3A = arith.constant dense<0.000000e+00> : vector<10240xf32>
    %reduce_sum3A_29 = vector.multi_reduction <add>, %mul3A_28, %reduce_sum3A [1] : vector<10240x128xf32> to vector<10240xf32>
    %broadcast_in_dim3A = vector.shape_cast %reduce_sum3A_29 : vector<10240xf32> to vector<10240x1xf32>
    %get3A_30 = arith.constant 0 : index
    %get3A_31 = arith.constant 0 : index
    %get3A_32 = vector.load %arg2[%get3A_30, %get3A_31] : memref<10240x1xf32, #tpu.memory_space<vmem>>, vector<10240x1xf32>
    %mul3A_33 = arith.mulf %get3A_32, %broadcast_in_dim3A : vector<10240x1xf32>
    %swap3A = arith.constant 0 : index
    %swap3A_34 = arith.constant 0 : index
    %swap3A_35 = vector.load %arg5[%swap3A, %swap3A_34] : memref<10240x1xf32, #tpu.memory_space<vmem>>, vector<10240x1xf32>
    tpu.vector_store %arg5[%swap3A, %swap3A_34], %mul3A_33 {strides = array<i32>} : memref<10240x1xf32, #tpu.memory_space<vmem>>, vector<10240x1xf32>,
    return
  }
}

module attributes {stable_mosaic.version = 14 : i64} {
  func.func @_k2b_body(%arg0: memref<10240x128xf32, #tpu.memory_space<vmem>>, %arg1: memref<2x10240x1xf32, #tpu.memory_space<vmem>>, %arg2: memref<10240x128xf32, #tpu.memory_space<vmem>>, %arg3: memref<10240x1xf32, #tpu.memory_space<vmem>>) attributes {dimension_semantics = [], scalar_prefetch = 0 : i64, scratch_operands = 0 : i64, tpu.core_type = #tpu.core_type<tc>} {
    %get3A = arith.constant 0 : index
    %get3A_0 = arith.constant 0 : index
    %get3A_1 = arith.constant 0 : index
    %get3A_2 = vector.load %arg1[%get3A, %get3A_0, %get3A_1] : memref<2x10240x1xf32, #tpu.memory_space<vmem>>, vector<1x10240x1xf32>
    %get3A_3 = vector.shape_cast %get3A_2 : vector<1x10240x1xf32> to vector<10240x1xf32>
    %get3A_4 = arith.constant 1 : index
    %get3A_5 = arith.constant 0 : index
    %get3A_6 = arith.constant 0 : index
    %get3A_7 = vector.load %arg1[%get3A_4, %get3A_5, %get3A_6] : memref<2x10240x1xf32, #tpu.memory_space<vmem>>, vector<1x10240x1xf32>
    %get3A_8 = vector.shape_cast %get3A_7 : vector<1x10240x1xf32> to vector<10240x1xf32>
    %add3A = arith.addf %get3A_3, %get3A_8 : vector<10240x1xf32>
    %gt3A = arith.constant 0.000000e+00 : f32
    %gt3A_9 = vector.broadcast %gt3A : f32 to vector<10240x1xf32>
    %gt3A_10 = arith.cmpf ogt, %add3A, %gt3A_9 : vector<10240x1xf32>
    %max3A = arith.constant 1.000000e-30 : f32
    %max3A_11 = vector.broadcast %max3A : f32 to vector<10240x1xf32>
    %max3A_12 = arith.maximumf %add3A, %max3A_11 : vector<10240x1xf32>
    %rsqrt3A = math.rsqrt %max3A_12 : vector<10240x1xf32>
    %jit3A = arith.constant 0.000000e+00 : f32
    %broadcast_in_dim3A = vector.broadcast %jit3A : f32 to vector<10240x1xf32>
    %select_n3A = arith.select %gt3A_10, %rsqrt3A, %broadcast_in_dim3A : vector<10240x1xi1>, vector<10240x1xf32>
    %swap3A = arith.constant 0 : index
    %swap3A_13 = arith.constant 0 : index
    %swap3A_14 = vector.load %arg3[%swap3A, %swap3A_13] : memref<10240x1xf32, #tpu.memory_space<vmem>>, vector<10240x1xf32>
    tpu.vector_store %arg3[%swap3A, %swap3A_13], %select_n3A {strides = array<i32>} : memref<10240x1xf32, #tpu.memory_space<vmem>>, vector<10240x1xf32>,
    %get3A_15 = arith.constant 0 : index
    %get3A_16 = arith.constant 0 : index
    %get3A_17 = vector.load %arg0[%get3A_15, %get3A_16] : memref<10240x128xf32, #tpu.memory_space<vmem>>, vector<10240x128xf32>
    %mul3A = vector.broadcast %select_n3A : vector<10240x1xf32> to vector<10240x128xf32>
    %mul3A_18 = arith.mulf %get3A_17, %mul3A : vector<10240x128xf32>
    %swap3A_19 = arith.constant 0 : index
    %swap3A_20 = arith.constant 0 : index
    %swap3A_21 = vector.load %arg2[%swap3A_19, %swap3A_20] : memref<10240x128xf32, #tpu.memory_space<vmem>>, vector<10240x128xf32>
    tpu.vector_store %arg2[%swap3A_19, %swap3A_20], %mul3A_18 {strides = array<i32>} : memref<10240x128xf32, #tpu.memory_space<vmem>>, vector<10240x128xf32>,
    return
  }
}

module attributes {stable_mosaic.version = 14 : i64} {
  func.func @_k6_body(%arg0: memref<2x10240x1xf32, #tpu.memory_space<vmem>>, %arg1: memref<10240x1xf32, #tpu.memory_space<vmem>>, %arg2: memref<10240x1xf32, #tpu.memory_space<vmem>>, %arg3: memref<1x1xf32, #tpu.memory_space<vmem>>, %arg4: memref<10240x1xf32, #tpu.memory_space<vmem>>) attributes {dimension_semantics = [], scalar_prefetch = 0 : i64, scratch_operands = 0 : i64, tpu.core_type = #tpu.core_type<tc>} {
    %get3A = arith.constant 0 : index
    %get3A_0 = arith.constant 0 : index
    %get3A_1 = arith.constant 0 : index
    %get3A_2 = vector.load %arg0[%get3A, %get3A_0, %get3A_1] : memref<2x10240x1xf32, #tpu.memory_space<vmem>>, vector<1x10240x1xf32>
    %get3A_3 = vector.shape_cast %get3A_2 : vector<1x10240x1xf32> to vector<10240x1xf32>
    %get3A_4 = arith.constant 1 : index
    %get3A_5 = arith.constant 0 : index
    %get3A_6 = arith.constant 0 : index
    %get3A_7 = vector.load %arg0[%get3A_4, %get3A_5, %get3A_6] : memref<2x10240x1xf32, #tpu.memory_space<vmem>>, vector<1x10240x1xf32>
    %get3A_8 = vector.shape_cast %get3A_7 : vector<1x10240x1xf32> to vector<10240x1xf32>
    %add3A = arith.addf %get3A_3, %get3A_8 : vector<10240x1xf32>
    %get3A_9 = arith.constant 0 : index
    %get3A_10 = arith.constant 0 : index
    %get3A_11 = vector.load %arg1[%get3A_9, %get3A_10] : memref<10240x1xf32, #tpu.memory_space<vmem>>, vector<10240x1xf32>
    %add3A_12 = arith.addf %add3A, %get3A_11 : vector<10240x1xf32>
    %get3A_13 = arith.constant 0 : index
    %get3A_14 = arith.constant 0 : index
    %get3A_15 = vector.load %arg2[%get3A_13, %get3A_14] : memref<10240x1xf32, #tpu.memory_space<vmem>>, vector<10240x1xf32>
    %mul3A = arith.mulf %get3A_15, %add3A_12 : vector<10240x1xf32>
    %get3A_16 = arith.constant 0 : index
    %get3A_17 = arith.constant 0 : index
    %get3A_18 = vector.load %arg3[%get3A_16, %get3A_17] : memref<1x1xf32, #tpu.memory_space<vmem>>, vector<1x1xf32>
    %get3A_19 = vector.extract %get3A_18[0, 0] : f32 from vector<1x1xf32>
    %add3A_20 = vector.broadcast %get3A_19 : f32 to vector<10240x1xf32>
    %add3A_21 = arith.addf %mul3A, %add3A_20 : vector<10240x1xf32>
    %swap3A = arith.constant 0 : index
    %swap3A_22 = arith.constant 0 : index
    %swap3A_23 = vector.load %arg4[%swap3A, %swap3A_22] : memref<10240x1xf32, #tpu.memory_space<vmem>>, vector<10240x1xf32>
    tpu.vector_store %arg4[%swap3A, %swap3A_22], %add3A_21 {strides = array<i32>} : memref<10240x1xf32, #tpu.memory_space<vmem>>, vector<10240x1xf32>,
    return
  }
}

</mosaic_0001>

<sc_bundles>
// kernel: kernel.12.cloned.1.call-start
scs
__scs_entry_jumppad:
0x0: {  	(pc) =	sbr.rel $0x88, $3  }
0x1: {  	(tag) =	ssettag $0x0;
	lr =	simm.s32 $0x1  }
0x2: {  	[smem:$0x3F9A] =	sst lr;
	_ =	strace $0xD0000000  }
0x3: {  	_ = 	snop  }
0x4: {  	_ = 	snop  }
0x5: {  	_ = 	snop  }
0x6: {  	_ = 	snop  }
0x7: {  	_ = 	snop  }
__scs_overlays_trampoline_lowered:
0x8: {  	[smem:$0x3FA9] =	sst s0  }
0x9: {  	[smem:$0x3FAA] =	sst s1  }
0xa: {  	[smem:$0x3FAB] =	sst s2  }
0xb: {  	[smem:$0x3FAC] =	sst s3  }
0xc: {  	[smem:$0x3FAD] =	sst s4  }
0xd: {  	[smem:$0x3FAE] =	sst s5  }
0xe: {  	[smem:$0x3FAF] =	sst s6  }
0xf: {  	[smem:$0x3FB0] =	sst s7  }
0x10: {  	[smem:$0x3FB1] =	sst s8  }
0x11: {  	[smem:$0x3FB2] =	sst s9;
	s0 =	simm.s32 @!p0 $0x0  }
0x12: {  	s1 =	sld [smem:$0x3F98];
	s0 =	simm.s32 @p0 $0x1  }
0x13: {  	[smem:$0x3FB3] =	sst s0;
	s0 =	simm.s32 @!p1 $0x0  }
0x14: {  	s2 =	sld [smem:$0x3F97];
	s0 =	simm.s32 @p1 $0x1  }
0x15: {  	[smem:$0x3FB4] =	sst s0;
	s0 =	simm.s32 @!p2 $0x0  }
0x16: {  	s3 =	sld [smem:$0x3FDB];
	s0 =	simm.s32 @p2 $0x1  }
0x17: {  	s4 =	simm.s32 $0x1BF5;
	[smem:$0x3FB6] =	sst s0  }
0x18: {  	s0 =	sld [smem:$0x3F99];
	_ =	swait.ge [sflag:s4], $0x0  }
0x19: {  	s7 =	sld [smem:$0x3F9A]  }
0x1a: {  	s8 =	sadd.s32 $0xFFFFE003, lr  }
0x1b: {  	s9 =	sadd.s32 $0xFFFFFEF7, lr;
	s5 =	simm.s32 $0xFFFFFFFF;
	p2 =	slt.u32 s8, $0xFFFFF086  }
0x1c: {  	p1 =	slt.u32 s9, $0xF7A;
	s5 =	simm.s32 @!p2 $0x0  }
0x1d: {  	s5 =	simm.s32 @p1 $0x1;
	p0 =	seq.s32 s7, s2  }
0x1e: {  	s7 =	smul.u32 @!p0 $0xF7A, s2;
	p2 =	seq.s32 @!p0 s5, $0x0  }
0x1f: {  	s9 =	smul.u32 $0xF7A, s1;
	s8 =	simm.s32 @!p0 $0x1BF5;
	p2 =	por !p2, p0  }
0x20: {  	[sflag:s8] =	ssyncset.s32 @!p0 $0xFFFFF086;
	s6 =	sadd.s32 @!p0 s3, s7;
	s7 =	simm.s32 @!p0 $0x108  }
0x21: {  	s3 =	sadd.s32 s3, s9;
	s6 =	sadd.s32 @!p0 $0x88, s6;
	s7 =	simm.s32 @p2 $0x1082  }
0x22: {  	[simem:s7], [sflag:s8] =	dma.local @!p0 [hbm:s6], $0xF7A  }
0x23: {  	s9 =	sor.u32 $0xD0000000, s2;
	s6 =	simm.s32 $0x108;
	_ =	swait.ge @!p0 [sflag:s8], $0x0  }
0x24: {  	s3 =	sadd.s32 $0x88, s3;
	s6 =	simm.s32 @!p1 $0x1082;
	[sflag:s4] =	ssyncset.s32 $0xFFFFF086  }
0x25: {  	[simem:s6], [sflag:s4] =	dma.local [hbm:s3], $0xF7A  }
0x26: {  	[smem:$0x3F9A] =	sst s1;
	(tag) =	ssettag s2;
	_ =	strace s9  }
0x27: {  	s1 =	sld [smem:$0x3FAA]  }
0x28: {  	s2 =	sld [smem:$0x3FAB]  }
0x29: {  	s4 =	sld [smem:$0x3FAD]  }
0x2a: {  	p0 =	seq.s32 s5, $0x0;
	s5 =	sld [smem:$0x3FAE]  }
0x2b: {  	s6 =	sld [smem:$0x3FAF]  }
0x2c: {  	s7 =	sld [smem:$0x3FB0]  }
0x2d: {  	s3 =	simm.s32 $0x108;
	s8 =	sld [smem:$0x3FB1]  }
0x2e: {  	s3 =	simm.s32 @!p0 $0x1082;
	s9 =	sld [smem:$0x3FB2]  }
0x2f: {  	lr =	sadd.s32 s0, s3;
	s0 =	sld [smem:$0x3FA9]  }
0x30: {  	s3 =	sld [smem:$0x3FAC]  }
0x31: {  	[smem:$0x3FB5] =	sst s10  }
0x32: {  	s10 =	sld [smem:$0x3FB3];
	_ =	sdelay $0x3  }
0x33: {  	p0 =	seq.s32 s10, $0x1;
	s10 =	sld [smem:$0x3FB5];
	_ =	sdelay $0x3  }
0x34: {  	[smem:$0x3FB5] =	sst s10  }
0x35: {  	s10 =	sld [smem:$0x3FB4];
	_ =	sdelay $0x3  }
0x36: {  	p1 =	seq.s32 s10, $0x1;
	s10 =	sld [smem:$0x3FB5];
	_ =	sdelay $0x3  }
0x37: {  	[smem:$0x3FB5] =	sst s10  }
0x38: {  	s10 =	sld [smem:$0x3FB6]  }
0x39: {  	_ = 	snop;
	(pc) =	sbr.ind lr, $3  }
0x3a: {  	_ = 	snop  }
0x3b: {  	_ = 	snop  }
0x3c: {  	p2 =	seq.s32 s10, $0x1;
	s10 =	sld [smem:$0x3FB5]  }
0x3d: {  	_ =	shalt  }
0x3e: {  	_ =	shalt  }
0x3f: {  	_ =	shalt  }
0x40: {  	_ =	shalt  }
0x41: {  	_ =	shalt  }
0x42: {  	_ =	shalt  }
0x43: {  	_ =	shalt  }
0x44: {  	_ =	shalt  }
0x45: {  	_ =	shalt  }
0x46: {  	_ =	shalt  }
0x47: {  	_ =	shalt  }
0x48: {  	_ =	shalt  }
0x49: {  	_ =	shalt  }
0x4a: {  	_ =	shalt  }
0x4b: {  	_ =	shalt  }
0x4c: {  	_ =	shalt  }
0x4d: {  	_ =	shalt  }
0x4e: {  	_ =	shalt  }
0x4f: {  	_ =	shalt  }
0x50: {  	_ =	shalt  }
0x51: {  	_ =	shalt  }
0x52: {  	_ =	shalt  }
0x53: {  	_ =	shalt  }
0x54: {  	_ =	shalt  }
0x55: {  	_ =	shalt  }
0x56: {  	_ =	shalt  }
0x57: {  	_ =	shalt  }
0x58: {  	_ =	shalt  }
0x59: {  	_ =	shalt  }
0x5a: {  	_ =	shalt  }
0x5b: {  	_ =	shalt  }
0x5c: {  	_ =	shalt  }
0x5d: {  	_ =	shalt  }
0x5e: {  	_ =	shalt  }
0x5f: {  	_ =	shalt  }
0x60: {  	_ =	shalt  }
0x61: {  	_ =	shalt  }
0x62: {  	_ =	shalt  }
0x63: {  	_ =	shalt  }
0x64: {  	_ =	shalt  }
0x65: {  	_ =	shalt  }
0x66: {  	_ =	shalt  }
0x67: {  	_ =	shalt  }
0x68: {  	_ =	shalt  }
0x69: {  	_ =	shalt  }
0x6a: {  	_ =	shalt  }
0x6b: {  	_ =	shalt  }
0x6c: {  	_ =	shalt  }
0x6d: {  	_ =	shalt  }
0x6e: {  	_ =	shalt  }
0x6f: {  	_ =	shalt  }
0x70: {  	_ =	shalt  }
0x71: {  	_ =	shalt  }
0x72: {  	_ =	shalt  }
0x73: {  	_ =	shalt  }
0x74: {  	_ =	shalt  }
0x75: {  	_ =	shalt  }
0x76: {  	_ =	shalt  }
0x77: {  	_ =	shalt  }
0x78: {  	_ =	shalt  }
0x79: {  	_ =	shalt  }
0x7a: {  	_ =	shalt  }
0x7b: {  	_ =	shalt  }
0x7c: {  	_ =	shalt  }
0x7d: {  	_ =	shalt  }
0x7e: {  	_ =	shalt  }
0x7f: {  	_ =	shalt  }
0x80: {  	_ =	shalt  }
0x81: {  	_ =	shalt  }
0x82: {  	_ =	shalt  }
0x83: {  	_ =	shalt  }
0x84: {  	_ =	shalt  }
0x85: {  	_ =	shalt  }
0x86: {  	_ =	shalt  }
0x87: {  	_ =	shalt  }
.Lfunc_end0:
.L_simem_size_0:
called_computation.1_lowered:
.L_overlay_start_0:
0x88: {  	s2 =	sld [smem:$0x3FD9]  }
0x89: {  	s3 =	sld [smem:$0x3FFE];
	_ =	sdelay $0x1  }
0x8a: {  	s1 =	srdreg.scid  }
0x8b: {  	s0 =	sand.u32 $0x1, s1  }
0x8c: {  	s17 =	sshll.u32 s0, $0xA;
	s2 =	sadd.s32 s3, s2  }
0x8d: {  	s2 =	sadd.s32 s2, s17  }
0x8e: {  	[smem:$0x3FC1] =	sst s2  }
0x8f: {  	_ = 	snop  }
0x90: {  	s2 =	sld [smem:$0x3FC7];
	(tm) =	ssettm $0x1  }
0x91: {  	s18 =	sld [smem:$0x3FFB];
	_ =	sdelay $0x3  }
0x92: {  	_ =	strace s18  }
0x93: {  	s3 =	sld [smem:$0x3FFC];
	_ =	sdelay $0x3  }
0x94: {  	_ =	strace s3  }
0x95: {  	s3 =	sld [smem:$0x3FFD];
	_ =	sdelay $0x3  }
0x96: {  	_ =	strace s3  }
0x97: {  	_ =	strace $0x8FFFFFFF  }
0x98: {  	s19 =	sld [smem:$0x3FDB];
	_ =	sdelay $0x1  }
0x99: {  	s4 =	simm.s32 $_scs_section_size  }
0x9a: {  	s5 =	simm.s32 $_size__tile_overlayer_lowered;
	s6 =	simm.s32 $_tile_overlayer_lowered  }
0x9b: {  	s22 =	simm.s32 $0x1BFF;
	s21 =	sshll.u32 s6, $0x1;
	s3 =	sadd.s32 s4, s19  }
0x9c: {  	s7 =	simm.s32 $0x0;
	s20 =	sshll.u32 s5, $0x1;
	s5 =	sadd.s32 s21, s3  }
0x9d: {  	[timem:s7], [sflag:s22] =	dma.local [hbm:s5], s20  }
0x9e: {  	_ =	swait.ge [sflag:s22], s20  }
0x9f: {  	s4 =	ssub.s32 $0x0, s20;
	[sflag:s22] =	ssyncset.done $0x0  }
0xa0: {  	[sflag:s22] =	ssyncadd.s32 s4;
	_ =	sdelay $0x1  }
0xa1: {  	s23 =	simm.s32 $0x1B8B  }
0xa2: {  	_ =	swait.ge [sflag:s23], $0x1  }
0xa3: {  	[sflag:s23] =	ssyncset.done $0x0  }
0xa4: {  	s25 =	simm.s32 $0x1B8E;
	s24 =	sld [smem:$0x3FFE];
	[sflag:s23] =	ssyncadd.s32 $0xFFFFFFFF  }
0xa5: {  	s26 =	simm.s32 $execute0_lowered;
	[smem:$0x3FD2] =	sst s25  }
0xa6: {  	s5 =	sshll.u32 s26, $0x1;
	_ =	strace $0x80000049;
	[dreg:$0x1] =	wrdreg $0xFFFFFFFF  }
0xa7: {  	s28 =	simm.s32 $_size_execute0_lowered;
	s3 =	sadd.s32 s3, s5;
	[dreg:$0x0] =	wrdreg $0x0  }
0xa8: {  	s5 =	sshll.u32 s28, $0x1;
	[dreg:$0x2] =	wrdreg s3  }
0xa9: {  	[dreg:$0x3] =	wrdreg s5  }
0xaa: {  	[dreg:$0x4] =	wrdreg $0xC0  }
0xab: {  	_ =	task [dreg:s7], $0x5FFFF  }
0xac: {  	[dreg:$0x1] =	wrdreg $0xFFFFFFFF  }
0xad: {  	[dreg:$0x0] =	wrdreg $0x60  }
0xae: {  	[dreg:$0x2] =	wrdreg s24  }
0xaf: {  	[dreg:$0x3] =	wrdreg s2  }
0xb0: {  	[dreg:$0x4] =	wrdreg $0xA2800  }
0xb1: {  	[dreg:$0x5] =	wrdreg $0x9  }
0xb2: {  	_ =	task.clear_ibuf [dreg:s7], $0x6FFFF;
	_ =	strace $0x90000049  }
0xb3: {  	s29 =	simm.s32 $0x9;
	_ =	strace $0x8000004B  }
0xb4: {  	_ =	swait.ge [sflag:s29], $0x1  }
0xb5: {  	[sflag:s29] =	ssyncadd.s32 $0xFFFFFFFF  }
0xb6: {  	_ =	strace $0x9000004B  }
0xb7: {  	_ =	sfence  }
0xb8: {  	s30 =	sld [smem:$0x0];
	_ =	sdelay $0x2  }
0xb9: {  	s31 =	sshll.u32 s1, $0xD;
	s1 =	sshrl.u32 s1, $0x2  }
0xba: {  	s3 =	sand.u32 $0x4000, s31;
	s1 =	sadd.s32 s1, s30  }
0xbb: {  	s0 =	sor.u32 s3, s0;
	s1 =	sshll.u32 s1, $0x11  }
0xbc: {  	s0 =	sor.u32 s1, s0  }
0xbd: {  	s0 =	sadd.s32 $0x8F2B, s0  }
0xbe: {  	[sflag:s0] =	ssyncadd.remote.s32 $0x1  }
0xbf: {  	_ =	sfence.sel $0xFFFF  }
0xc0: {  	[dreg:$0x0] =	wrdreg $0xFFFFFFFF;
	(pc) =	sbr.abs _section_cstart, $3  }
0xc1: {  	[dreg:$0x1] =	wrdreg $0xFFFFFFFF  }
0xc2: {  	_ =	task.clear_ibuf [dreg:s7], $0x2FFFF;
	_ =	strace $0x9FFFFFFF  }
0xc3: {  	(tm) =	ssettm $0x7FFFFFFF  }
tec
execute0_lowered:
.L_overlay_start_1:
0x0: {  	(tag) =	ssettag $0x1  }
0x1: {  	s1 =	rddreg [dreg:$0x0]  }
0x2: {  	s0 =	srdreg.scid;
	s2 =	rddreg [dreg:$0x1]  }
0x3: {  	s7 =	stileid.u32;
	s3 =	rddreg [dreg:$0x2]  }
0x4: {  	s6 =	simm.s32 $0x0;
	s28 =	simm.s32 $0x50;
	s29 =	simm.s32 $0x2800  }
0x5: {  	s31 =	simm.s32 $0x5280;
	s30 =	simm.s32 $0x7A80;
	s12 =	simm.s32 $0x8  }
0x6: {  	s0 =	sand.u32 $0x1, s0;
	[smem:$0x7FF] =	sst s6;
	s8 =	smul.u32 $0x14000, s7  }
0x7: {  	s6 =	sadd.s32 $0x14E00, s1;
	s10 =	smul.u32 $0x50000, s7;
	s4 =	sshll.u32 s0, $0x4  }
0x8: {  	s13 =	smul.u32 $0x140000, s0;
	_ =	strace $0x8000004A;
	s0 =	ssub.s32 $0x2, s0  }
0x9: {  	s4 =	sor.u32 s7, s4;
	s7 =	sadd.s32 $0xB000, s1;
	s14 =	sshrl.u32 s10, $0x2  }
0xa: {  	s5 =	smul.u32 $0x2710, s4;
	s4 =	sadd.s32 s8, s13;
	s8 =	sadd.s32 s14, s3  }
0xb: {  	s15 =	sshrl.u32 s0, $0x1;
	s10 =	simm.s32 $0x6;
	s17 =	sadd.s32 $0x2800, s8  }
0xc: {  	s0 =	ssub.s32 s0, s15;
	s18 =	sadd.s32 $0x5000, s8;
	[dreg:$0x5] =	wrdreg s17  }
0xd: {  	s13 =	simm.s32 $0x1;
	s19 =	sadd.s32 $0x7800, s8;
	[dreg:$0x6] =	wrdreg s18  }
0xe: {  	s14 =	simm.s32 $0x7;
	s20 =	sadd.s32 $0xA000, s8;
	[dreg:$0x7] =	wrdreg s19  }
0xf: {  	s15 =	simm.s32 $0x0;
	s21 =	sadd.s32 $0xC800, s8;
	[dreg:$0x8] =	wrdreg s20  }
0x10: {  	s4 =	sshrl.u32 s4, $0x3;
	s22 =	sadd.s32 $0xF000, s8;
	[dreg:$0x9] =	wrdreg s21  }
0x11: {  	s23 =	sadd.s32 $0x11800, s8;
	s9 =	sshrl.u32 s5, $0x3;
	[dreg:$0xa] =	wrdreg s22  }
0x12: {  	[dreg:$0xb] =	wrdreg s23;
	s22 =	smax.u32 s0, $0x1;
	s23 =	simm.s32 $0xA  }
0x13: {  	s0 =	simm.s32 $0x4;
	s11 =	sadd.s32 s9, s1;
	s24 =	sadd.s32 s7, s9  }
0x14: {  	s1 =	sadd.s32 s4, s1;
	s25 =	sadd.s32 s2, s9;
	[dreg:$0xc] =	wrdreg s24  }
0x15: {  	s26 =	sadd.s32 $0xA, s9;
	s16 =	sadd.s32 $0x1200, s11;
	[dreg:$0xd] =	wrdreg s25  }
.Ltmp0:
0x16: {  	s9 =	sadd.s32 s7, s26;
	[dreg:$0x4] =	wrdreg s16;
	(pc) =	sbr.rel .LBB2_1-.Ltmp0, $4  }
0x17: {  	s4 =	sadd.s32 s2, s26;
	s1 =	sadd.s32 $0x3CE00, s1;
	[dreg:$0xe] =	wrdreg s9  }
0x18: {  	s24 =	simm.s32 $0x2A80;
	s25 =	simm.s32 $0x2780;
	[dreg:$0xf] =	wrdreg s4  }
0x19: {  	s26 =	simm.s32 $0x2880;
	s11 =	simm.s32 $0x2;
	[dreg:$0x10] =	wrdreg s1  }
0x1a: {  	v0 =	vimm.f32 $0.0e+00;
	s1 =	simm.s32 $0x3;
	s4 =	simm.s32 $0x9;
	s9 =	simm.s32 $0x5  }
.LBB2_16:
0x1b: {  	_ =	swait.ge [sflag:s0], $0x2800  }
0x1c: {  	[sflag:s0] =	ssyncset.done $0x0  }
0x1d: {  	[sflag:s0] =	ssyncadd.s32 $0xFFFFD800  }
0x1e: {  	_ =	swait.ge [sflag:s9], $0x2800  }
0x1f: {  	[sflag:s9] =	ssyncset.done $0x0  }
0x20: {  	[sflag:s9] =	ssyncadd.s32 $0xFFFFD800  }
0x21: {  	_ =	swait.ge [sflag:s10], $0x2800  }
0x22: {  	s16 =	stileid.u32;
	[sflag:s10] =	ssyncset.done $0x0  }
0x23: {  	s17 =	sshrl.u32 s8, $0x3;
	s15 =	sadd.s32 $0x1, s15;
	[sflag:s10] =	ssyncadd.s32 $0xFFFFD800  }
0x24: {  	s16 =	sshll.u32 s16, $0x6;
	p0 =	sne.s32 s15, s22;
	[bflag:$0x0] =	sbarrier.arrive $0xFFFF  }
.Ltmp1:
0x25: {  	s16 =	sor.u32 $0x1C0A, s16;
	s18 =	rddreg [dreg:$0x10];
	(pc) =	sbr.rel @!p0 .LBB2_17-.Ltmp1, $4  }
0x26: {  	[hbm:s18], [sflag:s16] =	dma.local [spmem:s17], $0x2800  }
0x27: {  	_ =	swait.ge [sflag:s23], $0x2800  }
0x28: {  	[sflag:s23] =	ssyncset.done $0x0  }
0x29: {  	[sflag:s23] =	ssyncadd.s32 $0xFFFFD800  }
.LBB2_1:
0x2a: {  	s16 =	simm.s32 $0x0;
	s17 =	rddreg [dreg:$0x4]  }
0x2b: {  	[tilespmem:s16], [sflag:$0xA] =	stream.linear.gather [hbm4b:s17+s16], $0x2710, $0x38;
	[tilespmem:$0x1E280] =	vst v63  }
0x2c: {  	_ =	swait.ge [sflag:s23], $0x2710  }
0x2d: {  	[sflag:s23] =	ssyncset.done $0x0  }
0x2e: {  	s16 =	simm.s32 $0x0;
	s17 =	simm.s32 $0x200;
	[sflag:s23] =	ssyncadd.s32 $0xFFFFD8F0  }
.LBB2_2:
0x2f: {  	p0 =	sne.s32 s17, $0x9E00;
	[tilespmem:s16+$0x2AF0] =	vst v0  }
0x30: {  	[tilespmem:s16+$0x2A80] =	vst v0  }
0x31: {  	[tilespmem:s16+$0x2A90] =	vst v0  }
.Ltmp2:
0x32: {  	[tilespmem:s16+$0x2AA0] =	vst v0;
	(pc) =	sbr.rel @p0 .LBB2_2-.Ltmp2, $4  }
0x33: {  	[tilespmem:s16+$0x2AB0] =	vst v0  }
0x34: {  	[tilespmem:s16+$0x2AC0] =	vst v0  }
0x35: {  	[tilespmem:s16+$0x2AD0] =	vst v0  }
0x36: {  	[tilespmem:s16+$0x2AE0] =	vst v0;
	s16 =	sshra.s32 s17, $0x2;
	s17 =	sadd.s32 $0x200, s17  }
0x37: {  	[tilespmem:s16+$0x2AF0] =	vst v0  }
0x38: {  	[tilespmem:s16+$0x2A80] =	vst v0  }
0x39: {  	[tilespmem:s16+$0x2A90] =	vst v0  }
0x3a: {  	[tilespmem:s16+$0x2AA0] =	vst v0  }
0x3b: {  	[tilespmem:s16+$0x2AB0] =	vst v0  }
0x3c: {  	[tilespmem:s16+$0x2AC0] =	vst v0  }
0x3d: {  	[tilespmem:s16+$0x2AD0] =	vst v0  }
0x3e: {  	[tilespmem:s16+$0x2AE0] =	vst v0  }
0x3f: {  	[spmem:s8] =	stream.linear.scatter [tilespmem:s24], [sflag:$0xA], $0x2800, $0x38;
	[tilespmem:$0x1E280] =	vst v63  }
0x40: {  	_ =	swait.ge [sflag:s23], $0x2800  }
0x41: {  	[sflag:s23] =	ssyncset.done $0x0  }
0x42: {  	s19 =	rddreg [dreg:$0x5];
	[sflag:s23] =	ssyncadd.s32 $0xFFFFD800  }
0x43: {  	[spmem:s19] =	stream.linear.scatter [tilespmem:s24], [sflag:$0xA], $0x2800, $0x38;
	[tilespmem:$0x1E280] =	vst v63  }
0x44: {  	_ =	swait.ge [sflag:s23], $0x2800  }
0x45: {  	[sflag:s23] =	ssyncset.done $0x0  }
0x46: {  	s20 =	rddreg [dreg:$0x6];
	[sflag:s23] =	ssyncadd.s32 $0xFFFFD800  }
0x47: {  	[spmem:s20] =	stream.linear.scatter [tilespmem:s24], [sflag:$0xA], $0x2800, $0x38;
	[tilespmem:$0x1E280] =	vst v63  }
0x48: {  	_ =	swait.ge [sflag:s23], $0x2800  }
0x49: {  	[sflag:s23] =	ssyncset.done $0x0  }
0x4a: {  	s21 =	rddreg [dreg:$0x7];
	[sflag:s23] =	ssyncadd.s32 $0xFFFFD800  }
0x4b: {  	[spmem:s21] =	stream.linear.scatter [tilespmem:s24], [sflag:$0xA], $0x2800, $0x38;
	[tilespmem:$0x1E280] =	vst v63  }
0x4c: {  	_ =	swait.ge [sflag:s23], $0x2800  }
0x4d: {  	[sflag:s23] =	ssyncset.done $0x0  }
0x4e: {  	s17 =	rddreg [dreg:$0x8];
	[sflag:s23] =	ssyncadd.s32 $0xFFFFD800  }
0x4f: {  	[spmem:s17] =	stream.linear.scatter [tilespmem:s24], [sflag:$0xA], $0x2800, $0x38;
	[tilespmem:$0x1E280] =	vst v63  }
0x50: {  	_ =	swait.ge [sflag:s23], $0x2800  }
0x51: {  	[sflag:s23] =	ssyncset.done $0x0  }
0x52: {  	s18 =	rddreg [dreg:$0x9];
	[sflag:s23] =	ssyncadd.s32 $0xFFFFD800  }
0x53: {  	[spmem:s18] =	stream.linear.scatter [tilespmem:s24], [sflag:$0xA], $0x2800, $0x38;
	[tilespmem:$0x1E280] =	vst v63  }
0x54: {  	_ =	swait.ge [sflag:s23], $0x2800  }
0x55: {  	[sflag:s23] =	ssyncset.done $0x0  }
0x56: {  	s19 =	rddreg [dreg:$0xa];
	[sflag:s23] =	ssyncadd.s32 $0xFFFFD800  }
0x57: {  	[spmem:s19] =	stream.linear.scatter [tilespmem:s24], [sflag:$0xA], $0x2800, $0x38;
	[tilespmem:$0x1E280] =	vst v63  }
0x58: {  	_ =	swait.ge [sflag:s23], $0x2800  }
0x59: {  	[sflag:s23] =	ssyncset.done $0x0  }
0x5a: {  	s20 =	rddreg [dreg:$0xb];
	[sflag:s23] =	ssyncadd.s32 $0xFFFFD800  }
0x5b: {  	[spmem:s20] =	stream.linear.scatter [tilespmem:s24], [sflag:$0xA], $0x2800, $0x38;
	[tilespmem:$0x1E280] =	vst v63  }
0x5c: {  	_ =	swait.ge [sflag:s23], $0x2800  }
0x5d: {  	[sflag:s23] =	ssyncset.done $0x0  }
0x5e: {  	[sflag:s23] =	ssyncadd.s32 $0xFFFFD800  }
0x5f: {  	[bflag:$0x0] =	sbarrier.arrive $0xFFFF  }
0x60: {  	s16 =	simm.s32 $0x0;
	s17 =	rddreg [dreg:$0xc]  }
0x61: {  	[tilespmem:s25], [sflag:$0x7] =	stream.linear.gather [hbm4b:s17+s16], $0x50, $0x38;
	[tilespmem:$0x1E280] =	vst v63  }
0x62: {  	s18 =	simm.s32 $0x2900;
	s21 =	rddreg [dreg:$0xd]  }
0x63: {  	[tilespmem:s18], [sflag:$0x7] =	stream.linear.gather [hbm4b:s21+s16], $0x50, $0x38;
	[tilespmem:$0x1E280] =	vst v63  }
0x64: {  	_ = 	snop  }
0x65: {  	[tilespmem:s24], [sflag:$0x1] =	stream.indirect.gather [hbm4b:s6+s28], $0x80, s16, s28, $0xb8;
	[tilespmem:$0x1E280] =	vst v63  }
0x66: {  	s19 =	rddreg [dreg:$0xe]  }
0x67: {  	[tilespmem:s29], [sflag:$0x8] =	stream.linear.gather [hbm4b:s19+s16], $0x50, $0x38;
	[tilespmem:$0x1E280] =	vst v63  }
.Ltmp3:
0x68: {  	_ = 	snop;
	(pc) =	sbr.rel .LBB2_4-.Ltmp3, $4  }
0x69: {  	s20 =	rddreg [dreg:$0xf];
	s21 =	simm.s32 $0x2980  }
0x6a: {  	[tilespmem:s21], [sflag:$0x8] =	stream.linear.gather [hbm4b:s20+s16], $0x50, $0x38;
	[tilespmem:$0x1E280] =	vst v63  }
0x6b: {  	_ = 	snop  }
0x6c: {  	[tilespmem:s31], [sflag:$0x2] =	stream.indirect.gather [hbm4b:s6+s28], $0x80, s28, s28, $0xb8;
	[tilespmem:$0x1E280] =	vst v63  }
.LBB2_15:
0x6d: {  	s16 =	sadd.s32 $0x1, s16  }
0x6e: {  	p0 =	sne.s32 s16, $0x7D  }
.Ltmp4:
0x6f: {  	_ = 	snop;
	(pc) =	sbr.rel @!p0 .LBB2_16-.Ltmp4, $1  }
0x70: {  	_ =	sdelay $0x3  }
.LBB2_4:
0x71: {  	s17 =	smul.u32 $0xAB, s16;
	_ =	sdelay $0x1  }
0x72: {  	s17 =	sshrl.u32 s17, $0x9  }
0x73: {  	s17 =	sand.u32 $0x7F, s17  }
0x74: {  	s17 =	smul.u32 $0x3, s17;
	_ =	sdelay $0x1  }
0x75: {  	s17 =	ssub.s32 s16, s17  }
0x76: {  	s17 =	sand.u32 $0xFF, s17  }
0x77: {  	p0 =	seq.s32 s17, $0x2  }
.Ltmp5:
0x78: {  	_ = 	snop;
	(pc) =	sbr.rel @p0 .LBB2_12-.Ltmp5, $1  }
0x79: {  	_ =	sdelay $0x3  }
0x7a: {  	p0 =	seq.s32 s17, $0x1  }
.Ltmp6:
0x7b: {  	_ = 	snop;
	(pc) =	sbr.rel @!p0 .LBB2_6-.Ltmp6, $1  }
0x7c: {  	_ =	sdelay $0x3  }
0x7d: {  	_ =	swait.ge [sflag:s11], $0x2800  }
0x7e: {  	[sflag:s11] =	ssyncset.done $0x0  }
0x7f: {  	[sflag:s11] =	ssyncadd.s32 $0xFFFFD800  }
0x80: {  	_ =	swait.ge [sflag:s12], $0x50  }
0x81: {  	[sflag:s12] =	ssyncset.done $0x0  }
0x82: {  	[sflag:s12] =	ssyncadd.s32 $0xFFFFFFB0  }
0x83: {  	_ =	swait.ge [sflag:s12], $0x50  }
0x84: {  	[sflag:s12] =	ssyncset.done $0x0  }
0x85: {  	s17 =	simm.s32 $0x5380;
	[sflag:s12] =	ssyncadd.s32 $0xFFFFFFB0  }
0x86: {  	s18 =	simm.s32 $0x0;
	v2 =	vld [tilespmem:s17+$0xFFFFFF70]  }
0x87: {  	v3 =	vld.msk [tilespmem:s18+$0x2980 ss:$0x0], $0xffff  }
0x88: {  	v4 =	vld [tilespmem:s17+$0xFFFFFF00]  }
0x89: {  	v5 =	vld [tilespmem:s17+$0xFFFFFF20]  }
0x8a: {  	v1 =	vld [tilespmem:s17+$0xFFFFFF50]  }
0x8b: {  	v6 =	vld [tilespmem:s17+$0xFFFFFF30]  }
0x8c: {  	v8 =	vld [tilespmem:s17+$0xFFFFFF10];
	v2 =	vmul.f32 v2, v3  }
0x8d: {  	v9 =	vld [tilespmem:s17+$0xFFFFFF40];
	v4 =	vmul.f32 v3, v4  }
0x8e: {  	v7 =	vld [tilespmem:s17+$0xFFFFFF60];
	v5 =	vmul.f32 v5, v3;
	[tilespmem:s17+$0xFFFFFF70] =	vst v2  }
0x8f: {  	v1 =	vmul.f32 v1, v3;
	[tilespmem:s17+$0xFFFFFF00] =	vst v4  }
0x90: {  	v2 =	vmul.f32 v6, v3;
	[tilespmem:s17+$0xFFFFFF20] =	vst v5  }
0x91: {  	v4 =	vmul.f32 v8, v3;
	[tilespmem:s17+$0xFFFFFF50] =	vst v1  }
0x92: {  	v63 =	vld [tilespmem:s17+$0xFFFFFFA0];
	v1 =	vmul.f32 v9, v3;
	[tilespmem:s17+$0xFFFFFF30] =	vst v2  }
0x93: {  	v5 =	vld [tilespmem:s17+$0xFFFFFF90];
	v2 =	vmul.f32 v7, v3;
	[tilespmem:s17+$0xFFFFFF10] =	vst v4  }
0x94: {  	v6 =	vld [tilespmem:s17+$0xFFFFFF80];
	[tilespmem:s17+$0xFFFFFF40] =	vst v1  }
0x95: {  	v1 =	vld [tilespmem:s17+$0xFFFFFFD0];
	[tilespmem:s17+$0xFFFFFF60] =	vst v2  }
0x96: {  	v4 =	vld.msk [tilespmem:s18+$0x2981 ss:$0x0], $0xffff  }
0x97: {  	v2 =	vld [tilespmem:s17+$0xFFFFFFE0]  }
0x98: {  	v3 =	vld [tilespmem:s17+$0xFFFFFFF0]  }
0x99: {  	v7 =	vld [tilespmem:s17+$0xFFFFFFC0]  }
0x9a: {  	v8 =	vld [tilespmem:s17+$0xFFFFFFB0]  }
0x9b: {  	v1 =	vmul.f32 v1, v4  }
0x9c: {  	v2 =	vmul.f32 v2, v4  }
0x9d: {  	v5 =	vmul.f32 v5, v4;
	v3 =	vmul.f32 v3, v4;
	[tilespmem:s17+$0xFFFFFFD0] =	vst v1  }
0x9e: {  	v1 =	vmul.f32 v4, v6;
	[tilespmem:s17+$0xFFFFFFE0] =	vst v2;
	v2 =	vmul.f32 v7, v4  }
0x9f: {  	[tilespmem:s17+$0xFFFFFF90] =	vst v5;
	v5 =	vmul.f32 v63, v4;
	v6 =	vmul.f32 v8, v4;
	v4 =	vld [tilespmem:s17+$0x20]  }
0xa0: {  	[tilespmem:s17+$0xFFFFFFF0] =	vst v3;
	v7 =	vld [tilespmem:s17+$0x70]  }
0xa1: {  	[tilespmem:s17+$0xFFFFFF80] =	vst v1;
	v1 =	vld [tilespmem:s17+$0x60]  }
0xa2: {  	[tilespmem:s17+$0xFFFFFFC0] =	vst v2;
	v2 =	vld [tilespmem:s17+$0x40]  }
0xa3: {  	[tilespmem:s17+$0xFFFFFFB0] =	vst v6;
	v6 =	vld [tilespmem:s17+$0x0]  }
0xa4: {  	[tilespmem:s17+$0xFFFFFFA0] =	vst v5;
	v5 =	vld [tilespmem:s17+$0x10]  }
0xa5: {  	s19 =	simm.s32 $0x10;
	s20 =	simm.s32 $0x5380;
	v3 =	vld.msk [tilespmem:s18+$0x2982 ss:$0x0], $0xffff  }
.LBB2_10:
0xa6: {  	p0 =	sne.s32 s19, $0x130  }
0xa7: {  	v8 =	vld [tilespmem:s17+$0x30];
	s20 =	sadd.s32 $0x200, s20;
	s21 =	smov.u32 s19;
	s19 =	sadd.s32 $0x10, s19  }
0xa8: {  	v9 =	vld [tilespmem:s17+$0x50];
	_ =	sdelay $0x1  }
0xa9: {  	v7 =	vmul.f32 v7, v3;
	v6 =	vmul.f32 v3, v6  }
0xaa: {  	v4 =	vmul.f32 v4, v3;
	v5 =	vmul.f32 v5, v3  }
0xab: {  	v2 =	vmul.f32 v2, v3;
	v1 =	vmul.f32 v1, v3;
	[tilespmem:s17+$0x70] =	vst v7  }
0xac: {  	[tilespmem:s17+$0x20] =	vst v4;
	v4 =	vmul.f32 v8, v3;
	v3 =	vmul.f32 v9, v3  }
0xad: {  	[tilespmem:s17+$0x60] =	vst v1;
	v7 =	vld [tilespmem:s17+$0xA0]  }
0xae: {  	[tilespmem:s17+$0x30] =	vst v4;
	v4 =	vld [tilespmem:s17+$0x80]  }
0xaf: {  	v1 =	vld [tilespmem:s20+$0x60];
	[tilespmem:s17+$0x40] =	vst v2  }
0xb0: {  	v2 =	vld [tilespmem:s20+$0x40];
	[tilespmem:s17+$0x50] =	vst v3  }
0xb1: {  	[tilespmem:s17+$0x0] =	vst v6;
	v3 =	vld [tilespmem:s17+$0xC0]  }
0xb2: {  	[tilespmem:s17+$0x10] =	vst v5;
	v5 =	vld [tilespmem:s17+$0xB0]  }
0xb3: {  	v6 =	vld.msk [tilespmem:s18+$0x2983 ss:$0x0], $0xffff  }
0xb4: {  	v8 =	vld [tilespmem:s17+$0x90]  }
0xb5: {  	v9 =	vld [tilespmem:s17+$0xD0]  }
0xb6: {  	v10 =	vld [tilespmem:s17+$0xE0]  }
0xb7: {  	v11 =	vld [tilespmem:s17+$0xF0];
	_ =	sdelay $0x1  }
0xb8: {  	v4 =	vmul.f32 v6, v4;
	v8 =	vmul.f32 v8, v6  }
0xb9: {  	v7 =	vmul.f32 v7, v6;
	v5 =	vmul.f32 v5, v6  }
0xba: {  	v3 =	vmul.f32 v3, v6;
	[tilespmem:s17+$0x80] =	vst v4;
	v4 =	vmul.f32 v9, v6  }
0xbb: {  	[tilespmem:s17+$0xA0] =	vst v7;
	v7 =	vmul.f32 v10, v6;
	v6 =	vmul.f32 v11, v6  }
0xbc: {  	[tilespmem:s17+$0xB0] =	vst v5  }
0xbd: {  	[tilespmem:s17+$0xC0] =	vst v3  }
0xbe: {  	v3 =	vld [tilespmem:s20+$0xFFFFFF50];
	[tilespmem:s17+$0xD0] =	vst v4  }
0xbf: {  	v4 =	vld [tilespmem:s20+$0xFFFFFF30];
	[tilespmem:s17+$0x90] =	vst v8  }
0xc0: {  	v5 =	vld [tilespmem:s20+$0xFFFFFF60];
	[tilespmem:s17+$0xE0] =	vst v7  }
0xc1: {  	s18 =	sshra.s32 s21, $0x2;
	v7 =	vld [tilespmem:s20+$0xFFFFFF70];
	[tilespmem:s17+$0xF0] =	vst v6;
	s17 =	smov.u32 s20  }
0xc2: {  	v6 =	vld.msk [tilespmem:s18+$0x2980 ss:$0x0], $0xffff  }
0xc3: {  	v8 =	vld [tilespmem:s20+$0xFFFFFF00]  }
0xc4: {  	v9 =	vld [tilespmem:s20+$0xFFFFFF20]  }
0xc5: {  	v10 =	vld [tilespmem:s20+$0xFFFFFF10]  }
0xc6: {  	v11 =	vld [tilespmem:s20+$0xFFFFFF40];
	_ =	sdelay $0x1  }
0xc7: {  	v7 =	vmul.f32 v7, v6;
	v8 =	vmul.f32 v6, v8  }
0xc8: {  	v5 =	vmul.f32 v5, v6;
	v9 =	vmul.f32 v9, v6  }
0xc9: {  	v4 =	vmul.f32 v4, v6;
	v10 =	vmul.f32 v10, v6;
	[tilespmem:s20+$0xFFFFFF70] =	vst v7  }
0xca: {  	v3 =	vmul.f32 v3, v6;
	[tilespmem:s20+$0xFFFFFF00] =	vst v8;
	v7 =	vmul.f32 v11, v6  }
0xcb: {  	[tilespmem:s20+$0xFFFFFF20] =	vst v9  }
0xcc: {  	[tilespmem:s20+$0xFFFFFF30] =	vst v4  }
0xcd: {  	[tilespmem:s20+$0xFFFFFF50] =	vst v3;
	v3 =	vld [tilespmem:s20+$0xFFFFFFF0]  }
0xce: {  	[tilespmem:s20+$0xFFFFFF10] =	vst v10;
	v4 =	vld [tilespmem:s20+$0xFFFFFFC0]  }
0xcf: {  	[tilespmem:s20+$0xFFFFFF60] =	vst v5;
	v5 =	vld [tilespmem:s20+$0xFFFFFFE0]  }
0xd0: {  	[tilespmem:s20+$0xFFFFFF40] =	vst v7;
	v6 =	vld [tilespmem:s20+$0xFFFFFFD0]  }
0xd1: {  	v7 =	vld.msk [tilespmem:s18+$0x2981 ss:$0x0], $0xffff  }
0xd2: {  	v8 =	vld [tilespmem:s20+$0xFFFFFF90]  }
0xd3: {  	v9 =	vld [tilespmem:s20+$0xFFFFFF80]  }
0xd4: {  	v10 =	vld [tilespmem:s20+$0xFFFFFFB0]  }
0xd5: {  	v11 =	vld [tilespmem:s20+$0xFFFFFFA0];
	_ =	sdelay $0x1  }
0xd6: {  	v6 =	vmul.f32 v6, v7;
	v8 =	vmul.f32 v8, v7  }
0xd7: {  	v5 =	vmul.f32 v5, v7;
	v9 =	vmul.f32 v7, v9  }
0xd8: {  	v4 =	vmul.f32 v4, v7;
	v10 =	vmul.f32 v10, v7;
	[tilespmem:s20+$0xFFFFFFD0] =	vst v6  }
0xd9: {  	v3 =	vmul.f32 v3, v7;
	v6 =	vmul.f32 v11, v7;
	[tilespmem:s20+$0xFFFFFFE0] =	vst v5  }
0xda: {  	[tilespmem:s20+$0xFFFFFF90] =	vst v8  }
0xdb: {  	[tilespmem:s20+$0xFFFFFF80] =	vst v9  }
0xdc: {  	[tilespmem:s20+$0xFFFFFFC0] =	vst v4  }
0xdd: {  	[tilespmem:s20+$0xFFFFFFA0] =	vst v6  }
.Ltmp7:
0xde: {  	[tilespmem:s20+$0xFFFFFFF0] =	vst v3;
	v4 =	vld [tilespmem:s20+$0x20];
	(pc) =	sbr.rel @p0 .LBB2_10-.Ltmp7, $4  }
0xdf: {  	[tilespmem:s20+$0xFFFFFFB0] =	vst v10;
	v7 =	vld [tilespmem:s20+$0x70]  }
0xe0: {  	v3 =	vld.msk [tilespmem:s18+$0x2982 ss:$0x0], $0xffff  }
0xe1: {  	v6 =	vld [tilespmem:s20+$0x0]  }
0xe2: {  	v5 =	vld [tilespmem:s20+$0x10]  }
0xe3: {  	_ =	sdelay $0x1  }
0xe4: {  	v7 =	vmul.f32 v7, v3  }
0xe5: {  	v8 =	vld [tilespmem:s17+$0x30];
	v4 =	vmul.f32 v4, v3  }
0xe6: {  	v9 =	vld [tilespmem:s17+$0x50];
	v1 =	vmul.f32 v1, v3;
	[tilespmem:s17+$0x70] =	vst v7  }
0xe7: {  	v2 =	vmul.f32 v2, v3;
	[tilespmem:s17+$0x20] =	vst v4  }
0xe8: {  	v56 =	vmul.f32 v3, v6;
	[tilespmem:s17+$0x60] =	vst v1  }
0xe9: {  	[tilespmem:s17+$0x40] =	vst v2;
	v2 =	vmul.f32 v5, v3  }
0xea: {  	v55 =	vmul.f32 v8, v3;
	[tilespmem:s17+$0x0] =	vst v56  }
0xeb: {  	v1 =	vmul.f32 v9, v3;
	[tilespmem:s17+$0x10] =	vst v2  }
0xec: {  	[tilespmem:s17+$0x30] =	vst v55  }
0xed: {  	v57 =	vld [tilespmem:s17+$0x80];
	[tilespmem:s17+$0x50] =	vst v1  }
0xee: {  	v1 =	vld.msk [tilespmem:s18+$0x2983 ss:$0x0], $0xffff  }
0xef: {  	v2 =	vld [tilespmem:s17+$0xA0]  }
0xf0: {  	v3 =	vld [tilespmem:s17+$0xB0]  }
0xf1: {  	v58 =	vld [tilespmem:s17+$0xC0]  }
0xf2: {  	v61 =	vld [tilespmem:s17+$0xE0]  }
0xf3: {  	v59 =	vld [tilespmem:s17+$0xD0];
	v6 =	vmul.f32 v1, v57  }
0xf4: {  	v60 =	vld [tilespmem:s17+$0x90];
	v2 =	vmul.f32 v2, v1  }
0xf5: {  	v62 =	vld [tilespmem:s17+$0xF0];
	v3 =	vmul.f32 v3, v1;
	[tilespmem:s17+$0x80] =	vst v6  }
0xf6: {  	v4 =	vmul.f32 v58, v1;
	[tilespmem:s17+$0xA0] =	vst v2  }
0xf7: {  	v63 =	vmul.f32 v61, v1;
	[tilespmem:s17+$0xB0] =	vst v3  }
0xf8: {  	v2 =	vmul.f32 v59, v1;
	[tilespmem:s17+$0xC0] =	vst v4  }
0xf9: {  	v3 =	vmul.f32 v60, v1;
	[tilespmem:s17+$0xE0] =	vst v63  }
0xfa: {  	v1 =	vmul.f32 v62, v1;
	[tilespmem:s17+$0xD0] =	vst v2  }
0xfb: {  	p0 =	sgt.u32 s16, $0x7A;
	[tilespmem:s17+$0x90] =	vst v3  }
0xfc: {  	s18 =	simm.s32 @!p0 $0x4;
	[tilespmem:s17+$0xF0] =	vst v1;
	s17 =	smul.u32 @!p0 $0x50, s16  }
0xfd: {  	[spmem:s3] =	stream.indirect.scatter.add.f32 [tilespmem:s31], [sflag:$0x5], $0x80, s29, s28, $0xb8;
	[tilespmem:$0x1E280] =	vst v63  }
0xfe: {  	_ =	swait.ge @!p0 [sflag:s18], $0x2800;
	s17 =	sadd.s32 @!p0 $0xA0, s17  }
0xff: {  	[sflag:s18] =	ssyncset.done @!p0 $0x0;
	s19 =	sadd.s32 @!p0 s5, s17  }
0x100: {  	[sflag:s18] =	ssyncadd.s32 @!p0 $0xFFFFD800;
	s18 =	sshrl.u32 @!p0 s19, $0x3  }
0x101: {  	s20 =	simm.s32 @!p0 $0x0;
	s21 =	simm.s32 @!p0 $0x2780;
	s19 =	sadd.s32 @!p0 s7, s18  }
0x102: {  	[tilespmem:s21], [sflag:$0x7] =	stream.linear.gather @!p0 [hbm4b:s19+s20], $0x50, $0x38;
	[tilespmem:$0x1E280] =	vst v63  }
.Ltmp8:
0x103: {  	_ = 	snop;
	(pc) =	sbr.rel .LBB2_15-.Ltmp8, $4  }
0x104: {  	s18 =	sadd.s32 @!p0 s2, s18;
	s19 =	simm.s32 @!p0 $0x2900  }
0x105: {  	[tilespmem:s19], [sflag:$0x7] =	stream.linear.gather @!p0 [hbm4b:s18+s20], $0x50, $0x38;
	[tilespmem:$0x1E280] =	vst v63  }
0x106: {  	s18 =	simm.s32 @!p0 $0x50;
	s19 =	simm.s32 @!p0 $0x2A80  }
0x107: {  	[tilespmem:s19], [sflag:$0x1] =	stream.indirect.gather @!p0 [hbm4b:s6+s18], $0x80, s17, s18, $0xb8;
	[tilespmem:$0x1E280] =	vst v63  }
.LBB2_12:
0x108: {  	_ =	swait.ge [sflag:s1], $0x2800  }
0x109: {  	[sflag:s1] =	ssyncset.done $0x0  }
0x10a: {  	[sflag:s1] =	ssyncadd.s32 $0xFFFFD800  }
0x10b: {  	_ =	swait.ge [sflag:s4], $0x50  }
0x10c: {  	[sflag:s4] =	ssyncset.done $0x0  }
0x10d: {  	[sflag:s4] =	ssyncadd.s32 $0xFFFFFFB0  }
0x10e: {  	_ =	swait.ge [sflag:s4], $0x50  }
0x10f: {  	[sflag:s4] =	ssyncset.done $0x0  }
0x110: {  	s17 =	simm.s32 $0x7B80;
	[sflag:s4] =	ssyncadd.s32 $0xFFFFFFB0  }
0x111: {  	s18 =	simm.s32 $0x0;
	v2 =	vld [tilespmem:s17+$0xFFFFFF70]  }
0x112: {  	v3 =	vld.msk [tilespmem:s18+$0x2A00 ss:$0x0], $0xffff  }
0x113: {  	v4 =	vld [tilespmem:s17+$0xFFFFFF00]  }
0x114: {  	v5 =	vld [tilespmem:s17+$0xFFFFFF20]  }
0x115: {  	v1 =	vld [tilespmem:s17+$0xFFFFFF50]  }
0x116: {  	v6 =	vld [tilespmem:s17+$0xFFFFFF30]  }
0x117: {  	v8 =	vld [tilespmem:s17+$0xFFFFFF10];
	v2 =	vmul.f32 v2, v3  }
0x118: {  	v9 =	vld [tilespmem:s17+$0xFFFFFF40];
	v4 =	vmul.f32 v3, v4  }
0x119: {  	v7 =	vld [tilespmem:s17+$0xFFFFFF60];
	v5 =	vmul.f32 v5, v3;
	[tilespmem:s17+$0xFFFFFF70] =	vst v2  }
0x11a: {  	v1 =	vmul.f32 v1, v3;
	[tilespmem:s17+$0xFFFFFF00] =	vst v4  }
0x11b: {  	v2 =	vmul.f32 v6, v3;
	[tilespmem:s17+$0xFFFFFF20] =	vst v5  }
0x11c: {  	v4 =	vmul.f32 v8, v3;
	[tilespmem:s17+$0xFFFFFF50] =	vst v1  }
0x11d: {  	v63 =	vld [tilespmem:s17+$0xFFFFFFA0];
	v1 =	vmul.f32 v9, v3;
	[tilespmem:s17+$0xFFFFFF30] =	vst v2  }
0x11e: {  	v5 =	vld [tilespmem:s17+$0xFFFFFF90];
	v2 =	vmul.f32 v7, v3;
	[tilespmem:s17+$0xFFFFFF10] =	vst v4  }
0x11f: {  	v6 =	vld [tilespmem:s17+$0xFFFFFF80];
	[tilespmem:s17+$0xFFFFFF40] =	vst v1  }
0x120: {  	v1 =	vld [tilespmem:s17+$0xFFFFFFD0];
	[tilespmem:s17+$0xFFFFFF60] =	vst v2  }
0x121: {  	v4 =	vld.msk [tilespmem:s18+$0x2A01 ss:$0x0], $0xffff  }
0x122: {  	v2 =	vld [tilespmem:s17+$0xFFFFFFE0]  }
0x123: {  	v3 =	vld [tilespmem:s17+$0xFFFFFFF0]  }
0x124: {  	v7 =	vld [tilespmem:s17+$0xFFFFFFC0]  }
0x125: {  	v8 =	vld [tilespmem:s17+$0xFFFFFFB0]  }
0x126: {  	v1 =	vmul.f32 v1, v4  }
0x127: {  	v2 =	vmul.f32 v2, v4  }
0x128: {  	v5 =	vmul.f32 v5, v4;
	v3 =	vmul.f32 v3, v4;
	[tilespmem:s17+$0xFFFFFFD0] =	vst v1  }
0x129: {  	v1 =	vmul.f32 v4, v6;
	[tilespmem:s17+$0xFFFFFFE0] =	vst v2;
	v2 =	vmul.f32 v7, v4  }
0x12a: {  	[tilespmem:s17+$0xFFFFFF90] =	vst v5;
	v5 =	vmul.f32 v63, v4;
	v6 =	vmul.f32 v8, v4;
	v4 =	vld [tilespmem:s17+$0x20]  }
0x12b: {  	[tilespmem:s17+$0xFFFFFFF0] =	vst v3;
	v7 =	vld [tilespmem:s17+$0x70]  }
0x12c: {  	[tilespmem:s17+$0xFFFFFF80] =	vst v1;
	v1 =	vld [tilespmem:s17+$0x60]  }
0x12d: {  	[tilespmem:s17+$0xFFFFFFC0] =	vst v2;
	v2 =	vld [tilespmem:s17+$0x40]  }
0x12e: {  	[tilespmem:s17+$0xFFFFFFB0] =	vst v6;
	v6 =	vld [tilespmem:s17+$0x0]  }
0x12f: {  	[tilespmem:s17+$0xFFFFFFA0] =	vst v5;
	v5 =	vld [tilespmem:s17+$0x10]  }
0x130: {  	s19 =	simm.s32 $0x10;
	s20 =	simm.s32 $0x7B80;
	v3 =	vld.msk [tilespmem:s18+$0x2A02 ss:$0x0], $0xffff  }
.LBB2_13:
0x131: {  	p0 =	sne.s32 s19, $0x130  }
0x132: {  	v8 =	vld [tilespmem:s17+$0x30];
	s20 =	sadd.s32 $0x200, s20;
	s21 =	smov.u32 s19;
	s19 =	sadd.s32 $0x10, s19  }
0x133: {  	v9 =	vld [tilespmem:s17+$0x50];
	_ =	sdelay $0x1  }
0x134: {  	v7 =	vmul.f32 v7, v3;
	v6 =	vmul.f32 v3, v6  }
0x135: {  	v4 =	vmul.f32 v4, v3;
	v5 =	vmul.f32 v5, v3  }
0x136: {  	v2 =	vmul.f32 v2, v3;
	v1 =	vmul.f32 v1, v3;
	[tilespmem:s17+$0x70] =	vst v7  }
0x137: {  	[tilespmem:s17+$0x20] =	vst v4;
	v4 =	vmul.f32 v8, v3;
	v3 =	vmul.f32 v9, v3  }
0x138: {  	[tilespmem:s17+$0x60] =	vst v1;
	v7 =	vld [tilespmem:s17+$0xA0]  }
0x139: {  	[tilespmem:s17+$0x30] =	vst v4;
	v4 =	vld [tilespmem:s17+$0x80]  }
0x13a: {  	v1 =	vld [tilespmem:s20+$0x60];
	[tilespmem:s17+$0x40] =	vst v2  }
0x13b: {  	v2 =	vld [tilespmem:s20+$0x40];
	[tilespmem:s17+$0x50] =	vst v3  }
0x13c: {  	[tilespmem:s17+$0x0] =	vst v6;
	v3 =	vld [tilespmem:s17+$0xC0]  }
0x13d: {  	[tilespmem:s17+$0x10] =	vst v5;
	v5 =	vld [tilespmem:s17+$0xB0]  }
0x13e: {  	v6 =	vld.msk [tilespmem:s18+$0x2A03 ss:$0x0], $0xffff  }
0x13f: {  	v8 =	vld [tilespmem:s17+$0x90]  }
0x140: {  	v9 =	vld [tilespmem:s17+$0xD0]  }
0x141: {  	v10 =	vld [tilespmem:s17+$0xE0]  }
0x142: {  	v11 =	vld [tilespmem:s17+$0xF0];
	_ =	sdelay $0x1  }
0x143: {  	v4 =	vmul.f32 v6, v4;
	v8 =	vmul.f32 v8, v6  }
0x144: {  	v7 =	vmul.f32 v7, v6;
	v5 =	vmul.f32 v5, v6  }
0x145: {  	v3 =	vmul.f32 v3, v6;
	[tilespmem:s17+$0x80] =	vst v4;
	v4 =	vmul.f32 v9, v6  }
0x146: {  	[tilespmem:s17+$0xA0] =	vst v7;
	v7 =	vmul.f32 v10, v6;
	v6 =	vmul.f32 v11, v6  }
0x147: {  	[tilespmem:s17+$0xB0] =	vst v5  }
0x148: {  	[tilespmem:s17+$0xC0] =	vst v3  }
0x149: {  	v3 =	vld [tilespmem:s20+$0xFFFFFF50];
	[tilespmem:s17+$0xD0] =	vst v4  }
0x14a: {  	v4 =	vld [tilespmem:s20+$0xFFFFFF30];
	[tilespmem:s17+$0x90] =	vst v8  }
0x14b: {  	v5 =	vld [tilespmem:s20+$0xFFFFFF60];
	[tilespmem:s17+$0xE0] =	vst v7  }
0x14c: {  	s18 =	sshra.s32 s21, $0x2;
	v7 =	vld [tilespmem:s20+$0xFFFFFF70];
	[tilespmem:s17+$0xF0] =	vst v6;
	s17 =	smov.u32 s20  }
0x14d: {  	v6 =	vld.msk [tilespmem:s18+$0x2A00 ss:$0x0], $0xffff  }
0x14e: {  	v8 =	vld [tilespmem:s20+$0xFFFFFF00]  }
0x14f: {  	v9 =	vld [tilespmem:s20+$0xFFFFFF20]  }
0x150: {  	v10 =	vld [tilespmem:s20+$0xFFFFFF10]  }
0x151: {  	v11 =	vld [tilespmem:s20+$0xFFFFFF40];
	_ =	sdelay $0x1  }
0x152: {  	v7 =	vmul.f32 v7, v6;
	v8 =	vmul.f32 v6, v8  }
0x153: {  	v5 =	vmul.f32 v5, v6;
	v9 =	vmul.f32 v9, v6  }
0x154: {  	v4 =	vmul.f32 v4, v6;
	v10 =	vmul.f32 v10, v6;
	[tilespmem:s20+$0xFFFFFF70] =	vst v7  }
0x155: {  	v3 =	vmul.f32 v3, v6;
	[tilespmem:s20+$0xFFFFFF00] =	vst v8;
	v7 =	vmul.f32 v11, v6  }
0x156: {  	[tilespmem:s20+$0xFFFFFF20] =	vst v9  }
0x157: {  	[tilespmem:s20+$0xFFFFFF30] =	vst v4  }
0x158: {  	[tilespmem:s20+$0xFFFFFF50] =	vst v3;
	v3 =	vld [tilespmem:s20+$0xFFFFFFF0]  }
0x159: {  	[tilespmem:s20+$0xFFFFFF10] =	vst v10;
	v4 =	vld [tilespmem:s20+$0xFFFFFFC0]  }
0x15a: {  	[tilespmem:s20+$0xFFFFFF60] =	vst v5;
	v5 =	vld [tilespmem:s20+$0xFFFFFFE0]  }
0x15b: {  	[tilespmem:s20+$0xFFFFFF40] =	vst v7;
	v6 =	vld [tilespmem:s20+$0xFFFFFFD0]  }
0x15c: {  	v7 =	vld.msk [tilespmem:s18+$0x2A01 ss:$0x0], $0xffff  }
0x15d: {  	v8 =	vld [tilespmem:s20+$0xFFFFFF90]  }
0x15e: {  	v9 =	vld [tilespmem:s20+$0xFFFFFF80]  }
0x15f: {  	v10 =	vld [tilespmem:s20+$0xFFFFFFB0]  }
0x160: {  	v11 =	vld [tilespmem:s20+$0xFFFFFFA0];
	_ =	sdelay $0x1  }
0x161: {  	v6 =	vmul.f32 v6, v7;
	v8 =	vmul.f32 v8, v7  }
0x162: {  	v5 =	vmul.f32 v5, v7;
	v9 =	vmul.f32 v7, v9  }
0x163: {  	v4 =	vmul.f32 v4, v7;
	v10 =	vmul.f32 v10, v7;
	[tilespmem:s20+$0xFFFFFFD0] =	vst v6  }
0x164: {  	v3 =	vmul.f32 v3, v7;
	v6 =	vmul.f32 v11, v7;
	[tilespmem:s20+$0xFFFFFFE0] =	vst v5  }
0x165: {  	[tilespmem:s20+$0xFFFFFF90] =	vst v8  }
0x166: {  	[tilespmem:s20+$0xFFFFFF80] =	vst v9  }
0x167: {  	[tilespmem:s20+$0xFFFFFFC0] =	vst v4  }
0x168: {  	[tilespmem:s20+$0xFFFFFFA0] =	vst v6  }
.Ltmp9:
0x169: {  	[tilespmem:s20+$0xFFFFFFF0] =	vst v3;
	v4 =	vld [tilespmem:s20+$0x20];
	(pc) =	sbr.rel @p0 .LBB2_13-.Ltmp9, $4  }
0x16a: {  	[tilespmem:s20+$0xFFFFFFB0] =	vst v10;
	v7 =	vld [tilespmem:s20+$0x70]  }
0x16b: {  	v3 =	vld.msk [tilespmem:s18+$0x2A02 ss:$0x0], $0xffff  }
0x16c: {  	v6 =	vld [tilespmem:s20+$0x0]  }
0x16d: {  	v5 =	vld [tilespmem:s20+$0x10]  }
0x16e: {  	_ =	sdelay $0x1  }
0x16f: {  	v7 =	vmul.f32 v7, v3  }
0x170: {  	v8 =	vld [tilespmem:s17+$0x30];
	v4 =	vmul.f32 v4, v3  }
0x171: {  	v9 =	vld [tilespmem:s17+$0x50];
	v1 =	vmul.f32 v1, v3;
	[tilespmem:s17+$0x70] =	vst v7  }
0x172: {  	v2 =	vmul.f32 v2, v3;
	[tilespmem:s17+$0x20] =	vst v4  }
0x173: {  	v56 =	vmul.f32 v3, v6;
	[tilespmem:s17+$0x60] =	vst v1  }
0x174: {  	[tilespmem:s17+$0x40] =	vst v2;
	v2 =	vmul.f32 v5, v3  }
0x175: {  	v55 =	vmul.f32 v8, v3;
	[tilespmem:s17+$0x0] =	vst v56  }
0x176: {  	v1 =	vmul.f32 v9, v3;
	[tilespmem:s17+$0x10] =	vst v2  }
0x177: {  	[tilespmem:s17+$0x30] =	vst v55  }
0x178: {  	v57 =	vld [tilespmem:s17+$0x80];
	[tilespmem:s17+$0x50] =	vst v1  }
0x179: {  	v1 =	vld.msk [tilespmem:s18+$0x2A03 ss:$0x0], $0xffff  }
0x17a: {  	v2 =	vld [tilespmem:s17+$0xA0]  }
0x17b: {  	v3 =	vld [tilespmem:s17+$0xB0]  }
0x17c: {  	v58 =	vld [tilespmem:s17+$0xC0]  }
0x17d: {  	v61 =	vld [tilespmem:s17+$0xE0]  }
0x17e: {  	v59 =	vld [tilespmem:s17+$0xD0];
	v6 =	vmul.f32 v1, v57  }
0x17f: {  	v60 =	vld [tilespmem:s17+$0x90];
	v2 =	vmul.f32 v2, v1  }
0x180: {  	v62 =	vld [tilespmem:s17+$0xF0];
	v3 =	vmul.f32 v3, v1;
	[tilespmem:s17+$0x80] =	vst v6  }
0x181: {  	v4 =	vmul.f32 v58, v1;
	[tilespmem:s17+$0xA0] =	vst v2  }
0x182: {  	v63 =	vmul.f32 v61, v1;
	[tilespmem:s17+$0xB0] =	vst v3  }
0x183: {  	v2 =	vmul.f32 v59, v1;
	[tilespmem:s17+$0xC0] =	vst v4  }
0x184: {  	p0 =	sgt.u32 s16, $0x7A;
	v3 =	vmul.f32 v60, v1;
	[tilespmem:s17+$0xE0] =	vst v63  }
0x185: {  	p1 =	seq.s32 @!p0 s16, $0x0;
	v1 =	vmul.f32 v62, v1;
	[tilespmem:s17+$0xD0] =	vst v2  }
0x186: {  	p1 =	por p1, p0;
	[tilespmem:s17+$0x90] =	vst v3  }
0x187: {  	s18 =	simm.s32 @!p1 $0x5;
	[tilespmem:s17+$0xF0] =	vst v1;
	s17 =	smul.u32 @!p0 $0x50, s16  }
0x188: {  	[spmem:s3] =	stream.indirect.scatter.add.f32 [tilespmem:s30], [sflag:$0x6], $0x80, s26, s28, $0xb8;
	[tilespmem:$0x1E280] =	vst v63  }
0x189: {  	_ =	swait.ge @!p1 [sflag:s18], $0x2800;
	s17 =	sadd.s32 @!p0 $0xA0, s17  }
0x18a: {  	[sflag:s18] =	ssyncset.done @!p1 $0x0;
	s19 =	sadd.s32 @!p0 s5, s17  }
0x18b: {  	[sflag:s18] =	ssyncadd.s32 @!p1 $0xFFFFD800;
	s18 =	sshrl.u32 @!p0 s19, $0x3  }
0x18c: {  	s20 =	simm.s32 @!p0 $0x0;
	s21 =	simm.s32 @!p0 $0x2800;
	s19 =	sadd.s32 @!p0 s7, s18  }
0x18d: {  	[tilespmem:s21], [sflag:$0x8] =	stream.linear.gather @!p0 [hbm4b:s19+s20], $0x50, $0x38;
	[tilespmem:$0x1E280] =	vst v63  }
.Ltmp10:
0x18e: {  	_ = 	snop;
	(pc) =	sbr.rel .LBB2_15-.Ltmp10, $4  }
0x18f: {  	s18 =	sadd.s32 @!p0 s2, s18;
	s19 =	simm.s32 @!p0 $0x2980  }
0x190: {  	[tilespmem:s19], [sflag:$0x8] =	stream.linear.gather @!p0 [hbm4b:s18+s20], $0x50, $0x38;
	[tilespmem:$0x1E280] =	vst v63  }
0x191: {  	s18 =	simm.s32 @!p0 $0x50;
	s19 =	simm.s32 @!p0 $0x5280  }
0x192: {  	[tilespmem:s19], [sflag:$0x2] =	stream.indirect.gather @!p0 [hbm4b:s6+s18], $0x80, s17, s18, $0xb8;
	[tilespmem:$0x1E280] =	vst v63  }
.LBB2_6:
0x193: {  	_ =	swait.ge [sflag:s13], $0x2800  }
0x194: {  	[sflag:s13] =	ssyncset.done $0x0  }
0x195: {  	[sflag:s13] =	ssyncadd.s32 $0xFFFFD800  }
0x196: {  	_ =	swait.ge [sflag:s14], $0x50  }
0x197: {  	[sflag:s14] =	ssyncset.done $0x0  }
0x198: {  	[sflag:s14] =	ssyncadd.s32 $0xFFFFFFB0  }
0x199: {  	_ =	swait.ge [sflag:s14], $0x50  }
0x19a: {  	[sflag:s14] =	ssyncset.done $0x0  }
0x19b: {  	s17 =	simm.s32 $0x2B80;
	[sflag:s14] =	ssyncadd.s32 $0xFFFFFFB0  }
0x19c: {  	s18 =	simm.s32 $0x0;
	v2 =	vld [tilespmem:s17+$0xFFFFFF70]  }
0x19d: {  	v3 =	vld.msk [tilespmem:s18+$0x2900 ss:$0x0], $0xffff  }
0x19e: {  	v4 =	vld [tilespmem:s17+$0xFFFFFF00]  }
0x19f: {  	v5 =	vld [tilespmem:s17+$0xFFFFFF20]  }
0x1a0: {  	v1 =	vld [tilespmem:s17+$0xFFFFFF50]  }
0x1a1: {  	v6 =	vld [tilespmem:s17+$0xFFFFFF30]  }
0x1a2: {  	v8 =	vld [tilespmem:s17+$0xFFFFFF10];
	v2 =	vmul.f32 v2, v3  }
0x1a3: {  	v9 =	vld [tilespmem:s17+$0xFFFFFF40];
	v4 =	vmul.f32 v3, v4  }
0x1a4: {  	v7 =	vld [tilespmem:s17+$0xFFFFFF60];
	v5 =	vmul.f32 v5, v3;
	[tilespmem:s17+$0xFFFFFF70] =	vst v2  }
0x1a5: {  	v1 =	vmul.f32 v1, v3;
	[tilespmem:s17+$0xFFFFFF00] =	vst v4  }
0x1a6: {  	v2 =	vmul.f32 v6, v3;
	[tilespmem:s17+$0xFFFFFF20] =	vst v5  }
0x1a7: {  	v4 =	vmul.f32 v8, v3;
	[tilespmem:s17+$0xFFFFFF50] =	vst v1  }
0x1a8: {  	v63 =	vld [tilespmem:s17+$0xFFFFFFA0];
	v1 =	vmul.f32 v9, v3;
	[tilespmem:s17+$0xFFFFFF30] =	vst v2  }
0x1a9: {  	v5 =	vld [tilespmem:s17+$0xFFFFFF90];
	v2 =	vmul.f32 v7, v3;
	[tilespmem:s17+$0xFFFFFF10] =	vst v4  }
0x1aa: {  	v6 =	vld [tilespmem:s17+$0xFFFFFF80];
	[tilespmem:s17+$0xFFFFFF40] =	vst v1  }
0x1ab: {  	v1 =	vld [tilespmem:s17+$0xFFFFFFD0];
	[tilespmem:s17+$0xFFFFFF60] =	vst v2  }
0x1ac: {  	v4 =	vld.msk [tilespmem:s18+$0x2901 ss:$0x0], $0xffff  }
0x1ad: {  	v2 =	vld [tilespmem:s17+$0xFFFFFFE0]  }
0x1ae: {  	v3 =	vld [tilespmem:s17+$0xFFFFFFF0]  }
0x1af: {  	v7 =	vld [tilespmem:s17+$0xFFFFFFC0]  }
0x1b0: {  	v8 =	vld [tilespmem:s17+$0xFFFFFFB0]  }
0x1b1: {  	v1 =	vmul.f32 v1, v4  }
0x1b2: {  	v2 =	vmul.f32 v2, v4  }
0x1b3: {  	v5 =	vmul.f32 v5, v4;
	v3 =	vmul.f32 v3, v4;
	[tilespmem:s17+$0xFFFFFFD0] =	vst v1  }
0x1b4: {  	v1 =	vmul.f32 v4, v6;
	[tilespmem:s17+$0xFFFFFFE0] =	vst v2;
	v2 =	vmul.f32 v7, v4  }
0x1b5: {  	[tilespmem:s17+$0xFFFFFF90] =	vst v5;
	v5 =	vmul.f32 v63, v4;
	v6 =	vmul.f32 v8, v4;
	v4 =	vld [tilespmem:s17+$0x20]  }
0x1b6: {  	[tilespmem:s17+$0xFFFFFFF0] =	vst v3;
	v7 =	vld [tilespmem:s17+$0x70]  }
0x1b7: {  	[tilespmem:s17+$0xFFFFFF80] =	vst v1;
	v1 =	vld [tilespmem:s17+$0x60]  }
0x1b8: {  	[tilespmem:s17+$0xFFFFFFC0] =	vst v2;
	v2 =	vld [tilespmem:s17+$0x40]  }
0x1b9: {  	[tilespmem:s17+$0xFFFFFFB0] =	vst v6;
	v6 =	vld [tilespmem:s17+$0x0]  }
0x1ba: {  	[tilespmem:s17+$0xFFFFFFA0] =	vst v5;
	v5 =	vld [tilespmem:s17+$0x10]  }
0x1bb: {  	s19 =	simm.s32 $0x10;
	s20 =	simm.s32 $0x2B80;
	v3 =	vld.msk [tilespmem:s18+$0x2902 ss:$0x0], $0xffff  }
.LBB2_7:
0x1bc: {  	p0 =	sne.s32 s19, $0x130  }
0x1bd: {  	v8 =	vld [tilespmem:s17+$0x30];
	s20 =	sadd.s32 $0x200, s20;
	s21 =	smov.u32 s19;
	s19 =	sadd.s32 $0x10, s19  }
0x1be: {  	v9 =	vld [tilespmem:s17+$0x50];
	_ =	sdelay $0x1  }
0x1bf: {  	v7 =	vmul.f32 v7, v3;
	v6 =	vmul.f32 v3, v6  }
0x1c0: {  	v4 =	vmul.f32 v4, v3;
	v5 =	vmul.f32 v5, v3  }
0x1c1: {  	v2 =	vmul.f32 v2, v3;
	v1 =	vmul.f32 v1, v3;
	[tilespmem:s17+$0x70] =	vst v7  }
0x1c2: {  	[tilespmem:s17+$0x20] =	vst v4;
	v4 =	vmul.f32 v8, v3;
	v3 =	vmul.f32 v9, v3  }
0x1c3: {  	[tilespmem:s17+$0x60] =	vst v1;
	v7 =	vld [tilespmem:s17+$0xA0]  }
0x1c4: {  	[tilespmem:s17+$0x30] =	vst v4;
	v4 =	vld [tilespmem:s17+$0x80]  }
0x1c5: {  	v1 =	vld [tilespmem:s20+$0x60];
	[tilespmem:s17+$0x40] =	vst v2  }
0x1c6: {  	v2 =	vld [tilespmem:s20+$0x40];
	[tilespmem:s17+$0x50] =	vst v3  }
0x1c7: {  	[tilespmem:s17+$0x0] =	vst v6;
	v3 =	vld [tilespmem:s17+$0xC0]  }
0x1c8: {  	[tilespmem:s17+$0x10] =	vst v5;
	v5 =	vld [tilespmem:s17+$0xB0]  }
0x1c9: {  	v6 =	vld.msk [tilespmem:s18+$0x2903 ss:$0x0], $0xffff  }
0x1ca: {  	v8 =	vld [tilespmem:s17+$0x90]  }
0x1cb: {  	v9 =	vld [tilespmem:s17+$0xD0]  }
0x1cc: {  	v10 =	vld [tilespmem:s17+$0xE0]  }
0x1cd: {  	v11 =	vld [tilespmem:s17+$0xF0];
	_ =	sdelay $0x1  }
0x1ce: {  	v4 =	vmul.f32 v6, v4;
	v8 =	vmul.f32 v8, v6  }
0x1cf: {  	v7 =	vmul.f32 v7, v6;
	v5 =	vmul.f32 v5, v6  }
0x1d0: {  	v3 =	vmul.f32 v3, v6;
	[tilespmem:s17+$0x80] =	vst v4;
	v4 =	vmul.f32 v9, v6  }
0x1d1: {  	[tilespmem:s17+$0xA0] =	vst v7;
	v7 =	vmul.f32 v10, v6;
	v6 =	vmul.f32 v11, v6  }
0x1d2: {  	[tilespmem:s17+$0xB0] =	vst v5  }
0x1d3: {  	[tilespmem:s17+$0xC0] =	vst v3  }
0x1d4: {  	v3 =	vld [tilespmem:s20+$0xFFFFFF50];
	[tilespmem:s17+$0xD0] =	vst v4  }
0x1d5: {  	v4 =	vld [tilespmem:s20+$0xFFFFFF30];
	[tilespmem:s17+$0x90] =	vst v8  }
0x1d6: {  	v5 =	vld [tilespmem:s20+$0xFFFFFF60];
	[tilespmem:s17+$0xE0] =	vst v7  }
0x1d7: {  	s18 =	sshra.s32 s21, $0x2;
	v7 =	vld [tilespmem:s20+$0xFFFFFF70];
	[tilespmem:s17+$0xF0] =	vst v6;
	s17 =	smov.u32 s20  }
0x1d8: {  	v6 =	vld.msk [tilespmem:s18+$0x2900 ss:$0x0], $0xffff  }
0x1d9: {  	v8 =	vld [tilespmem:s20+$0xFFFFFF00]  }
0x1da: {  	v9 =	vld [tilespmem:s20+$0xFFFFFF20]  }
0x1db: {  	v10 =	vld [tilespmem:s20+$0xFFFFFF10]  }
0x1dc: {  	v11 =	vld [tilespmem:s20+$0xFFFFFF40];
	_ =	sdelay $0x1  }
0x1dd: {  	v7 =	vmul.f32 v7, v6;
	v8 =	vmul.f32 v6, v8  }
0x1de: {  	v5 =	vmul.f32 v5, v6;
	v9 =	vmul.f32 v9, v6  }
0x1df: {  	v4 =	vmul.f32 v4, v6;
	v10 =	vmul.f32 v10, v6;
	[tilespmem:s20+$0xFFFFFF70] =	vst v7  }
0x1e0: {  	v3 =	vmul.f32 v3, v6;
	[tilespmem:s20+$0xFFFFFF00] =	vst v8;
	v7 =	vmul.f32 v11, v6  }
0x1e1: {  	[tilespmem:s20+$0xFFFFFF20] =	vst v9  }
0x1e2: {  	[tilespmem:s20+$0xFFFFFF30] =	vst v4  }
0x1e3: {  	[tilespmem:s20+$0xFFFFFF50] =	vst v3;
	v3 =	vld [tilespmem:s20+$0xFFFFFFF0]  }
0x1e4: {  	[tilespmem:s20+$0xFFFFFF10] =	vst v10;
	v4 =	vld [tilespmem:s20+$0xFFFFFFC0]  }
0x1e5: {  	[tilespmem:s20+$0xFFFFFF60] =	vst v5;
	v5 =	vld [tilespmem:s20+$0xFFFFFFE0]  }
0x1e6: {  	[tilespmem:s20+$0xFFFFFF40] =	vst v7;
	v6 =	vld [tilespmem:s20+$0xFFFFFFD0]  }
0x1e7: {  	v7 =	vld.msk [tilespmem:s18+$0x2901 ss:$0x0], $0xffff  }
0x1e8: {  	v8 =	vld [tilespmem:s20+$0xFFFFFF90]  }
0x1e9: {  	v9 =	vld [tilespmem:s20+$0xFFFFFF80]  }
0x1ea: {  	v10 =	vld [tilespmem:s20+$0xFFFFFFB0]  }
0x1eb: {  	v11 =	vld [tilespmem:s20+$0xFFFFFFA0];
	_ =	sdelay $0x1  }
0x1ec: {  	v6 =	vmul.f32 v6, v7;
	v8 =	vmul.f32 v8, v7  }
0x1ed: {  	v5 =	vmul.f32 v5, v7;
	v9 =	vmul.f32 v7, v9  }
0x1ee: {  	v4 =	vmul.f32 v4, v7;
	v10 =	vmul.f32 v10, v7;
	[tilespmem:s20+$0xFFFFFFD0] =	vst v6  }
0x1ef: {  	v3 =	vmul.f32 v3, v7;
	v6 =	vmul.f32 v11, v7;
	[tilespmem:s20+$0xFFFFFFE0] =	vst v5  }
0x1f0: {  	[tilespmem:s20+$0xFFFFFF90] =	vst v8  }
0x1f1: {  	[tilespmem:s20+$0xFFFFFF80] =	vst v9  }
0x1f2: {  	[tilespmem:s20+$0xFFFFFFC0] =	vst v4  }
0x1f3: {  	[tilespmem:s20+$0xFFFFFFA0] =	vst v6  }
.Ltmp11:
0x1f4: {  	[tilespmem:s20+$0xFFFFFFF0] =	vst v3;
	v4 =	vld [tilespmem:s20+$0x20];
	(pc) =	sbr.rel @p0 .LBB2_7-.Ltmp11, $4  }
0x1f5: {  	[tilespmem:s20+$0xFFFFFFB0] =	vst v10;
	v7 =	vld [tilespmem:s20+$0x70]  }
0x1f6: {  	v3 =	vld.msk [tilespmem:s18+$0x2902 ss:$0x0], $0xffff  }
0x1f7: {  	v6 =	vld [tilespmem:s20+$0x0]  }
0x1f8: {  	v5 =	vld [tilespmem:s20+$0x10]  }
0x1f9: {  	_ =	sdelay $0x1  }
0x1fa: {  	v7 =	vmul.f32 v7, v3  }
0x1fb: {  	v8 =	vld [tilespmem:s17+$0x30];
	v4 =	vmul.f32 v4, v3  }
0x1fc: {  	v9 =	vld [tilespmem:s17+$0x50];
	v1 =	vmul.f32 v1, v3;
	[tilespmem:s17+$0x70] =	vst v7  }
0x1fd: {  	v2 =	vmul.f32 v2, v3;
	[tilespmem:s17+$0x20] =	vst v4  }
0x1fe: {  	v56 =	vmul.f32 v3, v6;
	[tilespmem:s17+$0x60] =	vst v1  }
0x1ff: {  	[tilespmem:s17+$0x40] =	vst v2;
	v2 =	vmul.f32 v5, v3  }
0x200: {  	v55 =	vmul.f32 v8, v3;
	[tilespmem:s17+$0x0] =	vst v56  }
0x201: {  	v1 =	vmul.f32 v9, v3;
	[tilespmem:s17+$0x10] =	vst v2  }
0x202: {  	[tilespmem:s17+$0x30] =	vst v55  }
0x203: {  	v57 =	vld [tilespmem:s17+$0x80];
	[tilespmem:s17+$0x50] =	vst v1  }
0x204: {  	v1 =	vld.msk [tilespmem:s18+$0x2903 ss:$0x0], $0xffff  }
0x205: {  	v2 =	vld [tilespmem:s17+$0xA0]  }
0x206: {  	v3 =	vld [tilespmem:s17+$0xB0]  }
0x207: {  	v58 =	vld [tilespmem:s17+$0xC0]  }
0x208: {  	v61 =	vld [tilespmem:s17+$0xE0]  }
0x209: {  	v59 =	vld [tilespmem:s17+$0xD0];
	v6 =	vmul.f32 v1, v57  }
0x20a: {  	v60 =	vld [tilespmem:s17+$0x90];
	v2 =	vmul.f32 v2, v1  }
0x20b: {  	v62 =	vld [tilespmem:s17+$0xF0];
	v3 =	vmul.f32 v3, v1;
	[tilespmem:s17+$0x80] =	vst v6  }
0x20c: {  	v4 =	vmul.f32 v58, v1;
	[tilespmem:s17+$0xA0] =	vst v2  }
0x20d: {  	v63 =	vmul.f32 v61, v1;
	[tilespmem:s17+$0xB0] =	vst v3  }
0x20e: {  	v2 =	vmul.f32 v59, v1;
	[tilespmem:s17+$0xC0] =	vst v4  }
0x20f: {  	p0 =	sgt.u32 s16, $0x7A;
	v3 =	vmul.f32 v60, v1;
	[tilespmem:s17+$0xE0] =	vst v63  }
0x210: {  	p1 =	seq.s32 @!p0 s16, $0x0;
	v1 =	vmul.f32 v62, v1;
	[tilespmem:s17+$0xD0] =	vst v2  }
0x211: {  	p1 =	por p1, p0;
	[tilespmem:s17+$0x90] =	vst v3  }
0x212: {  	s18 =	simm.s32 @!p1 $0x6;
	[tilespmem:s17+$0xF0] =	vst v1;
	s17 =	smul.u32 @!p0 $0x50, s16  }
0x213: {  	[spmem:s3] =	stream.indirect.scatter.add.f32 [tilespmem:s24], [sflag:$0x4], $0x80, s25, s28, $0xb8;
	[tilespmem:$0x1E280] =	vst v63  }
0x214: {  	_ =	swait.ge @!p1 [sflag:s18], $0x2800;
	s17 =	sadd.s32 @!p0 $0xA0, s17  }
0x215: {  	[sflag:s18] =	ssyncset.done @!p1 $0x0;
	s19 =	sadd.s32 @!p0 s5, s17  }
0x216: {  	[sflag:s18] =	ssyncadd.s32 @!p1 $0xFFFFD800;
	s18 =	sshrl.u32 @!p0 s19, $0x3  }
0x217: {  	s20 =	simm.s32 @!p0 $0x0;
	s21 =	simm.s32 @!p0 $0x2880;
	s19 =	sadd.s32 @!p0 s7, s18  }
0x218: {  	[tilespmem:s21], [sflag:$0x9] =	stream.linear.gather @!p0 [hbm4b:s19+s20], $0x50, $0x38;
	[tilespmem:$0x1E280] =	vst v63  }
.Ltmp12:
0x219: {  	_ = 	snop;
	(pc) =	sbr.rel .LBB2_15-.Ltmp12, $4  }
0x21a: {  	s18 =	sadd.s32 @!p0 s2, s18;
	s19 =	simm.s32 @!p0 $0x2A00  }
0x21b: {  	[tilespmem:s19], [sflag:$0x9] =	stream.linear.gather @!p0 [hbm4b:s18+s20], $0x50, $0x38;
	[tilespmem:$0x1E280] =	vst v63  }
0x21c: {  	s18 =	simm.s32 @!p0 $0x50;
	s19 =	simm.s32 @!p0 $0x7A80  }
0x21d: {  	[tilespmem:s19], [sflag:$0x3] =	stream.indirect.gather @!p0 [hbm4b:s6+s18], $0x80, s17, s18, $0xb8;
	[tilespmem:$0x1E280] =	vst v63  }
.LBB2_17:
0x21e: {  	_ =	sfence.sel $0x180000  }
0x21f: {  	[bflag:$0x0] =	sbarrier.arrive $0xFFFF  }
0x220: {  	_ =	strace $0x9000004A  }
0x221: {  	s0 =	stileid.u32;
	[bflag:$0x2] =	sbarrier.arrive $0xFFFF  }
0x222: {  	p0 =	sne.s32 s0, $0x0;
	s0 =	rddreg [dreg:$0x3]  }
0x223: {  	s0 =	sadd.s32 @!p0 $0x100000, s0  }
0x224: {  	[sflag:s0] =	ssyncadd.tile.s32 @!p0 $0x1;
	_ =	shalt  }
.Lfunc_end2:
_tile_overlayer_lowered:
.L_overlay_start_2:
0x225: {  	(tag) =	ssettag $0x2  }
0x226: {  	s0 =	rddreg [dreg:$0x0];
	s2 =	stileid.u32  }
0x227: {  	s1 =	rddreg [dreg:$0x1];
	p0 =	sne.s32 s2, $0x0  }
0x228: {  	s3 =	rddreg [dreg:$0x2];
	[bflag:$0x3] =	sbarrier.arrive $0xFFFF;
	s2 =	simm.s32 @!p0 $0x1C0A  }
0x229: {  	[timem:s3], [sflag:s2] =	dma.local @!p0 [hbm:s0], s1  }
0x22a: {  	s0 =	simm.s32 @!p0 $0xA  }
0x22b: {  	_ =	swait.ge @!p0 [sflag:s0], s1  }
0x22c: {  	s1 =	ssub.s32 @!p0 $0x0, s1;
	[sflag:s0] =	ssyncset.done @!p0 $0x0  }
0x22d: {  	[sflag:s0] =	ssyncadd.s32 @!p0 s1  }
0x22e: {  	[bflag:$0x3] =	sbarrier.arrive $0xFFFF  }
0x22f: {  	_ =	shalt  }

// kernel: kernel.15.cloned.1.call-start
scs
__scs_entry_jumppad:
0x0: {  	(pc) =	sbr.rel $0x88, $3  }
0x1: {  	(tag) =	ssettag $0x0;
	lr =	simm.s32 $0x1  }
0x2: {  	[smem:$0x3F9A] =	sst lr;
	_ =	strace $0xD0000000  }
0x3: {  	_ = 	snop  }
0x4: {  	_ = 	snop  }
0x5: {  	_ = 	snop  }
0x6: {  	_ = 	snop  }
0x7: {  	_ = 	snop  }
__scs_overlays_trampoline_lowered:
0x8: {  	[smem:$0x3FA9] =	sst s0  }
0x9: {  	[smem:$0x3FAA] =	sst s1  }
0xa: {  	[smem:$0x3FAB] =	sst s2  }
0xb: {  	[smem:$0x3FAC] =	sst s3  }
0xc: {  	[smem:$0x3FAD] =	sst s4  }
0xd: {  	[smem:$0x3FAE] =	sst s5  }
0xe: {  	[smem:$0x3FAF] =	sst s6  }
0xf: {  	[smem:$0x3FB0] =	sst s7  }
0x10: {  	[smem:$0x3FB1] =	sst s8  }
0x11: {  	[smem:$0x3FB2] =	sst s9;
	s0 =	simm.s32 @!p0 $0x0  }
0x12: {  	s1 =	sld [smem:$0x3F98];
	s0 =	simm.s32 @p0 $0x1  }
0x13: {  	[smem:$0x3FB3] =	sst s0;
	s0 =	simm.s32 @!p1 $0x0  }
0x14: {  	s2 =	sld [smem:$0x3F97];
	s0 =	simm.s32 @p1 $0x1  }
0x15: {  	[smem:$0x3FB4] =	sst s0;
	s0 =	simm.s32 @!p2 $0x0  }
0x16: {  	s3 =	sld [smem:$0x3FDB];
	s0 =	simm.s32 @p2 $0x1  }
0x17: {  	s4 =	simm.s32 $0x1BF5;
	[smem:$0x3FB6] =	sst s0  }
0x18: {  	s0 =	sld [smem:$0x3F99];
	_ =	swait.ge [sflag:s4], $0x0  }
0x19: {  	s7 =	sld [smem:$0x3F9A]  }
0x1a: {  	s8 =	sadd.s32 $0xFFFFE003, lr  }
0x1b: {  	s9 =	sadd.s32 $0xFFFFFEF7, lr;
	s5 =	simm.s32 $0xFFFFFFFF;
	p2 =	slt.u32 s8, $0xFFFFF086  }
0x1c: {  	p1 =	slt.u32 s9, $0xF7A;
	s5 =	simm.s32 @!p2 $0x0  }
0x1d: {  	s5 =	simm.s32 @p1 $0x1;
	p0 =	seq.s32 s7, s2  }
0x1e: {  	s7 =	smul.u32 @!p0 $0xF7A, s2;
	p2 =	seq.s32 @!p0 s5, $0x0  }
0x1f: {  	s9 =	smul.u32 $0xF7A, s1;
	s8 =	simm.s32 @!p0 $0x1BF5;
	p2 =	por !p2, p0  }
0x20: {  	[sflag:s8] =	ssyncset.s32 @!p0 $0xFFFFF086;
	s6 =	sadd.s32 @!p0 s3, s7;
	s7 =	simm.s32 @!p0 $0x108  }
0x21: {  	s3 =	sadd.s32 s3, s9;
	s6 =	sadd.s32 @!p0 $0x88, s6;
	s7 =	simm.s32 @p2 $0x1082  }
0x22: {  	[simem:s7], [sflag:s8] =	dma.local @!p0 [hbm:s6], $0xF7A  }
0x23: {  	s9 =	sor.u32 $0xD0000000, s2;
	s6 =	simm.s32 $0x108;
	_ =	swait.ge @!p0 [sflag:s8], $0x0  }
0x24: {  	s3 =	sadd.s32 $0x88, s3;
	s6 =	simm.s32 @!p1 $0x1082;
	[sflag:s4] =	ssyncset.s32 $0xFFFFF086  }
0x25: {  	[simem:s6], [sflag:s4] =	dma.local [hbm:s3], $0xF7A  }
0x26: {  	[smem:$0x3F9A] =	sst s1;
	(tag) =	ssettag s2;
	_ =	strace s9  }
0x27: {  	s1 =	sld [smem:$0x3FAA]  }
0x28: {  	s2 =	sld [smem:$0x3FAB]  }
0x29: {  	s4 =	sld [smem:$0x3FAD]  }
0x2a: {  	p0 =	seq.s32 s5, $0x0;
	s5 =	sld [smem:$0x3FAE]  }
0x2b: {  	s6 =	sld [smem:$0x3FAF]  }
0x2c: {  	s7 =	sld [smem:$0x3FB0]  }
0x2d: {  	s3 =	simm.s32 $0x108;
	s8 =	sld [smem:$0x3FB1]  }
0x2e: {  	s3 =	simm.s32 @!p0 $0x1082;
	s9 =	sld [smem:$0x3FB2]  }
0x2f: {  	lr =	sadd.s32 s0, s3;
	s0 =	sld [smem:$0x3FA9]  }
0x30: {  	s3 =	sld [smem:$0x3FAC]  }
0x31: {  	[smem:$0x3FB5] =	sst s10  }
0x32: {  	s10 =	sld [smem:$0x3FB3];
	_ =	sdelay $0x3  }
0x33: {  	p0 =	seq.s32 s10, $0x1;
	s10 =	sld [smem:$0x3FB5];
	_ =	sdelay $0x3  }
0x34: {  	[smem:$0x3FB5] =	sst s10  }
0x35: {  	s10 =	sld [smem:$0x3FB4];
	_ =	sdelay $0x3  }
0x36: {  	p1 =	seq.s32 s10, $0x1;
	s10 =	sld [smem:$0x3FB5];
	_ =	sdelay $0x3  }
0x37: {  	[smem:$0x3FB5] =	sst s10  }
0x38: {  	s10 =	sld [smem:$0x3FB6]  }
0x39: {  	_ = 	snop;
	(pc) =	sbr.ind lr, $3  }
0x3a: {  	_ = 	snop  }
0x3b: {  	_ = 	snop  }
0x3c: {  	p2 =	seq.s32 s10, $0x1;
	s10 =	sld [smem:$0x3FB5]  }
0x3d: {  	_ =	shalt  }
0x3e: {  	_ =	shalt  }
0x3f: {  	_ =	shalt  }
0x40: {  	_ =	shalt  }
0x41: {  	_ =	shalt  }
0x42: {  	_ =	shalt  }
0x43: {  	_ =	shalt  }
0x44: {  	_ =	shalt  }
0x45: {  	_ =	shalt  }
0x46: {  	_ =	shalt  }
0x47: {  	_ =	shalt  }
0x48: {  	_ =	shalt  }
0x49: {  	_ =	shalt  }
0x4a: {  	_ =	shalt  }
0x4b: {  	_ =	shalt  }
0x4c: {  	_ =	shalt  }
0x4d: {  	_ =	shalt  }
0x4e: {  	_ =	shalt  }
0x4f: {  	_ =	shalt  }
0x50: {  	_ =	shalt  }
0x51: {  	_ =	shalt  }
0x52: {  	_ =	shalt  }
0x53: {  	_ =	shalt  }
0x54: {  	_ =	shalt  }
0x55: {  	_ =	shalt  }
0x56: {  	_ =	shalt  }
0x57: {  	_ =	shalt  }
0x58: {  	_ =	shalt  }
0x59: {  	_ =	shalt  }
0x5a: {  	_ =	shalt  }
0x5b: {  	_ =	shalt  }
0x5c: {  	_ =	shalt  }
0x5d: {  	_ =	shalt  }
0x5e: {  	_ =	shalt  }
0x5f: {  	_ =	shalt  }
0x60: {  	_ =	shalt  }
0x61: {  	_ =	shalt  }
0x62: {  	_ =	shalt  }
0x63: {  	_ =	shalt  }
0x64: {  	_ =	shalt  }
0x65: {  	_ =	shalt  }
0x66: {  	_ =	shalt  }
0x67: {  	_ =	shalt  }
0x68: {  	_ =	shalt  }
0x69: {  	_ =	shalt  }
0x6a: {  	_ =	shalt  }
0x6b: {  	_ =	shalt  }
0x6c: {  	_ =	shalt  }
0x6d: {  	_ =	shalt  }
0x6e: {  	_ =	shalt  }
0x6f: {  	_ =	shalt  }
0x70: {  	_ =	shalt  }
0x71: {  	_ =	shalt  }
0x72: {  	_ =	shalt  }
0x73: {  	_ =	shalt  }
0x74: {  	_ =	shalt  }
0x75: {  	_ =	shalt  }
0x76: {  	_ =	shalt  }
0x77: {  	_ =	shalt  }
0x78: {  	_ =	shalt  }
0x79: {  	_ =	shalt  }
0x7a: {  	_ =	shalt  }
0x7b: {  	_ =	shalt  }
0x7c: {  	_ =	shalt  }
0x7d: {  	_ =	shalt  }
0x7e: {  	_ =	shalt  }
0x7f: {  	_ =	shalt  }
0x80: {  	_ =	shalt  }
0x81: {  	_ =	shalt  }
0x82: {  	_ =	shalt  }
0x83: {  	_ =	shalt  }
0x84: {  	_ =	shalt  }
0x85: {  	_ =	shalt  }
0x86: {  	_ =	shalt  }
0x87: {  	_ =	shalt  }
.Lfunc_end0:
.L_simem_size_0:
called_computation.2_lowered:
.L_overlay_start_0:
0x88: {  	s2 =	sld [smem:$0x3FD9]  }
0x89: {  	s3 =	sld [smem:$0x3FFE];
	_ =	sdelay $0x1  }
0x8a: {  	s1 =	srdreg.scid  }
0x8b: {  	s0 =	sand.u32 $0x1, s1  }
0x8c: {  	s17 =	sshll.u32 s0, $0xA;
	s2 =	sadd.s32 s3, s2  }
0x8d: {  	s2 =	sadd.s32 s2, s17  }
0x8e: {  	[smem:$0x3FC1] =	sst s2  }
0x8f: {  	_ = 	snop  }
0x90: {  	s2 =	sld [smem:$0x3FC7];
	(tm) =	ssettm $0x1  }
0x91: {  	s18 =	sld [smem:$0x3FFB];
	_ =	sdelay $0x3  }
0x92: {  	_ =	strace s18  }
0x93: {  	s3 =	sld [smem:$0x3FFC];
	_ =	sdelay $0x3  }
0x94: {  	_ =	strace s3  }
0x95: {  	s3 =	sld [smem:$0x3FFD];
	_ =	sdelay $0x3  }
0x96: {  	_ =	strace s3  }
0x97: {  	_ =	strace $0x8FFFFFFF  }
0x98: {  	s19 =	sld [smem:$0x3FDB];
	_ =	sdelay $0x1  }
0x99: {  	s4 =	simm.s32 $_scs_section_size  }
0x9a: {  	s5 =	simm.s32 $_size__tile_overlayer_lowered;
	s6 =	simm.s32 $_tile_overlayer_lowered  }
0x9b: {  	s22 =	simm.s32 $0x1BFF;
	s21 =	sshll.u32 s6, $0x1;
	s3 =	sadd.s32 s4, s19  }
0x9c: {  	s7 =	simm.s32 $0x0;
	s20 =	sshll.u32 s5, $0x1;
	s5 =	sadd.s32 s21, s3  }
0x9d: {  	[timem:s7], [sflag:s22] =	dma.local [hbm:s5], s20  }
0x9e: {  	_ =	swait.ge [sflag:s22], s20  }
0x9f: {  	s4 =	ssub.s32 $0x0, s20;
	[sflag:s22] =	ssyncset.done $0x0  }
0xa0: {  	[sflag:s22] =	ssyncadd.s32 s4;
	_ =	sdelay $0x1  }
0xa1: {  	s23 =	simm.s32 $0x1B8B  }
0xa2: {  	_ =	swait.ge [sflag:s23], $0x1  }
0xa3: {  	[sflag:s23] =	ssyncset.done $0x0  }
0xa4: {  	s25 =	simm.s32 $0x1B8E;
	s24 =	sld [smem:$0x3FFE];
	[sflag:s23] =	ssyncadd.s32 $0xFFFFFFFF  }
0xa5: {  	s26 =	simm.s32 $execute0_lowered;
	[smem:$0x3FD2] =	sst s25  }
0xa6: {  	s5 =	sshll.u32 s26, $0x1;
	_ =	strace $0x8000004C;
	[dreg:$0x1] =	wrdreg $0xFFFFFFFF  }
0xa7: {  	s28 =	simm.s32 $_size_execute0_lowered;
	s3 =	sadd.s32 s3, s5;
	[dreg:$0x0] =	wrdreg $0x0  }
0xa8: {  	s5 =	sshll.u32 s28, $0x1;
	[dreg:$0x2] =	wrdreg s3  }
0xa9: {  	[dreg:$0x3] =	wrdreg s5  }
0xaa: {  	[dreg:$0x4] =	wrdreg $0xC0  }
0xab: {  	_ =	task [dreg:s7], $0x5FFFF  }
0xac: {  	[dreg:$0x1] =	wrdreg $0xFFFFFFFF  }
0xad: {  	[dreg:$0x0] =	wrdreg $0x60  }
0xae: {  	[dreg:$0x2] =	wrdreg s24  }
0xaf: {  	[dreg:$0x3] =	wrdreg s2  }
0xb0: {  	[dreg:$0x4] =	wrdreg $0x7B000  }
0xb1: {  	[dreg:$0x5] =	wrdreg $0x9  }
0xb2: {  	_ =	task.clear_ibuf [dreg:s7], $0x6FFFF;
	_ =	strace $0x9000004C  }
0xb3: {  	s29 =	simm.s32 $0x9;
	_ =	strace $0x8000004E  }
0xb4: {  	_ =	swait.ge [sflag:s29], $0x1  }
0xb5: {  	[sflag:s29] =	ssyncadd.s32 $0xFFFFFFFF  }
0xb6: {  	_ =	strace $0x9000004E  }
0xb7: {  	_ =	sfence  }
0xb8: {  	s30 =	sld [smem:$0x0];
	_ =	sdelay $0x2  }
0xb9: {  	s31 =	sshll.u32 s1, $0xD;
	s1 =	sshrl.u32 s1, $0x2  }
0xba: {  	s3 =	sand.u32 $0x4000, s31;
	s1 =	sadd.s32 s1, s30  }
0xbb: {  	s0 =	sor.u32 s3, s0;
	s1 =	sshll.u32 s1, $0x11  }
0xbc: {  	s0 =	sor.u32 s1, s0  }
0xbd: {  	s0 =	sadd.s32 $0x8F2B, s0  }
0xbe: {  	[sflag:s0] =	ssyncadd.remote.s32 $0x1  }
0xbf: {  	_ =	sfence.sel $0xFFFF  }
0xc0: {  	[dreg:$0x0] =	wrdreg $0xFFFFFFFF;
	(pc) =	sbr.abs _section_cstart, $3  }
0xc1: {  	[dreg:$0x1] =	wrdreg $0xFFFFFFFF  }
0xc2: {  	_ =	task.clear_ibuf [dreg:s7], $0x2FFFF;
	_ =	strace $0x9FFFFFFF  }
0xc3: {  	(tm) =	ssettm $0x7FFFFFFF  }
tec
execute0_lowered:
.L_overlay_start_1:
0x0: {  	(tag) =	ssettag $0x1  }
0x1: {  	s0 =	rddreg [dreg:$0x0]  }
0x2: {  	s7 =	rddreg [dreg:$0x1]  }
0x3: {  	s2 =	rddreg [dreg:$0x2];
	s4 =	srdreg.scid  }
0x4: {  	s3 =	simm.s32 $0x0;
	s1 =	stileid.u32;
	s13 =	simm.s32 $0x7880  }
0x5: {  	s14 =	simm.s32 $0x50;
	s15 =	simm.s32 $0x7680;
	s16 =	simm.s32 $0x7700  }
0x6: {  	s17 =	simm.s32 $0xA0;
	s18 =	simm.s32 $0x7780;
	s19 =	simm.s32 $0x5  }
0x7: {  	s20 =	simm.s32 $0x6;
	s21 =	simm.s32 $0x7;
	s22 =	simm.s32 $0x8  }
0x8: {  	s23 =	simm.s32 $0x1;
	s24 =	simm.s32 $0x20;
	s25 =	simm.s32 $0x10  }
0x9: {  	s26 =	simm.s32 $0x0;
	s5 =	sand.u32 $0x1, s4;
	s6 =	smul.u32 $0x500, s1  }
0xa: {  	[smem:$0x7FF] =	sst s3;
	s30 =	smul.u32 $0xA00, s1;
	s4 =	sshll.u32 s5, $0x4  }
0xb: {  	_ =	strace $0x8000004D;
	s9 =	sshll.u32 s5, $0x7;
	s8 =	sor.u32 s1, s4  }
0xc: {  	s5 =	ssub.s32 $0x2, s5;
	s4 =	sadd.s32 $0x14E00, s0;
	s8 =	smul.u32 $0x4E2, s8  }
.Ltmp0:
0xd: {  	s6 =	sor.u32 s9, s6;
	s31 =	sshrl.u32 s5, $0x1;
	(pc) =	sbr.rel .LBB2_1-.Ltmp0, $4  }
0xe: {  	s9 =	sshrl.u32 s30, $0x2;
	s6 =	sshrl.u32 s6, $0x3;
	s11 =	ssub.s32 s5, s31  }
0xf: {  	s10 =	sadd.s32 s8, s0;
	s0 =	sadd.s32 s6, s0;
	s7 =	sadd.s32 s7, s8  }
0x10: {  	s8 =	sadd.s32 s9, s2;
	s5 =	sadd.s32 $0x1200, s10;
	s6 =	sadd.s32 $0xB000, s10  }
0x11: {  	v0 =	vimm.f32 $0.0e+00;
	s9 =	sadd.s32 $0x15400, s0;
	s10 =	smax.u32 s11, $0x1;
	s11 =	simm.s32 $0x9  }
.LBB2_6:
0x12: {  	_ =	swait.ge [sflag:s19], $0x50  }
0x13: {  	[sflag:s19] =	ssyncset.done $0x0  }
0x14: {  	[sflag:s19] =	ssyncadd.s32 $0xFFFFFFB0  }
0x15: {  	_ =	swait.ge [sflag:s20], $0x50  }
0x16: {  	[sflag:s20] =	ssyncset.done $0x0  }
0x17: {  	[sflag:s20] =	ssyncadd.s32 $0xFFFFFFB0  }
0x18: {  	_ =	swait.ge [sflag:s21], $0x50  }
0x19: {  	[sflag:s21] =	ssyncset.done $0x0  }
0x1a: {  	[sflag:s21] =	ssyncadd.s32 $0xFFFFFFB0  }
0x1b: {  	_ =	swait.ge [sflag:s22], $0x50  }
0x1c: {  	s0 =	sshll.u32 s1, $0x6;
	s26 =	sadd.s32 $0x1, s26;
	[sflag:s22] =	ssyncset.done $0x0  }
0x1d: {  	s12 =	sshrl.u32 s8, $0x3;
	p0 =	sne.s32 s26, s10;
	[sflag:s22] =	ssyncadd.s32 $0xFFFFFFB0  }
.Ltmp1:
0x1e: {  	s0 =	sor.u32 $0x1C09, s0;
	[bflag:$0x0] =	sbarrier.arrive $0xFFFF;
	(pc) =	sbr.rel @!p0 .LBB2_7-.Ltmp1, $4  }
0x1f: {  	[hbm:s9@s24], [sflag:s0] =	dma.strided [spmem:s12@s25], $0x50, s23, $0x10   }
0x20: {  	_ =	swait.ge [sflag:s11], $0x50  }
0x21: {  	[sflag:s11] =	ssyncset.done $0x0  }
0x22: {  	[sflag:s11] =	ssyncadd.s32 $0xFFFFFFB0  }
.LBB2_1:
0x23: {  	[tilespmem:s3], [sflag:$0x9] =	stream.linear.gather [hbm4b:s5+s3], $0x2710, $0x38;
	[tilespmem:$0x7D80] =	vst v63  }
0x24: {  	_ =	swait.ge [sflag:s11], $0x2710  }
0x25: {  	[sflag:s11] =	ssyncset.done $0x0  }
0x26: {  	s28 =	simm.s32 $0x2780;
	[sflag:s11] =	ssyncadd.s32 $0xFFFFD8F0  }
0x27: {  	[tilespmem:s28], [sflag:$0x9] =	stream.linear.gather [hbm4b:s6+s3], $0x2710, $0x38;
	[tilespmem:$0x7D80] =	vst v63  }
0x28: {  	_ =	swait.ge [sflag:s11], $0x2710  }
0x29: {  	[sflag:s11] =	ssyncset.done $0x0  }
0x2a: {  	s0 =	simm.s32 $0x4F00;
	[sflag:s11] =	ssyncadd.s32 $0xFFFFD8F0  }
0x2b: {  	[tilespmem:s0], [sflag:$0x9] =	stream.linear.gather [hbm4b:s7+s3], $0x2710, $0x38;
	[tilespmem:$0x7D80] =	vst v63  }
0x2c: {  	_ =	swait.ge [sflag:s11], $0x2710  }
0x2d: {  	[sflag:s11] =	ssyncset.done $0x0  }
0x2e: {  	[sflag:s11] =	ssyncadd.s32 $0xFFFFD8F0  }
0x2f: {  	[tilespmem:$0x7880] =	vst v0  }
0x30: {  	[tilespmem:$0x7890] =	vst v0  }
0x31: {  	[tilespmem:$0x78A0] =	vst v0  }
0x32: {  	[tilespmem:$0x78B0] =	vst v0  }
0x33: {  	[tilespmem:$0x78C0] =	vst v0  }
0x34: {  	[tilespmem:$0x78D0] =	vst v0  }
0x35: {  	[tilespmem:$0x78E0] =	vst v0  }
0x36: {  	[tilespmem:$0x78F0] =	vst v0  }
0x37: {  	[tilespmem:$0x7900] =	vst v0  }
0x38: {  	[tilespmem:$0x7910] =	vst v0  }
0x39: {  	[tilespmem:$0x7920] =	vst v0  }
0x3a: {  	[tilespmem:$0x7930] =	vst v0  }
0x3b: {  	[tilespmem:$0x7940] =	vst v0  }
0x3c: {  	[tilespmem:$0x7950] =	vst v0  }
0x3d: {  	[tilespmem:$0x7960] =	vst v0  }
0x3e: {  	[tilespmem:$0x7970] =	vst v0  }
0x3f: {  	[tilespmem:$0x7980] =	vst v0  }
0x40: {  	[tilespmem:$0x7990] =	vst v0  }
0x41: {  	[tilespmem:$0x79A0] =	vst v0  }
0x42: {  	[tilespmem:$0x79B0] =	vst v0  }
0x43: {  	[tilespmem:$0x79C0] =	vst v0  }
0x44: {  	[tilespmem:$0x79D0] =	vst v0  }
0x45: {  	[tilespmem:$0x79E0] =	vst v0  }
0x46: {  	[tilespmem:$0x79F0] =	vst v0  }
0x47: {  	[tilespmem:$0x7A00] =	vst v0  }
0x48: {  	[tilespmem:$0x7A10] =	vst v0  }
0x49: {  	[tilespmem:$0x7A20] =	vst v0  }
0x4a: {  	[tilespmem:$0x7A30] =	vst v0  }
0x4b: {  	[tilespmem:$0x7A40] =	vst v0  }
0x4c: {  	[tilespmem:$0x7A50] =	vst v0  }
0x4d: {  	[tilespmem:$0x7A60] =	vst v0  }
0x4e: {  	[tilespmem:$0x7A70] =	vst v0  }
0x4f: {  	[tilespmem:$0x7A80] =	vst v0  }
0x50: {  	[tilespmem:$0x7A90] =	vst v0  }
0x51: {  	[tilespmem:$0x7AA0] =	vst v0  }
0x52: {  	[tilespmem:$0x7AB0] =	vst v0  }
0x53: {  	[tilespmem:$0x7AC0] =	vst v0  }
0x54: {  	[tilespmem:$0x7AD0] =	vst v0  }
0x55: {  	[tilespmem:$0x7AE0] =	vst v0  }
0x56: {  	[tilespmem:$0x7AF0] =	vst v0  }
0x57: {  	[spmem:s8] =	stream.linear.scatter [tilespmem:s13], [sflag:$0x9], $0x280, $0x38;
	[tilespmem:$0x7D80] =	vst v63  }
0x58: {  	_ =	swait.ge [sflag:s11], $0x280  }
0x59: {  	[sflag:s11] =	ssyncset.done $0x0  }
0x5a: {  	[sflag:s11] =	ssyncadd.s32 $0xFFFFFD80  }
0x5b: {  	[bflag:$0x0] =	sbarrier.arrive $0xFFFF  }
0x5c: {  	[tilespmem:s15], [sflag:$0x1] =	stream.indirect.gather [hbm4b:s4+s14], $0x1, s3, s14, $0xb8;
	[tilespmem:$0x7D80] =	vst v63  }
.Ltmp2:
0x5d: {  	_ = 	snop;
	(pc) =	sbr.rel .LBB2_2-.Ltmp2, $4  }
0x5e: {  	_ = 	snop  }
0x5f: {  	[tilespmem:s16], [sflag:$0x2] =	stream.indirect.gather [hbm4b:s4+s14], $0x1, s14, s14, $0xb8;
	[tilespmem:$0x7D80] =	vst v63  }
0x60: {  	s29 =	simm.s32 $0xF0;
	s30 =	simm.s32 $0x4F20;
	s31 =	simm.s32 $0x0  }
0x61: {  	[tilespmem:s18], [sflag:$0x3] =	stream.indirect.gather [hbm4b:s4+s14], $0x1, s17, s14, $0xb8;
	[tilespmem:$0x7D80] =	vst v63  }
.LBB2_4:
0x62: {  	p0 =	seq.s32 s0, $0x2  }
0x63: {  	s0 =	simm.s32 @p0 $0x3  }
0x64: {  	_ =	swait.ge @p0 [sflag:s0], $0x50  }
0x65: {  	[sflag:s0] =	ssyncset.done @p0 $0x0  }
0x66: {  	[sflag:s0] =	ssyncadd.s32 @p0 $0xFFFFFFB0  }
0x67: {  	v1 =	vld @p0 [tilespmem:$0x7780]  }
0x68: {  	v2 =	vld @p0 [tilespmem:s30+$0xFFFFFFE0];
	_ =	sdelay $0x4  }
0x69: {  	v1 =	vmul.f32 @p0 v2, v1;
	_ =	sdelay $0x1  }
0x6a: {  	[tilespmem:$0x7780] =	vst @p0 v1;
	v1 =	vld @p0 [tilespmem:$0x7790]  }
0x6b: {  	v2 =	vld @p0 [tilespmem:s30+$0xFFFFFFF0];
	_ =	sdelay $0x4  }
0x6c: {  	v1 =	vmul.f32 @p0 v2, v1;
	_ =	sdelay $0x1  }
0x6d: {  	[tilespmem:$0x7790] =	vst @p0 v1;
	v1 =	vld @p0 [tilespmem:$0x77A0]  }
0x6e: {  	v2 =	vld @p0 [tilespmem:s30+$0x0];
	_ =	sdelay $0x4  }
0x6f: {  	v1 =	vmul.f32 @p0 v2, v1;
	_ =	sdelay $0x1  }
0x70: {  	[tilespmem:$0x77A0] =	vst @p0 v1;
	v1 =	vld @p0 [tilespmem:$0x77B0]  }
0x71: {  	v2 =	vld @p0 [tilespmem:s30+$0x10];
	_ =	sdelay $0x4  }
0x72: {  	v1 =	vmul.f32 @p0 v2, v1;
	_ =	sdelay $0x1  }
0x73: {  	[tilespmem:$0x77B0] =	vst @p0 v1;
	v1 =	vld @p0 [tilespmem:$0x77C0]  }
0x74: {  	v2 =	vld @p0 [tilespmem:s30+$0x20];
	_ =	sdelay $0x2  }
0x75: {  	p1 =	sgt.u32 @p0 s31, $0x79  }
0x76: {  	p2 =	por p1, !p0  }
0x77: {  	p3 =	seq.s32 @!p2 s31, $0x0;
	v1 =	vmul.f32 @p0 v2, v1  }
0x78: {  	p1 =	por @p0 p3, p1  }
0x79: {  	s12 =	simm.s32 @p0 $0x7780;
	s0 =	simm.s32 @p0 $0x50;
	p1 =	por p1, !p0;
	[tilespmem:$0x77C0] =	vst @p0 v1  }
0x7a: {  	[spmem:s2] =	stream.indirect.scatter.add.f32 @p0 [tilespmem:s12], [sflag:$0x7], $0x1, s28, s0, $0xb8;
	[tilespmem:$0x7D80] =	vst v63  }
0x7b: {  	s0 =	simm.s32 @!p1 $0x6  }
0x7c: {  	_ =	swait.ge @!p1 [sflag:s0], $0x50  }
0x7d: {  	[sflag:s0] =	ssyncset.done @!p1 $0x0  }
0x7e: {  	s12 =	simm.s32 @!p2 $0x7700;
	[sflag:s0] =	ssyncadd.s32 @!p1 $0xFFFFFFB0;
	s0 =	simm.s32 @!p2 $0x50  }
0x7f: {  	[tilespmem:s12], [sflag:$0x2] =	stream.indirect.gather @!p2 [hbm4b:s4+s0], $0x1, s29, s0, $0xb8;
	[tilespmem:$0x7D80] =	vst v63  }
0x80: {  	s0 =	simm.s32 @!p0 $0x4  }
0x81: {  	_ =	swait.ge @!p0 [sflag:s0], $0x50  }
0x82: {  	[sflag:s0] =	ssyncset.done @!p0 $0x0  }
0x83: {  	[sflag:s0] =	ssyncadd.s32 @!p0 $0xFFFFFFB0  }
0x84: {  	v1 =	vld @!p0 [tilespmem:$0x7800]  }
0x85: {  	v2 =	vld @!p0 [tilespmem:s30+$0xFFFFFFE0];
	_ =	sdelay $0x4  }
0x86: {  	v1 =	vmul.f32 @!p0 v2, v1;
	_ =	sdelay $0x1  }
0x87: {  	[tilespmem:$0x7800] =	vst @!p0 v1;
	v1 =	vld @!p0 [tilespmem:$0x7810]  }
0x88: {  	v2 =	vld @!p0 [tilespmem:s30+$0xFFFFFFF0];
	_ =	sdelay $0x4  }
0x89: {  	v1 =	vmul.f32 @!p0 v2, v1;
	_ =	sdelay $0x1  }
0x8a: {  	[tilespmem:$0x7810] =	vst @!p0 v1;
	v1 =	vld @!p0 [tilespmem:$0x7820]  }
0x8b: {  	v2 =	vld @!p0 [tilespmem:s30+$0x0];
	_ =	sdelay $0x4  }
0x8c: {  	v1 =	vmul.f32 @!p0 v2, v1;
	_ =	sdelay $0x1  }
0x8d: {  	[tilespmem:$0x7820] =	vst @!p0 v1;
	v1 =	vld @!p0 [tilespmem:$0x7830]  }
0x8e: {  	v2 =	vld @!p0 [tilespmem:s30+$0x10];
	_ =	sdelay $0x4  }
0x8f: {  	v1 =	vmul.f32 @!p0 v2, v1;
	_ =	sdelay $0x1  }
0x90: {  	[tilespmem:$0x7830] =	vst @!p0 v1;
	v1 =	vld @!p0 [tilespmem:$0x7840]  }
0x91: {  	v2 =	vld @!p0 [tilespmem:s30+$0x20];
	_ =	sdelay $0x3  }
0x92: {  	p1 =	sgt.u32 @!p0 s31, $0x79  }
0x93: {  	p2 =	por p1, p0;
	v1 =	vmul.f32 @!p0 v2, v1  }
0x94: {  	p3 =	seq.s32 @!p2 s31, $0x0  }
0x95: {  	s12 =	simm.s32 @!p0 $0x7800;
	p1 =	por @!p0 p3, p1;
	s0 =	simm.s32 @!p0 $0x50;
	[tilespmem:$0x7840] =	vst @!p0 v1  }
0x96: {  	[spmem:s2] =	stream.indirect.scatter.add.f32 @!p0 [tilespmem:s12], [sflag:$0x8], $0x1, s28, s0, $0xb8;
	[tilespmem:$0x7D80] =	vst v63  }
0x97: {  	p0 =	por p1, p0  }
0x98: {  	s0 =	simm.s32 @!p0 $0x7  }
0x99: {  	_ =	swait.ge @!p0 [sflag:s0], $0x50  }
0x9a: {  	[sflag:s0] =	ssyncset.done @!p0 $0x0  }
0x9b: {  	s12 =	simm.s32 @!p2 $0x7780;
	[sflag:s0] =	ssyncadd.s32 @!p0 $0xFFFFFFB0;
	s0 =	simm.s32 @!p2 $0x50  }
0x9c: {  	[tilespmem:s12], [sflag:$0x3] =	stream.indirect.gather @!p2 [hbm4b:s4+s0], $0x1, s29, s0, $0xb8;
	[tilespmem:$0x7D80] =	vst v63  }
.LBB2_5:
0x9d: {  	s31 =	sadd.s32 $0x1, s31  }
0x9e: {  	p0 =	sne.s32 s31, $0x7D  }
.Ltmp3:
0x9f: {  	_ = 	snop;
	(pc) =	sbr.rel @!p0 .LBB2_6-.Ltmp3, $2  }
0xa0: {  	_ =	sdelay $0x2  }
0xa1: {  	s29 =	sadd.s32 $0x50, s29;
	s28 =	sadd.s32 $0x50, s28;
	s30 =	sadd.s32 $0x50, s30  }
.LBB2_2:
0xa2: {  	s0 =	sand.u32 $0x3, s31  }
0xa3: {  	p0 =	sgt.s32 s0, $0x1  }
.Ltmp4:
0xa4: {  	_ = 	snop;
	(pc) =	sbr.rel @p0 .LBB2_4-.Ltmp4, $1  }
0xa5: {  	_ =	sdelay $0x3  }
0xa6: {  	p0 =	seq.s32 s0, $0x0  }
0xa7: {  	s0 =	simm.s32 @p0 $0x1  }
0xa8: {  	_ =	swait.ge @p0 [sflag:s0], $0x50  }
0xa9: {  	[sflag:s0] =	ssyncset.done @p0 $0x0  }
0xaa: {  	[sflag:s0] =	ssyncadd.s32 @p0 $0xFFFFFFB0  }
0xab: {  	v1 =	vld @p0 [tilespmem:$0x7680]  }
0xac: {  	v2 =	vld @p0 [tilespmem:s30+$0xFFFFFFE0];
	_ =	sdelay $0x4  }
0xad: {  	v1 =	vmul.f32 @p0 v2, v1;
	_ =	sdelay $0x1  }
0xae: {  	[tilespmem:$0x7680] =	vst @p0 v1;
	v1 =	vld @p0 [tilespmem:$0x7690]  }
0xaf: {  	v2 =	vld @p0 [tilespmem:s30+$0xFFFFFFF0];
	_ =	sdelay $0x4  }
0xb0: {  	v1 =	vmul.f32 @p0 v2, v1;
	_ =	sdelay $0x1  }
0xb1: {  	[tilespmem:$0x7690] =	vst @p0 v1;
	v1 =	vld @p0 [tilespmem:$0x76A0]  }
0xb2: {  	v2 =	vld @p0 [tilespmem:s30+$0x0];
	_ =	sdelay $0x4  }
0xb3: {  	v1 =	vmul.f32 @p0 v2, v1;
	_ =	sdelay $0x1  }
0xb4: {  	[tilespmem:$0x76A0] =	vst @p0 v1;
	v1 =	vld @p0 [tilespmem:$0x76B0]  }
0xb5: {  	v2 =	vld @p0 [tilespmem:s30+$0x10];
	_ =	sdelay $0x4  }
0xb6: {  	v1 =	vmul.f32 @p0 v2, v1;
	_ =	sdelay $0x1  }
0xb7: {  	[tilespmem:$0x76B0] =	vst @p0 v1;
	v1 =	vld @p0 [tilespmem:$0x76C0]  }
0xb8: {  	v2 =	vld @p0 [tilespmem:s30+$0x20];
	_ =	sdelay $0x2  }
0xb9: {  	p1 =	sgt.u32 @p0 s31, $0x79  }
0xba: {  	p2 =	por p1, !p0  }
0xbb: {  	p3 =	seq.s32 @!p2 s31, $0x0;
	v1 =	vmul.f32 @p0 v2, v1  }
0xbc: {  	p1 =	por @p0 p3, p1  }
0xbd: {  	s12 =	simm.s32 @p0 $0x7680;
	s0 =	simm.s32 @p0 $0x50;
	p1 =	por p1, !p0;
	[tilespmem:$0x76C0] =	vst @p0 v1  }
0xbe: {  	[spmem:s2] =	stream.indirect.scatter.add.f32 @p0 [tilespmem:s12], [sflag:$0x5], $0x1, s28, s0, $0xb8;
	[tilespmem:$0x7D80] =	vst v63  }
0xbf: {  	s0 =	simm.s32 @!p1 $0x8  }
0xc0: {  	_ =	swait.ge @!p1 [sflag:s0], $0x50  }
0xc1: {  	[sflag:s0] =	ssyncset.done @!p1 $0x0  }
0xc2: {  	s12 =	simm.s32 @!p2 $0x7800;
	[sflag:s0] =	ssyncadd.s32 @!p1 $0xFFFFFFB0;
	s0 =	simm.s32 @!p2 $0x50  }
0xc3: {  	[tilespmem:s12], [sflag:$0x4] =	stream.indirect.gather @!p2 [hbm4b:s4+s0], $0x1, s29, s0, $0xb8;
	[tilespmem:$0x7D80] =	vst v63  }
0xc4: {  	s0 =	simm.s32 @!p0 $0x2  }
0xc5: {  	_ =	swait.ge @!p0 [sflag:s0], $0x50  }
0xc6: {  	[sflag:s0] =	ssyncset.done @!p0 $0x0  }
0xc7: {  	[sflag:s0] =	ssyncadd.s32 @!p0 $0xFFFFFFB0  }
0xc8: {  	v1 =	vld @!p0 [tilespmem:$0x7700]  }
0xc9: {  	v2 =	vld @!p0 [tilespmem:s30+$0xFFFFFFE0];
	_ =	sdelay $0x4  }
0xca: {  	v1 =	vmul.f32 @!p0 v2, v1;
	_ =	sdelay $0x1  }
0xcb: {  	[tilespmem:$0x7700] =	vst @!p0 v1;
	v1 =	vld @!p0 [tilespmem:$0x7710]  }
0xcc: {  	v2 =	vld @!p0 [tilespmem:s30+$0xFFFFFFF0];
	_ =	sdelay $0x4  }
0xcd: {  	v1 =	vmul.f32 @!p0 v2, v1;
	_ =	sdelay $0x1  }
0xce: {  	[tilespmem:$0x7710] =	vst @!p0 v1;
	v1 =	vld @!p0 [tilespmem:$0x7720]  }
0xcf: {  	v2 =	vld @!p0 [tilespmem:s30+$0x0];
	_ =	sdelay $0x4  }
0xd0: {  	v1 =	vmul.f32 @!p0 v2, v1;
	_ =	sdelay $0x1  }
0xd1: {  	[tilespmem:$0x7720] =	vst @!p0 v1;
	v1 =	vld @!p0 [tilespmem:$0x7730]  }
0xd2: {  	v2 =	vld @!p0 [tilespmem:s30+$0x10];
	_ =	sdelay $0x4  }
0xd3: {  	v1 =	vmul.f32 @!p0 v2, v1;
	_ =	sdelay $0x1  }
0xd4: {  	[tilespmem:$0x7730] =	vst @!p0 v1;
	v1 =	vld @!p0 [tilespmem:$0x7740]  }
0xd5: {  	v2 =	vld @!p0 [tilespmem:s30+$0x20];
	_ =	sdelay $0x3  }
0xd6: {  	p1 =	sgt.u32 @!p0 s31, $0x79  }
0xd7: {  	p2 =	por p1, p0;
	v1 =	vmul.f32 @!p0 v2, v1  }
0xd8: {  	p3 =	seq.s32 @!p2 s31, $0x0  }
0xd9: {  	s12 =	simm.s32 @!p0 $0x7700;
	p1 =	por @!p0 p3, p1;
	s0 =	simm.s32 @!p0 $0x50;
	[tilespmem:$0x7740] =	vst @!p0 v1  }
0xda: {  	[spmem:s2] =	stream.indirect.scatter.add.f32 @!p0 [tilespmem:s12], [sflag:$0x6], $0x1, s28, s0, $0xb8;
	[tilespmem:$0x7D80] =	vst v63  }
0xdb: {  	p0 =	por p1, p0  }
.Ltmp5:
0xdc: {  	s0 =	simm.s32 @!p0 $0x5;
	(pc) =	sbr.rel .LBB2_5-.Ltmp5, $4  }
0xdd: {  	_ =	swait.ge @!p0 [sflag:s0], $0x50  }
0xde: {  	[sflag:s0] =	ssyncset.done @!p0 $0x0  }
0xdf: {  	s12 =	simm.s32 @!p2 $0x7680;
	[sflag:s0] =	ssyncadd.s32 @!p0 $0xFFFFFFB0;
	s0 =	simm.s32 @!p2 $0x50  }
0xe0: {  	[tilespmem:s12], [sflag:$0x1] =	stream.indirect.gather @!p2 [hbm4b:s4+s0], $0x1, s29, s0, $0xb8;
	[tilespmem:$0x7D80] =	vst v63  }
.LBB2_7:
0xe1: {  	_ =	sfence.sel $0x180000  }
0xe2: {  	[bflag:$0x0] =	sbarrier.arrive $0xFFFF  }
0xe3: {  	_ =	strace $0x9000004D  }
0xe4: {  	[bflag:$0x2] =	sbarrier.arrive $0xFFFF  }
0xe5: {  	p0 =	sne.s32 s1, $0x0;
	s0 =	rddreg [dreg:$0x3]  }
0xe6: {  	s0 =	sadd.s32 @!p0 $0x100000, s0  }
0xe7: {  	[sflag:s0] =	ssyncadd.tile.s32 @!p0 $0x1;
	_ =	shalt  }
.Lfunc_end2:
_tile_overlayer_lowered:
.L_overlay_start_2:
0xe8: {  	(tag) =	ssettag $0x2  }
0xe9: {  	s0 =	rddreg [dreg:$0x0];
	s2 =	stileid.u32  }
0xea: {  	s1 =	rddreg [dreg:$0x1];
	p0 =	sne.s32 s2, $0x0  }
0xeb: {  	s3 =	rddreg [dreg:$0x2];
	[bflag:$0x3] =	sbarrier.arrive $0xFFFF;
	s2 =	simm.s32 @!p0 $0x1C09  }
0xec: {  	[timem:s3], [sflag:s2] =	dma.local @!p0 [hbm:s0], s1  }
0xed: {  	s0 =	simm.s32 @!p0 $0x9  }
0xee: {  	_ =	swait.ge @!p0 [sflag:s0], s1  }
0xef: {  	s1 =	ssub.s32 @!p0 $0x0, s1;
	[sflag:s0] =	ssyncset.done @!p0 $0x0  }
0xf0: {  	[sflag:s0] =	ssyncadd.s32 @!p0 s1  }
0xf1: {  	[bflag:$0x3] =	sbarrier.arrive $0xFFFF  }
0xf2: {  	_ =	shalt  }

// kernel: kernel.9.cloned.1.call-start
scs
__scs_entry_jumppad:
0x0: {  	(pc) =	sbr.rel $0x88, $3  }
0x1: {  	(tag) =	ssettag $0x0;
	lr =	simm.s32 $0x1  }
0x2: {  	[smem:$0x3F9A] =	sst lr;
	_ =	strace $0xD0000000  }
0x3: {  	_ = 	snop  }
0x4: {  	_ = 	snop  }
0x5: {  	_ = 	snop  }
0x6: {  	_ = 	snop  }
0x7: {  	_ = 	snop  }
__scs_overlays_trampoline_lowered:
0x8: {  	[smem:$0x3FA9] =	sst s0  }
0x9: {  	[smem:$0x3FAA] =	sst s1  }
0xa: {  	[smem:$0x3FAB] =	sst s2  }
0xb: {  	[smem:$0x3FAC] =	sst s3  }
0xc: {  	[smem:$0x3FAD] =	sst s4  }
0xd: {  	[smem:$0x3FAE] =	sst s5  }
0xe: {  	[smem:$0x3FAF] =	sst s6  }
0xf: {  	[smem:$0x3FB0] =	sst s7  }
0x10: {  	[smem:$0x3FB1] =	sst s8  }
0x11: {  	[smem:$0x3FB2] =	sst s9;
	s0 =	simm.s32 @!p0 $0x0  }
0x12: {  	s1 =	sld [smem:$0x3F98];
	s0 =	simm.s32 @p0 $0x1  }
0x13: {  	[smem:$0x3FB3] =	sst s0;
	s0 =	simm.s32 @!p1 $0x0  }
0x14: {  	s2 =	sld [smem:$0x3F97];
	s0 =	simm.s32 @p1 $0x1  }
0x15: {  	[smem:$0x3FB4] =	sst s0;
	s0 =	simm.s32 @!p2 $0x0  }
0x16: {  	s3 =	sld [smem:$0x3FDB];
	s0 =	simm.s32 @p2 $0x1  }
0x17: {  	s4 =	simm.s32 $0x1BF5;
	[smem:$0x3FB6] =	sst s0  }
0x18: {  	s0 =	sld [smem:$0x3F99];
	_ =	swait.ge [sflag:s4], $0x0  }
0x19: {  	s7 =	sld [smem:$0x3F9A]  }
0x1a: {  	s8 =	sadd.s32 $0xFFFFE003, lr  }
0x1b: {  	s9 =	sadd.s32 $0xFFFFFEF7, lr;
	s5 =	simm.s32 $0xFFFFFFFF;
	p2 =	slt.u32 s8, $0xFFFFF086  }
0x1c: {  	p1 =	slt.u32 s9, $0xF7A;
	s5 =	simm.s32 @!p2 $0x0  }
0x1d: {  	s5 =	simm.s32 @p1 $0x1;
	p0 =	seq.s32 s7, s2  }
0x1e: {  	s7 =	smul.u32 @!p0 $0xF7A, s2;
	p2 =	seq.s32 @!p0 s5, $0x0  }
0x1f: {  	s9 =	smul.u32 $0xF7A, s1;
	s8 =	simm.s32 @!p0 $0x1BF5;
	p2 =	por !p2, p0  }
0x20: {  	[sflag:s8] =	ssyncset.s32 @!p0 $0xFFFFF086;
	s6 =	sadd.s32 @!p0 s3, s7;
	s7 =	simm.s32 @!p0 $0x108  }
0x21: {  	s3 =	sadd.s32 s3, s9;
	s6 =	sadd.s32 @!p0 $0x88, s6;
	s7 =	simm.s32 @p2 $0x1082  }
0x22: {  	[simem:s7], [sflag:s8] =	dma.local @!p0 [hbm:s6], $0xF7A  }
0x23: {  	s9 =	sor.u32 $0xD0000000, s2;
	s6 =	simm.s32 $0x108;
	_ =	swait.ge @!p0 [sflag:s8], $0x0  }
0x24: {  	s3 =	sadd.s32 $0x88, s3;
	s6 =	simm.s32 @!p1 $0x1082;
	[sflag:s4] =	ssyncset.s32 $0xFFFFF086  }
0x25: {  	[simem:s6], [sflag:s4] =	dma.local [hbm:s3], $0xF7A  }
0x26: {  	[smem:$0x3F9A] =	sst s1;
	(tag) =	ssettag s2;
	_ =	strace s9  }
0x27: {  	s1 =	sld [smem:$0x3FAA]  }
0x28: {  	s2 =	sld [smem:$0x3FAB]  }
0x29: {  	s4 =	sld [smem:$0x3FAD]  }
0x2a: {  	p0 =	seq.s32 s5, $0x0;
	s5 =	sld [smem:$0x3FAE]  }
0x2b: {  	s6 =	sld [smem:$0x3FAF]  }
0x2c: {  	s7 =	sld [smem:$0x3FB0]  }
0x2d: {  	s3 =	simm.s32 $0x108;
	s8 =	sld [smem:$0x3FB1]  }
0x2e: {  	s3 =	simm.s32 @!p0 $0x1082;
	s9 =	sld [smem:$0x3FB2]  }
0x2f: {  	lr =	sadd.s32 s0, s3;
	s0 =	sld [smem:$0x3FA9]  }
0x30: {  	s3 =	sld [smem:$0x3FAC]  }
0x31: {  	[smem:$0x3FB5] =	sst s10  }
0x32: {  	s10 =	sld [smem:$0x3FB3];
	_ =	sdelay $0x3  }
0x33: {  	p0 =	seq.s32 s10, $0x1;
	s10 =	sld [smem:$0x3FB5];
	_ =	sdelay $0x3  }
0x34: {  	[smem:$0x3FB5] =	sst s10  }
0x35: {  	s10 =	sld [smem:$0x3FB4];
	_ =	sdelay $0x3  }
0x36: {  	p1 =	seq.s32 s10, $0x1;
	s10 =	sld [smem:$0x3FB5];
	_ =	sdelay $0x3  }
0x37: {  	[smem:$0x3FB5] =	sst s10  }
0x38: {  	s10 =	sld [smem:$0x3FB6]  }
0x39: {  	_ = 	snop;
	(pc) =	sbr.ind lr, $3  }
0x3a: {  	_ = 	snop  }
0x3b: {  	_ = 	snop  }
0x3c: {  	p2 =	seq.s32 s10, $0x1;
	s10 =	sld [smem:$0x3FB5]  }
0x3d: {  	_ =	shalt  }
0x3e: {  	_ =	shalt  }
0x3f: {  	_ =	shalt  }
0x40: {  	_ =	shalt  }
0x41: {  	_ =	shalt  }
0x42: {  	_ =	shalt  }
0x43: {  	_ =	shalt  }
0x44: {  	_ =	shalt  }
0x45: {  	_ =	shalt  }
0x46: {  	_ =	shalt  }
0x47: {  	_ =	shalt  }
0x48: {  	_ =	shalt  }
0x49: {  	_ =	shalt  }
0x4a: {  	_ =	shalt  }
0x4b: {  	_ =	shalt  }
0x4c: {  	_ =	shalt  }
0x4d: {  	_ =	shalt  }
0x4e: {  	_ =	shalt  }
0x4f: {  	_ =	shalt  }
0x50: {  	_ =	shalt  }
0x51: {  	_ =	shalt  }
0x52: {  	_ =	shalt  }
0x53: {  	_ =	shalt  }
0x54: {  	_ =	shalt  }
0x55: {  	_ =	shalt  }
0x56: {  	_ =	shalt  }
0x57: {  	_ =	shalt  }
0x58: {  	_ =	shalt  }
0x59: {  	_ =	shalt  }
0x5a: {  	_ =	shalt  }
0x5b: {  	_ =	shalt  }
0x5c: {  	_ =	shalt  }
0x5d: {  	_ =	shalt  }
0x5e: {  	_ =	shalt  }
0x5f: {  	_ =	shalt  }
0x60: {  	_ =	shalt  }
0x61: {  	_ =	shalt  }
0x62: {  	_ =	shalt  }
0x63: {  	_ =	shalt  }
0x64: {  	_ =	shalt  }
0x65: {  	_ =	shalt  }
0x66: {  	_ =	shalt  }
0x67: {  	_ =	shalt  }
0x68: {  	_ =	shalt  }
0x69: {  	_ =	shalt  }
0x6a: {  	_ =	shalt  }
0x6b: {  	_ =	shalt  }
0x6c: {  	_ =	shalt  }
0x6d: {  	_ =	shalt  }
0x6e: {  	_ =	shalt  }
0x6f: {  	_ =	shalt  }
0x70: {  	_ =	shalt  }
0x71: {  	_ =	shalt  }
0x72: {  	_ =	shalt  }
0x73: {  	_ =	shalt  }
0x74: {  	_ =	shalt  }
0x75: {  	_ =	shalt  }
0x76: {  	_ =	shalt  }
0x77: {  	_ =	shalt  }
0x78: {  	_ =	shalt  }
0x79: {  	_ =	shalt  }
0x7a: {  	_ =	shalt  }
0x7b: {  	_ =	shalt  }
0x7c: {  	_ =	shalt  }
0x7d: {  	_ =	shalt  }
0x7e: {  	_ =	shalt  }
0x7f: {  	_ =	shalt  }
0x80: {  	_ =	shalt  }
0x81: {  	_ =	shalt  }
0x82: {  	_ =	shalt  }
0x83: {  	_ =	shalt  }
0x84: {  	_ =	shalt  }
0x85: {  	_ =	shalt  }
0x86: {  	_ =	shalt  }
0x87: {  	_ =	shalt  }
.Lfunc_end0:
.L_simem_size_0:
called_computation_lowered:
.L_overlay_start_0:
0x88: {  	s2 =	sld [smem:$0x3FD9]  }
0x89: {  	s3 =	sld [smem:$0x3FFE];
	_ =	sdelay $0x1  }
0x8a: {  	s1 =	srdreg.scid  }
0x8b: {  	s0 =	sand.u32 $0x1, s1  }
0x8c: {  	s17 =	sshll.u32 s0, $0xA;
	s2 =	sadd.s32 s3, s2  }
0x8d: {  	s2 =	sadd.s32 s2, s17  }
0x8e: {  	[smem:$0x3FC1] =	sst s2  }
0x8f: {  	_ = 	snop  }
0x90: {  	s2 =	sld [smem:$0x3FC7];
	(tm) =	ssettm $0x1  }
0x91: {  	s18 =	sld [smem:$0x3FFB];
	_ =	sdelay $0x3  }
0x92: {  	_ =	strace s18  }
0x93: {  	s3 =	sld [smem:$0x3FFC];
	_ =	sdelay $0x3  }
0x94: {  	_ =	strace s3  }
0x95: {  	s3 =	sld [smem:$0x3FFD];
	_ =	sdelay $0x3  }
0x96: {  	_ =	strace s3  }
0x97: {  	_ =	strace $0x8FFFFFFF  }
0x98: {  	s19 =	sld [smem:$0x3FDB];
	_ =	sdelay $0x1  }
0x99: {  	s4 =	simm.s32 $_scs_section_size  }
0x9a: {  	s5 =	simm.s32 $_size__tile_overlayer_lowered;
	s6 =	simm.s32 $_tile_overlayer_lowered  }
0x9b: {  	s22 =	simm.s32 $0x1BFF;
	s21 =	sshll.u32 s6, $0x1;
	s3 =	sadd.s32 s4, s19  }
0x9c: {  	s7 =	simm.s32 $0x0;
	s20 =	sshll.u32 s5, $0x1;
	s5 =	sadd.s32 s21, s3  }
0x9d: {  	[timem:s7], [sflag:s22] =	dma.local [hbm:s5], s20  }
0x9e: {  	_ =	swait.ge [sflag:s22], s20  }
0x9f: {  	s4 =	ssub.s32 $0x0, s20;
	[sflag:s22] =	ssyncset.done $0x0  }
0xa0: {  	[sflag:s22] =	ssyncadd.s32 s4;
	_ =	sdelay $0x1  }
0xa1: {  	s23 =	simm.s32 $0x1B8B  }
0xa2: {  	_ =	swait.ge [sflag:s23], $0x1  }
0xa3: {  	[sflag:s23] =	ssyncset.done $0x0  }
0xa4: {  	s25 =	simm.s32 $0x1B8E;
	s24 =	sld [smem:$0x3FFE];
	[sflag:s23] =	ssyncadd.s32 $0xFFFFFFFF  }
0xa5: {  	s26 =	simm.s32 $execute0_lowered;
	[smem:$0x3FD2] =	sst s25  }
0xa6: {  	s5 =	sshll.u32 s26, $0x1;
	_ =	strace $0x80000046;
	[dreg:$0x1] =	wrdreg $0xFFFFFFFF  }
0xa7: {  	s28 =	simm.s32 $_size_execute0_lowered;
	s3 =	sadd.s32 s3, s5;
	[dreg:$0x0] =	wrdreg $0x0  }
0xa8: {  	s5 =	sshll.u32 s28, $0x1;
	[dreg:$0x2] =	wrdreg s3  }
0xa9: {  	[dreg:$0x3] =	wrdreg s5  }
0xaa: {  	[dreg:$0x4] =	wrdreg $0xC0  }
0xab: {  	_ =	task [dreg:s7], $0x5FFFF  }
0xac: {  	[dreg:$0x1] =	wrdreg $0xFFFFFFFF  }
0xad: {  	[dreg:$0x0] =	wrdreg $0x60  }
0xae: {  	[dreg:$0x2] =	wrdreg s24  }
0xaf: {  	[dreg:$0x3] =	wrdreg s2  }
0xb0: {  	[dreg:$0x4] =	wrdreg $0x51800  }
0xb1: {  	[dreg:$0x5] =	wrdreg $0x9  }
0xb2: {  	_ =	task.clear_ibuf [dreg:s7], $0x6FFFF;
	_ =	strace $0x90000046  }
0xb3: {  	s29 =	simm.s32 $0x9;
	_ =	strace $0x80000048  }
0xb4: {  	_ =	swait.ge [sflag:s29], $0x1  }
0xb5: {  	[sflag:s29] =	ssyncadd.s32 $0xFFFFFFFF  }
0xb6: {  	_ =	strace $0x90000048  }
0xb7: {  	_ =	sfence  }
0xb8: {  	s30 =	sld [smem:$0x0];
	_ =	sdelay $0x2  }
0xb9: {  	s31 =	sshll.u32 s1, $0xD;
	s1 =	sshrl.u32 s1, $0x2  }
0xba: {  	s3 =	sand.u32 $0x4000, s31;
	s1 =	sadd.s32 s1, s30  }
0xbb: {  	s0 =	sor.u32 s3, s0;
	s1 =	sshll.u32 s1, $0x11  }
0xbc: {  	s0 =	sor.u32 s1, s0  }
0xbd: {  	s0 =	sadd.s32 $0x8F2B, s0  }
0xbe: {  	[sflag:s0] =	ssyncadd.remote.s32 $0x1  }
0xbf: {  	_ =	sfence.sel $0xFFFF  }
0xc0: {  	[dreg:$0x0] =	wrdreg $0xFFFFFFFF;
	(pc) =	sbr.abs _section_cstart, $3  }
0xc1: {  	[dreg:$0x1] =	wrdreg $0xFFFFFFFF  }
0xc2: {  	_ =	task.clear_ibuf [dreg:s7], $0x2FFFF;
	_ =	strace $0x9FFFFFFF  }
0xc3: {  	(tm) =	ssettm $0x7FFFFFFF  }
tec
execute0_lowered:
.L_overlay_start_1:
0x0: {  	(tag) =	ssettag $0x1  }
0x1: {  	s4 =	rddreg [dreg:$0x0]  }
0x2: {  	s6 =	rddreg [dreg:$0x1]  }
0x3: {  	s0 =	srdreg.scid;
	s2 =	rddreg [dreg:$0x2];
	s3 =	simm.s32 $0x0  }
0x4: {  	s24 =	simm.f32 $1.000000000e+00;
	s13 =	simm.s32 $0x27D0;
	s14 =	simm.s32 $0xA0  }
0x5: {  	s15 =	simm.s32 $0x2820;
	s16 =	simm.s32 $0xF0;
	s17 =	simm.s32 $0x2870  }
0x6: {  	s18 =	simm.s32 $0x1;
	s19 =	simm.s32 $0x2;
	s20 =	simm.s32 $0x3  }
0x7: {  	s21 =	simm.s32 $0x4;
	s25 =	simm.s32 $0x10;
	s26 =	simm.s32 $0x0  }
0x8: {  	s5 =	sand.u32 $0x1, s0;
	s0 =	stileid.u32;
	[smem:$0x7FF] =	sst s3  }
0x9: {  	s1 =	sshll.u32 s5, $0x4;
	s8 =	smul.u32 $0x500, s0;
	_ =	strace $0x80000047  }
0xa: {  	s9 =	sshll.u32 s5, $0x7;
	s30 =	ssub.s32 $0x2, s5;
	s12 =	smul.u32 $0xA00, s0  }
0xb: {  	p0 =	seq.s32 s5, $0x0;
	s22 =	sshll.u32 s0, $0x6;
	s7 =	sor.u32 s0, s1  }
0xc: {  	s11 =	sshrl.u32 s30, $0x1;
	s24 =	simm.s32 @!p0 $0x0;
	s22 =	sor.u32 $0x1C05, s22  }
0xd: {  	s7 =	smul.u32 $0x4E2, s7;
	s8 =	sor.u32 s9, s8;
	s9 =	ssub.s32 s30, s11  }
0xe: {  	s31 =	sshrl.u32 s12, $0x2;
	s11 =	simm.s32 $0x4F00;
	s12 =	simm.s32 $0x50  }
0xf: {  	v0 =	vmov s24;
	s24 =	simm.s32 $0x20;
	s8 =	sshrl.u32 s8, $0x3;
	s10 =	sadd.s32 s7, s4  }
0x10: {  	s8 =	sadd.s32 s8, s4;
	s5 =	sadd.s32 s6, s7;
	s6 =	sadd.s32 s31, s2  }
0x11: {  	s4 =	sadd.s32 $0xB000, s10;
	s7 =	sadd.s32 $0x14E00, s8;
	s8 =	smax.u32 s9, $0x1  }
0x12: {  	s9 =	simm.s32 $0x5;
	s10 =	simm.s32 $0x2780;
	s23 =	sshrl.u32 s6, $0x3  }
.LBB2_1:
0x13: {  	[tilespmem:s3], [sflag:$0x5] =	stream.linear.gather [hbm4b:s4+s3], $0x2710, $0x38;
	[tilespmem:$0x5400] =	vst v63  }
0x14: {  	_ =	swait.ge [sflag:s9], $0x2710  }
0x15: {  	[sflag:s9] =	ssyncset.done $0x0  }
0x16: {  	[sflag:s9] =	ssyncadd.s32 $0xFFFFD8F0  }
0x17: {  	[tilespmem:s10], [sflag:$0x5] =	stream.linear.gather [hbm4b:s5+s3], $0x2710, $0x38;
	[tilespmem:$0x5400] =	vst v63  }
0x18: {  	_ =	swait.ge [sflag:s9], $0x2710  }
0x19: {  	[sflag:s9] =	ssyncset.done $0x0  }
0x1a: {  	[sflag:s9] =	ssyncadd.s32 $0xFFFFD8F0  }
0x1b: {  	[tilespmem:$0x4F00] =	vst v0  }
0x1c: {  	[tilespmem:$0x4F10] =	vst v0  }
0x1d: {  	[tilespmem:$0x4F20] =	vst v0  }
0x1e: {  	[tilespmem:$0x4F30] =	vst v0  }
0x1f: {  	[tilespmem:$0x4F40] =	vst v0  }
0x20: {  	[tilespmem:$0x4F50] =	vst v0  }
0x21: {  	[tilespmem:$0x4F60] =	vst v0  }
0x22: {  	[tilespmem:$0x4F70] =	vst v0  }
0x23: {  	[tilespmem:$0x4F80] =	vst v0  }
0x24: {  	[tilespmem:$0x4F90] =	vst v0  }
0x25: {  	[tilespmem:$0x4FA0] =	vst v0  }
0x26: {  	[tilespmem:$0x4FB0] =	vst v0  }
0x27: {  	[tilespmem:$0x4FC0] =	vst v0  }
0x28: {  	[tilespmem:$0x4FD0] =	vst v0  }
0x29: {  	[tilespmem:$0x4FE0] =	vst v0  }
0x2a: {  	[tilespmem:$0x4FF0] =	vst v0  }
0x2b: {  	[tilespmem:$0x5000] =	vst v0  }
0x2c: {  	[tilespmem:$0x5010] =	vst v0  }
0x2d: {  	[tilespmem:$0x5020] =	vst v0  }
0x2e: {  	[tilespmem:$0x5030] =	vst v0  }
0x2f: {  	[tilespmem:$0x5040] =	vst v0  }
0x30: {  	[tilespmem:$0x5050] =	vst v0  }
0x31: {  	[tilespmem:$0x5060] =	vst v0  }
0x32: {  	[tilespmem:$0x5070] =	vst v0  }
0x33: {  	[tilespmem:$0x5080] =	vst v0  }
0x34: {  	[tilespmem:$0x5090] =	vst v0  }
0x35: {  	[tilespmem:$0x50A0] =	vst v0  }
0x36: {  	[tilespmem:$0x50B0] =	vst v0  }
0x37: {  	[tilespmem:$0x50C0] =	vst v0  }
0x38: {  	[tilespmem:$0x50D0] =	vst v0  }
0x39: {  	[tilespmem:$0x50E0] =	vst v0  }
0x3a: {  	[tilespmem:$0x50F0] =	vst v0  }
0x3b: {  	[tilespmem:$0x5100] =	vst v0  }
0x3c: {  	[tilespmem:$0x5110] =	vst v0  }
0x3d: {  	[tilespmem:$0x5120] =	vst v0  }
0x3e: {  	[tilespmem:$0x5130] =	vst v0  }
0x3f: {  	[tilespmem:$0x5140] =	vst v0  }
0x40: {  	[tilespmem:$0x5150] =	vst v0  }
0x41: {  	[tilespmem:$0x5160] =	vst v0  }
0x42: {  	[tilespmem:$0x5170] =	vst v0  }
0x43: {  	[spmem:s6] =	stream.linear.scatter [tilespmem:s11], [sflag:$0x5], $0x280, $0x38;
	[tilespmem:$0x5400] =	vst v63  }
0x44: {  	_ =	swait.ge [sflag:s9], $0x280  }
0x45: {  	[sflag:s9] =	ssyncset.done $0x0  }
0x46: {  	[sflag:s9] =	ssyncadd.s32 $0xFFFFFD80  }
0x47: {  	[bflag:$0x0] =	sbarrier.arrive $0xFFFF  }
0x48: {  	[spmem:s2] =	stream.indirect.scatter.add.f32 [tilespmem:s10], [sflag:$0x1], $0x1, s3, s12, $0xb8;
	[tilespmem:$0x5400] =	vst v63  }
0x49: {  	_ = 	snop  }
0x4a: {  	[spmem:s2] =	stream.indirect.scatter.add.f32 [tilespmem:s13], [sflag:$0x2], $0x1, s12, s12, $0xb8;
	[tilespmem:$0x5400] =	vst v63  }
0x4b: {  	_ = 	snop  }
0x4c: {  	[spmem:s2] =	stream.indirect.scatter.add.f32 [tilespmem:s15], [sflag:$0x3], $0x1, s14, s12, $0xb8;
	[tilespmem:$0x5400] =	vst v63  }
0x4d: {  	s28 =	simm.s32 $0x140;
	s29 =	simm.s32 $0x28C0;
	s30 =	simm.s32 $0x4  }
0x4e: {  	[spmem:s2] =	stream.indirect.scatter.add.f32 [tilespmem:s17], [sflag:$0x4], $0x1, s16, s12, $0xb8;
	[tilespmem:$0x5400] =	vst v63  }
.LBB2_2:
0x4f: {  	s31 =	sand.u32 $0x3, s30  }
0x50: {  	p0 =	sgt.s32 s31, $0x1  }
0x51: {  	p1 =	seq.s32 @p0 s31, $0x2  }
0x52: {  	p2 =	seq.s32 @!p0 s31, $0x0;
	p1 =	por !p1, !p0  }
0x53: {  	s31 =	simm.s32 $0x1;
	p2 =	por !p2, p0;
	s1 =	simm.s32 @!p1 $0x3  }
0x54: {  	s30 =	sadd.s32 $0x1, s30;
	s31 =	simm.s32 @p2 $0x2;
	s1 =	simm.s32 @p1 $0x4  }
0x55: {  	s31 =	smov.u32 @p0 s1;
	p0 =	sne.s32 s30, $0x7D  }
.Ltmp0:
0x56: {  	_ =	swait.ge [sflag:s31], $0x50;
	(pc) =	sbr.rel @p0 .LBB2_2-.Ltmp0, $4  }
0x57: {  	[sflag:s31] =	ssyncset.done $0x0  }
0x58: {  	[sflag:s31] =	ssyncadd.s32 $0xFFFFFFB0  }
0x59: {  	[spmem:s2] =	stream.indirect.scatter.add.f32 [tilespmem:s29], [sflag:s31], $0x1, s28, s12, $0xb8;
	[tilespmem:$0x5400] =	vst v63  }
0x5a: {  	s28 =	sadd.s32 $0x50, s28;
	s29 =	sadd.s32 $0x50, s29  }
0x5b: {  	_ =	swait.ge [sflag:s18], $0x50  }
0x5c: {  	[sflag:s18] =	ssyncset.done $0x0  }
0x5d: {  	[sflag:s18] =	ssyncadd.s32 $0xFFFFFFB0  }
0x5e: {  	_ =	swait.ge [sflag:s19], $0x50  }
0x5f: {  	[sflag:s19] =	ssyncset.done $0x0  }
0x60: {  	[sflag:s19] =	ssyncadd.s32 $0xFFFFFFB0  }
0x61: {  	_ =	swait.ge [sflag:s20], $0x50  }
0x62: {  	[sflag:s20] =	ssyncset.done $0x0  }
0x63: {  	[sflag:s20] =	ssyncadd.s32 $0xFFFFFFB0  }
0x64: {  	_ =	swait.ge [sflag:s21], $0x50  }
0x65: {  	s26 =	sadd.s32 $0x1, s26;
	[sflag:s21] =	ssyncset.done $0x0  }
0x66: {  	p0 =	sne.s32 s26, s8;
	[sflag:s21] =	ssyncadd.s32 $0xFFFFFFB0  }
.Ltmp1:
0x67: {  	[bflag:$0x0] =	sbarrier.arrive $0xFFFF;
	(pc) =	sbr.rel @p0 .LBB2_1-.Ltmp1, $4  }
0x68: {  	[hbm:s7@s24], [sflag:s22] =	dma.strided [spmem:s23@s25], $0x50, s18, $0x10   }
0x69: {  	_ =	swait.ge [sflag:s9], $0x50  }
0x6a: {  	[sflag:s9] =	ssyncset.done $0x0  }
0x6b: {  	[sflag:s9] =	ssyncadd.s32 $0xFFFFFFB0  }
0x6c: {  	_ =	sfence.sel $0x180000  }
0x6d: {  	[bflag:$0x0] =	sbarrier.arrive $0xFFFF  }
0x6e: {  	_ =	strace $0x90000047  }
0x6f: {  	[bflag:$0x2] =	sbarrier.arrive $0xFFFF  }
0x70: {  	p0 =	sne.s32 s0, $0x0;
	s0 =	rddreg [dreg:$0x3]  }
0x71: {  	s0 =	sadd.s32 @!p0 $0x100000, s0  }
0x72: {  	[sflag:s0] =	ssyncadd.tile.s32 @!p0 $0x1;
	_ =	shalt  }
.Lfunc_end2:
_tile_overlayer_lowered:
.L_overlay_start_2:
0x73: {  	(tag) =	ssettag $0x2  }
0x74: {  	s0 =	rddreg [dreg:$0x0];
	s2 =	stileid.u32  }
0x75: {  	s1 =	rddreg [dreg:$0x1];
	p0 =	sne.s32 s2, $0x0  }
0x76: {  	s3 =	rddreg [dreg:$0x2];
	[bflag:$0x3] =	sbarrier.arrive $0xFFFF;
	s2 =	simm.s32 @!p0 $0x1C05  }
0x77: {  	[timem:s3], [sflag:s2] =	dma.local @!p0 [hbm:s0], s1  }
0x78: {  	s0 =	simm.s32 @!p0 $0x5  }
0x79: {  	_ =	swait.ge @!p0 [sflag:s0], s1  }
0x7a: {  	s1 =	ssub.s32 @!p0 $0x0, s1;
	[sflag:s0] =	ssyncset.done @!p0 $0x0  }
0x7b: {  	[sflag:s0] =	ssyncadd.s32 @!p0 s1  }
0x7c: {  	[bflag:$0x3] =	sbarrier.arrive $0xFFFF  }
0x7d: {  	_ =	shalt  }

</sc_bundles>
